<compile_context>
chip_gen: v7x
topology: tpu7x:2x2x1
jax: 0.10.2.dev20260603
libtpu: 0.0.44.dev20260713+nightly
codegen_flags: <defaults>
</compile_context>

<pallas_src>
import functools

import jax
import jax.numpy as jnp
from jax import lax
from jax.experimental import pallas as pl
from jax.experimental.pallas import tpu as pltpu
from jax.experimental.pallas import tpu_sc as plsc

NUM_EXPERTS = 8
LATENT = 16
TB = 2048
NW = 32
CHUNK = 512
CPB = TB // CHUNK


def _tc_body(x_ref, gw_ref, lat_ref):
    x = x_ref[...]
    gw = gw_ref[...]
    latT = jax.lax.dot_general(
        gw, x, (((1,), (1,)), ((), ())),
        preferred_element_type=jnp.float32)
    for c in range(CPB):
        lat_ref[c] = latT[:, c * CHUNK:(c + 1) * CHUNK]


def _tree16(vals):
    v = list(vals)
    while len(v) > 1:
        v = [v[i] + v[i + 1] for i in range(0, len(v), 2)]
    return v[0]


def _sc_route(lat_hbm, ew_hbm, bi_hbm, bj_hbm, lat_v, ew_v, bi_v, bj_v):
    c = lax.axis_index("c")
    s = lax.axis_index("s")
    wid = s * 2 + c
    pltpu.sync_copy(lat_hbm.at[wid], lat_v)

    def group(g, carry):
        base = g * 16
        le = [lat_v[r, pl.ds(base, 16)] for r in range(128)]
        nlb = []
        for e in range(NUM_EXPERTS):
            rows = le[e * LATENT:(e + 1) * LATENT]
            n2 = _tree16([r_ * r_ for r_ in rows])
            i = lax.bitcast_convert_type(n2, jnp.int32)
            i = jnp.int32(0x5F3759DF) - (i >> 1)
            r = lax.bitcast_convert_type(i, jnp.float32)
            h = jnp.float32(0.5) * n2
            for _ in range(3):
                r = r * (jnp.float32(1.5) - h * r * r)
            y = n2 * r
            d = jnp.maximum(y, jnp.float32(1e-12))
            def _round_bf16(v):
                iv = lax.bitcast_convert_type(v, jnp.int32)
                iv = (iv + jnp.int32(0x7FFF) + ((iv >> 16) & jnp.int32(1)))
                iv = iv & jnp.int32(0xFFFF0000 - (1 << 32))
                return lax.bitcast_convert_type(iv, jnp.float32)
            nlb.append([_round_bf16(rw / d) for rw in rows])
        m = jnp.full((16,), -jnp.inf, dtype=jnp.float32)
        bi = jnp.zeros((16,), dtype=jnp.int32)
        bj = jnp.zeros((16,), dtype=jnp.int32)
        for i_ in range(NUM_EXPERTS):
            for j_ in range(i_ + 1, NUM_EXPERTS):
                sv = _tree16([a * b for a, b in zip(nlb[i_], nlb[j_])])
                take = sv > m
                m = jnp.where(take, sv, m)
                bi = jnp.where(take, jnp.int32(i_), bi)
                bj = jnp.where(take, jnp.int32(j_), bj)
        ew_v[pl.ds(base, 16)] = m
        bi_v[pl.ds(base, 16)] = bi
        bj_v[pl.ds(base, 16)] = bj
        return carry

    lax.fori_loop(0, CHUNK // 16, group, 0)

    pltpu.sync_copy(ew_v, ew_hbm.at[wid])
    pltpu.sync_copy(bi_v, bi_hbm.at[wid])
    pltpu.sync_copy(bj_v, bj_hbm.at[wid])


@jax.jit
def kernel(hidden_states, gate_w):
    b, s, h = hidden_states.shape
    n = b * s
    x = hidden_states.reshape(n, h)

    grid = n // TB
    latc = pl.pallas_call(
        _tc_body,
        grid=(grid,),
        in_specs=[
            pl.BlockSpec((TB, h), lambda i: (i, 0)),
            pl.BlockSpec((NUM_EXPERTS * LATENT, h), lambda i: (0, 0)),
        ],
        out_specs=pl.BlockSpec((CPB, 128, CHUNK), lambda i: (i, 0, 0)),
        out_shape=jax.ShapeDtypeStruct((NW, 128, CHUNK), jnp.float32),
    )(x, gate_w)

    mesh = plsc.VectorSubcoreMesh(core_axis_name="c", subcore_axis_name="s")
    route = functools.partial(
        pl.kernel,
        mesh=mesh,
        out_type=[
            jax.ShapeDtypeStruct((NW, CHUNK), jnp.float32),
            jax.ShapeDtypeStruct((NW, CHUNK), jnp.int32),
            jax.ShapeDtypeStruct((NW, CHUNK), jnp.int32),
        ],
        scratch_types=[
            pltpu.VMEM((128, CHUNK), jnp.float32),
            pltpu.VMEM((CHUNK,), jnp.float32),
            pltpu.VMEM((CHUNK,), jnp.int32),
            pltpu.VMEM((CHUNK,), jnp.int32),
        ],
    )(_sc_route)
    ew, bi, bj = route(latc)

    expert_weights = ew.reshape(n)
    selected_experts = jnp.stack([bi.reshape(n), bj.reshape(n)], axis=1)
    return (expert_weights, selected_experts)

# --- scband reference (transcript-rebuilt; emitter-appended) ---
"""Pipeline reference for scband-olmoe-similarity-moe-block-14207751815229 (READ-ONLY COPY).

The authoritative reference and input builder live on the scoring server;
editing this copy changes nothing except your own understanding.
"""

import jax, jax.numpy as jnp
import numpy as np

NUM_EXPERTS = 8
LATENT_SIZE = 16
HIDDEN_SIZE = 2048
BATCH = 4
SEQ = 4096


def setup_inputs(seed: int = 0) -> dict:
    key = jax.random.key(seed)
    k1, k2 = jax.random.split(key)
    hidden_states = jax.random.normal(k1, (BATCH, SEQ, HIDDEN_SIZE), dtype=jnp.float32)
    # torch nn.Linear(hidden_size, num_experts*latent_size, bias=False) weight: [out, in]
    gate_w = jax.random.normal(k2, (NUM_EXPERTS * LATENT_SIZE, HIDDEN_SIZE), dtype=jnp.float32) * 0.02
    return {"hidden_states": hidden_states, "gate_w": gate_w}


def reference(hidden_states, gate_w):
    b, s, h = hidden_states.shape
    n = b * s
    x = hidden_states.reshape(n, h)
    # gate: linear, no bias (y = x @ W.T)
    latent = x @ gate_w.T
    latent = latent.reshape(n, NUM_EXPERTS, LATENT_SIZE)
    # F.normalize(dim=-1): x / max(||x||_2, 1e-12)
    norm = jnp.linalg.norm(latent, axis=-1, keepdims=True)
    latent = latent / jnp.maximum(norm, 1e-12)
    # bmm(latent, latent.transpose(1, 2)) -> pairwise cosine similarity per token
    sim = jnp.einsum('nel,nfl->nef', latent, latent)
    eye = jnp.eye(NUM_EXPERTS, dtype=bool)
    sim = jnp.where(eye[None, :, :], -jnp.inf, sim)
    flat = sim.reshape(n, NUM_EXPERTS * NUM_EXPERTS)
    expert_weights = jnp.max(flat, axis=1)
    max_idx = jnp.argmax(flat, axis=1)
    expert_i = max_idx // NUM_EXPERTS
    expert_j = max_idx % NUM_EXPERTS
    selected_experts = jnp.stack([expert_i, expert_j], axis=1)
    return (expert_weights, selected_experts)

if __name__ == "__main__":
    import jax
    _d = setup_inputs()
    print(jax.jit(kernel)(*tuple(_d.values())))

</pallas_src>

<mosaic_0001>
#map = affine_map<(d0, d1) -> (0, 0, 0)>
#map1 = affine_map<(d0, d1) -> (0, 0)>
module attributes {stable_mosaic.version = 14 : i64} {
  func.func @_sc_route(%arg0: i32, %arg1: i32, %arg2: memref<32x128x512xf32, #tpu.memory_space<hbm>>, %arg3: memref<32x512xf32, #tpu.memory_space<hbm>>, %arg4: memref<32x512xi32, #tpu.memory_space<hbm>>, %arg5: memref<32x512xi32, #tpu.memory_space<hbm>>, %arg6: memref<128x512xf32, #tpu.memory_space<vmem>>, %arg7: memref<512xf32, #tpu.memory_space<vmem>>, %arg8: memref<512xi32, #tpu.memory_space<vmem>>, %arg9: memref<512xi32, #tpu.memory_space<vmem>>) attributes {dimension_semantics = [#tpu.dimension_semantics<core_parallel>, #tpu.dimension_semantics<subcore_parallel>], iteration_bounds = array<i64: 2, 16>, scalar_prefetch = 0 : i64, scratch_operands = 4 : i64, tpu.core_type = #tpu.core_type<sc_vector_subcore>, window_params = [{transform_indices = #map}, {transform_indices = #map1}, {transform_indices = #map1}, {transform_indices = #map1}]} {
    %mul3A = arith.constant 2 : i32
    %mul3A_0 = arith.muli %arg1, %mul3A : i32
    %add3A = arith.addi %mul3A_0, %arg0 : i32
    "tpu.region"() ({
      %run_scoped3A = tpu.sem_alloc : memref<!tpu.dma_semaphore, #tpu.memory_space<semaphore_mem>>
      %dma_start3A = arith.constant 0 : i32
      %dma_start3A_6 = arith.constant 0 : i32
      %dma_start3A_7 = tpu.memref_slice %arg2[%add3A, %dma_start3A, %dma_start3A_6] : memref<32x128x512xf32, #tpu.memory_space<hbm>> -> memref<1x128x512xf32, #tpu.memory_space<hbm>>
      %dma_start3A_8 = tpu.memref_squeeze %dma_start3A_7 : memref<1x128x512xf32, #tpu.memory_space<hbm>> -> memref<128x512xf32, #tpu.memory_space<hbm>>
      %dma_start3A_9 = arith.constant 0 : i32
      %dma_start3A_10 = arith.constant 0 : i32
      %dma_start3A_11 = tpu.memref_slice %arg2[%add3A, %dma_start3A_9, %dma_start3A_10] : memref<32x128x512xf32, #tpu.memory_space<hbm>> -> memref<1x128x512xf32, #tpu.memory_space<hbm>>
      %dma_start3A_12 = tpu.memref_squeeze %dma_start3A_11 : memref<1x128x512xf32, #tpu.memory_space<hbm>> -> memref<128x512xf32, #tpu.memory_space<hbm>>
      tpu.enqueue_dma source(%dma_start3A_12 : memref<128x512xf32, #tpu.memory_space<hbm>>) target(%arg6 : memref<128x512xf32, #tpu.memory_space<vmem>>) target_semaphore(%run_scoped3A : memref<!tpu.dma_semaphore, #tpu.memory_space<semaphore_mem>>)
      %dma_wait3A = arith.constant 0 : i32
      %dma_wait3A_13 = arith.constant 0 : i32
      %dma_wait3A_14 = tpu.memref_slice %arg2[%add3A, %dma_wait3A, %dma_wait3A_13] : memref<32x128x512xf32, #tpu.memory_space<hbm>> -> memref<1x128x512xf32, #tpu.memory_space<hbm>>
      %dma_wait3A_15 = tpu.memref_squeeze %dma_wait3A_14 : memref<1x128x512xf32, #tpu.memory_space<hbm>> -> memref<128x512xf32, #tpu.memory_space<hbm>>
      %dma_wait3A_16 = arith.constant 0 : i32
      %dma_wait3A_17 = arith.constant 0 : i32
      %dma_wait3A_18 = tpu.memref_slice %arg2[%add3A, %dma_wait3A_16, %dma_wait3A_17] : memref<32x128x512xf32, #tpu.memory_space<hbm>> -> memref<1x128x512xf32, #tpu.memory_space<hbm>>
      %dma_wait3A_19 = tpu.memref_squeeze %dma_wait3A_18 : memref<1x128x512xf32, #tpu.memory_space<hbm>> -> memref<128x512xf32, #tpu.memory_space<hbm>>
      tpu.wait_dma2 semaphore(%run_scoped3A : memref<!tpu.dma_semaphore, #tpu.memory_space<semaphore_mem>>) src(%dma_wait3A_19 : memref<128x512xf32, #tpu.memory_space<hbm>>) dst(%arg6 : memref<128x512xf32, #tpu.memory_space<vmem>>)
      tpu.yield
    }) : () -> ()
    %scan3A = arith.constant 0 : i32
    %scan3A_1 = arith.constant 0 : i32
    %scan3A_2 = arith.constant 32 : i32
    %scan3A_3 = arith.addi %scan3A_1, %scan3A_2 : i32
    %scan3A_4 = arith.constant 1 : i32
    scf.for %scan3A_6 = %scan3A_1 to %scan3A_3 step %scan3A_4  : i32 {
      %mul3A_7 = arith.constant 16 : i32
      %mul3A_8 = arith.muli %scan3A_6, %mul3A_7 : i32
      %get3A = arith.constant 0 : i32
      %get3A_9 = arith.index_cast %get3A : i32 to index
      %get3A_10 = arith.index_cast %mul3A_8 : i32 to index
      %get3A_11 = tpu.vector_load %arg6[%get3A_9, %get3A_10] {strides = array<i32>} : memref<128x512xf32, #tpu.memory_space<vmem>>, vector<1x16xf32>,
      %get3A_12 = vector.shape_cast %get3A_11 : vector<1x16xf32> to vector<16xf32>
      %get3A_13 = arith.constant 1 : i32
      %get3A_14 = arith.index_cast %get3A_13 : i32 to index
      %get3A_15 = arith.index_cast %mul3A_8 : i32 to index
      %get3A_16 = tpu.vector_load %arg6[%get3A_14, %get3A_15] {strides = array<i32>} : memref<128x512xf32, #tpu.memory_space<vmem>>, vector<1x16xf32>,
      %get3A_17 = vector.shape_cast %get3A_16 : vector<1x16xf32> to vector<16xf32>
      %get3A_18 = arith.constant 2 : i32
      %get3A_19 = arith.index_cast %get3A_18 : i32 to index
      %get3A_20 = arith.index_cast %mul3A_8 : i32 to index
      %get3A_21 = tpu.vector_load %arg6[%get3A_19, %get3A_20] {strides = array<i32>} : memref<128x512xf32, #tpu.memory_space<vmem>>, vector<1x16xf32>,
      %get3A_22 = vector.shape_cast %get3A_21 : vector<1x16xf32> to vector<16xf32>
      %get3A_23 = arith.constant 3 : i32
      %get3A_24 = arith.index_cast %get3A_23 : i32 to index
      %get3A_25 = arith.index_cast %mul3A_8 : i32 to index
      %get3A_26 = tpu.vector_load %arg6[%get3A_24, %get3A_25] {strides = array<i32>} : memref<128x512xf32, #tpu.memory_space<vmem>>, vector<1x16xf32>,
      %get3A_27 = vector.shape_cast %get3A_26 : vector<1x16xf32> to vector<16xf32>
      %get3A_28 = arith.constant 4 : i32
      %get3A_29 = arith.index_cast %get3A_28 : i32 to index
      %get3A_30 = arith.index_cast %mul3A_8 : i32 to index
      %get3A_31 = tpu.vector_load %arg6[%get3A_29, %get3A_30] {strides = array<i32>} : memref<128x512xf32, #tpu.memory_space<vmem>>, vector<1x16xf32>,
      %get3A_32 = vector.shape_cast %get3A_31 : vector<1x16xf32> to vector<16xf32>
      %get3A_33 = arith.constant 5 : i32
      %get3A_34 = arith.index_cast %get3A_33 : i32 to index
      %get3A_35 = arith.index_cast %mul3A_8 : i32 to index
      %get3A_36 = tpu.vector_load %arg6[%get3A_34, %get3A_35] {strides = array<i32>} : memref<128x512xf32, #tpu.memory_space<vmem>>, vector<1x16xf32>,
      %get3A_37 = vector.shape_cast %get3A_36 : vector<1x16xf32> to vector<16xf32>
      %get3A_38 = arith.constant 6 : i32
      %get3A_39 = arith.index_cast %get3A_38 : i32 to index
      %get3A_40 = arith.index_cast %mul3A_8 : i32 to index
      %get3A_41 = tpu.vector_load %arg6[%get3A_39, %get3A_40] {strides = array<i32>} : memref<128x512xf32, #tpu.memory_space<vmem>>, vector<1x16xf32>,
      %get3A_42 = vector.shape_cast %get3A_41 : vector<1x16xf32> to vector<16xf32>
      %get3A_43 = arith.constant 7 : i32
      %get3A_44 = arith.index_cast %get3A_43 : i32 to index
      %get3A_45 = arith.index_cast %mul3A_8 : i32 to index
      %get3A_46 = tpu.vector_load %arg6[%get3A_44, %get3A_45] {strides = array<i32>} : memref<128x512xf32, #tpu.memory_space<vmem>>, vector<1x16xf32>,
      %get3A_47 = vector.shape_cast %get3A_46 : vector<1x16xf32> to vector<16xf32>
      %get3A_48 = arith.constant 8 : i32
      %get3A_49 = arith.index_cast %get3A_48 : i32 to index
      %get3A_50 = arith.index_cast %mul3A_8 : i32 to index
      %get3A_51 = tpu.vector_load %arg6[%get3A_49, %get3A_50] {strides = array<i32>} : memref<128x512xf32, #tpu.memory_space<vmem>>, vector<1x16xf32>,
      %get3A_52 = vector.shape_cast %get3A_51 : vector<1x16xf32> to vector<16xf32>
      %get3A_53 = arith.constant 9 : i32
      %get3A_54 = arith.index_cast %get3A_53 : i32 to index
      %get3A_55 = arith.index_cast %mul3A_8 : i32 to index
      %get3A_56 = tpu.vector_load %arg6[%get3A_54, %get3A_55] {strides = array<i32>} : memref<128x512xf32, #tpu.memory_space<vmem>>, vector<1x16xf32>,
      %get3A_57 = vector.shape_cast %get3A_56 : vector<1x16xf32> to vector<16xf32>
      %get3A_58 = arith.constant 10 : i32
      %get3A_59 = arith.index_cast %get3A_58 : i32 to index
      %get3A_60 = arith.index_cast %mul3A_8 : i32 to index
      %get3A_61 = tpu.vector_load %arg6[%get3A_59, %get3A_60] {strides = array<i32>} : memref<128x512xf32, #tpu.memory_space<vmem>>, vector<1x16xf32>,
      %get3A_62 = vector.shape_cast %get3A_61 : vector<1x16xf32> to vector<16xf32>
      %get3A_63 = arith.constant 11 : i32
      %get3A_64 = arith.index_cast %get3A_63 : i32 to index
      %get3A_65 = arith.index_cast %mul3A_8 : i32 to index
      %get3A_66 = tpu.vector_load %arg6[%get3A_64, %get3A_65] {strides = array<i32>} : memref<128x512xf32, #tpu.memory_space<vmem>>, vector<1x16xf32>,
      %get3A_67 = vector.shape_cast %get3A_66 : vector<1x16xf32> to vector<16xf32>
      %get3A_68 = arith.constant 12 : i32
      %get3A_69 = arith.index_cast %get3A_68 : i32 to index
      %get3A_70 = arith.index_cast %mul3A_8 : i32 to index
      %get3A_71 = tpu.vector_load %arg6[%get3A_69, %get3A_70] {strides = array<i32>} : memref<128x512xf32, #tpu.memory_space<vmem>>, vector<1x16xf32>,
      %get3A_72 = vector.shape_cast %get3A_71 : vector<1x16xf32> to vector<16xf32>
      %get3A_73 = arith.constant 13 : i32
      %get3A_74 = arith.index_cast %get3A_73 : i32 to index
      %get3A_75 = arith.index_cast %mul3A_8 : i32 to index
      %get3A_76 = tpu.vector_load %arg6[%get3A_74, %get3A_75] {strides = array<i32>} : memref<128x512xf32, #tpu.memory_space<vmem>>, vector<1x16xf32>,
      %get3A_77 = vector.shape_cast %get3A_76 : vector<1x16xf32> to vector<16xf32>
      %get3A_78 = arith.constant 14 : i32
      %get3A_79 = arith.index_cast %get3A_78 : i32 to index
      %get3A_80 = arith.index_cast %mul3A_8 : i32 to index
      %get3A_81 = tpu.vector_load %arg6[%get3A_79, %get3A_80] {strides = array<i32>} : memref<128x512xf32, #tpu.memory_space<vmem>>, vector<1x16xf32>,
      %get3A_82 = vector.shape_cast %get3A_81 : vector<1x16xf32> to vector<16xf32>
      %get3A_83 = arith.constant 15 : i32
      %get3A_84 = arith.index_cast %get3A_83 : i32 to index
      %get3A_85 = arith.index_cast %mul3A_8 : i32 to index
      %get3A_86 = tpu.vector_load %arg6[%get3A_84, %get3A_85] {strides = array<i32>} : memref<128x512xf32, #tpu.memory_space<vmem>>, vector<1x16xf32>,
      %get3A_87 = vector.shape_cast %get3A_86 : vector<1x16xf32> to vector<16xf32>
      %get3A_88 = arith.constant 16 : i32
      %get3A_89 = arith.index_cast %get3A_88 : i32 to index
      %get3A_90 = arith.index_cast %mul3A_8 : i32 to index
      %get3A_91 = tpu.vector_load %arg6[%get3A_89, %get3A_90] {strides = array<i32>} : memref<128x512xf32, #tpu.memory_space<vmem>>, vector<1x16xf32>,
      %get3A_92 = vector.shape_cast %get3A_91 : vector<1x16xf32> to vector<16xf32>
      %get3A_93 = arith.constant 17 : i32
      %get3A_94 = arith.index_cast %get3A_93 : i32 to index
      %get3A_95 = arith.index_cast %mul3A_8 : i32 to index
      %get3A_96 = tpu.vector_load %arg6[%get3A_94, %get3A_95] {strides = array<i32>} : memref<128x512xf32, #tpu.memory_space<vmem>>, vector<1x16xf32>,
      %get3A_97 = vector.shape_cast %get3A_96 : vector<1x16xf32> to vector<16xf32>
      %get3A_98 = arith.constant 18 : i32
      %get3A_99 = arith.index_cast %get3A_98 : i32 to index
      %get3A_100 = arith.index_cast %mul3A_8 : i32 to index
      %get3A_101 = tpu.vector_load %arg6[%get3A_99, %get3A_100] {strides = array<i32>} : memref<128x512xf32, #tpu.memory_space<vmem>>, vector<1x16xf32>,
      %get3A_102 = vector.shape_cast %get3A_101 : vector<1x16xf32> to vector<16xf32>
      %get3A_103 = arith.constant 19 : i32
      %get3A_104 = arith.index_cast %get3A_103 : i32 to index
      %get3A_105 = arith.index_cast %mul3A_8 : i32 to index
      %get3A_106 = tpu.vector_load %arg6[%get3A_104, %get3A_105] {strides = array<i32>} : memref<128x512xf32, #tpu.memory_space<vmem>>, vector<1x16xf32>,
      %get3A_107 = vector.shape_cast %get3A_106 : vector<1x16xf32> to vector<16xf32>
      %get3A_108 = arith.constant 20 : i32
      %get3A_109 = arith.index_cast %get3A_108 : i32 to index
      %get3A_110 = arith.index_cast %mul3A_8 : i32 to index
      %get3A_111 = tpu.vector_load %arg6[%get3A_109, %get3A_110] {strides = array<i32>} : memref<128x512xf32, #tpu.memory_space<vmem>>, vector<1x16xf32>,
      %get3A_112 = vector.shape_cast %get3A_111 : vector<1x16xf32> to vector<16xf32>
      %get3A_113 = arith.constant 21 : i32
      %get3A_114 = arith.index_cast %get3A_113 : i32 to index
      %get3A_115 = arith.index_cast %mul3A_8 : i32 to index
      %get3A_116 = tpu.vector_load %arg6[%get3A_114, %get3A_115] {strides = array<i32>} : memref<128x512xf32, #tpu.memory_space<vmem>>, vector<1x16xf32>,
      %get3A_117 = vector.shape_cast %get3A_116 : vector<1x16xf32> to vector<16xf32>
      %get3A_118 = arith.constant 22 : i32
      %get3A_119 = arith.index_cast %get3A_118 : i32 to index
      %get3A_120 = arith.index_cast %mul3A_8 : i32 to index
      %get3A_121 = tpu.vector_load %arg6[%get3A_119, %get3A_120] {strides = array<i32>} : memref<128x512xf32, #tpu.memory_space<vmem>>, vector<1x16xf32>,
      %get3A_122 = vector.shape_cast %get3A_121 : vector<1x16xf32> to vector<16xf32>
      %get3A_123 = arith.constant 23 : i32
      %get3A_124 = arith.index_cast %get3A_123 : i32 to index
      %get3A_125 = arith.index_cast %mul3A_8 : i32 to index
      %get3A_126 = tpu.vector_load %arg6[%get3A_124, %get3A_125] {strides = array<i32>} : memref<128x512xf32, #tpu.memory_space<vmem>>, vector<1x16xf32>,
      %get3A_127 = vector.shape_cast %get3A_126 : vector<1x16xf32> to vector<16xf32>
      %get3A_128 = arith.constant 24 : i32
      %get3A_129 = arith.index_cast %get3A_128 : i32 to index
      %get3A_130 = arith.index_cast %mul3A_8 : i32 to index
      %get3A_131 = tpu.vector_load %arg6[%get3A_129, %get3A_130] {strides = array<i32>} : memref<128x512xf32, #tpu.memory_space<vmem>>, vector<1x16xf32>,
      %get3A_132 = vector.shape_cast %get3A_131 : vector<1x16xf32> to vector<16xf32>
      %get3A_133 = arith.constant 25 : i32
      %get3A_134 = arith.index_cast %get3A_133 : i32 to index
      %get3A_135 = arith.index_cast %mul3A_8 : i32 to index
      %get3A_136 = tpu.vector_load %arg6[%get3A_134, %get3A_135] {strides = array<i32>} : memref<128x512xf32, #tpu.memory_space<vmem>>, vector<1x16xf32>,
      %get3A_137 = vector.shape_cast %get3A_136 : vector<1x16xf32> to vector<16xf32>
      %get3A_138 = arith.constant 26 : i32
      %get3A_139 = arith.index_cast %get3A_138 : i32 to index
      %get3A_140 = arith.index_cast %mul3A_8 : i32 to index
      %get3A_141 = tpu.vector_load %arg6[%get3A_139, %get3A_140] {strides = array<i32>} : memref<128x512xf32, #tpu.memory_space<vmem>>, vector<1x16xf32>,
      %get3A_142 = vector.shape_cast %get3A_141 : vector<1x16xf32> to vector<16xf32>
      %get3A_143 = arith.constant 27 : i32
      %get3A_144 = arith.index_cast %get3A_143 : i32 to index
      %get3A_145 = arith.index_cast %mul3A_8 : i32 to index
      %get3A_146 = tpu.vector_load %arg6[%get3A_144, %get3A_145] {strides = array<i32>} : memref<128x512xf32, #tpu.memory_space<vmem>>, vector<1x16xf32>,
      %get3A_147 = vector.shape_cast %get3A_146 : vector<1x16xf32> to vector<16xf32>
      %get3A_148 = arith.constant 28 : i32
      %get3A_149 = arith.index_cast %get3A_148 : i32 to index
      %get3A_150 = arith.index_cast %mul3A_8 : i32 to index
      %get3A_151 = tpu.vector_load %arg6[%get3A_149, %get3A_150] {strides = array<i32>} : memref<128x512xf32, #tpu.memory_space<vmem>>, vector<1x16xf32>,
      %get3A_152 = vector.shape_cast %get3A_151 : vector<1x16xf32> to vector<16xf32>
      %get3A_153 = arith.constant 29 : i32
      %get3A_154 = arith.index_cast %get3A_153 : i32 to index
      %get3A_155 = arith.index_cast %mul3A_8 : i32 to index
      %get3A_156 = tpu.vector_load %arg6[%get3A_154, %get3A_155] {strides = array<i32>} : memref<128x512xf32, #tpu.memory_space<vmem>>, vector<1x16xf32>,
      %get3A_157 = vector.shape_cast %get3A_156 : vector<1x16xf32> to vector<16xf32>
      %get3A_158 = arith.constant 30 : i32
      %get3A_159 = arith.index_cast %get3A_158 : i32 to index
      %get3A_160 = arith.index_cast %mul3A_8 : i32 to index
      %get3A_161 = tpu.vector_load %arg6[%get3A_159, %get3A_160] {strides = array<i32>} : memref<128x512xf32, #tpu.memory_space<vmem>>, vector<1x16xf32>,
      %get3A_162 = vector.shape_cast %get3A_161 : vector<1x16xf32> to vector<16xf32>
      %get3A_163 = arith.constant 31 : i32
      %get3A_164 = arith.index_cast %get3A_163 : i32 to index
      %get3A_165 = arith.index_cast %mul3A_8 : i32 to index
      %get3A_166 = tpu.vector_load %arg6[%get3A_164, %get3A_165] {strides = array<i32>} : memref<128x512xf32, #tpu.memory_space<vmem>>, vector<1x16xf32>,
      %get3A_167 = vector.shape_cast %get3A_166 : vector<1x16xf32> to vector<16xf32>
      %get3A_168 = arith.constant 32 : i32
      %get3A_169 = arith.index_cast %get3A_168 : i32 to index
      %get3A_170 = arith.index_cast %mul3A_8 : i32 to index
      %get3A_171 = tpu.vector_load %arg6[%get3A_169, %get3A_170] {strides = array<i32>} : memref<128x512xf32, #tpu.memory_space<vmem>>, vector<1x16xf32>,
      %get3A_172 = vector.shape_cast %get3A_171 : vector<1x16xf32> to vector<16xf32>
      %get3A_173 = arith.constant 33 : i32
      %get3A_174 = arith.index_cast %get3A_173 : i32 to index
      %get3A_175 = arith.index_cast %mul3A_8 : i32 to index
      %get3A_176 = tpu.vector_load %arg6[%get3A_174, %get3A_175] {strides = array<i32>} : memref<128x512xf32, #tpu.memory_space<vmem>>, vector<1x16xf32>,
      %get3A_177 = vector.shape_cast %get3A_176 : vector<1x16xf32> to vector<16xf32>
      %get3A_178 = arith.constant 34 : i32
      %get3A_179 = arith.index_cast %get3A_178 : i32 to index
      %get3A_180 = arith.index_cast %mul3A_8 : i32 to index
      %get3A_181 = tpu.vector_load %arg6[%get3A_179, %get3A_180] {strides = array<i32>} : memref<128x512xf32, #tpu.memory_space<vmem>>, vector<1x16xf32>,
      %get3A_182 = vector.shape_cast %get3A_181 : vector<1x16xf32> to vector<16xf32>
      %get3A_183 = arith.constant 35 : i32
      %get3A_184 = arith.index_cast %get3A_183 : i32 to index
      %get3A_185 = arith.index_cast %mul3A_8 : i32 to index
      %get3A_186 = tpu.vector_load %arg6[%get3A_184, %get3A_185] {strides = array<i32>} : memref<128x512xf32, #tpu.memory_space<vmem>>, vector<1x16xf32>,
      %get3A_187 = vector.shape_cast %get3A_186 : vector<1x16xf32> to vector<16xf32>
      %get3A_188 = arith.constant 36 : i32
      %get3A_189 = arith.index_cast %get3A_188 : i32 to index
      %get3A_190 = arith.index_cast %mul3A_8 : i32 to index
      %get3A_191 = tpu.vector_load %arg6[%get3A_189, %get3A_190] {strides = array<i32>} : memref<128x512xf32, #tpu.memory_space<vmem>>, vector<1x16xf32>,
      %get3A_192 = vector.shape_cast %get3A_191 : vector<1x16xf32> to vector<16xf32>
      %get3A_193 = arith.constant 37 : i32
      %get3A_194 = arith.index_cast %get3A_193 : i32 to index
      %get3A_195 = arith.index_cast %mul3A_8 : i32 to index
      %get3A_196 = tpu.vector_load %arg6[%get3A_194, %get3A_195] {strides = array<i32>} : memref<128x512xf32, #tpu.memory_space<vmem>>, vector<1x16xf32>,
      %get3A_197 = vector.shape_cast %get3A_196 : vector<1x16xf32> to vector<16xf32>
      %get3A_198 = arith.constant 38 : i32
      %get3A_199 = arith.index_cast %get3A_198 : i32 to index
      %get3A_200 = arith.index_cast %mul3A_8 : i32 to index
      %get3A_201 = tpu.vector_load %arg6[%get3A_199, %get3A_200] {strides = array<i32>} : memref<128x512xf32, #tpu.memory_space<vmem>>, vector<1x16xf32>,
      %get3A_202 = vector.shape_cast %get3A_201 : vector<1x16xf32> to vector<16xf32>
      %get3A_203 = arith.constant 39 : i32
      %get3A_204 = arith.index_cast %get3A_203 : i32 to index
      %get3A_205 = arith.index_cast %mul3A_8 : i32 to index
      %get3A_206 = tpu.vector_load %arg6[%get3A_204, %get3A_205] {strides = array<i32>} : memref<128x512xf32, #tpu.memory_space<vmem>>, vector<1x16xf32>,
      %get3A_207 = vector.shape_cast %get3A_206 : vector<1x16xf32> to vector<16xf32>
      %get3A_208 = arith.constant 40 : i32
      %get3A_209 = arith.index_cast %get3A_208 : i32 to index
      %get3A_210 = arith.index_cast %mul3A_8 : i32 to index
      %get3A_211 = tpu.vector_load %arg6[%get3A_209, %get3A_210] {strides = array<i32>} : memref<128x512xf32, #tpu.memory_space<vmem>>, vector<1x16xf32>,
      %get3A_212 = vector.shape_cast %get3A_211 : vector<1x16xf32> to vector<16xf32>
      %get3A_213 = arith.constant 41 : i32
      %get3A_214 = arith.index_cast %get3A_213 : i32 to index
      %get3A_215 = arith.index_cast %mul3A_8 : i32 to index
      %get3A_216 = tpu.vector_load %arg6[%get3A_214, %get3A_215] {strides = array<i32>} : memref<128x512xf32, #tpu.memory_space<vmem>>, vector<1x16xf32>,
      %get3A_217 = vector.shape_cast %get3A_216 : vector<1x16xf32> to vector<16xf32>
      %get3A_218 = arith.constant 42 : i32
      %get3A_219 = arith.index_cast %get3A_218 : i32 to index
      %get3A_220 = arith.index_cast %mul3A_8 : i32 to index
      %get3A_221 = tpu.vector_load %arg6[%get3A_219, %get3A_220] {strides = array<i32>} : memref<128x512xf32, #tpu.memory_space<vmem>>, vector<1x16xf32>,
      %get3A_222 = vector.shape_cast %get3A_221 : vector<1x16xf32> to vector<16xf32>
      %get3A_223 = arith.constant 43 : i32
      %get3A_224 = arith.index_cast %get3A_223 : i32 to index
      %get3A_225 = arith.index_cast %mul3A_8 : i32 to index
      %get3A_226 = tpu.vector_load %arg6[%get3A_224, %get3A_225] {strides = array<i32>} : memref<128x512xf32, #tpu.memory_space<vmem>>, vector<1x16xf32>,
      %get3A_227 = vector.shape_cast %get3A_226 : vector<1x16xf32> to vector<16xf32>
      %get3A_228 = arith.constant 44 : i32
      %get3A_229 = arith.index_cast %get3A_228 : i32 to index
      %get3A_230 = arith.index_cast %mul3A_8 : i32 to index
      %get3A_231 = tpu.vector_load %arg6[%get3A_229, %get3A_230] {strides = array<i32>} : memref<128x512xf32, #tpu.memory_space<vmem>>, vector<1x16xf32>,
      %get3A_232 = vector.shape_cast %get3A_231 : vector<1x16xf32> to vector<16xf32>
      %get3A_233 = arith.constant 45 : i32
      %get3A_234 = arith.index_cast %get3A_233 : i32 to index
      %get3A_235 = arith.index_cast %mul3A_8 : i32 to index
      %get3A_236 = tpu.vector_load %arg6[%get3A_234, %get3A_235] {strides = array<i32>} : memref<128x512xf32, #tpu.memory_space<vmem>>, vector<1x16xf32>,
      %get3A_237 = vector.shape_cast %get3A_236 : vector<1x16xf32> to vector<16xf32>
      %get3A_238 = arith.constant 46 : i32
      %get3A_239 = arith.index_cast %get3A_238 : i32 to index
      %get3A_240 = arith.index_cast %mul3A_8 : i32 to index
      %get3A_241 = tpu.vector_load %arg6[%get3A_239, %get3A_240] {strides = array<i32>} : memref<128x512xf32, #tpu.memory_space<vmem>>, vector<1x16xf32>,
      %get3A_242 = vector.shape_cast %get3A_241 : vector<1x16xf32> to vector<16xf32>
      %get3A_243 = arith.constant 47 : i32
      %get3A_244 = arith.index_cast %get3A_243 : i32 to index
      %get3A_245 = arith.index_cast %mul3A_8 : i32 to index
      %get3A_246 = tpu.vector_load %arg6[%get3A_244, %get3A_245] {strides = array<i32>} : memref<128x512xf32, #tpu.memory_space<vmem>>, vector<1x16xf32>,
      %get3A_247 = vector.shape_cast %get3A_246 : vector<1x16xf32> to vector<16xf32>
      %get3A_248 = arith.constant 48 : i32
      %get3A_249 = arith.index_cast %get3A_248 : i32 to index
      %get3A_250 = arith.index_cast %mul3A_8 : i32 to index
      %get3A_251 = tpu.vector_load %arg6[%get3A_249, %get3A_250] {strides = array<i32>} : memref<128x512xf32, #tpu.memory_space<vmem>>, vector<1x16xf32>,
      %get3A_252 = vector.shape_cast %get3A_251 : vector<1x16xf32> to vector<16xf32>
      %get3A_253 = arith.constant 49 : i32
      %get3A_254 = arith.index_cast %get3A_253 : i32 to index
      %get3A_255 = arith.index_cast %mul3A_8 : i32 to index
      %get3A_256 = tpu.vector_load %arg6[%get3A_254, %get3A_255] {strides = array<i32>} : memref<128x512xf32, #tpu.memory_space<vmem>>, vector<1x16xf32>,
      %get3A_257 = vector.shape_cast %get3A_256 : vector<1x16xf32> to vector<16xf32>
      %get3A_258 = arith.constant 50 : i32
      %get3A_259 = arith.index_cast %get3A_258 : i32 to index
      %get3A_260 = arith.index_cast %mul3A_8 : i32 to index
      %get3A_261 = tpu.vector_load %arg6[%get3A_259, %get3A_260] {strides = array<i32>} : memref<128x512xf32, #tpu.memory_space<vmem>>, vector<1x16xf32>,
      %get3A_262 = vector.shape_cast %get3A_261 : vector<1x16xf32> to vector<16xf32>
      %get3A_263 = arith.constant 51 : i32
      %get3A_264 = arith.index_cast %get3A_263 : i32 to index
      %get3A_265 = arith.index_cast %mul3A_8 : i32 to index
      %get3A_266 = tpu.vector_load %arg6[%get3A_264, %get3A_265] {strides = array<i32>} : memref<128x512xf32, #tpu.memory_space<vmem>>, vector<1x16xf32>,
      %get3A_267 = vector.shape_cast %get3A_266 : vector<1x16xf32> to vector<16xf32>
      %get3A_268 = arith.constant 52 : i32
      %get3A_269 = arith.index_cast %get3A_268 : i32 to index
      %get3A_270 = arith.index_cast %mul3A_8 : i32 to index
      %get3A_271 = tpu.vector_load %arg6[%get3A_269, %get3A_270] {strides = array<i32>} : memref<128x512xf32, #tpu.memory_space<vmem>>, vector<1x16xf32>,
      %get3A_272 = vector.shape_cast %get3A_271 : vector<1x16xf32> to vector<16xf32>
      %get3A_273 = arith.constant 53 : i32
      %get3A_274 = arith.index_cast %get3A_273 : i32 to index
      %get3A_275 = arith.index_cast %mul3A_8 : i32 to index
      %get3A_276 = tpu.vector_load %arg6[%get3A_274, %get3A_275] {strides = array<i32>} : memref<128x512xf32, #tpu.memory_space<vmem>>, vector<1x16xf32>,
      %get3A_277 = vector.shape_cast %get3A_276 : vector<1x16xf32> to vector<16xf32>
      %get3A_278 = arith.constant 54 : i32
      %get3A_279 = arith.index_cast %get3A_278 : i32 to index
      %get3A_280 = arith.index_cast %mul3A_8 : i32 to index
      %get3A_281 = tpu.vector_load %arg6[%get3A_279, %get3A_280] {strides = array<i32>} : memref<128x512xf32, #tpu.memory_space<vmem>>, vector<1x16xf32>,
      %get3A_282 = vector.shape_cast %get3A_281 : vector<1x16xf32> to vector<16xf32>
      %get3A_283 = arith.constant 55 : i32
      %get3A_284 = arith.index_cast %get3A_283 : i32 to index
      %get3A_285 = arith.index_cast %mul3A_8 : i32 to index
      %get3A_286 = tpu.vector_load %arg6[%get3A_284, %get3A_285] {strides = array<i32>} : memref<128x512xf32, #tpu.memory_space<vmem>>, vector<1x16xf32>,
      %get3A_287 = vector.shape_cast %get3A_286 : vector<1x16xf32> to vector<16xf32>
      %get3A_288 = arith.constant 56 : i32
      %get3A_289 = arith.index_cast %get3A_288 : i32 to index
      %get3A_290 = arith.index_cast %mul3A_8 : i32 to index
      %get3A_291 = tpu.vector_load %arg6[%get3A_289, %get3A_290] {strides = array<i32>} : memref<128x512xf32, #tpu.memory_space<vmem>>, vector<1x16xf32>,
      %get3A_292 = vector.shape_cast %get3A_291 : vector<1x16xf32> to vector<16xf32>
      %get3A_293 = arith.constant 57 : i32
      %get3A_294 = arith.index_cast %get3A_293 : i32 to index
      %get3A_295 = arith.index_cast %mul3A_8 : i32 to index
      %get3A_296 = tpu.vector_load %arg6[%get3A_294, %get3A_295] {strides = array<i32>} : memref<128x512xf32, #tpu.memory_space<vmem>>, vector<1x16xf32>,
      %get3A_297 = vector.shape_cast %get3A_296 : vector<1x16xf32> to vector<16xf32>
      %get3A_298 = arith.constant 58 : i32
      %get3A_299 = arith.index_cast %get3A_298 : i32 to index
      %get3A_300 = arith.index_cast %mul3A_8 : i32 to index
      %get3A_301 = tpu.vector_load %arg6[%get3A_299, %get3A_300] {strides = array<i32>} : memref<128x512xf32, #tpu.memory_space<vmem>>, vector<1x16xf32>,
      %get3A_302 = vector.shape_cast %get3A_301 : vector<1x16xf32> to vector<16xf32>
      %get3A_303 = arith.constant 59 : i32
      %get3A_304 = arith.index_cast %get3A_303 : i32 to index
      %get3A_305 = arith.index_cast %mul3A_8 : i32 to index
      %get3A_306 = tpu.vector_load %arg6[%get3A_304, %get3A_305] {strides = array<i32>} : memref<128x512xf32, #tpu.memory_space<vmem>>, vector<1x16xf32>,
      %get3A_307 = vector.shape_cast %get3A_306 : vector<1x16xf32> to vector<16xf32>
      %get3A_308 = arith.constant 60 : i32
      %get3A_309 = arith.index_cast %get3A_308 : i32 to index
      %get3A_310 = arith.index_cast %mul3A_8 : i32 to index
      %get3A_311 = tpu.vector_load %arg6[%get3A_309, %get3A_310] {strides = array<i32>} : memref<128x512xf32, #tpu.memory_space<vmem>>, vector<1x16xf32>,
      %get3A_312 = vector.shape_cast %get3A_311 : vector<1x16xf32> to vector<16xf32>
      %get3A_313 = arith.constant 61 : i32
      %get3A_314 = arith.index_cast %get3A_313 : i32 to index
      %get3A_315 = arith.index_cast %mul3A_8 : i32 to index
      %get3A_316 = tpu.vector_load %arg6[%get3A_314, %get3A_315] {strides = array<i32>} : memref<128x512xf32, #tpu.memory_space<vmem>>, vector<1x16xf32>,
      %get3A_317 = vector.shape_cast %get3A_316 : vector<1x16xf32> to vector<16xf32>
      %get3A_318 = arith.constant 62 : i32
      %get3A_319 = arith.index_cast %get3A_318 : i32 to index
      %get3A_320 = arith.index_cast %mul3A_8 : i32 to index
      %get3A_321 = tpu.vector_load %arg6[%get3A_319, %get3A_320] {strides = array<i32>} : memref<128x512xf32, #tpu.memory_space<vmem>>, vector<1x16xf32>,
      %get3A_322 = vector.shape_cast %get3A_321 : vector<1x16xf32> to vector<16xf32>
      %get3A_323 = arith.constant 63 : i32
      %get3A_324 = arith.index_cast %get3A_323 : i32 to index
      %get3A_325 = arith.index_cast %mul3A_8 : i32 to index
      %get3A_326 = tpu.vector_load %arg6[%get3A_324, %get3A_325] {strides = array<i32>} : memref<128x512xf32, #tpu.memory_space<vmem>>, vector<1x16xf32>,
      %get3A_327 = vector.shape_cast %get3A_326 : vector<1x16xf32> to vector<16xf32>
      %get3A_328 = arith.constant 64 : i32
      %get3A_329 = arith.index_cast %get3A_328 : i32 to index
      %get3A_330 = arith.index_cast %mul3A_8 : i32 to index
      %get3A_331 = tpu.vector_load %arg6[%get3A_329, %get3A_330] {strides = array<i32>} : memref<128x512xf32, #tpu.memory_space<vmem>>, vector<1x16xf32>,
      %get3A_332 = vector.shape_cast %get3A_331 : vector<1x16xf32> to vector<16xf32>
      %get3A_333 = arith.constant 65 : i32
      %get3A_334 = arith.index_cast %get3A_333 : i32 to index
      %get3A_335 = arith.index_cast %mul3A_8 : i32 to index
      %get3A_336 = tpu.vector_load %arg6[%get3A_334, %get3A_335] {strides = array<i32>} : memref<128x512xf32, #tpu.memory_space<vmem>>, vector<1x16xf32>,
      %get3A_337 = vector.shape_cast %get3A_336 : vector<1x16xf32> to vector<16xf32>
      %get3A_338 = arith.constant 66 : i32
      %get3A_339 = arith.index_cast %get3A_338 : i32 to index
      %get3A_340 = arith.index_cast %mul3A_8 : i32 to index
      %get3A_341 = tpu.vector_load %arg6[%get3A_339, %get3A_340] {strides = array<i32>} : memref<128x512xf32, #tpu.memory_space<vmem>>, vector<1x16xf32>,
      %get3A_342 = vector.shape_cast %get3A_341 : vector<1x16xf32> to vector<16xf32>
      %get3A_343 = arith.constant 67 : i32
      %get3A_344 = arith.index_cast %get3A_343 : i32 to index
      %get3A_345 = arith.index_cast %mul3A_8 : i32 to index
      %get3A_346 = tpu.vector_load %arg6[%get3A_344, %get3A_345] {strides = array<i32>} : memref<128x512xf32, #tpu.memory_space<vmem>>, vector<1x16xf32>,
      %get3A_347 = vector.shape_cast %get3A_346 : vector<1x16xf32> to vector<16xf32>
      %get3A_348 = arith.constant 68 : i32
      %get3A_349 = arith.index_cast %get3A_348 : i32 to index
      %get3A_350 = arith.index_cast %mul3A_8 : i32 to index
      %get3A_351 = tpu.vector_load %arg6[%get3A_349, %get3A_350] {strides = array<i32>} : memref<128x512xf32, #tpu.memory_space<vmem>>, vector<1x16xf32>,
      %get3A_352 = vector.shape_cast %get3A_351 : vector<1x16xf32> to vector<16xf32>
      %get3A_353 = arith.constant 69 : i32
      %get3A_354 = arith.index_cast %get3A_353 : i32 to index
      %get3A_355 = arith.index_cast %mul3A_8 : i32 to index
      %get3A_356 = tpu.vector_load %arg6[%get3A_354, %get3A_355] {strides = array<i32>} : memref<128x512xf32, #tpu.memory_space<vmem>>, vector<1x16xf32>,
      %get3A_357 = vector.shape_cast %get3A_356 : vector<1x16xf32> to vector<16xf32>
      %get3A_358 = arith.constant 70 : i32
      %get3A_359 = arith.index_cast %get3A_358 : i32 to index
      %get3A_360 = arith.index_cast %mul3A_8 : i32 to index
      %get3A_361 = tpu.vector_load %arg6[%get3A_359, %get3A_360] {strides = array<i32>} : memref<128x512xf32, #tpu.memory_space<vmem>>, vector<1x16xf32>,
      %get3A_362 = vector.shape_cast %get3A_361 : vector<1x16xf32> to vector<16xf32>
      %get3A_363 = arith.constant 71 : i32
      %get3A_364 = arith.index_cast %get3A_363 : i32 to index
      %get3A_365 = arith.index_cast %mul3A_8 : i32 to index
      %get3A_366 = tpu.vector_load %arg6[%get3A_364, %get3A_365] {strides = array<i32>} : memref<128x512xf32, #tpu.memory_space<vmem>>, vector<1x16xf32>,
      %get3A_367 = vector.shape_cast %get3A_366 : vector<1x16xf32> to vector<16xf32>
      %get3A_368 = arith.constant 72 : i32
      %get3A_369 = arith.index_cast %get3A_368 : i32 to index
      %get3A_370 = arith.index_cast %mul3A_8 : i32 to index
      %get3A_371 = tpu.vector_load %arg6[%get3A_369, %get3A_370] {strides = array<i32>} : memref<128x512xf32, #tpu.memory_space<vmem>>, vector<1x16xf32>,
      %get3A_372 = vector.shape_cast %get3A_371 : vector<1x16xf32> to vector<16xf32>
      %get3A_373 = arith.constant 73 : i32
      %get3A_374 = arith.index_cast %get3A_373 : i32 to index
      %get3A_375 = arith.index_cast %mul3A_8 : i32 to index
      %get3A_376 = tpu.vector_load %arg6[%get3A_374, %get3A_375] {strides = array<i32>} : memref<128x512xf32, #tpu.memory_space<vmem>>, vector<1x16xf32>,
      %get3A_377 = vector.shape_cast %get3A_376 : vector<1x16xf32> to vector<16xf32>
      %get3A_378 = arith.constant 74 : i32
      %get3A_379 = arith.index_cast %get3A_378 : i32 to index
      %get3A_380 = arith.index_cast %mul3A_8 : i32 to index
      %get3A_381 = tpu.vector_load %arg6[%get3A_379, %get3A_380] {strides = array<i32>} : memref<128x512xf32, #tpu.memory_space<vmem>>, vector<1x16xf32>,
      %get3A_382 = vector.shape_cast %get3A_381 : vector<1x16xf32> to vector<16xf32>
      %get3A_383 = arith.constant 75 : i32
      %get3A_384 = arith.index_cast %get3A_383 : i32 to index
      %get3A_385 = arith.index_cast %mul3A_8 : i32 to index
      %get3A_386 = tpu.vector_load %arg6[%get3A_384, %get3A_385] {strides = array<i32>} : memref<128x512xf32, #tpu.memory_space<vmem>>, vector<1x16xf32>,
      %get3A_387 = vector.shape_cast %get3A_386 : vector<1x16xf32> to vector<16xf32>
      %get3A_388 = arith.constant 76 : i32
      %get3A_389 = arith.index_cast %get3A_388 : i32 to index
      %get3A_390 = arith.index_cast %mul3A_8 : i32 to index
      %get3A_391 = tpu.vector_load %arg6[%get3A_389, %get3A_390] {strides = array<i32>} : memref<128x512xf32, #tpu.memory_space<vmem>>, vector<1x16xf32>,
      %get3A_392 = vector.shape_cast %get3A_391 : vector<1x16xf32> to vector<16xf32>
      %get3A_393 = arith.constant 77 : i32
      %get3A_394 = arith.index_cast %get3A_393 : i32 to index
      %get3A_395 = arith.index_cast %mul3A_8 : i32 to index
      %get3A_396 = tpu.vector_load %arg6[%get3A_394, %get3A_395] {strides = array<i32>} : memref<128x512xf32, #tpu.memory_space<vmem>>, vector<1x16xf32>,
      %get3A_397 = vector.shape_cast %get3A_396 : vector<1x16xf32> to vector<16xf32>
      %get3A_398 = arith.constant 78 : i32
      %get3A_399 = arith.index_cast %get3A_398 : i32 to index
      %get3A_400 = arith.index_cast %mul3A_8 : i32 to index
      %get3A_401 = tpu.vector_load %arg6[%get3A_399, %get3A_400] {strides = array<i32>} : memref<128x512xf32, #tpu.memory_space<vmem>>, vector<1x16xf32>,
      %get3A_402 = vector.shape_cast %get3A_401 : vector<1x16xf32> to vector<16xf32>
      %get3A_403 = arith.constant 79 : i32
      %get3A_404 = arith.index_cast %get3A_403 : i32 to index
      %get3A_405 = arith.index_cast %mul3A_8 : i32 to index
      %get3A_406 = tpu.vector_load %arg6[%get3A_404, %get3A_405] {strides = array<i32>} : memref<128x512xf32, #tpu.memory_space<vmem>>, vector<1x16xf32>,
      %get3A_407 = vector.shape_cast %get3A_406 : vector<1x16xf32> to vector<16xf32>
      %get3A_408 = arith.constant 80 : i32
      %get3A_409 = arith.index_cast %get3A_408 : i32 to index
      %get3A_410 = arith.index_cast %mul3A_8 : i32 to index
      %get3A_411 = tpu.vector_load %arg6[%get3A_409, %get3A_410] {strides = array<i32>} : memref<128x512xf32, #tpu.memory_space<vmem>>, vector<1x16xf32>,
      %get3A_412 = vector.shape_cast %get3A_411 : vector<1x16xf32> to vector<16xf32>
      %get3A_413 = arith.constant 81 : i32
      %get3A_414 = arith.index_cast %get3A_413 : i32 to index
      %get3A_415 = arith.index_cast %mul3A_8 : i32 to index
      %get3A_416 = tpu.vector_load %arg6[%get3A_414, %get3A_415] {strides = array<i32>} : memref<128x512xf32, #tpu.memory_space<vmem>>, vector<1x16xf32>,
      %get3A_417 = vector.shape_cast %get3A_416 : vector<1x16xf32> to vector<16xf32>
      %get3A_418 = arith.constant 82 : i32
      %get3A_419 = arith.index_cast %get3A_418 : i32 to index
      %get3A_420 = arith.index_cast %mul3A_8 : i32 to index
      %get3A_421 = tpu.vector_load %arg6[%get3A_419, %get3A_420] {strides = array<i32>} : memref<128x512xf32, #tpu.memory_space<vmem>>, vector<1x16xf32>,
      %get3A_422 = vector.shape_cast %get3A_421 : vector<1x16xf32> to vector<16xf32>
      %get3A_423 = arith.constant 83 : i32
      %get3A_424 = arith.index_cast %get3A_423 : i32 to index
      %get3A_425 = arith.index_cast %mul3A_8 : i32 to index
      %get3A_426 = tpu.vector_load %arg6[%get3A_424, %get3A_425] {strides = array<i32>} : memref<128x512xf32, #tpu.memory_space<vmem>>, vector<1x16xf32>,
      %get3A_427 = vector.shape_cast %get3A_426 : vector<1x16xf32> to vector<16xf32>
      %get3A_428 = arith.constant 84 : i32
      %get3A_429 = arith.index_cast %get3A_428 : i32 to index
      %get3A_430 = arith.index_cast %mul3A_8 : i32 to index
      %get3A_431 = tpu.vector_load %arg6[%get3A_429, %get3A_430] {strides = array<i32>} : memref<128x512xf32, #tpu.memory_space<vmem>>, vector<1x16xf32>,
      %get3A_432 = vector.shape_cast %get3A_431 : vector<1x16xf32> to vector<16xf32>
      %get3A_433 = arith.constant 85 : i32
      %get3A_434 = arith.index_cast %get3A_433 : i32 to index
      %get3A_435 = arith.index_cast %mul3A_8 : i32 to index
      %get3A_436 = tpu.vector_load %arg6[%get3A_434, %get3A_435] {strides = array<i32>} : memref<128x512xf32, #tpu.memory_space<vmem>>, vector<1x16xf32>,
      %get3A_437 = vector.shape_cast %get3A_436 : vector<1x16xf32> to vector<16xf32>
      %get3A_438 = arith.constant 86 : i32
      %get3A_439 = arith.index_cast %get3A_438 : i32 to index
      %get3A_440 = arith.index_cast %mul3A_8 : i32 to index
      %get3A_441 = tpu.vector_load %arg6[%get3A_439, %get3A_440] {strides = array<i32>} : memref<128x512xf32, #tpu.memory_space<vmem>>, vector<1x16xf32>,
      %get3A_442 = vector.shape_cast %get3A_441 : vector<1x16xf32> to vector<16xf32>
      %get3A_443 = arith.constant 87 : i32
      %get3A_444 = arith.index_cast %get3A_443 : i32 to index
      %get3A_445 = arith.index_cast %mul3A_8 : i32 to index
      %get3A_446 = tpu.vector_load %arg6[%get3A_444, %get3A_445] {strides = array<i32>} : memref<128x512xf32, #tpu.memory_space<vmem>>, vector<1x16xf32>,
      %get3A_447 = vector.shape_cast %get3A_446 : vector<1x16xf32> to vector<16xf32>
      %get3A_448 = arith.constant 88 : i32
      %get3A_449 = arith.index_cast %get3A_448 : i32 to index
      %get3A_450 = arith.index_cast %mul3A_8 : i32 to index
      %get3A_451 = tpu.vector_load %arg6[%get3A_449, %get3A_450] {strides = array<i32>} : memref<128x512xf32, #tpu.memory_space<vmem>>, vector<1x16xf32>,
      %get3A_452 = vector.shape_cast %get3A_451 : vector<1x16xf32> to vector<16xf32>
      %get3A_453 = arith.constant 89 : i32
      %get3A_454 = arith.index_cast %get3A_453 : i32 to index
      %get3A_455 = arith.index_cast %mul3A_8 : i32 to index
      %get3A_456 = tpu.vector_load %arg6[%get3A_454, %get3A_455] {strides = array<i32>} : memref<128x512xf32, #tpu.memory_space<vmem>>, vector<1x16xf32>,
      %get3A_457 = vector.shape_cast %get3A_456 : vector<1x16xf32> to vector<16xf32>
      %get3A_458 = arith.constant 90 : i32
      %get3A_459 = arith.index_cast %get3A_458 : i32 to index
      %get3A_460 = arith.index_cast %mul3A_8 : i32 to index
      %get3A_461 = tpu.vector_load %arg6[%get3A_459, %get3A_460] {strides = array<i32>} : memref<128x512xf32, #tpu.memory_space<vmem>>, vector<1x16xf32>,
      %get3A_462 = vector.shape_cast %get3A_461 : vector<1x16xf32> to vector<16xf32>
      %get3A_463 = arith.constant 91 : i32
      %get3A_464 = arith.index_cast %get3A_463 : i32 to index
      %get3A_465 = arith.index_cast %mul3A_8 : i32 to index
      %get3A_466 = tpu.vector_load %arg6[%get3A_464, %get3A_465] {strides = array<i32>} : memref<128x512xf32, #tpu.memory_space<vmem>>, vector<1x16xf32>,
      %get3A_467 = vector.shape_cast %get3A_466 : vector<1x16xf32> to vector<16xf32>
      %get3A_468 = arith.constant 92 : i32
      %get3A_469 = arith.index_cast %get3A_468 : i32 to index
      %get3A_470 = arith.index_cast %mul3A_8 : i32 to index
      %get3A_471 = tpu.vector_load %arg6[%get3A_469, %get3A_470] {strides = array<i32>} : memref<128x512xf32, #tpu.memory_space<vmem>>, vector<1x16xf32>,
      %get3A_472 = vector.shape_cast %get3A_471 : vector<1x16xf32> to vector<16xf32>
      %get3A_473 = arith.constant 93 : i32
      %get3A_474 = arith.index_cast %get3A_473 : i32 to index
      %get3A_475 = arith.index_cast %mul3A_8 : i32 to index
      %get3A_476 = tpu.vector_load %arg6[%get3A_474, %get3A_475] {strides = array<i32>} : memref<128x512xf32, #tpu.memory_space<vmem>>, vector<1x16xf32>,
      %get3A_477 = vector.shape_cast %get3A_476 : vector<1x16xf32> to vector<16xf32>
      %get3A_478 = arith.constant 94 : i32
      %get3A_479 = arith.index_cast %get3A_478 : i32 to index
      %get3A_480 = arith.index_cast %mul3A_8 : i32 to index
      %get3A_481 = tpu.vector_load %arg6[%get3A_479, %get3A_480] {strides = array<i32>} : memref<128x512xf32, #tpu.memory_space<vmem>>, vector<1x16xf32>,
      %get3A_482 = vector.shape_cast %get3A_481 : vector<1x16xf32> to vector<16xf32>
      %get3A_483 = arith.constant 95 : i32
      %get3A_484 = arith.index_cast %get3A_483 : i32 to index
      %get3A_485 = arith.index_cast %mul3A_8 : i32 to index
      %get3A_486 = tpu.vector_load %arg6[%get3A_484, %get3A_485] {strides = array<i32>} : memref<128x512xf32, #tpu.memory_space<vmem>>, vector<1x16xf32>,
      %get3A_487 = vector.shape_cast %get3A_486 : vector<1x16xf32> to vector<16xf32>
      %get3A_488 = arith.constant 96 : i32
      %get3A_489 = arith.index_cast %get3A_488 : i32 to index
      %get3A_490 = arith.index_cast %mul3A_8 : i32 to index
      %get3A_491 = tpu.vector_load %arg6[%get3A_489, %get3A_490] {strides = array<i32>} : memref<128x512xf32, #tpu.memory_space<vmem>>, vector<1x16xf32>,
      %get3A_492 = vector.shape_cast %get3A_491 : vector<1x16xf32> to vector<16xf32>
      %get3A_493 = arith.constant 97 : i32
      %get3A_494 = arith.index_cast %get3A_493 : i32 to index
      %get3A_495 = arith.index_cast %mul3A_8 : i32 to index
      %get3A_496 = tpu.vector_load %arg6[%get3A_494, %get3A_495] {strides = array<i32>} : memref<128x512xf32, #tpu.memory_space<vmem>>, vector<1x16xf32>,
      %get3A_497 = vector.shape_cast %get3A_496 : vector<1x16xf32> to vector<16xf32>
      %get3A_498 = arith.constant 98 : i32
      %get3A_499 = arith.index_cast %get3A_498 : i32 to index
      %get3A_500 = arith.index_cast %mul3A_8 : i32 to index
      %get3A_501 = tpu.vector_load %arg6[%get3A_499, %get3A_500] {strides = array<i32>} : memref<128x512xf32, #tpu.memory_space<vmem>>, vector<1x16xf32>,
      %get3A_502 = vector.shape_cast %get3A_501 : vector<1x16xf32> to vector<16xf32>
      %get3A_503 = arith.constant 99 : i32
      %get3A_504 = arith.index_cast %get3A_503 : i32 to index
      %get3A_505 = arith.index_cast %mul3A_8 : i32 to index
      %get3A_506 = tpu.vector_load %arg6[%get3A_504, %get3A_505] {strides = array<i32>} : memref<128x512xf32, #tpu.memory_space<vmem>>, vector<1x16xf32>,
      %get3A_507 = vector.shape_cast %get3A_506 : vector<1x16xf32> to vector<16xf32>
      %get3A_508 = arith.constant 100 : i32
      %get3A_509 = arith.index_cast %get3A_508 : i32 to index
      %get3A_510 = arith.index_cast %mul3A_8 : i32 to index
      %get3A_511 = tpu.vector_load %arg6[%get3A_509, %get3A_510] {strides = array<i32>} : memref<128x512xf32, #tpu.memory_space<vmem>>, vector<1x16xf32>,
      %get3A_512 = vector.shape_cast %get3A_511 : vector<1x16xf32> to vector<16xf32>
      %get3A_513 = arith.constant 101 : i32
      %get3A_514 = arith.index_cast %get3A_513 : i32 to index
      %get3A_515 = arith.index_cast %mul3A_8 : i32 to index
      %get3A_516 = tpu.vector_load %arg6[%get3A_514, %get3A_515] {strides = array<i32>} : memref<128x512xf32, #tpu.memory_space<vmem>>, vector<1x16xf32>,
      %get3A_517 = vector.shape_cast %get3A_516 : vector<1x16xf32> to vector<16xf32>
      %get3A_518 = arith.constant 102 : i32
      %get3A_519 = arith.index_cast %get3A_518 : i32 to index
      %get3A_520 = arith.index_cast %mul3A_8 : i32 to index
      %get3A_521 = tpu.vector_load %arg6[%get3A_519, %get3A_520] {strides = array<i32>} : memref<128x512xf32, #tpu.memory_space<vmem>>, vector<1x16xf32>,
      %get3A_522 = vector.shape_cast %get3A_521 : vector<1x16xf32> to vector<16xf32>
      %get3A_523 = arith.constant 103 : i32
      %get3A_524 = arith.index_cast %get3A_523 : i32 to index
      %get3A_525 = arith.index_cast %mul3A_8 : i32 to index
      %get3A_526 = tpu.vector_load %arg6[%get3A_524, %get3A_525] {strides = array<i32>} : memref<128x512xf32, #tpu.memory_space<vmem>>, vector<1x16xf32>,
      %get3A_527 = vector.shape_cast %get3A_526 : vector<1x16xf32> to vector<16xf32>
      %get3A_528 = arith.constant 104 : i32
      %get3A_529 = arith.index_cast %get3A_528 : i32 to index
      %get3A_530 = arith.index_cast %mul3A_8 : i32 to index
      %get3A_531 = tpu.vector_load %arg6[%get3A_529, %get3A_530] {strides = array<i32>} : memref<128x512xf32, #tpu.memory_space<vmem>>, vector<1x16xf32>,
      %get3A_532 = vector.shape_cast %get3A_531 : vector<1x16xf32> to vector<16xf32>
      %get3A_533 = arith.constant 105 : i32
      %get3A_534 = arith.index_cast %get3A_533 : i32 to index
      %get3A_535 = arith.index_cast %mul3A_8 : i32 to index
      %get3A_536 = tpu.vector_load %arg6[%get3A_534, %get3A_535] {strides = array<i32>} : memref<128x512xf32, #tpu.memory_space<vmem>>, vector<1x16xf32>,
      %get3A_537 = vector.shape_cast %get3A_536 : vector<1x16xf32> to vector<16xf32>
      %get3A_538 = arith.constant 106 : i32
      %get3A_539 = arith.index_cast %get3A_538 : i32 to index
      %get3A_540 = arith.index_cast %mul3A_8 : i32 to index
      %get3A_541 = tpu.vector_load %arg6[%get3A_539, %get3A_540] {strides = array<i32>} : memref<128x512xf32, #tpu.memory_space<vmem>>, vector<1x16xf32>,
      %get3A_542 = vector.shape_cast %get3A_541 : vector<1x16xf32> to vector<16xf32>
      %get3A_543 = arith.constant 107 : i32
      %get3A_544 = arith.index_cast %get3A_543 : i32 to index
      %get3A_545 = arith.index_cast %mul3A_8 : i32 to index
      %get3A_546 = tpu.vector_load %arg6[%get3A_544, %get3A_545] {strides = array<i32>} : memref<128x512xf32, #tpu.memory_space<vmem>>, vector<1x16xf32>,
      %get3A_547 = vector.shape_cast %get3A_546 : vector<1x16xf32> to vector<16xf32>
      %get3A_548 = arith.constant 108 : i32
      %get3A_549 = arith.index_cast %get3A_548 : i32 to index
      %get3A_550 = arith.index_cast %mul3A_8 : i32 to index
      %get3A_551 = tpu.vector_load %arg6[%get3A_549, %get3A_550] {strides = array<i32>} : memref<128x512xf32, #tpu.memory_space<vmem>>, vector<1x16xf32>,
      %get3A_552 = vector.shape_cast %get3A_551 : vector<1x16xf32> to vector<16xf32>
      %get3A_553 = arith.constant 109 : i32
      %get3A_554 = arith.index_cast %get3A_553 : i32 to index
      %get3A_555 = arith.index_cast %mul3A_8 : i32 to index
      %get3A_556 = tpu.vector_load %arg6[%get3A_554, %get3A_555] {strides = array<i32>} : memref<128x512xf32, #tpu.memory_space<vmem>>, vector<1x16xf32>,
      %get3A_557 = vector.shape_cast %get3A_556 : vector<1x16xf32> to vector<16xf32>
      %get3A_558 = arith.constant 110 : i32
      %get3A_559 = arith.index_cast %get3A_558 : i32 to index
      %get3A_560 = arith.index_cast %mul3A_8 : i32 to index
      %get3A_561 = tpu.vector_load %arg6[%get3A_559, %get3A_560] {strides = array<i32>} : memref<128x512xf32, #tpu.memory_space<vmem>>, vector<1x16xf32>,
      %get3A_562 = vector.shape_cast %get3A_561 : vector<1x16xf32> to vector<16xf32>
      %get3A_563 = arith.constant 111 : i32
      %get3A_564 = arith.index_cast %get3A_563 : i32 to index
      %get3A_565 = arith.index_cast %mul3A_8 : i32 to index
      %get3A_566 = tpu.vector_load %arg6[%get3A_564, %get3A_565] {strides = array<i32>} : memref<128x512xf32, #tpu.memory_space<vmem>>, vector<1x16xf32>,
      %get3A_567 = vector.shape_cast %get3A_566 : vector<1x16xf32> to vector<16xf32>
      %get3A_568 = arith.constant 112 : i32
      %get3A_569 = arith.index_cast %get3A_568 : i32 to index
      %get3A_570 = arith.index_cast %mul3A_8 : i32 to index
      %get3A_571 = tpu.vector_load %arg6[%get3A_569, %get3A_570] {strides = array<i32>} : memref<128x512xf32, #tpu.memory_space<vmem>>, vector<1x16xf32>,
      %get3A_572 = vector.shape_cast %get3A_571 : vector<1x16xf32> to vector<16xf32>
      %get3A_573 = arith.constant 113 : i32
      %get3A_574 = arith.index_cast %get3A_573 : i32 to index
      %get3A_575 = arith.index_cast %mul3A_8 : i32 to index
      %get3A_576 = tpu.vector_load %arg6[%get3A_574, %get3A_575] {strides = array<i32>} : memref<128x512xf32, #tpu.memory_space<vmem>>, vector<1x16xf32>,
      %get3A_577 = vector.shape_cast %get3A_576 : vector<1x16xf32> to vector<16xf32>
      %get3A_578 = arith.constant 114 : i32
      %get3A_579 = arith.index_cast %get3A_578 : i32 to index
      %get3A_580 = arith.index_cast %mul3A_8 : i32 to index
      %get3A_581 = tpu.vector_load %arg6[%get3A_579, %get3A_580] {strides = array<i32>} : memref<128x512xf32, #tpu.memory_space<vmem>>, vector<1x16xf32>,
      %get3A_582 = vector.shape_cast %get3A_581 : vector<1x16xf32> to vector<16xf32>
      %get3A_583 = arith.constant 115 : i32
      %get3A_584 = arith.index_cast %get3A_583 : i32 to index
      %get3A_585 = arith.index_cast %mul3A_8 : i32 to index
      %get3A_586 = tpu.vector_load %arg6[%get3A_584, %get3A_585] {strides = array<i32>} : memref<128x512xf32, #tpu.memory_space<vmem>>, vector<1x16xf32>,
      %get3A_587 = vector.shape_cast %get3A_586 : vector<1x16xf32> to vector<16xf32>
      %get3A_588 = arith.constant 116 : i32
      %get3A_589 = arith.index_cast %get3A_588 : i32 to index
      %get3A_590 = arith.index_cast %mul3A_8 : i32 to index
      %get3A_591 = tpu.vector_load %arg6[%get3A_589, %get3A_590] {strides = array<i32>} : memref<128x512xf32, #tpu.memory_space<vmem>>, vector<1x16xf32>,
      %get3A_592 = vector.shape_cast %get3A_591 : vector<1x16xf32> to vector<16xf32>
      %get3A_593 = arith.constant 117 : i32
      %get3A_594 = arith.index_cast %get3A_593 : i32 to index
      %get3A_595 = arith.index_cast %mul3A_8 : i32 to index
      %get3A_596 = tpu.vector_load %arg6[%get3A_594, %get3A_595] {strides = array<i32>} : memref<128x512xf32, #tpu.memory_space<vmem>>, vector<1x16xf32>,
      %get3A_597 = vector.shape_cast %get3A_596 : vector<1x16xf32> to vector<16xf32>
      %get3A_598 = arith.constant 118 : i32
      %get3A_599 = arith.index_cast %get3A_598 : i32 to index
      %get3A_600 = arith.index_cast %mul3A_8 : i32 to index
      %get3A_601 = tpu.vector_load %arg6[%get3A_599, %get3A_600] {strides = array<i32>} : memref<128x512xf32, #tpu.memory_space<vmem>>, vector<1x16xf32>,
      %get3A_602 = vector.shape_cast %get3A_601 : vector<1x16xf32> to vector<16xf32>
      %get3A_603 = arith.constant 119 : i32
      %get3A_604 = arith.index_cast %get3A_603 : i32 to index
      %get3A_605 = arith.index_cast %mul3A_8 : i32 to index
      %get3A_606 = tpu.vector_load %arg6[%get3A_604, %get3A_605] {strides = array<i32>} : memref<128x512xf32, #tpu.memory_space<vmem>>, vector<1x16xf32>,
      %get3A_607 = vector.shape_cast %get3A_606 : vector<1x16xf32> to vector<16xf32>
      %get3A_608 = arith.constant 120 : i32
      %get3A_609 = arith.index_cast %get3A_608 : i32 to index
      %get3A_610 = arith.index_cast %mul3A_8 : i32 to index
      %get3A_611 = tpu.vector_load %arg6[%get3A_609, %get3A_610] {strides = array<i32>} : memref<128x512xf32, #tpu.memory_space<vmem>>, vector<1x16xf32>,
      %get3A_612 = vector.shape_cast %get3A_611 : vector<1x16xf32> to vector<16xf32>
      %get3A_613 = arith.constant 121 : i32
      %get3A_614 = arith.index_cast %get3A_613 : i32 to index
      %get3A_615 = arith.index_cast %mul3A_8 : i32 to index
      %get3A_616 = tpu.vector_load %arg6[%get3A_614, %get3A_615] {strides = array<i32>} : memref<128x512xf32, #tpu.memory_space<vmem>>, vector<1x16xf32>,
      %get3A_617 = vector.shape_cast %get3A_616 : vector<1x16xf32> to vector<16xf32>
      %get3A_618 = arith.constant 122 : i32
      %get3A_619 = arith.index_cast %get3A_618 : i32 to index
      %get3A_620 = arith.index_cast %mul3A_8 : i32 to index
      %get3A_621 = tpu.vector_load %arg6[%get3A_619, %get3A_620] {strides = array<i32>} : memref<128x512xf32, #tpu.memory_space<vmem>>, vector<1x16xf32>,
      %get3A_622 = vector.shape_cast %get3A_621 : vector<1x16xf32> to vector<16xf32>
      %get3A_623 = arith.constant 123 : i32
      %get3A_624 = arith.index_cast %get3A_623 : i32 to index
      %get3A_625 = arith.index_cast %mul3A_8 : i32 to index
      %get3A_626 = tpu.vector_load %arg6[%get3A_624, %get3A_625] {strides = array<i32>} : memref<128x512xf32, #tpu.memory_space<vmem>>, vector<1x16xf32>,
      %get3A_627 = vector.shape_cast %get3A_626 : vector<1x16xf32> to vector<16xf32>
      %get3A_628 = arith.constant 124 : i32
      %get3A_629 = arith.index_cast %get3A_628 : i32 to index
      %get3A_630 = arith.index_cast %mul3A_8 : i32 to index
      %get3A_631 = tpu.vector_load %arg6[%get3A_629, %get3A_630] {strides = array<i32>} : memref<128x512xf32, #tpu.memory_space<vmem>>, vector<1x16xf32>,
      %get3A_632 = vector.shape_cast %get3A_631 : vector<1x16xf32> to vector<16xf32>
      %get3A_633 = arith.constant 125 : i32
      %get3A_634 = arith.index_cast %get3A_633 : i32 to index
      %get3A_635 = arith.index_cast %mul3A_8 : i32 to index
      %get3A_636 = tpu.vector_load %arg6[%get3A_634, %get3A_635] {strides = array<i32>} : memref<128x512xf32, #tpu.memory_space<vmem>>, vector<1x16xf32>,
      %get3A_637 = vector.shape_cast %get3A_636 : vector<1x16xf32> to vector<16xf32>
      %get3A_638 = arith.constant 126 : i32
      %get3A_639 = arith.index_cast %get3A_638 : i32 to index
      %get3A_640 = arith.index_cast %mul3A_8 : i32 to index
      %get3A_641 = tpu.vector_load %arg6[%get3A_639, %get3A_640] {strides = array<i32>} : memref<128x512xf32, #tpu.memory_space<vmem>>, vector<1x16xf32>,
      %get3A_642 = vector.shape_cast %get3A_641 : vector<1x16xf32> to vector<16xf32>
      %get3A_643 = arith.constant 127 : i32
      %get3A_644 = arith.index_cast %get3A_643 : i32 to index
      %get3A_645 = arith.index_cast %mul3A_8 : i32 to index
      %get3A_646 = tpu.vector_load %arg6[%get3A_644, %get3A_645] {strides = array<i32>} : memref<128x512xf32, #tpu.memory_space<vmem>>, vector<1x16xf32>,
      %get3A_647 = vector.shape_cast %get3A_646 : vector<1x16xf32> to vector<16xf32>
      %mul3A_648 = arith.mulf %get3A_12, %get3A_12 : vector<16xf32>
      %mul3A_649 = arith.mulf %get3A_17, %get3A_17 : vector<16xf32>
      %mul3A_650 = arith.mulf %get3A_22, %get3A_22 : vector<16xf32>
      %mul3A_651 = arith.mulf %get3A_27, %get3A_27 : vector<16xf32>
      %mul3A_652 = arith.mulf %get3A_32, %get3A_32 : vector<16xf32>
      %mul3A_653 = arith.mulf %get3A_37, %get3A_37 : vector<16xf32>
      %mul3A_654 = arith.mulf %get3A_42, %get3A_42 : vector<16xf32>
      %mul3A_655 = arith.mulf %get3A_47, %get3A_47 : vector<16xf32>
      %mul3A_656 = arith.mulf %get3A_52, %get3A_52 : vector<16xf32>
      %mul3A_657 = arith.mulf %get3A_57, %get3A_57 : vector<16xf32>
      %mul3A_658 = arith.mulf %get3A_62, %get3A_62 : vector<16xf32>
      %mul3A_659 = arith.mulf %get3A_67, %get3A_67 : vector<16xf32>
      %mul3A_660 = arith.mulf %get3A_72, %get3A_72 : vector<16xf32>
      %mul3A_661 = arith.mulf %get3A_77, %get3A_77 : vector<16xf32>
      %mul3A_662 = arith.mulf %get3A_82, %get3A_82 : vector<16xf32>
      %mul3A_663 = arith.mulf %get3A_87, %get3A_87 : vector<16xf32>
      %add3A_664 = arith.addf %mul3A_648, %mul3A_649 : vector<16xf32>
      %add3A_665 = arith.addf %mul3A_650, %mul3A_651 : vector<16xf32>
      %add3A_666 = arith.addf %mul3A_652, %mul3A_653 : vector<16xf32>
      %add3A_667 = arith.addf %mul3A_654, %mul3A_655 : vector<16xf32>
      %add3A_668 = arith.addf %mul3A_656, %mul3A_657 : vector<16xf32>
      %add3A_669 = arith.addf %mul3A_658, %mul3A_659 : vector<16xf32>
      %add3A_670 = arith.addf %mul3A_660, %mul3A_661 : vector<16xf32>
      %add3A_671 = arith.addf %mul3A_662, %mul3A_663 : vector<16xf32>
      %add3A_672 = arith.addf %add3A_664, %add3A_665 : vector<16xf32>
      %add3A_673 = arith.addf %add3A_666, %add3A_667 : vector<16xf32>
      %add3A_674 = arith.addf %add3A_668, %add3A_669 : vector<16xf32>
      %add3A_675 = arith.addf %add3A_670, %add3A_671 : vector<16xf32>
      %add3A_676 = arith.addf %add3A_672, %add3A_673 : vector<16xf32>
      %add3A_677 = arith.addf %add3A_674, %add3A_675 : vector<16xf32>
      %add3A_678 = arith.addf %add3A_676, %add3A_677 : vector<16xf32>
      %bitcast_convert_type3A = tpu.bitcast %add3A_678 : vector<16xf32> -> vector<16xi32>
      %shift_right_arithmetic3A = arith.constant 1 : i32
      %shift_right_arithmetic3A_679 = vector.broadcast %shift_right_arithmetic3A : i32 to vector<16xi32>
      %shift_right_arithmetic3A_680 = arith.shrsi %bitcast_convert_type3A, %shift_right_arithmetic3A_679 : vector<16xi32>
      %sub3A = arith.constant 1597463007 : i32
      %sub3A_681 = vector.broadcast %sub3A : i32 to vector<16xi32>
      %sub3A_682 = arith.subi %sub3A_681, %shift_right_arithmetic3A_680 : vector<16xi32>
      %bitcast_convert_type3A_683 = tpu.bitcast %sub3A_682 : vector<16xi32> -> vector<16xf32>
      %mul3A_684 = arith.constant 5.000000e-01 : f32
      %mul3A_685 = vector.broadcast %mul3A_684 : f32 to vector<16xf32>
      %mul3A_686 = arith.mulf %mul3A_685, %add3A_678 : vector<16xf32>
      %mul3A_687 = arith.mulf %mul3A_686, %bitcast_convert_type3A_683 : vector<16xf32>
      %mul3A_688 = arith.mulf %mul3A_687, %bitcast_convert_type3A_683 : vector<16xf32>
      %sub3A_689 = arith.constant 1.500000e+00 : f32
      %sub3A_690 = vector.broadcast %sub3A_689 : f32 to vector<16xf32>
      %sub3A_691 = arith.subf %sub3A_690, %mul3A_688 : vector<16xf32>
      %mul3A_692 = arith.mulf %bitcast_convert_type3A_683, %sub3A_691 : vector<16xf32>
      %mul3A_693 = arith.mulf %mul3A_686, %mul3A_692 : vector<16xf32>
      %mul3A_694 = arith.mulf %mul3A_693, %mul3A_692 : vector<16xf32>
      %sub3A_695 = arith.constant 1.500000e+00 : f32
      %sub3A_696 = vector.broadcast %sub3A_695 : f32 to vector<16xf32>
      %sub3A_697 = arith.subf %sub3A_696, %mul3A_694 : vector<16xf32>
      %mul3A_698 = arith.mulf %mul3A_692, %sub3A_697 : vector<16xf32>
      %mul3A_699 = arith.mulf %mul3A_686, %mul3A_698 : vector<16xf32>
      %mul3A_700 = arith.mulf %mul3A_699, %mul3A_698 : vector<16xf32>
      %sub3A_701 = arith.constant 1.500000e+00 : f32
      %sub3A_702 = vector.broadcast %sub3A_701 : f32 to vector<16xf32>
      %sub3A_703 = arith.subf %sub3A_702, %mul3A_700 : vector<16xf32>
      %mul3A_704 = arith.mulf %mul3A_698, %sub3A_703 : vector<16xf32>
      %mul3A_705 = arith.mulf %add3A_678, %mul3A_704 : vector<16xf32>
      %max3A = arith.constant 9.99999996E-13 : f32
      %max3A_706 = vector.broadcast %max3A : f32 to vector<16xf32>
      %max3A_707 = arith.maximumf %mul3A_705, %max3A_706 : vector<16xf32>
      %div3A = arith.divf %get3A_12, %max3A_707 : vector<16xf32>
      %bitcast_convert_type3A_708 = tpu.bitcast %div3A : vector<16xf32> -> vector<16xi32>
      %add3A_709 = arith.constant 32767 : i32
      %add3A_710 = vector.broadcast %add3A_709 : i32 to vector<16xi32>
      %add3A_711 = arith.addi %bitcast_convert_type3A_708, %add3A_710 : vector<16xi32>
      %shift_right_arithmetic3A_712 = arith.constant 16 : i32
      %shift_right_arithmetic3A_713 = vector.broadcast %shift_right_arithmetic3A_712 : i32 to vector<16xi32>
      %shift_right_arithmetic3A_714 = arith.shrsi %bitcast_convert_type3A_708, %shift_right_arithmetic3A_713 : vector<16xi32>
      %and3A = arith.constant 1 : i32
      %and3A_715 = vector.broadcast %and3A : i32 to vector<16xi32>
      %and3A_716 = arith.andi %shift_right_arithmetic3A_714, %and3A_715 : vector<16xi32>
      %add3A_717 = arith.addi %add3A_711, %and3A_716 : vector<16xi32>
      %and3A_718 = arith.constant -65536 : i32
      %and3A_719 = vector.broadcast %and3A_718 : i32 to vector<16xi32>
      %and3A_720 = arith.andi %add3A_717, %and3A_719 : vector<16xi32>
      %bitcast_convert_type3A_721 = tpu.bitcast %and3A_720 : vector<16xi32> -> vector<16xf32>
      %div3A_722 = arith.divf %get3A_17, %max3A_707 : vector<16xf32>
      %bitcast_convert_type3A_723 = tpu.bitcast %div3A_722 : vector<16xf32> -> vector<16xi32>
      %add3A_724 = arith.constant 32767 : i32
      %add3A_725 = vector.broadcast %add3A_724 : i32 to vector<16xi32>
      %add3A_726 = arith.addi %bitcast_convert_type3A_723, %add3A_725 : vector<16xi32>
      %shift_right_arithmetic3A_727 = arith.constant 16 : i32
      %shift_right_arithmetic3A_728 = vector.broadcast %shift_right_arithmetic3A_727 : i32 to vector<16xi32>
      %shift_right_arithmetic3A_729 = arith.shrsi %bitcast_convert_type3A_723, %shift_right_arithmetic3A_728 : vector<16xi32>
      %and3A_730 = arith.constant 1 : i32
      %and3A_731 = vector.broadcast %and3A_730 : i32 to vector<16xi32>
      %and3A_732 = arith.andi %shift_right_arithmetic3A_729, %and3A_731 : vector<16xi32>
      %add3A_733 = arith.addi %add3A_726, %and3A_732 : vector<16xi32>
      %and3A_734 = arith.constant -65536 : i32
      %and3A_735 = vector.broadcast %and3A_734 : i32 to vector<16xi32>
      %and3A_736 = arith.andi %add3A_733, %and3A_735 : vector<16xi32>
      %bitcast_convert_type3A_737 = tpu.bitcast %and3A_736 : vector<16xi32> -> vector<16xf32>
      %div3A_738 = arith.divf %get3A_22, %max3A_707 : vector<16xf32>
      %bitcast_convert_type3A_739 = tpu.bitcast %div3A_738 : vector<16xf32> -> vector<16xi32>
      %add3A_740 = arith.constant 32767 : i32
      %add3A_741 = vector.broadcast %add3A_740 : i32 to vector<16xi32>
      %add3A_742 = arith.addi %bitcast_convert_type3A_739, %add3A_741 : vector<16xi32>
      %shift_right_arithmetic3A_743 = arith.constant 16 : i32
      %shift_right_arithmetic3A_744 = vector.broadcast %shift_right_arithmetic3A_743 : i32 to vector<16xi32>
      %shift_right_arithmetic3A_745 = arith.shrsi %bitcast_convert_type3A_739, %shift_right_arithmetic3A_744 : vector<16xi32>
      %and3A_746 = arith.constant 1 : i32
      %and3A_747 = vector.broadcast %and3A_746 : i32 to vector<16xi32>
      %and3A_748 = arith.andi %shift_right_arithmetic3A_745, %and3A_747 : vector<16xi32>
      %add3A_749 = arith.addi %add3A_742, %and3A_748 : vector<16xi32>
      %and3A_750 = arith.constant -65536 : i32
      %and3A_751 = vector.broadcast %and3A_750 : i32 to vector<16xi32>
      %and3A_752 = arith.andi %add3A_749, %and3A_751 : vector<16xi32>
      %bitcast_convert_type3A_753 = tpu.bitcast %and3A_752 : vector<16xi32> -> vector<16xf32>
      %div3A_754 = arith.divf %get3A_27, %max3A_707 : vector<16xf32>
      %bitcast_convert_type3A_755 = tpu.bitcast %div3A_754 : vector<16xf32> -> vector<16xi32>
      %add3A_756 = arith.constant 32767 : i32
      %add3A_757 = vector.broadcast %add3A_756 : i32 to vector<16xi32>
      %add3A_758 = arith.addi %bitcast_convert_type3A_755, %add3A_757 : vector<16xi32>
      %shift_right_arithmetic3A_759 = arith.constant 16 : i32
      %shift_right_arithmetic3A_760 = vector.broadcast %shift_right_arithmetic3A_759 : i32 to vector<16xi32>
      %shift_right_arithmetic3A_761 = arith.shrsi %bitcast_convert_type3A_755, %shift_right_arithmetic3A_760 : vector<16xi32>
      %and3A_762 = arith.constant 1 : i32
      %and3A_763 = vector.broadcast %and3A_762 : i32 to vector<16xi32>
      %and3A_764 = arith.andi %shift_right_arithmetic3A_761, %and3A_763 : vector<16xi32>
      %add3A_765 = arith.addi %add3A_758, %and3A_764 : vector<16xi32>
      %and3A_766 = arith.constant -65536 : i32
      %and3A_767 = vector.broadcast %and3A_766 : i32 to vector<16xi32>
      %and3A_768 = arith.andi %add3A_765, %and3A_767 : vector<16xi32>
      %bitcast_convert_type3A_769 = tpu.bitcast %and3A_768 : vector<16xi32> -> vector<16xf32>
      %div3A_770 = arith.divf %get3A_32, %max3A_707 : vector<16xf32>
      %bitcast_convert_type3A_771 = tpu.bitcast %div3A_770 : vector<16xf32> -> vector<16xi32>
      %add3A_772 = arith.constant 32767 : i32
      %add3A_773 = vector.broadcast %add3A_772 : i32 to vector<16xi32>
      %add3A_774 = arith.addi %bitcast_convert_type3A_771, %add3A_773 : vector<16xi32>
      %shift_right_arithmetic3A_775 = arith.constant 16 : i32
      %shift_right_arithmetic3A_776 = vector.broadcast %shift_right_arithmetic3A_775 : i32 to vector<16xi32>
      %shift_right_arithmetic3A_777 = arith.shrsi %bitcast_convert_type3A_771, %shift_right_arithmetic3A_776 : vector<16xi32>
      %and3A_778 = arith.constant 1 : i32
      %and3A_779 = vector.broadcast %and3A_778 : i32 to vector<16xi32>
      %and3A_780 = arith.andi %shift_right_arithmetic3A_777, %and3A_779 : vector<16xi32>
      %add3A_781 = arith.addi %add3A_774, %and3A_780 : vector<16xi32>
      %and3A_782 = arith.constant -65536 : i32
      %and3A_783 = vector.broadcast %and3A_782 : i32 to vector<16xi32>
      %and3A_784 = arith.andi %add3A_781, %and3A_783 : vector<16xi32>
      %bitcast_convert_type3A_785 = tpu.bitcast %and3A_784 : vector<16xi32> -> vector<16xf32>
      %div3A_786 = arith.divf %get3A_37, %max3A_707 : vector<16xf32>
      %bitcast_convert_type3A_787 = tpu.bitcast %div3A_786 : vector<16xf32> -> vector<16xi32>
      %add3A_788 = arith.constant 32767 : i32
      %add3A_789 = vector.broadcast %add3A_788 : i32 to vector<16xi32>
      %add3A_790 = arith.addi %bitcast_convert_type3A_787, %add3A_789 : vector<16xi32>
      %shift_right_arithmetic3A_791 = arith.constant 16 : i32
      %shift_right_arithmetic3A_792 = vector.broadcast %shift_right_arithmetic3A_791 : i32 to vector<16xi32>
      %shift_right_arithmetic3A_793 = arith.shrsi %bitcast_convert_type3A_787, %shift_right_arithmetic3A_792 : vector<16xi32>
      %and3A_794 = arith.constant 1 : i32
      %and3A_795 = vector.broadcast %and3A_794 : i32 to vector<16xi32>
      %and3A_796 = arith.andi %shift_right_arithmetic3A_793, %and3A_795 : vector<16xi32>
      %add3A_797 = arith.addi %add3A_790, %and3A_796 : vector<16xi32>
      %and3A_798 = arith.constant -65536 : i32
      %and3A_799 = vector.broadcast %and3A_798 : i32 to vector<16xi32>
      %and3A_800 = arith.andi %add3A_797, %and3A_799 : vector<16xi32>
      %bitcast_convert_type3A_801 = tpu.bitcast %and3A_800 : vector<16xi32> -> vector<16xf32>
      %div3A_802 = arith.divf %get3A_42, %max3A_707 : vector<16xf32>
      %bitcast_convert_type3A_803 = tpu.bitcast %div3A_802 : vector<16xf32> -> vector<16xi32>
      %add3A_804 = arith.constant 32767 : i32
      %add3A_805 = vector.broadcast %add3A_804 : i32 to vector<16xi32>
      %add3A_806 = arith.addi %bitcast_convert_type3A_803, %add3A_805 : vector<16xi32>
      %shift_right_arithmetic3A_807 = arith.constant 16 : i32
      %shift_right_arithmetic3A_808 = vector.broadcast %shift_right_arithmetic3A_807 : i32 to vector<16xi32>
      %shift_right_arithmetic3A_809 = arith.shrsi %bitcast_convert_type3A_803, %shift_right_arithmetic3A_808 : vector<16xi32>
      %and3A_810 = arith.constant 1 : i32
      %and3A_811 = vector.broadcast %and3A_810 : i32 to vector<16xi32>
      %and3A_812 = arith.andi %shift_right_arithmetic3A_809, %and3A_811 : vector<16xi32>
      %add3A_813 = arith.addi %add3A_806, %and3A_812 : vector<16xi32>
      %and3A_814 = arith.constant -65536 : i32
      %and3A_815 = vector.broadcast %and3A_814 : i32 to vector<16xi32>
      %and3A_816 = arith.andi %add3A_813, %and3A_815 : vector<16xi32>
      %bitcast_convert_type3A_817 = tpu.bitcast %and3A_816 : vector<16xi32> -> vector<16xf32>
      %div3A_818 = arith.divf %get3A_47, %max3A_707 : vector<16xf32>
      %bitcast_convert_type3A_819 = tpu.bitcast %div3A_818 : vector<16xf32> -> vector<16xi32>
      %add3A_820 = arith.constant 32767 : i32
      %add3A_821 = vector.broadcast %add3A_820 : i32 to vector<16xi32>
      %add3A_822 = arith.addi %bitcast_convert_type3A_819, %add3A_821 : vector<16xi32>
      %shift_right_arithmetic3A_823 = arith.constant 16 : i32
      %shift_right_arithmetic3A_824 = vector.broadcast %shift_right_arithmetic3A_823 : i32 to vector<16xi32>
      %shift_right_arithmetic3A_825 = arith.shrsi %bitcast_convert_type3A_819, %shift_right_arithmetic3A_824 : vector<16xi32>
      %and3A_826 = arith.constant 1 : i32
      %and3A_827 = vector.broadcast %and3A_826 : i32 to vector<16xi32>
      %and3A_828 = arith.andi %shift_right_arithmetic3A_825, %and3A_827 : vector<16xi32>
      %add3A_829 = arith.addi %add3A_822, %and3A_828 : vector<16xi32>
      %and3A_830 = arith.constant -65536 : i32
      %and3A_831 = vector.broadcast %and3A_830 : i32 to vector<16xi32>
      %and3A_832 = arith.andi %add3A_829, %and3A_831 : vector<16xi32>
      %bitcast_convert_type3A_833 = tpu.bitcast %and3A_832 : vector<16xi32> -> vector<16xf32>
      %div3A_834 = arith.divf %get3A_52, %max3A_707 : vector<16xf32>
      %bitcast_convert_type3A_835 = tpu.bitcast %div3A_834 : vector<16xf32> -> vector<16xi32>
      %add3A_836 = arith.constant 32767 : i32
      %add3A_837 = vector.broadcast %add3A_836 : i32 to vector<16xi32>
      %add3A_838 = arith.addi %bitcast_convert_type3A_835, %add3A_837 : vector<16xi32>
      %shift_right_arithmetic3A_839 = arith.constant 16 : i32
      %shift_right_arithmetic3A_840 = vector.broadcast %shift_right_arithmetic3A_839 : i32 to vector<16xi32>
      %shift_right_arithmetic3A_841 = arith.shrsi %bitcast_convert_type3A_835, %shift_right_arithmetic3A_840 : vector<16xi32>
      %and3A_842 = arith.constant 1 : i32
      %and3A_843 = vector.broadcast %and3A_842 : i32 to vector<16xi32>
      %and3A_844 = arith.andi %shift_right_arithmetic3A_841, %and3A_843 : vector<16xi32>
      %add3A_845 = arith.addi %add3A_838, %and3A_844 : vector<16xi32>
      %and3A_846 = arith.constant -65536 : i32
      %and3A_847 = vector.broadcast %and3A_846 : i32 to vector<16xi32>
      %and3A_848 = arith.andi %add3A_845, %and3A_847 : vector<16xi32>
      %bitcast_convert_type3A_849 = tpu.bitcast %and3A_848 : vector<16xi32> -> vector<16xf32>
      %div3A_850 = arith.divf %get3A_57, %max3A_707 : vector<16xf32>
      %bitcast_convert_type3A_851 = tpu.bitcast %div3A_850 : vector<16xf32> -> vector<16xi32>
      %add3A_852 = arith.constant 32767 : i32
      %add3A_853 = vector.broadcast %add3A_852 : i32 to vector<16xi32>
      %add3A_854 = arith.addi %bitcast_convert_type3A_851, %add3A_853 : vector<16xi32>
      %shift_right_arithmetic3A_855 = arith.constant 16 : i32
      %shift_right_arithmetic3A_856 = vector.broadcast %shift_right_arithmetic3A_855 : i32 to vector<16xi32>
      %shift_right_arithmetic3A_857 = arith.shrsi %bitcast_convert_type3A_851, %shift_right_arithmetic3A_856 : vector<16xi32>
      %and3A_858 = arith.constant 1 : i32
      %and3A_859 = vector.broadcast %and3A_858 : i32 to vector<16xi32>
      %and3A_860 = arith.andi %shift_right_arithmetic3A_857, %and3A_859 : vector<16xi32>
      %add3A_861 = arith.addi %add3A_854, %and3A_860 : vector<16xi32>
      %and3A_862 = arith.constant -65536 : i32
      %and3A_863 = vector.broadcast %and3A_862 : i32 to vector<16xi32>
      %and3A_864 = arith.andi %add3A_861, %and3A_863 : vector<16xi32>
      %bitcast_convert_type3A_865 = tpu.bitcast %and3A_864 : vector<16xi32> -> vector<16xf32>
      %div3A_866 = arith.divf %get3A_62, %max3A_707 : vector<16xf32>
      %bitcast_convert_type3A_867 = tpu.bitcast %div3A_866 : vector<16xf32> -> vector<16xi32>
      %add3A_868 = arith.constant 32767 : i32
      %add3A_869 = vector.broadcast %add3A_868 : i32 to vector<16xi32>
      %add3A_870 = arith.addi %bitcast_convert_type3A_867, %add3A_869 : vector<16xi32>
      %shift_right_arithmetic3A_871 = arith.constant 16 : i32
      %shift_right_arithmetic3A_872 = vector.broadcast %shift_right_arithmetic3A_871 : i32 to vector<16xi32>
      %shift_right_arithmetic3A_873 = arith.shrsi %bitcast_convert_type3A_867, %shift_right_arithmetic3A_872 : vector<16xi32>
      %and3A_874 = arith.constant 1 : i32
      %and3A_875 = vector.broadcast %and3A_874 : i32 to vector<16xi32>
      %and3A_876 = arith.andi %shift_right_arithmetic3A_873, %and3A_875 : vector<16xi32>
      %add3A_877 = arith.addi %add3A_870, %and3A_876 : vector<16xi32>
      %and3A_878 = arith.constant -65536 : i32
      %and3A_879 = vector.broadcast %and3A_878 : i32 to vector<16xi32>
      %and3A_880 = arith.andi %add3A_877, %and3A_879 : vector<16xi32>
      %bitcast_convert_type3A_881 = tpu.bitcast %and3A_880 : vector<16xi32> -> vector<16xf32>
      %div3A_882 = arith.divf %get3A_67, %max3A_707 : vector<16xf32>
      %bitcast_convert_type3A_883 = tpu.bitcast %div3A_882 : vector<16xf32> -> vector<16xi32>
      %add3A_884 = arith.constant 32767 : i32
      %add3A_885 = vector.broadcast %add3A_884 : i32 to vector<16xi32>
      %add3A_886 = arith.addi %bitcast_convert_type3A_883, %add3A_885 : vector<16xi32>
      %shift_right_arithmetic3A_887 = arith.constant 16 : i32
      %shift_right_arithmetic3A_888 = vector.broadcast %shift_right_arithmetic3A_887 : i32 to vector<16xi32>
      %shift_right_arithmetic3A_889 = arith.shrsi %bitcast_convert_type3A_883, %shift_right_arithmetic3A_888 : vector<16xi32>
      %and3A_890 = arith.constant 1 : i32
      %and3A_891 = vector.broadcast %and3A_890 : i32 to vector<16xi32>
      %and3A_892 = arith.andi %shift_right_arithmetic3A_889, %and3A_891 : vector<16xi32>
      %add3A_893 = arith.addi %add3A_886, %and3A_892 : vector<16xi32>
      %and3A_894 = arith.constant -65536 : i32
      %and3A_895 = vector.broadcast %and3A_894 : i32 to vector<16xi32>
      %and3A_896 = arith.andi %add3A_893, %and3A_895 : vector<16xi32>
      %bitcast_convert_type3A_897 = tpu.bitcast %and3A_896 : vector<16xi32> -> vector<16xf32>
      %div3A_898 = arith.divf %get3A_72, %max3A_707 : vector<16xf32>
      %bitcast_convert_type3A_899 = tpu.bitcast %div3A_898 : vector<16xf32> -> vector<16xi32>
      %add3A_900 = arith.constant 32767 : i32
      %add3A_901 = vector.broadcast %add3A_900 : i32 to vector<16xi32>
      %add3A_902 = arith.addi %bitcast_convert_type3A_899, %add3A_901 : vector<16xi32>
      %shift_right_arithmetic3A_903 = arith.constant 16 : i32
      %shift_right_arithmetic3A_904 = vector.broadcast %shift_right_arithmetic3A_903 : i32 to vector<16xi32>
      %shift_right_arithmetic3A_905 = arith.shrsi %bitcast_convert_type3A_899, %shift_right_arithmetic3A_904 : vector<16xi32>
      %and3A_906 = arith.constant 1 : i32
      %and3A_907 = vector.broadcast %and3A_906 : i32 to vector<16xi32>
      %and3A_908 = arith.andi %shift_right_arithmetic3A_905, %and3A_907 : vector<16xi32>
      %add3A_909 = arith.addi %add3A_902, %and3A_908 : vector<16xi32>
      %and3A_910 = arith.constant -65536 : i32
      %and3A_911 = vector.broadcast %and3A_910 : i32 to vector<16xi32>
      %and3A_912 = arith.andi %add3A_909, %and3A_911 : vector<16xi32>
      %bitcast_convert_type3A_913 = tpu.bitcast %and3A_912 : vector<16xi32> -> vector<16xf32>
      %div3A_914 = arith.divf %get3A_77, %max3A_707 : vector<16xf32>
      %bitcast_convert_type3A_915 = tpu.bitcast %div3A_914 : vector<16xf32> -> vector<16xi32>
      %add3A_916 = arith.constant 32767 : i32
      %add3A_917 = vector.broadcast %add3A_916 : i32 to vector<16xi32>
      %add3A_918 = arith.addi %bitcast_convert_type3A_915, %add3A_917 : vector<16xi32>
      %shift_right_arithmetic3A_919 = arith.constant 16 : i32
      %shift_right_arithmetic3A_920 = vector.broadcast %shift_right_arithmetic3A_919 : i32 to vector<16xi32>
      %shift_right_arithmetic3A_921 = arith.shrsi %bitcast_convert_type3A_915, %shift_right_arithmetic3A_920 : vector<16xi32>
      %and3A_922 = arith.constant 1 : i32
      %and3A_923 = vector.broadcast %and3A_922 : i32 to vector<16xi32>
      %and3A_924 = arith.andi %shift_right_arithmetic3A_921, %and3A_923 : vector<16xi32>
      %add3A_925 = arith.addi %add3A_918, %and3A_924 : vector<16xi32>
      %and3A_926 = arith.constant -65536 : i32
      %and3A_927 = vector.broadcast %and3A_926 : i32 to vector<16xi32>
      %and3A_928 = arith.andi %add3A_925, %and3A_927 : vector<16xi32>
      %bitcast_convert_type3A_929 = tpu.bitcast %and3A_928 : vector<16xi32> -> vector<16xf32>
      %div3A_930 = arith.divf %get3A_82, %max3A_707 : vector<16xf32>
      %bitcast_convert_type3A_931 = tpu.bitcast %div3A_930 : vector<16xf32> -> vector<16xi32>
      %add3A_932 = arith.constant 32767 : i32
      %add3A_933 = vector.broadcast %add3A_932 : i32 to vector<16xi32>
      %add3A_934 = arith.addi %bitcast_convert_type3A_931, %add3A_933 : vector<16xi32>
      %shift_right_arithmetic3A_935 = arith.constant 16 : i32
      %shift_right_arithmetic3A_936 = vector.broadcast %shift_right_arithmetic3A_935 : i32 to vector<16xi32>
      %shift_right_arithmetic3A_937 = arith.shrsi %bitcast_convert_type3A_931, %shift_right_arithmetic3A_936 : vector<16xi32>
      %and3A_938 = arith.constant 1 : i32
      %and3A_939 = vector.broadcast %and3A_938 : i32 to vector<16xi32>
      %and3A_940 = arith.andi %shift_right_arithmetic3A_937, %and3A_939 : vector<16xi32>
      %add3A_941 = arith.addi %add3A_934, %and3A_940 : vector<16xi32>
      %and3A_942 = arith.constant -65536 : i32
      %and3A_943 = vector.broadcast %and3A_942 : i32 to vector<16xi32>
      %and3A_944 = arith.andi %add3A_941, %and3A_943 : vector<16xi32>
      %bitcast_convert_type3A_945 = tpu.bitcast %and3A_944 : vector<16xi32> -> vector<16xf32>
      %div3A_946 = arith.divf %get3A_87, %max3A_707 : vector<16xf32>
      %bitcast_convert_type3A_947 = tpu.bitcast %div3A_946 : vector<16xf32> -> vector<16xi32>
      %add3A_948 = arith.constant 32767 : i32
      %add3A_949 = vector.broadcast %add3A_948 : i32 to vector<16xi32>
      %add3A_950 = arith.addi %bitcast_convert_type3A_947, %add3A_949 : vector<16xi32>
      %shift_right_arithmetic3A_951 = arith.constant 16 : i32
      %shift_right_arithmetic3A_952 = vector.broadcast %shift_right_arithmetic3A_951 : i32 to vector<16xi32>
      %shift_right_arithmetic3A_953 = arith.shrsi %bitcast_convert_type3A_947, %shift_right_arithmetic3A_952 : vector<16xi32>
      %and3A_954 = arith.constant 1 : i32
      %and3A_955 = vector.broadcast %and3A_954 : i32 to vector<16xi32>
      %and3A_956 = arith.andi %shift_right_arithmetic3A_953, %and3A_955 : vector<16xi32>
      %add3A_957 = arith.addi %add3A_950, %and3A_956 : vector<16xi32>
      %and3A_958 = arith.constant -65536 : i32
      %and3A_959 = vector.broadcast %and3A_958 : i32 to vector<16xi32>
      %and3A_960 = arith.andi %add3A_957, %and3A_959 : vector<16xi32>
      %bitcast_convert_type3A_961 = tpu.bitcast %and3A_960 : vector<16xi32> -> vector<16xf32>
      %mul3A_962 = arith.mulf %get3A_92, %get3A_92 : vector<16xf32>
      %mul3A_963 = arith.mulf %get3A_97, %get3A_97 : vector<16xf32>
      %mul3A_964 = arith.mulf %get3A_102, %get3A_102 : vector<16xf32>
      %mul3A_965 = arith.mulf %get3A_107, %get3A_107 : vector<16xf32>
      %mul3A_966 = arith.mulf %get3A_112, %get3A_112 : vector<16xf32>
      %mul3A_967 = arith.mulf %get3A_117, %get3A_117 : vector<16xf32>
      %mul3A_968 = arith.mulf %get3A_122, %get3A_122 : vector<16xf32>
      %mul3A_969 = arith.mulf %get3A_127, %get3A_127 : vector<16xf32>
      %mul3A_970 = arith.mulf %get3A_132, %get3A_132 : vector<16xf32>
      %mul3A_971 = arith.mulf %get3A_137, %get3A_137 : vector<16xf32>
      %mul3A_972 = arith.mulf %get3A_142, %get3A_142 : vector<16xf32>
      %mul3A_973 = arith.mulf %get3A_147, %get3A_147 : vector<16xf32>
      %mul3A_974 = arith.mulf %get3A_152, %get3A_152 : vector<16xf32>
      %mul3A_975 = arith.mulf %get3A_157, %get3A_157 : vector<16xf32>
      %mul3A_976 = arith.mulf %get3A_162, %get3A_162 : vector<16xf32>
      %mul3A_977 = arith.mulf %get3A_167, %get3A_167 : vector<16xf32>
      %add3A_978 = arith.addf %mul3A_962, %mul3A_963 : vector<16xf32>
      %add3A_979 = arith.addf %mul3A_964, %mul3A_965 : vector<16xf32>
      %add3A_980 = arith.addf %mul3A_966, %mul3A_967 : vector<16xf32>
      %add3A_981 = arith.addf %mul3A_968, %mul3A_969 : vector<16xf32>
      %add3A_982 = arith.addf %mul3A_970, %mul3A_971 : vector<16xf32>
      %add3A_983 = arith.addf %mul3A_972, %mul3A_973 : vector<16xf32>
      %add3A_984 = arith.addf %mul3A_974, %mul3A_975 : vector<16xf32>
      %add3A_985 = arith.addf %mul3A_976, %mul3A_977 : vector<16xf32>
      %add3A_986 = arith.addf %add3A_978, %add3A_979 : vector<16xf32>
      %add3A_987 = arith.addf %add3A_980, %add3A_981 : vector<16xf32>
      %add3A_988 = arith.addf %add3A_982, %add3A_983 : vector<16xf32>
      %add3A_989 = arith.addf %add3A_984, %add3A_985 : vector<16xf32>
      %add3A_990 = arith.addf %add3A_986, %add3A_987 : vector<16xf32>
      %add3A_991 = arith.addf %add3A_988, %add3A_989 : vector<16xf32>
      %add3A_992 = arith.addf %add3A_990, %add3A_991 : vector<16xf32>
      %bitcast_convert_type3A_993 = tpu.bitcast %add3A_992 : vector<16xf32> -> vector<16xi32>
      %shift_right_arithmetic3A_994 = arith.constant 1 : i32
      %shift_right_arithmetic3A_995 = vector.broadcast %shift_right_arithmetic3A_994 : i32 to vector<16xi32>
      %shift_right_arithmetic3A_996 = arith.shrsi %bitcast_convert_type3A_993, %shift_right_arithmetic3A_995 : vector<16xi32>
      %sub3A_997 = arith.constant 1597463007 : i32
      %sub3A_998 = vector.broadcast %sub3A_997 : i32 to vector<16xi32>
      %sub3A_999 = arith.subi %sub3A_998, %shift_right_arithmetic3A_996 : vector<16xi32>
      %bitcast_convert_type3A_1000 = tpu.bitcast %sub3A_999 : vector<16xi32> -> vector<16xf32>
      %mul3A_1001 = arith.constant 5.000000e-01 : f32
      %mul3A_1002 = vector.broadcast %mul3A_1001 : f32 to vector<16xf32>
      %mul3A_1003 = arith.mulf %mul3A_1002, %add3A_992 : vector<16xf32>
      %mul3A_1004 = arith.mulf %mul3A_1003, %bitcast_convert_type3A_1000 : vector<16xf32>
      %mul3A_1005 = arith.mulf %mul3A_1004, %bitcast_convert_type3A_1000 : vector<16xf32>
      %sub3A_1006 = arith.constant 1.500000e+00 : f32
      %sub3A_1007 = vector.broadcast %sub3A_1006 : f32 to vector<16xf32>
      %sub3A_1008 = arith.subf %sub3A_1007, %mul3A_1005 : vector<16xf32>
      %mul3A_1009 = arith.mulf %bitcast_convert_type3A_1000, %sub3A_1008 : vector<16xf32>
      %mul3A_1010 = arith.mulf %mul3A_1003, %mul3A_1009 : vector<16xf32>
      %mul3A_1011 = arith.mulf %mul3A_1010, %mul3A_1009 : vector<16xf32>
      %sub3A_1012 = arith.constant 1.500000e+00 : f32
      %sub3A_1013 = vector.broadcast %sub3A_1012 : f32 to vector<16xf32>
      %sub3A_1014 = arith.subf %sub3A_1013, %mul3A_1011 : vector<16xf32>
      %mul3A_1015 = arith.mulf %mul3A_1009, %sub3A_1014 : vector<16xf32>
      %mul3A_1016 = arith.mulf %mul3A_1003, %mul3A_1015 : vector<16xf32>
      %mul3A_1017 = arith.mulf %mul3A_1016, %mul3A_1015 : vector<16xf32>
      %sub3A_1018 = arith.constant 1.500000e+00 : f32
      %sub3A_1019 = vector.broadcast %sub3A_1018 : f32 to vector<16xf32>
      %sub3A_1020 = arith.subf %sub3A_1019, %mul3A_1017 : vector<16xf32>
      %mul3A_1021 = arith.mulf %mul3A_1015, %sub3A_1020 : vector<16xf32>
      %mul3A_1022 = arith.mulf %add3A_992, %mul3A_1021 : vector<16xf32>
      %max3A_1023 = arith.constant 9.99999996E-13 : f32
      %max3A_1024 = vector.broadcast %max3A_1023 : f32 to vector<16xf32>
      %max3A_1025 = arith.maximumf %mul3A_1022, %max3A_1024 : vector<16xf32>
      %div3A_1026 = arith.divf %get3A_92, %max3A_1025 : vector<16xf32>
      %bitcast_convert_type3A_1027 = tpu.bitcast %div3A_1026 : vector<16xf32> -> vector<16xi32>
      %add3A_1028 = arith.constant 32767 : i32
      %add3A_1029 = vector.broadcast %add3A_1028 : i32 to vector<16xi32>
      %add3A_1030 = arith.addi %bitcast_convert_type3A_1027, %add3A_1029 : vector<16xi32>
      %shift_right_arithmetic3A_1031 = arith.constant 16 : i32
      %shift_right_arithmetic3A_1032 = vector.broadcast %shift_right_arithmetic3A_1031 : i32 to vector<16xi32>
      %shift_right_arithmetic3A_1033 = arith.shrsi %bitcast_convert_type3A_1027, %shift_right_arithmetic3A_1032 : vector<16xi32>
      %and3A_1034 = arith.constant 1 : i32
      %and3A_1035 = vector.broadcast %and3A_1034 : i32 to vector<16xi32>
      %and3A_1036 = arith.andi %shift_right_arithmetic3A_1033, %and3A_1035 : vector<16xi32>
      %add3A_1037 = arith.addi %add3A_1030, %and3A_1036 : vector<16xi32>
      %and3A_1038 = arith.constant -65536 : i32
      %and3A_1039 = vector.broadcast %and3A_1038 : i32 to vector<16xi32>
      %and3A_1040 = arith.andi %add3A_1037, %and3A_1039 : vector<16xi32>
      %bitcast_convert_type3A_1041 = tpu.bitcast %and3A_1040 : vector<16xi32> -> vector<16xf32>
      %div3A_1042 = arith.divf %get3A_97, %max3A_1025 : vector<16xf32>
      %bitcast_convert_type3A_1043 = tpu.bitcast %div3A_1042 : vector<16xf32> -> vector<16xi32>
      %add3A_1044 = arith.constant 32767 : i32
      %add3A_1045 = vector.broadcast %add3A_1044 : i32 to vector<16xi32>
      %add3A_1046 = arith.addi %bitcast_convert_type3A_1043, %add3A_1045 : vector<16xi32>
      %shift_right_arithmetic3A_1047 = arith.constant 16 : i32
      %shift_right_arithmetic3A_1048 = vector.broadcast %shift_right_arithmetic3A_1047 : i32 to vector<16xi32>
      %shift_right_arithmetic3A_1049 = arith.shrsi %bitcast_convert_type3A_1043, %shift_right_arithmetic3A_1048 : vector<16xi32>
      %and3A_1050 = arith.constant 1 : i32
      %and3A_1051 = vector.broadcast %and3A_1050 : i32 to vector<16xi32>
      %and3A_1052 = arith.andi %shift_right_arithmetic3A_1049, %and3A_1051 : vector<16xi32>
      %add3A_1053 = arith.addi %add3A_1046, %and3A_1052 : vector<16xi32>
      %and3A_1054 = arith.constant -65536 : i32
      %and3A_1055 = vector.broadcast %and3A_1054 : i32 to vector<16xi32>
      %and3A_1056 = arith.andi %add3A_1053, %and3A_1055 : vector<16xi32>
      %bitcast_convert_type3A_1057 = tpu.bitcast %and3A_1056 : vector<16xi32> -> vector<16xf32>
      %div3A_1058 = arith.divf %get3A_102, %max3A_1025 : vector<16xf32>
      %bitcast_convert_type3A_1059 = tpu.bitcast %div3A_1058 : vector<16xf32> -> vector<16xi32>
      %add3A_1060 = arith.constant 32767 : i32
      %add3A_1061 = vector.broadcast %add3A_1060 : i32 to vector<16xi32>
      %add3A_1062 = arith.addi %bitcast_convert_type3A_1059, %add3A_1061 : vector<16xi32>
      %shift_right_arithmetic3A_1063 = arith.constant 16 : i32
      %shift_right_arithmetic3A_1064 = vector.broadcast %shift_right_arithmetic3A_1063 : i32 to vector<16xi32>
      %shift_right_arithmetic3A_1065 = arith.shrsi %bitcast_convert_type3A_1059, %shift_right_arithmetic3A_1064 : vector<16xi32>
      %and3A_1066 = arith.constant 1 : i32
      %and3A_1067 = vector.broadcast %and3A_1066 : i32 to vector<16xi32>
      %and3A_1068 = arith.andi %shift_right_arithmetic3A_1065, %and3A_1067 : vector<16xi32>
      %add3A_1069 = arith.addi %add3A_1062, %and3A_1068 : vector<16xi32>
      %and3A_1070 = arith.constant -65536 : i32
      %and3A_1071 = vector.broadcast %and3A_1070 : i32 to vector<16xi32>
      %and3A_1072 = arith.andi %add3A_1069, %and3A_1071 : vector<16xi32>
      %bitcast_convert_type3A_1073 = tpu.bitcast %and3A_1072 : vector<16xi32> -> vector<16xf32>
      %div3A_1074 = arith.divf %get3A_107, %max3A_1025 : vector<16xf32>
      %bitcast_convert_type3A_1075 = tpu.bitcast %div3A_1074 : vector<16xf32> -> vector<16xi32>
      %add3A_1076 = arith.constant 32767 : i32
      %add3A_1077 = vector.broadcast %add3A_1076 : i32 to vector<16xi32>
      %add3A_1078 = arith.addi %bitcast_convert_type3A_1075, %add3A_1077 : vector<16xi32>
      %shift_right_arithmetic3A_1079 = arith.constant 16 : i32
      %shift_right_arithmetic3A_1080 = vector.broadcast %shift_right_arithmetic3A_1079 : i32 to vector<16xi32>
      %shift_right_arithmetic3A_1081 = arith.shrsi %bitcast_convert_type3A_1075, %shift_right_arithmetic3A_1080 : vector<16xi32>
      %and3A_1082 = arith.constant 1 : i32
      %and3A_1083 = vector.broadcast %and3A_1082 : i32 to vector<16xi32>
      %and3A_1084 = arith.andi %shift_right_arithmetic3A_1081, %and3A_1083 : vector<16xi32>
      %add3A_1085 = arith.addi %add3A_1078, %and3A_1084 : vector<16xi32>
      %and3A_1086 = arith.constant -65536 : i32
      %and3A_1087 = vector.broadcast %and3A_1086 : i32 to vector<16xi32>
      %and3A_1088 = arith.andi %add3A_1085, %and3A_1087 : vector<16xi32>
      %bitcast_convert_type3A_1089 = tpu.bitcast %and3A_1088 : vector<16xi32> -> vector<16xf32>
      %div3A_1090 = arith.divf %get3A_112, %max3A_1025 : vector<16xf32>
      %bitcast_convert_type3A_1091 = tpu.bitcast %div3A_1090 : vector<16xf32> -> vector<16xi32>
      %add3A_1092 = arith.constant 32767 : i32
      %add3A_1093 = vector.broadcast %add3A_1092 : i32 to vector<16xi32>
      %add3A_1094 = arith.addi %bitcast_convert_type3A_1091, %add3A_1093 : vector<16xi32>
      %shift_right_arithmetic3A_1095 = arith.constant 16 : i32
      %shift_right_arithmetic3A_1096 = vector.broadcast %shift_right_arithmetic3A_1095 : i32 to vector<16xi32>
      %shift_right_arithmetic3A_1097 = arith.shrsi %bitcast_convert_type3A_1091, %shift_right_arithmetic3A_1096 : vector<16xi32>
      %and3A_1098 = arith.constant 1 : i32
      %and3A_1099 = vector.broadcast %and3A_1098 : i32 to vector<16xi32>
      %and3A_1100 = arith.andi %shift_right_arithmetic3A_1097, %and3A_1099 : vector<16xi32>
      %add3A_1101 = arith.addi %add3A_1094, %and3A_1100 : vector<16xi32>
      %and3A_1102 = arith.constant -65536 : i32
      %and3A_1103 = vector.broadcast %and3A_1102 : i32 to vector<16xi32>
      %and3A_1104 = arith.andi %add3A_1101, %and3A_1103 : vector<16xi32>
      %bitcast_convert_type3A_1105 = tpu.bitcast %and3A_1104 : vector<16xi32> -> vector<16xf32>
      %div3A_1106 = arith.divf %get3A_117, %max3A_1025 : vector<16xf32>
      %bitcast_convert_type3A_1107 = tpu.bitcast %div3A_1106 : vector<16xf32> -> vector<16xi32>
      %add3A_1108 = arith.constant 32767 : i32
      %add3A_1109 = vector.broadcast %add3A_1108 : i32 to vector<16xi32>
      %add3A_1110 = arith.addi %bitcast_convert_type3A_1107, %add3A_1109 : vector<16xi32>
      %shift_right_arithmetic3A_1111 = arith.constant 16 : i32
      %shift_right_arithmetic3A_1112 = vector.broadcast %shift_right_arithmetic3A_1111 : i32 to vector<16xi32>
      %shift_right_arithmetic3A_1113 = arith.shrsi %bitcast_convert_type3A_1107, %shift_right_arithmetic3A_1112 : vector<16xi32>
      %and3A_1114 = arith.constant 1 : i32
      %and3A_1115 = vector.broadcast %and3A_1114 : i32 to vector<16xi32>
      %and3A_1116 = arith.andi %shift_right_arithmetic3A_1113, %and3A_1115 : vector<16xi32>
      %add3A_1117 = arith.addi %add3A_1110, %and3A_1116 : vector<16xi32>
      %and3A_1118 = arith.constant -65536 : i32
      %and3A_1119 = vector.broadcast %and3A_1118 : i32 to vector<16xi32>
      %and3A_1120 = arith.andi %add3A_1117, %and3A_1119 : vector<16xi32>
      %bitcast_convert_type3A_1121 = tpu.bitcast %and3A_1120 : vector<16xi32> -> vector<16xf32>
      %div3A_1122 = arith.divf %get3A_122, %max3A_1025 : vector<16xf32>
      %bitcast_convert_type3A_1123 = tpu.bitcast %div3A_1122 : vector<16xf32> -> vector<16xi32>
      %add3A_1124 = arith.constant 32767 : i32
      %add3A_1125 = vector.broadcast %add3A_1124 : i32 to vector<16xi32>
      %add3A_1126 = arith.addi %bitcast_convert_type3A_1123, %add3A_1125 : vector<16xi32>
      %shift_right_arithmetic3A_1127 = arith.constant 16 : i32
      %shift_right_arithmetic3A_1128 = vector.broadcast %shift_right_arithmetic3A_1127 : i32 to vector<16xi32>
      %shift_right_arithmetic3A_1129 = arith.shrsi %bitcast_convert_type3A_1123, %shift_right_arithmetic3A_1128 : vector<16xi32>
      %and3A_1130 = arith.constant 1 : i32
      %and3A_1131 = vector.broadcast %and3A_1130 : i32 to vector<16xi32>
      %and3A_1132 = arith.andi %shift_right_arithmetic3A_1129, %and3A_1131 : vector<16xi32>
      %add3A_1133 = arith.addi %add3A_1126, %and3A_1132 : vector<16xi32>
      %and3A_1134 = arith.constant -65536 : i32
      %and3A_1135 = vector.broadcast %and3A_1134 : i32 to vector<16xi32>
      %and3A_1136 = arith.andi %add3A_1133, %and3A_1135 : vector<16xi32>
      %bitcast_convert_type3A_1137 = tpu.bitcast %and3A_1136 : vector<16xi32> -> vector<16xf32>
      %div3A_1138 = arith.divf %get3A_127, %max3A_1025 : vector<16xf32>
      %bitcast_convert_type3A_1139 = tpu.bitcast %div3A_1138 : vector<16xf32> -> vector<16xi32>
      %add3A_1140 = arith.constant 32767 : i32
      %add3A_1141 = vector.broadcast %add3A_1140 : i32 to vector<16xi32>
      %add3A_1142 = arith.addi %bitcast_convert_type3A_1139, %add3A_1141 : vector<16xi32>
      %shift_right_arithmetic3A_1143 = arith.constant 16 : i32
      %shift_right_arithmetic3A_1144 = vector.broadcast %shift_right_arithmetic3A_1143 : i32 to vector<16xi32>
      %shift_right_arithmetic3A_1145 = arith.shrsi %bitcast_convert_type3A_1139, %shift_right_arithmetic3A_1144 : vector<16xi32>
      %and3A_1146 = arith.constant 1 : i32
      %and3A_1147 = vector.broadcast %and3A_1146 : i32 to vector<16xi32>
      %and3A_1148 = arith.andi %shift_right_arithmetic3A_1145, %and3A_1147 : vector<16xi32>
      %add3A_1149 = arith.addi %add3A_1142, %and3A_1148 : vector<16xi32>
      %and3A_1150 = arith.constant -65536 : i32
      %and3A_1151 = vector.broadcast %and3A_1150 : i32 to vector<16xi32>
      %and3A_1152 = arith.andi %add3A_1149, %and3A_1151 : vector<16xi32>
      %bitcast_convert_type3A_1153 = tpu.bitcast %and3A_1152 : vector<16xi32> -> vector<16xf32>
      %div3A_1154 = arith.divf %get3A_132, %max3A_1025 : vector<16xf32>
      %bitcast_convert_type3A_1155 = tpu.bitcast %div3A_1154 : vector<16xf32> -> vector<16xi32>
      %add3A_1156 = arith.constant 32767 : i32
      %add3A_1157 = vector.broadcast %add3A_1156 : i32 to vector<16xi32>
      %add3A_1158 = arith.addi %bitcast_convert_type3A_1155, %add3A_1157 : vector<16xi32>
      %shift_right_arithmetic3A_1159 = arith.constant 16 : i32
      %shift_right_arithmetic3A_1160 = vector.broadcast %shift_right_arithmetic3A_1159 : i32 to vector<16xi32>
      %shift_right_arithmetic3A_1161 = arith.shrsi %bitcast_convert_type3A_1155, %shift_right_arithmetic3A_1160 : vector<16xi32>
      %and3A_1162 = arith.constant 1 : i32
      %and3A_1163 = vector.broadcast %and3A_1162 : i32 to vector<16xi32>
      %and3A_1164 = arith.andi %shift_right_arithmetic3A_1161, %and3A_1163 : vector<16xi32>
      %add3A_1165 = arith.addi %add3A_1158, %and3A_1164 : vector<16xi32>
      %and3A_1166 = arith.constant -65536 : i32
      %and3A_1167 = vector.broadcast %and3A_1166 : i32 to vector<16xi32>
      %and3A_1168 = arith.andi %add3A_1165, %and3A_1167 : vector<16xi32>
      %bitcast_convert_type3A_1169 = tpu.bitcast %and3A_1168 : vector<16xi32> -> vector<16xf32>
      %div3A_1170 = arith.divf %get3A_137, %max3A_1025 : vector<16xf32>
      %bitcast_convert_type3A_1171 = tpu.bitcast %div3A_1170 : vector<16xf32> -> vector<16xi32>
      %add3A_1172 = arith.constant 32767 : i32
      %add3A_1173 = vector.broadcast %add3A_1172 : i32 to vector<16xi32>
      %add3A_1174 = arith.addi %bitcast_convert_type3A_1171, %add3A_1173 : vector<16xi32>
      %shift_right_arithmetic3A_1175 = arith.constant 16 : i32
      %shift_right_arithmetic3A_1176 = vector.broadcast %shift_right_arithmetic3A_1175 : i32 to vector<16xi32>
      %shift_right_arithmetic3A_1177 = arith.shrsi %bitcast_convert_type3A_1171, %shift_right_arithmetic3A_1176 : vector<16xi32>
      %and3A_1178 = arith.constant 1 : i32
      %and3A_1179 = vector.broadcast %and3A_1178 : i32 to vector<16xi32>
      %and3A_1180 = arith.andi %shift_right_arithmetic3A_1177, %and3A_1179 : vector<16xi32>
      %add3A_1181 = arith.addi %add3A_1174, %and3A_1180 : vector<16xi32>
      %and3A_1182 = arith.constant -65536 : i32
      %and3A_1183 = vector.broadcast %and3A_1182 : i32 to vector<16xi32>
      %and3A_1184 = arith.andi %add3A_1181, %and3A_1183 : vector<16xi32>
      %bitcast_convert_type3A_1185 = tpu.bitcast %and3A_1184 : vector<16xi32> -> vector<16xf32>
      %div3A_1186 = arith.divf %get3A_142, %max3A_1025 : vector<16xf32>
      %bitcast_convert_type3A_1187 = tpu.bitcast %div3A_1186 : vector<16xf32> -> vector<16xi32>
      %add3A_1188 = arith.constant 32767 : i32
      %add3A_1189 = vector.broadcast %add3A_1188 : i32 to vector<16xi32>
      %add3A_1190 = arith.addi %bitcast_convert_type3A_1187, %add3A_1189 : vector<16xi32>
      %shift_right_arithmetic3A_1191 = arith.constant 16 : i32
      %shift_right_arithmetic3A_1192 = vector.broadcast %shift_right_arithmetic3A_1191 : i32 to vector<16xi32>
      %shift_right_arithmetic3A_1193 = arith.shrsi %bitcast_convert_type3A_1187, %shift_right_arithmetic3A_1192 : vector<16xi32>
      %and3A_1194 = arith.constant 1 : i32
      %and3A_1195 = vector.broadcast %and3A_1194 : i32 to vector<16xi32>
      %and3A_1196 = arith.andi %shift_right_arithmetic3A_1193, %and3A_1195 : vector<16xi32>
      %add3A_1197 = arith.addi %add3A_1190, %and3A_1196 : vector<16xi32>
      %and3A_1198 = arith.constant -65536 : i32
      %and3A_1199 = vector.broadcast %and3A_1198 : i32 to vector<16xi32>
      %and3A_1200 = arith.andi %add3A_1197, %and3A_1199 : vector<16xi32>
      %bitcast_convert_type3A_1201 = tpu.bitcast %and3A_1200 : vector<16xi32> -> vector<16xf32>
      %div3A_1202 = arith.divf %get3A_147, %max3A_1025 : vector<16xf32>
      %bitcast_convert_type3A_1203 = tpu.bitcast %div3A_1202 : vector<16xf32> -> vector<16xi32>
      %add3A_1204 = arith.constant 32767 : i32
      %add3A_1205 = vector.broadcast %add3A_1204 : i32 to vector<16xi32>
      %add3A_1206 = arith.addi %bitcast_convert_type3A_1203, %add3A_1205 : vector<16xi32>
      %shift_right_arithmetic3A_1207 = arith.constant 16 : i32
      %shift_right_arithmetic3A_1208 = vector.broadcast %shift_right_arithmetic3A_1207 : i32 to vector<16xi32>
      %shift_right_arithmetic3A_1209 = arith.shrsi %bitcast_convert_type3A_1203, %shift_right_arithmetic3A_1208 : vector<16xi32>
      %and3A_1210 = arith.constant 1 : i32
      %and3A_1211 = vector.broadcast %and3A_1210 : i32 to vector<16xi32>
      %and3A_1212 = arith.andi %shift_right_arithmetic3A_1209, %and3A_1211 : vector<16xi32>
      %add3A_1213 = arith.addi %add3A_1206, %and3A_1212 : vector<16xi32>
      %and3A_1214 = arith.constant -65536 : i32
      %and3A_1215 = vector.broadcast %and3A_1214 : i32 to vector<16xi32>
      %and3A_1216 = arith.andi %add3A_1213, %and3A_1215 : vector<16xi32>
      %bitcast_convert_type3A_1217 = tpu.bitcast %and3A_1216 : vector<16xi32> -> vector<16xf32>
      %div3A_1218 = arith.divf %get3A_152, %max3A_1025 : vector<16xf32>
      %bitcast_convert_type3A_1219 = tpu.bitcast %div3A_1218 : vector<16xf32> -> vector<16xi32>
      %add3A_1220 = arith.constant 32767 : i32
      %add3A_1221 = vector.broadcast %add3A_1220 : i32 to vector<16xi32>
      %add3A_1222 = arith.addi %bitcast_convert_type3A_1219, %add3A_1221 : vector<16xi32>
      %shift_right_arithmetic3A_1223 = arith.constant 16 : i32
      %shift_right_arithmetic3A_1224 = vector.broadcast %shift_right_arithmetic3A_1223 : i32 to vector<16xi32>
      %shift_right_arithmetic3A_1225 = arith.shrsi %bitcast_convert_type3A_1219, %shift_right_arithmetic3A_1224 : vector<16xi32>
      %and3A_1226 = arith.constant 1 : i32
      %and3A_1227 = vector.broadcast %and3A_1226 : i32 to vector<16xi32>
      %and3A_1228 = arith.andi %shift_right_arithmetic3A_1225, %and3A_1227 : vector<16xi32>
      %add3A_1229 = arith.addi %add3A_1222, %and3A_1228 : vector<16xi32>
      %and3A_1230 = arith.constant -65536 : i32
      %and3A_1231 = vector.broadcast %and3A_1230 : i32 to vector<16xi32>
      %and3A_1232 = arith.andi %add3A_1229, %and3A_1231 : vector<16xi32>
      %bitcast_convert_type3A_1233 = tpu.bitcast %and3A_1232 : vector<16xi32> -> vector<16xf32>
      %div3A_1234 = arith.divf %get3A_157, %max3A_1025 : vector<16xf32>
      %bitcast_convert_type3A_1235 = tpu.bitcast %div3A_1234 : vector<16xf32> -> vector<16xi32>
      %add3A_1236 = arith.constant 32767 : i32
      %add3A_1237 = vector.broadcast %add3A_1236 : i32 to vector<16xi32>
      %add3A_1238 = arith.addi %bitcast_convert_type3A_1235, %add3A_1237 : vector<16xi32>
      %shift_right_arithmetic3A_1239 = arith.constant 16 : i32
      %shift_right_arithmetic3A_1240 = vector.broadcast %shift_right_arithmetic3A_1239 : i32 to vector<16xi32>
      %shift_right_arithmetic3A_1241 = arith.shrsi %bitcast_convert_type3A_1235, %shift_right_arithmetic3A_1240 : vector<16xi32>
      %and3A_1242 = arith.constant 1 : i32
      %and3A_1243 = vector.broadcast %and3A_1242 : i32 to vector<16xi32>
      %and3A_1244 = arith.andi %shift_right_arithmetic3A_1241, %and3A_1243 : vector<16xi32>
      %add3A_1245 = arith.addi %add3A_1238, %and3A_1244 : vector<16xi32>
      %and3A_1246 = arith.constant -65536 : i32
      %and3A_1247 = vector.broadcast %and3A_1246 : i32 to vector<16xi32>
      %and3A_1248 = arith.andi %add3A_1245, %and3A_1247 : vector<16xi32>
      %bitcast_convert_type3A_1249 = tpu.bitcast %and3A_1248 : vector<16xi32> -> vector<16xf32>
      %div3A_1250 = arith.divf %get3A_162, %max3A_1025 : vector<16xf32>
      %bitcast_convert_type3A_1251 = tpu.bitcast %div3A_1250 : vector<16xf32> -> vector<16xi32>
      %add3A_1252 = arith.constant 32767 : i32
      %add3A_1253 = vector.broadcast %add3A_1252 : i32 to vector<16xi32>
      %add3A_1254 = arith.addi %bitcast_convert_type3A_1251, %add3A_1253 : vector<16xi32>
      %shift_right_arithmetic3A_1255 = arith.constant 16 : i32
      %shift_right_arithmetic3A_1256 = vector.broadcast %shift_right_arithmetic3A_1255 : i32 to vector<16xi32>
      %shift_right_arithmetic3A_1257 = arith.shrsi %bitcast_convert_type3A_1251, %shift_right_arithmetic3A_1256 : vector<16xi32>
      %and3A_1258 = arith.constant 1 : i32
      %and3A_1259 = vector.broadcast %and3A_1258 : i32 to vector<16xi32>
      %and3A_1260 = arith.andi %shift_right_arithmetic3A_1257, %and3A_1259 : vector<16xi32>
      %add3A_1261 = arith.addi %add3A_1254, %and3A_1260 : vector<16xi32>
      %and3A_1262 = arith.constant -65536 : i32
      %and3A_1263 = vector.broadcast %and3A_1262 : i32 to vector<16xi32>
      %and3A_1264 = arith.andi %add3A_1261, %and3A_1263 : vector<16xi32>
      %bitcast_convert_type3A_1265 = tpu.bitcast %and3A_1264 : vector<16xi32> -> vector<16xf32>
      %div3A_1266 = arith.divf %get3A_167, %max3A_1025 : vector<16xf32>
      %bitcast_convert_type3A_1267 = tpu.bitcast %div3A_1266 : vector<16xf32> -> vector<16xi32>
      %add3A_1268 = arith.constant 32767 : i32
      %add3A_1269 = vector.broadcast %add3A_1268 : i32 to vector<16xi32>
      %add3A_1270 = arith.addi %bitcast_convert_type3A_1267, %add3A_1269 : vector<16xi32>
      %shift_right_arithmetic3A_1271 = arith.constant 16 : i32
      %shift_right_arithmetic3A_1272 = vector.broadcast %shift_right_arithmetic3A_1271 : i32 to vector<16xi32>
      %shift_right_arithmetic3A_1273 = arith.shrsi %bitcast_convert_type3A_1267, %shift_right_arithmetic3A_1272 : vector<16xi32>
      %and3A_1274 = arith.constant 1 : i32
      %and3A_1275 = vector.broadcast %and3A_1274 : i32 to vector<16xi32>
      %and3A_1276 = arith.andi %shift_right_arithmetic3A_1273, %and3A_1275 : vector<16xi32>
      %add3A_1277 = arith.addi %add3A_1270, %and3A_1276 : vector<16xi32>
      %and3A_1278 = arith.constant -65536 : i32
      %and3A_1279 = vector.broadcast %and3A_1278 : i32 to vector<16xi32>
      %and3A_1280 = arith.andi %add3A_1277, %and3A_1279 : vector<16xi32>
      %bitcast_convert_type3A_1281 = tpu.bitcast %and3A_1280 : vector<16xi32> -> vector<16xf32>
      %mul3A_1282 = arith.mulf %get3A_172, %get3A_172 : vector<16xf32>
      %mul3A_1283 = arith.mulf %get3A_177, %get3A_177 : vector<16xf32>
      %mul3A_1284 = arith.mulf %get3A_182, %get3A_182 : vector<16xf32>
      %mul3A_1285 = arith.mulf %get3A_187, %get3A_187 : vector<16xf32>
      %mul3A_1286 = arith.mulf %get3A_192, %get3A_192 : vector<16xf32>
      %mul3A_1287 = arith.mulf %get3A_197, %get3A_197 : vector<16xf32>
      %mul3A_1288 = arith.mulf %get3A_202, %get3A_202 : vector<16xf32>
      %mul3A_1289 = arith.mulf %get3A_207, %get3A_207 : vector<16xf32>
      %mul3A_1290 = arith.mulf %get3A_212, %get3A_212 : vector<16xf32>
      %mul3A_1291 = arith.mulf %get3A_217, %get3A_217 : vector<16xf32>
      %mul3A_1292 = arith.mulf %get3A_222, %get3A_222 : vector<16xf32>
      %mul3A_1293 = arith.mulf %get3A_227, %get3A_227 : vector<16xf32>
      %mul3A_1294 = arith.mulf %get3A_232, %get3A_232 : vector<16xf32>
      %mul3A_1295 = arith.mulf %get3A_237, %get3A_237 : vector<16xf32>
      %mul3A_1296 = arith.mulf %get3A_242, %get3A_242 : vector<16xf32>
      %mul3A_1297 = arith.mulf %get3A_247, %get3A_247 : vector<16xf32>
      %add3A_1298 = arith.addf %mul3A_1282, %mul3A_1283 : vector<16xf32>
      %add3A_1299 = arith.addf %mul3A_1284, %mul3A_1285 : vector<16xf32>
      %add3A_1300 = arith.addf %mul3A_1286, %mul3A_1287 : vector<16xf32>
      %add3A_1301 = arith.addf %mul3A_1288, %mul3A_1289 : vector<16xf32>
      %add3A_1302 = arith.addf %mul3A_1290, %mul3A_1291 : vector<16xf32>
      %add3A_1303 = arith.addf %mul3A_1292, %mul3A_1293 : vector<16xf32>
      %add3A_1304 = arith.addf %mul3A_1294, %mul3A_1295 : vector<16xf32>
      %add3A_1305 = arith.addf %mul3A_1296, %mul3A_1297 : vector<16xf32>
      %add3A_1306 = arith.addf %add3A_1298, %add3A_1299 : vector<16xf32>
      %add3A_1307 = arith.addf %add3A_1300, %add3A_1301 : vector<16xf32>
      %add3A_1308 = arith.addf %add3A_1302, %add3A_1303 : vector<16xf32>
      %add3A_1309 = arith.addf %add3A_1304, %add3A_1305 : vector<16xf32>
      %add3A_1310 = arith.addf %add3A_1306, %add3A_1307 : vector<16xf32>
      %add3A_1311 = arith.addf %add3A_1308, %add3A_1309 : vector<16xf32>
      %add3A_1312 = arith.addf %add3A_1310, %add3A_1311 : vector<16xf32>
      %bitcast_convert_type3A_1313 = tpu.bitcast %add3A_1312 : vector<16xf32> -> vector<16xi32>
      %shift_right_arithmetic3A_1314 = arith.constant 1 : i32
      %shift_right_arithmetic3A_1315 = vector.broadcast %shift_right_arithmetic3A_1314 : i32 to vector<16xi32>
      %shift_right_arithmetic3A_1316 = arith.shrsi %bitcast_convert_type3A_1313, %shift_right_arithmetic3A_1315 : vector<16xi32>
      %sub3A_1317 = arith.constant 1597463007 : i32
      %sub3A_1318 = vector.broadcast %sub3A_1317 : i32 to vector<16xi32>
      %sub3A_1319 = arith.subi %sub3A_1318, %shift_right_arithmetic3A_1316 : vector<16xi32>
      %bitcast_convert_type3A_1320 = tpu.bitcast %sub3A_1319 : vector<16xi32> -> vector<16xf32>
      %mul3A_1321 = arith.constant 5.000000e-01 : f32
      %mul3A_1322 = vector.broadcast %mul3A_1321 : f32 to vector<16xf32>
      %mul3A_1323 = arith.mulf %mul3A_1322, %add3A_1312 : vector<16xf32>
      %mul3A_1324 = arith.mulf %mul3A_1323, %bitcast_convert_type3A_1320 : vector<16xf32>
      %mul3A_1325 = arith.mulf %mul3A_1324, %bitcast_convert_type3A_1320 : vector<16xf32>
      %sub3A_1326 = arith.constant 1.500000e+00 : f32
      %sub3A_1327 = vector.broadcast %sub3A_1326 : f32 to vector<16xf32>
      %sub3A_1328 = arith.subf %sub3A_1327, %mul3A_1325 : vector<16xf32>
      %mul3A_1329 = arith.mulf %bitcast_convert_type3A_1320, %sub3A_1328 : vector<16xf32>
      %mul3A_1330 = arith.mulf %mul3A_1323, %mul3A_1329 : vector<16xf32>
      %mul3A_1331 = arith.mulf %mul3A_1330, %mul3A_1329 : vector<16xf32>
      %sub3A_1332 = arith.constant 1.500000e+00 : f32
      %sub3A_1333 = vector.broadcast %sub3A_1332 : f32 to vector<16xf32>
      %sub3A_1334 = arith.subf %sub3A_1333, %mul3A_1331 : vector<16xf32>
      %mul3A_1335 = arith.mulf %mul3A_1329, %sub3A_1334 : vector<16xf32>
      %mul3A_1336 = arith.mulf %mul3A_1323, %mul3A_1335 : vector<16xf32>
      %mul3A_1337 = arith.mulf %mul3A_1336, %mul3A_1335 : vector<16xf32>
      %sub3A_1338 = arith.constant 1.500000e+00 : f32
      %sub3A_1339 = vector.broadcast %sub3A_1338 : f32 to vector<16xf32>
      %sub3A_1340 = arith.subf %sub3A_1339, %mul3A_1337 : vector<16xf32>
      %mul3A_1341 = arith.mulf %mul3A_1335, %sub3A_1340 : vector<16xf32>
      %mul3A_1342 = arith.mulf %add3A_1312, %mul3A_1341 : vector<16xf32>
      %max3A_1343 = arith.constant 9.99999996E-13 : f32
      %max3A_1344 = vector.broadcast %max3A_1343 : f32 to vector<16xf32>
      %max3A_1345 = arith.maximumf %mul3A_1342, %max3A_1344 : vector<16xf32>
      %div3A_1346 = arith.divf %get3A_172, %max3A_1345 : vector<16xf32>
      %bitcast_convert_type3A_1347 = tpu.bitcast %div3A_1346 : vector<16xf32> -> vector<16xi32>
      %add3A_1348 = arith.constant 32767 : i32
      %add3A_1349 = vector.broadcast %add3A_1348 : i32 to vector<16xi32>
      %add3A_1350 = arith.addi %bitcast_convert_type3A_1347, %add3A_1349 : vector<16xi32>
      %shift_right_arithmetic3A_1351 = arith.constant 16 : i32
      %shift_right_arithmetic3A_1352 = vector.broadcast %shift_right_arithmetic3A_1351 : i32 to vector<16xi32>
      %shift_right_arithmetic3A_1353 = arith.shrsi %bitcast_convert_type3A_1347, %shift_right_arithmetic3A_1352 : vector<16xi32>
      %and3A_1354 = arith.constant 1 : i32
      %and3A_1355 = vector.broadcast %and3A_1354 : i32 to vector<16xi32>
      %and3A_1356 = arith.andi %shift_right_arithmetic3A_1353, %and3A_1355 : vector<16xi32>
      %add3A_1357 = arith.addi %add3A_1350, %and3A_1356 : vector<16xi32>
      %and3A_1358 = arith.constant -65536 : i32
      %and3A_1359 = vector.broadcast %and3A_1358 : i32 to vector<16xi32>
      %and3A_1360 = arith.andi %add3A_1357, %and3A_1359 : vector<16xi32>
      %bitcast_convert_type3A_1361 = tpu.bitcast %and3A_1360 : vector<16xi32> -> vector<16xf32>
      %div3A_1362 = arith.divf %get3A_177, %max3A_1345 : vector<16xf32>
      %bitcast_convert_type3A_1363 = tpu.bitcast %div3A_1362 : vector<16xf32> -> vector<16xi32>
      %add3A_1364 = arith.constant 32767 : i32
      %add3A_1365 = vector.broadcast %add3A_1364 : i32 to vector<16xi32>
      %add3A_1366 = arith.addi %bitcast_convert_type3A_1363, %add3A_1365 : vector<16xi32>
      %shift_right_arithmetic3A_1367 = arith.constant 16 : i32
      %shift_right_arithmetic3A_1368 = vector.broadcast %shift_right_arithmetic3A_1367 : i32 to vector<16xi32>
      %shift_right_arithmetic3A_1369 = arith.shrsi %bitcast_convert_type3A_1363, %shift_right_arithmetic3A_1368 : vector<16xi32>
      %and3A_1370 = arith.constant 1 : i32
      %and3A_1371 = vector.broadcast %and3A_1370 : i32 to vector<16xi32>
      %and3A_1372 = arith.andi %shift_right_arithmetic3A_1369, %and3A_1371 : vector<16xi32>
      %add3A_1373 = arith.addi %add3A_1366, %and3A_1372 : vector<16xi32>
      %and3A_1374 = arith.constant -65536 : i32
      %and3A_1375 = vector.broadcast %and3A_1374 : i32 to vector<16xi32>
      %and3A_1376 = arith.andi %add3A_1373, %and3A_1375 : vector<16xi32>
      %bitcast_convert_type3A_1377 = tpu.bitcast %and3A_1376 : vector<16xi32> -> vector<16xf32>
      %div3A_1378 = arith.divf %get3A_182, %max3A_1345 : vector<16xf32>
      %bitcast_convert_type3A_1379 = tpu.bitcast %div3A_1378 : vector<16xf32> -> vector<16xi32>
      %add3A_1380 = arith.constant 32767 : i32
      %add3A_1381 = vector.broadcast %add3A_1380 : i32 to vector<16xi32>
      %add3A_1382 = arith.addi %bitcast_convert_type3A_1379, %add3A_1381 : vector<16xi32>
      %shift_right_arithmetic3A_1383 = arith.constant 16 : i32
      %shift_right_arithmetic3A_1384 = vector.broadcast %shift_right_arithmetic3A_1383 : i32 to vector<16xi32>
      %shift_right_arithmetic3A_1385 = arith.shrsi %bitcast_convert_type3A_1379, %shift_right_arithmetic3A_1384 : vector<16xi32>
      %and3A_1386 = arith.constant 1 : i32
      %and3A_1387 = vector.broadcast %and3A_1386 : i32 to vector<16xi32>
      %and3A_1388 = arith.andi %shift_right_arithmetic3A_1385, %and3A_1387 : vector<16xi32>
      %add3A_1389 = arith.addi %add3A_1382, %and3A_1388 : vector<16xi32>
      %and3A_1390 = arith.constant -65536 : i32
      %and3A_1391 = vector.broadcast %and3A_1390 : i32 to vector<16xi32>
      %and3A_1392 = arith.andi %add3A_1389, %and3A_1391 : vector<16xi32>
      %bitcast_convert_type3A_1393 = tpu.bitcast %and3A_1392 : vector<16xi32> -> vector<16xf32>
      %div3A_1394 = arith.divf %get3A_187, %max3A_1345 : vector<16xf32>
      %bitcast_convert_type3A_1395 = tpu.bitcast %div3A_1394 : vector<16xf32> -> vector<16xi32>
      %add3A_1396 = arith.constant 32767 : i32
      %add3A_1397 = vector.broadcast %add3A_1396 : i32 to vector<16xi32>
      %add3A_1398 = arith.addi %bitcast_convert_type3A_1395, %add3A_1397 : vector<16xi32>
      %shift_right_arithmetic3A_1399 = arith.constant 16 : i32
      %shift_right_arithmetic3A_1400 = vector.broadcast %shift_right_arithmetic3A_1399 : i32 to vector<16xi32>
      %shift_right_arithmetic3A_1401 = arith.shrsi %bitcast_convert_type3A_1395, %shift_right_arithmetic3A_1400 : vector<16xi32>
      %and3A_1402 = arith.constant 1 : i32
      %and3A_1403 = vector.broadcast %and3A_1402 : i32 to vector<16xi32>
      %and3A_1404 = arith.andi %shift_right_arithmetic3A_1401, %and3A_1403 : vector<16xi32>
      %add3A_1405 = arith.addi %add3A_1398, %and3A_1404 : vector<16xi32>
      %and3A_1406 = arith.constant -65536 : i32
      %and3A_1407 = vector.broadcast %and3A_1406 : i32 to vector<16xi32>
      %and3A_1408 = arith.andi %add3A_1405, %and3A_1407 : vector<16xi32>
      %bitcast_convert_type3A_1409 = tpu.bitcast %and3A_1408 : vector<16xi32> -> vector<16xf32>
      %div3A_1410 = arith.divf %get3A_192, %max3A_1345 : vector<16xf32>
      %bitcast_convert_type3A_1411 = tpu.bitcast %div3A_1410 : vector<16xf32> -> vector<16xi32>
      %add3A_1412 = arith.constant 32767 : i32
      %add3A_1413 = vector.broadcast %add3A_1412 : i32 to vector<16xi32>
      %add3A_1414 = arith.addi %bitcast_convert_type3A_1411, %add3A_1413 : vector<16xi32>
      %shift_right_arithmetic3A_1415 = arith.constant 16 : i32
      %shift_right_arithmetic3A_1416 = vector.broadcast %shift_right_arithmetic3A_1415 : i32 to vector<16xi32>
      %shift_right_arithmetic3A_1417 = arith.shrsi %bitcast_convert_type3A_1411, %shift_right_arithmetic3A_1416 : vector<16xi32>
      %and3A_1418 = arith.constant 1 : i32
      %and3A_1419 = vector.broadcast %and3A_1418 : i32 to vector<16xi32>
      %and3A_1420 = arith.andi %shift_right_arithmetic3A_1417, %and3A_1419 : vector<16xi32>
      %add3A_1421 = arith.addi %add3A_1414, %and3A_1420 : vector<16xi32>
      %and3A_1422 = arith.constant -65536 : i32
      %and3A_1423 = vector.broadcast %and3A_1422 : i32 to vector<16xi32>
      %and3A_1424 = arith.andi %add3A_1421, %and3A_1423 : vector<16xi32>
      %bitcast_convert_type3A_1425 = tpu.bitcast %and3A_1424 : vector<16xi32> -> vector<16xf32>
      %div3A_1426 = arith.divf %get3A_197, %max3A_1345 : vector<16xf32>
      %bitcast_convert_type3A_1427 = tpu.bitcast %div3A_1426 : vector<16xf32> -> vector<16xi32>
      %add3A_1428 = arith.constant 32767 : i32
      %add3A_1429 = vector.broadcast %add3A_1428 : i32 to vector<16xi32>
      %add3A_1430 = arith.addi %bitcast_convert_type3A_1427, %add3A_1429 : vector<16xi32>
      %shift_right_arithmetic3A_1431 = arith.constant 16 : i32
      %shift_right_arithmetic3A_1432 = vector.broadcast %shift_right_arithmetic3A_1431 : i32 to vector<16xi32>
      %shift_right_arithmetic3A_1433 = arith.shrsi %bitcast_convert_type3A_1427, %shift_right_arithmetic3A_1432 : vector<16xi32>
      %and3A_1434 = arith.constant 1 : i32
      %and3A_1435 = vector.broadcast %and3A_1434 : i32 to vector<16xi32>
      %and3A_1436 = arith.andi %shift_right_arithmetic3A_1433, %and3A_1435 : vector<16xi32>
      %add3A_1437 = arith.addi %add3A_1430, %and3A_1436 : vector<16xi32>
      %and3A_1438 = arith.constant -65536 : i32
      %and3A_1439 = vector.broadcast %and3A_1438 : i32 to vector<16xi32>
      %and3A_1440 = arith.andi %add3A_1437, %and3A_1439 : vector<16xi32>
      %bitcast_convert_type3A_1441 = tpu.bitcast %and3A_1440 : vector<16xi32> -> vector<16xf32>
      %div3A_1442 = arith.divf %get3A_202, %max3A_1345 : vector<16xf32>
      %bitcast_convert_type3A_1443 = tpu.bitcast %div3A_1442 : vector<16xf32> -> vector<16xi32>
      %add3A_1444 = arith.constant 32767 : i32
      %add3A_1445 = vector.broadcast %add3A_1444 : i32 to vector<16xi32>
      %add3A_1446 = arith.addi %bitcast_convert_type3A_1443, %add3A_1445 : vector<16xi32>
      %shift_right_arithmetic3A_1447 = arith.constant 16 : i32
      %shift_right_arithmetic3A_1448 = vector.broadcast %shift_right_arithmetic3A_1447 : i32 to vector<16xi32>
      %shift_right_arithmetic3A_1449 = arith.shrsi %bitcast_convert_type3A_1443, %shift_right_arithmetic3A_1448 : vector<16xi32>
      %and3A_1450 = arith.constant 1 : i32
      %and3A_1451 = vector.broadcast %and3A_1450 : i32 to vector<16xi32>
      %and3A_1452 = arith.andi %shift_right_arithmetic3A_1449, %and3A_1451 : vector<16xi32>
      %add3A_1453 = arith.addi %add3A_1446, %and3A_1452 : vector<16xi32>
      %and3A_1454 = arith.constant -65536 : i32
      %and3A_1455 = vector.broadcast %and3A_1454 : i32 to vector<16xi32>
      %and3A_1456 = arith.andi %add3A_1453, %and3A_1455 : vector<16xi32>
      %bitcast_convert_type3A_1457 = tpu.bitcast %and3A_1456 : vector<16xi32> -> vector<16xf32>
      %div3A_1458 = arith.divf %get3A_207, %max3A_1345 : vector<16xf32>
      %bitcast_convert_type3A_1459 = tpu.bitcast %div3A_1458 : vector<16xf32> -> vector<16xi32>
      %add3A_1460 = arith.constant 32767 : i32
      %add3A_1461 = vector.broadcast %add3A_1460 : i32 to vector<16xi32>
      %add3A_1462 = arith.addi %bitcast_convert_type3A_1459, %add3A_1461 : vector<16xi32>
      %shift_right_arithmetic3A_1463 = arith.constant 16 : i32
      %shift_right_arithmetic3A_1464 = vector.broadcast %shift_right_arithmetic3A_1463 : i32 to vector<16xi32>
      %shift_right_arithmetic3A_1465 = arith.shrsi %bitcast_convert_type3A_1459, %shift_right_arithmetic3A_1464 : vector<16xi32>
      %and3A_1466 = arith.constant 1 : i32
      %and3A_1467 = vector.broadcast %and3A_1466 : i32 to vector<16xi32>
      %and3A_1468 = arith.andi %shift_right_arithmetic3A_1465, %and3A_1467 : vector<16xi32>
      %add3A_1469 = arith.addi %add3A_1462, %and3A_1468 : vector<16xi32>
      %and3A_1470 = arith.constant -65536 : i32
      %and3A_1471 = vector.broadcast %and3A_1470 : i32 to vector<16xi32>
      %and3A_1472 = arith.andi %add3A_1469, %and3A_1471 : vector<16xi32>
      %bitcast_convert_type3A_1473 = tpu.bitcast %and3A_1472 : vector<16xi32> -> vector<16xf32>
      %div3A_1474 = arith.divf %get3A_212, %max3A_1345 : vector<16xf32>
      %bitcast_convert_type3A_1475 = tpu.bitcast %div3A_1474 : vector<16xf32> -> vector<16xi32>
      %add3A_1476 = arith.constant 32767 : i32
      %add3A_1477 = vector.broadcast %add3A_1476 : i32 to vector<16xi32>
      %add3A_1478 = arith.addi %bitcast_convert_type3A_1475, %add3A_1477 : vector<16xi32>
      %shift_right_arithmetic3A_1479 = arith.constant 16 : i32
      %shift_right_arithmetic3A_1480 = vector.broadcast %shift_right_arithmetic3A_1479 : i32 to vector<16xi32>
      %shift_right_arithmetic3A_1481 = arith.shrsi %bitcast_convert_type3A_1475, %shift_right_arithmetic3A_1480 : vector<16xi32>
      %and3A_1482 = arith.constant 1 : i32
      %and3A_1483 = vector.broadcast %and3A_1482 : i32 to vector<16xi32>
      %and3A_1484 = arith.andi %shift_right_arithmetic3A_1481, %and3A_1483 : vector<16xi32>
      %add3A_1485 = arith.addi %add3A_1478, %and3A_1484 : vector<16xi32>
      %and3A_1486 = arith.constant -65536 : i32
      %and3A_1487 = vector.broadcast %and3A_1486 : i32 to vector<16xi32>
      %and3A_1488 = arith.andi %add3A_1485, %and3A_1487 : vector<16xi32>
      %bitcast_convert_type3A_1489 = tpu.bitcast %and3A_1488 : vector<16xi32> -> vector<16xf32>
      %div3A_1490 = arith.divf %get3A_217, %max3A_1345 : vector<16xf32>
      %bitcast_convert_type3A_1491 = tpu.bitcast %div3A_1490 : vector<16xf32> -> vector<16xi32>
      %add3A_1492 = arith.constant 32767 : i32
      %add3A_1493 = vector.broadcast %add3A_1492 : i32 to vector<16xi32>
      %add3A_1494 = arith.addi %bitcast_convert_type3A_1491, %add3A_1493 : vector<16xi32>
      %shift_right_arithmetic3A_1495 = arith.constant 16 : i32
      %shift_right_arithmetic3A_1496 = vector.broadcast %shift_right_arithmetic3A_1495 : i32 to vector<16xi32>
      %shift_right_arithmetic3A_1497 = arith.shrsi %bitcast_convert_type3A_1491, %shift_right_arithmetic3A_1496 : vector<16xi32>
      %and3A_1498 = arith.constant 1 : i32
      %and3A_1499 = vector.broadcast %and3A_1498 : i32 to vector<16xi32>
      %and3A_1500 = arith.andi %shift_right_arithmetic3A_1497, %and3A_1499 : vector<16xi32>
      %add3A_1501 = arith.addi %add3A_1494, %and3A_1500 : vector<16xi32>
      %and3A_1502 = arith.constant -65536 : i32
      %and3A_1503 = vector.broadcast %and3A_1502 : i32 to vector<16xi32>
      %and3A_1504 = arith.andi %add3A_1501, %and3A_1503 : vector<16xi32>
      %bitcast_convert_type3A_1505 = tpu.bitcast %and3A_1504 : vector<16xi32> -> vector<16xf32>
      %div3A_1506 = arith.divf %get3A_222, %max3A_1345 : vector<16xf32>
      %bitcast_convert_type3A_1507 = tpu.bitcast %div3A_1506 : vector<16xf32> -> vector<16xi32>
      %add3A_1508 = arith.constant 32767 : i32
      %add3A_1509 = vector.broadcast %add3A_1508 : i32 to vector<16xi32>
      %add3A_1510 = arith.addi %bitcast_convert_type3A_1507, %add3A_1509 : vector<16xi32>
      %shift_right_arithmetic3A_1511 = arith.constant 16 : i32
      %shift_right_arithmetic3A_1512 = vector.broadcast %shift_right_arithmetic3A_1511 : i32 to vector<16xi32>
      %shift_right_arithmetic3A_1513 = arith.shrsi %bitcast_convert_type3A_1507, %shift_right_arithmetic3A_1512 : vector<16xi32>
      %and3A_1514 = arith.constant 1 : i32
      %and3A_1515 = vector.broadcast %and3A_1514 : i32 to vector<16xi32>
      %and3A_1516 = arith.andi %shift_right_arithmetic3A_1513, %and3A_1515 : vector<16xi32>
      %add3A_1517 = arith.addi %add3A_1510, %and3A_1516 : vector<16xi32>
      %and3A_1518 = arith.constant -65536 : i32
      %and3A_1519 = vector.broadcast %and3A_1518 : i32 to vector<16xi32>
      %and3A_1520 = arith.andi %add3A_1517, %and3A_1519 : vector<16xi32>
      %bitcast_convert_type3A_1521 = tpu.bitcast %and3A_1520 : vector<16xi32> -> vector<16xf32>
      %div3A_1522 = arith.divf %get3A_227, %max3A_1345 : vector<16xf32>
      %bitcast_convert_type3A_1523 = tpu.bitcast %div3A_1522 : vector<16xf32> -> vector<16xi32>
      %add3A_1524 = arith.constant 32767 : i32
      %add3A_1525 = vector.broadcast %add3A_1524 : i32 to vector<16xi32>
      %add3A_1526 = arith.addi %bitcast_convert_type3A_1523, %add3A_1525 : vector<16xi32>
      %shift_right_arithmetic3A_1527 = arith.constant 16 : i32
      %shift_right_arithmetic3A_1528 = vector.broadcast %shift_right_arithmetic3A_1527 : i32 to vector<16xi32>
      %shift_right_arithmetic3A_1529 = arith.shrsi %bitcast_convert_type3A_1523, %shift_right_arithmetic3A_1528 : vector<16xi32>
      %and3A_1530 = arith.constant 1 : i32
      %and3A_1531 = vector.broadcast %and3A_1530 : i32 to vector<16xi32>
      %and3A_1532 = arith.andi %shift_right_arithmetic3A_1529, %and3A_1531 : vector<16xi32>
      %add3A_1533 = arith.addi %add3A_1526, %and3A_1532 : vector<16xi32>
      %and3A_1534 = arith.constant -65536 : i32
      %and3A_1535 = vector.broadcast %and3A_1534 : i32 to vector<16xi32>
      %and3A_1536 = arith.andi %add3A_1533, %and3A_1535 : vector<16xi32>
      %bitcast_convert_type3A_1537 = tpu.bitcast %and3A_1536 : vector<16xi32> -> vector<16xf32>
      %div3A_1538 = arith.divf %get3A_232, %max3A_1345 : vector<16xf32>
      %bitcast_convert_type3A_1539 = tpu.bitcast %div3A_1538 : vector<16xf32> -> vector<16xi32>
      %add3A_1540 = arith.constant 32767 : i32
      %add3A_1541 = vector.broadcast %add3A_1540 : i32 to vector<16xi32>
      %add3A_1542 = arith.addi %bitcast_convert_type3A_1539, %add3A_1541 : vector<16xi32>
      %shift_right_arithmetic3A_1543 = arith.constant 16 : i32
      %shift_right_arithmetic3A_1544 = vector.broadcast %shift_right_arithmetic3A_1543 : i32 to vector<16xi32>
      %shift_right_arithmetic3A_1545 = arith.shrsi %bitcast_convert_type3A_1539, %shift_right_arithmetic3A_1544 : vector<16xi32>
      %and3A_1546 = arith.constant 1 : i32
      %and3A_1547 = vector.broadcast %and3A_1546 : i32 to vector<16xi32>
      %and3A_1548 = arith.andi %shift_right_arithmetic3A_1545, %and3A_1547 : vector<16xi32>
      %add3A_1549 = arith.addi %add3A_1542, %and3A_1548 : vector<16xi32>
      %and3A_1550 = arith.constant -65536 : i32
      %and3A_1551 = vector.broadcast %and3A_1550 : i32 to vector<16xi32>
      %and3A_1552 = arith.andi %add3A_1549, %and3A_1551 : vector<16xi32>
      %bitcast_convert_type3A_1553 = tpu.bitcast %and3A_1552 : vector<16xi32> -> vector<16xf32>
      %div3A_1554 = arith.divf %get3A_237, %max3A_1345 : vector<16xf32>
      %bitcast_convert_type3A_1555 = tpu.bitcast %div3A_1554 : vector<16xf32> -> vector<16xi32>
      %add3A_1556 = arith.constant 32767 : i32
      %add3A_1557 = vector.broadcast %add3A_1556 : i32 to vector<16xi32>
      %add3A_1558 = arith.addi %bitcast_convert_type3A_1555, %add3A_1557 : vector<16xi32>
      %shift_right_arithmetic3A_1559 = arith.constant 16 : i32
      %shift_right_arithmetic3A_1560 = vector.broadcast %shift_right_arithmetic3A_1559 : i32 to vector<16xi32>
      %shift_right_arithmetic3A_1561 = arith.shrsi %bitcast_convert_type3A_1555, %shift_right_arithmetic3A_1560 : vector<16xi32>
      %and3A_1562 = arith.constant 1 : i32
      %and3A_1563 = vector.broadcast %and3A_1562 : i32 to vector<16xi32>
      %and3A_1564 = arith.andi %shift_right_arithmetic3A_1561, %and3A_1563 : vector<16xi32>
      %add3A_1565 = arith.addi %add3A_1558, %and3A_1564 : vector<16xi32>
      %and3A_1566 = arith.constant -65536 : i32
      %and3A_1567 = vector.broadcast %and3A_1566 : i32 to vector<16xi32>
      %and3A_1568 = arith.andi %add3A_1565, %and3A_1567 : vector<16xi32>
      %bitcast_convert_type3A_1569 = tpu.bitcast %and3A_1568 : vector<16xi32> -> vector<16xf32>
      %div3A_1570 = arith.divf %get3A_242, %max3A_1345 : vector<16xf32>
      %bitcast_convert_type3A_1571 = tpu.bitcast %div3A_1570 : vector<16xf32> -> vector<16xi32>
      %add3A_1572 = arith.constant 32767 : i32
      %add3A_1573 = vector.broadcast %add3A_1572 : i32 to vector<16xi32>
      %add3A_1574 = arith.addi %bitcast_convert_type3A_1571, %add3A_1573 : vector<16xi32>
      %shift_right_arithmetic3A_1575 = arith.constant 16 : i32
      %shift_right_arithmetic3A_1576 = vector.broadcast %shift_right_arithmetic3A_1575 : i32 to vector<16xi32>
      %shift_right_arithmetic3A_1577 = arith.shrsi %bitcast_convert_type3A_1571, %shift_right_arithmetic3A_1576 : vector<16xi32>
      %and3A_1578 = arith.constant 1 : i32
      %and3A_1579 = vector.broadcast %and3A_1578 : i32 to vector<16xi32>
      %and3A_1580 = arith.andi %shift_right_arithmetic3A_1577, %and3A_1579 : vector<16xi32>
      %add3A_1581 = arith.addi %add3A_1574, %and3A_1580 : vector<16xi32>
      %and3A_1582 = arith.constant -65536 : i32
      %and3A_1583 = vector.broadcast %and3A_1582 : i32 to vector<16xi32>
      %and3A_1584 = arith.andi %add3A_1581, %and3A_1583 : vector<16xi32>
      %bitcast_convert_type3A_1585 = tpu.bitcast %and3A_1584 : vector<16xi32> -> vector<16xf32>
      %div3A_1586 = arith.divf %get3A_247, %max3A_1345 : vector<16xf32>
      %bitcast_convert_type3A_1587 = tpu.bitcast %div3A_1586 : vector<16xf32> -> vector<16xi32>
      %add3A_1588 = arith.constant 32767 : i32
      %add3A_1589 = vector.broadcast %add3A_1588 : i32 to vector<16xi32>
      %add3A_1590 = arith.addi %bitcast_convert_type3A_1587, %add3A_1589 : vector<16xi32>
      %shift_right_arithmetic3A_1591 = arith.constant 16 : i32
      %shift_right_arithmetic3A_1592 = vector.broadcast %shift_right_arithmetic3A_1591 : i32 to vector<16xi32>
      %shift_right_arithmetic3A_1593 = arith.shrsi %bitcast_convert_type3A_1587, %shift_right_arithmetic3A_1592 : vector<16xi32>
      %and3A_1594 = arith.constant 1 : i32
      %and3A_1595 = vector.broadcast %and3A_1594 : i32 to vector<16xi32>
      %and3A_1596 = arith.andi %shift_right_arithmetic3A_1593, %and3A_1595 : vector<16xi32>
      %add3A_1597 = arith.addi %add3A_1590, %and3A_1596 : vector<16xi32>
      %and3A_1598 = arith.constant -65536 : i32
      %and3A_1599 = vector.broadcast %and3A_1598 : i32 to vector<16xi32>
      %and3A_1600 = arith.andi %add3A_1597, %and3A_1599 : vector<16xi32>
      %bitcast_convert_type3A_1601 = tpu.bitcast %and3A_1600 : vector<16xi32> -> vector<16xf32>
      %mul3A_1602 = arith.mulf %get3A_252, %get3A_252 : vector<16xf32>
      %mul3A_1603 = arith.mulf %get3A_257, %get3A_257 : vector<16xf32>
      %mul3A_1604 = arith.mulf %get3A_262, %get3A_262 : vector<16xf32>
      %mul3A_1605 = arith.mulf %get3A_267, %get3A_267 : vector<16xf32>
      %mul3A_1606 = arith.mulf %get3A_272, %get3A_272 : vector<16xf32>
      %mul3A_1607 = arith.mulf %get3A_277, %get3A_277 : vector<16xf32>
      %mul3A_1608 = arith.mulf %get3A_282, %get3A_282 : vector<16xf32>
      %mul3A_1609 = arith.mulf %get3A_287, %get3A_287 : vector<16xf32>
      %mul3A_1610 = arith.mulf %get3A_292, %get3A_292 : vector<16xf32>
      %mul3A_1611 = arith.mulf %get3A_297, %get3A_297 : vector<16xf32>
      %mul3A_1612 = arith.mulf %get3A_302, %get3A_302 : vector<16xf32>
      %mul3A_1613 = arith.mulf %get3A_307, %get3A_307 : vector<16xf32>
      %mul3A_1614 = arith.mulf %get3A_312, %get3A_312 : vector<16xf32>
      %mul3A_1615 = arith.mulf %get3A_317, %get3A_317 : vector<16xf32>
      %mul3A_1616 = arith.mulf %get3A_322, %get3A_322 : vector<16xf32>
      %mul3A_1617 = arith.mulf %get3A_327, %get3A_327 : vector<16xf32>
      %add3A_1618 = arith.addf %mul3A_1602, %mul3A_1603 : vector<16xf32>
      %add3A_1619 = arith.addf %mul3A_1604, %mul3A_1605 : vector<16xf32>
      %add3A_1620 = arith.addf %mul3A_1606, %mul3A_1607 : vector<16xf32>
      %add3A_1621 = arith.addf %mul3A_1608, %mul3A_1609 : vector<16xf32>
      %add3A_1622 = arith.addf %mul3A_1610, %mul3A_1611 : vector<16xf32>
      %add3A_1623 = arith.addf %mul3A_1612, %mul3A_1613 : vector<16xf32>
      %add3A_1624 = arith.addf %mul3A_1614, %mul3A_1615 : vector<16xf32>
      %add3A_1625 = arith.addf %mul3A_1616, %mul3A_1617 : vector<16xf32>
      %add3A_1626 = arith.addf %add3A_1618, %add3A_1619 : vector<16xf32>
      %add3A_1627 = arith.addf %add3A_1620, %add3A_1621 : vector<16xf32>
      %add3A_1628 = arith.addf %add3A_1622, %add3A_1623 : vector<16xf32>
      %add3A_1629 = arith.addf %add3A_1624, %add3A_1625 : vector<16xf32>
      %add3A_1630 = arith.addf %add3A_1626, %add3A_1627 : vector<16xf32>
      %add3A_1631 = arith.addf %add3A_1628, %add3A_1629 : vector<16xf32>
      %add3A_1632 = arith.addf %add3A_1630, %add3A_1631 : vector<16xf32>
      %bitcast_convert_type3A_1633 = tpu.bitcast %add3A_1632 : vector<16xf32> -> vector<16xi32>
      %shift_right_arithmetic3A_1634 = arith.constant 1 : i32
      %shift_right_arithmetic3A_1635 = vector.broadcast %shift_right_arithmetic3A_1634 : i32 to vector<16xi32>
      %shift_right_arithmetic3A_1636 = arith.shrsi %bitcast_convert_type3A_1633, %shift_right_arithmetic3A_1635 : vector<16xi32>
      %sub3A_1637 = arith.constant 1597463007 : i32
      %sub3A_1638 = vector.broadcast %sub3A_1637 : i32 to vector<16xi32>
      %sub3A_1639 = arith.subi %sub3A_1638, %shift_right_arithmetic3A_1636 : vector<16xi32>
      %bitcast_convert_type3A_1640 = tpu.bitcast %sub3A_1639 : vector<16xi32> -> vector<16xf32>
      %mul3A_1641 = arith.constant 5.000000e-01 : f32
      %mul3A_1642 = vector.broadcast %mul3A_1641 : f32 to vector<16xf32>
      %mul3A_1643 = arith.mulf %mul3A_1642, %add3A_1632 : vector<16xf32>
      %mul3A_1644 = arith.mulf %mul3A_1643, %bitcast_convert_type3A_1640 : vector<16xf32>
      %mul3A_1645 = arith.mulf %mul3A_1644, %bitcast_convert_type3A_1640 : vector<16xf32>
      %sub3A_1646 = arith.constant 1.500000e+00 : f32
      %sub3A_1647 = vector.broadcast %sub3A_1646 : f32 to vector<16xf32>
      %sub3A_1648 = arith.subf %sub3A_1647, %mul3A_1645 : vector<16xf32>
      %mul3A_1649 = arith.mulf %bitcast_convert_type3A_1640, %sub3A_1648 : vector<16xf32>
      %mul3A_1650 = arith.mulf %mul3A_1643, %mul3A_1649 : vector<16xf32>
      %mul3A_1651 = arith.mulf %mul3A_1650, %mul3A_1649 : vector<16xf32>
      %sub3A_1652 = arith.constant 1.500000e+00 : f32
      %sub3A_1653 = vector.broadcast %sub3A_1652 : f32 to vector<16xf32>
      %sub3A_1654 = arith.subf %sub3A_1653, %mul3A_1651 : vector<16xf32>
      %mul3A_1655 = arith.mulf %mul3A_1649, %sub3A_1654 : vector<16xf32>
      %mul3A_1656 = arith.mulf %mul3A_1643, %mul3A_1655 : vector<16xf32>
      %mul3A_1657 = arith.mulf %mul3A_1656, %mul3A_1655 : vector<16xf32>
      %sub3A_1658 = arith.constant 1.500000e+00 : f32
      %sub3A_1659 = vector.broadcast %sub3A_1658 : f32 to vector<16xf32>
      %sub3A_1660 = arith.subf %sub3A_1659, %mul3A_1657 : vector<16xf32>
      %mul3A_1661 = arith.mulf %mul3A_1655, %sub3A_1660 : vector<16xf32>
      %mul3A_1662 = arith.mulf %add3A_1632, %mul3A_1661 : vector<16xf32>
      %max3A_1663 = arith.constant 9.99999996E-13 : f32
      %max3A_1664 = vector.broadcast %max3A_1663 : f32 to vector<16xf32>
      %max3A_1665 = arith.maximumf %mul3A_1662, %max3A_1664 : vector<16xf32>
      %div3A_1666 = arith.divf %get3A_252, %max3A_1665 : vector<16xf32>
      %bitcast_convert_type3A_1667 = tpu.bitcast %div3A_1666 : vector<16xf32> -> vector<16xi32>
      %add3A_1668 = arith.constant 32767 : i32
      %add3A_1669 = vector.broadcast %add3A_1668 : i32 to vector<16xi32>
      %add3A_1670 = arith.addi %bitcast_convert_type3A_1667, %add3A_1669 : vector<16xi32>
      %shift_right_arithmetic3A_1671 = arith.constant 16 : i32
      %shift_right_arithmetic3A_1672 = vector.broadcast %shift_right_arithmetic3A_1671 : i32 to vector<16xi32>
      %shift_right_arithmetic3A_1673 = arith.shrsi %bitcast_convert_type3A_1667, %shift_right_arithmetic3A_1672 : vector<16xi32>
      %and3A_1674 = arith.constant 1 : i32
      %and3A_1675 = vector.broadcast %and3A_1674 : i32 to vector<16xi32>
      %and3A_1676 = arith.andi %shift_right_arithmetic3A_1673, %and3A_1675 : vector<16xi32>
      %add3A_1677 = arith.addi %add3A_1670, %and3A_1676 : vector<16xi32>
      %and3A_1678 = arith.constant -65536 : i32
      %and3A_1679 = vector.broadcast %and3A_1678 : i32 to vector<16xi32>
      %and3A_1680 = arith.andi %add3A_1677, %and3A_1679 : vector<16xi32>
      %bitcast_convert_type3A_1681 = tpu.bitcast %and3A_1680 : vector<16xi32> -> vector<16xf32>
      %div3A_1682 = arith.divf %get3A_257, %max3A_1665 : vector<16xf32>
      %bitcast_convert_type3A_1683 = tpu.bitcast %div3A_1682 : vector<16xf32> -> vector<16xi32>
      %add3A_1684 = arith.constant 32767 : i32
      %add3A_1685 = vector.broadcast %add3A_1684 : i32 to vector<16xi32>
      %add3A_1686 = arith.addi %bitcast_convert_type3A_1683, %add3A_1685 : vector<16xi32>
      %shift_right_arithmetic3A_1687 = arith.constant 16 : i32
      %shift_right_arithmetic3A_1688 = vector.broadcast %shift_right_arithmetic3A_1687 : i32 to vector<16xi32>
      %shift_right_arithmetic3A_1689 = arith.shrsi %bitcast_convert_type3A_1683, %shift_right_arithmetic3A_1688 : vector<16xi32>
      %and3A_1690 = arith.constant 1 : i32
      %and3A_1691 = vector.broadcast %and3A_1690 : i32 to vector<16xi32>
      %and3A_1692 = arith.andi %shift_right_arithmetic3A_1689, %and3A_1691 : vector<16xi32>
      %add3A_1693 = arith.addi %add3A_1686, %and3A_1692 : vector<16xi32>
      %and3A_1694 = arith.constant -65536 : i32
      %and3A_1695 = vector.broadcast %and3A_1694 : i32 to vector<16xi32>
      %and3A_1696 = arith.andi %add3A_1693, %and3A_1695 : vector<16xi32>
      %bitcast_convert_type3A_1697 = tpu.bitcast %and3A_1696 : vector<16xi32> -> vector<16xf32>
      %div3A_1698 = arith.divf %get3A_262, %max3A_1665 : vector<16xf32>
      %bitcast_convert_type3A_1699 = tpu.bitcast %div3A_1698 : vector<16xf32> -> vector<16xi32>
      %add3A_1700 = arith.constant 32767 : i32
      %add3A_1701 = vector.broadcast %add3A_1700 : i32 to vector<16xi32>
      %add3A_1702 = arith.addi %bitcast_convert_type3A_1699, %add3A_1701 : vector<16xi32>
      %shift_right_arithmetic3A_1703 = arith.constant 16 : i32
      %shift_right_arithmetic3A_1704 = vector.broadcast %shift_right_arithmetic3A_1703 : i32 to vector<16xi32>
      %shift_right_arithmetic3A_1705 = arith.shrsi %bitcast_convert_type3A_1699, %shift_right_arithmetic3A_1704 : vector<16xi32>
      %and3A_1706 = arith.constant 1 : i32
      %and3A_1707 = vector.broadcast %and3A_1706 : i32 to vector<16xi32>
      %and3A_1708 = arith.andi %shift_right_arithmetic3A_1705, %and3A_1707 : vector<16xi32>
      %add3A_1709 = arith.addi %add3A_1702, %and3A_1708 : vector<16xi32>
      %and3A_1710 = arith.constant -65536 : i32
      %and3A_1711 = vector.broadcast %and3A_1710 : i32 to vector<16xi32>
      %and3A_1712 = arith.andi %add3A_1709, %and3A_1711 : vector<16xi32>
      %bitcast_convert_type3A_1713 = tpu.bitcast %and3A_1712 : vector<16xi32> -> vector<16xf32>
      %div3A_1714 = arith.divf %get3A_267, %max3A_1665 : vector<16xf32>
      %bitcast_convert_type3A_1715 = tpu.bitcast %div3A_1714 : vector<16xf32> -> vector<16xi32>
      %add3A_1716 = arith.constant 32767 : i32
      %add3A_1717 = vector.broadcast %add3A_1716 : i32 to vector<16xi32>
      %add3A_1718 = arith.addi %bitcast_convert_type3A_1715, %add3A_1717 : vector<16xi32>
      %shift_right_arithmetic3A_1719 = arith.constant 16 : i32
      %shift_right_arithmetic3A_1720 = vector.broadcast %shift_right_arithmetic3A_1719 : i32 to vector<16xi32>
      %shift_right_arithmetic3A_1721 = arith.shrsi %bitcast_convert_type3A_1715, %shift_right_arithmetic3A_1720 : vector<16xi32>
      %and3A_1722 = arith.constant 1 : i32
      %and3A_1723 = vector.broadcast %and3A_1722 : i32 to vector<16xi32>
      %and3A_1724 = arith.andi %shift_right_arithmetic3A_1721, %and3A_1723 : vector<16xi32>
      %add3A_1725 = arith.addi %add3A_1718, %and3A_1724 : vector<16xi32>
      %and3A_1726 = arith.constant -65536 : i32
      %and3A_1727 = vector.broadcast %and3A_1726 : i32 to vector<16xi32>
      %and3A_1728 = arith.andi %add3A_1725, %and3A_1727 : vector<16xi32>
      %bitcast_convert_type3A_1729 = tpu.bitcast %and3A_1728 : vector<16xi32> -> vector<16xf32>
      %div3A_1730 = arith.divf %get3A_272, %max3A_1665 : vector<16xf32>
      %bitcast_convert_type3A_1731 = tpu.bitcast %div3A_1730 : vector<16xf32> -> vector<16xi32>
      %add3A_1732 = arith.constant 32767 : i32
      %add3A_1733 = vector.broadcast %add3A_1732 : i32 to vector<16xi32>
      %add3A_1734 = arith.addi %bitcast_convert_type3A_1731, %add3A_1733 : vector<16xi32>
      %shift_right_arithmetic3A_1735 = arith.constant 16 : i32
      %shift_right_arithmetic3A_1736 = vector.broadcast %shift_right_arithmetic3A_1735 : i32 to vector<16xi32>
      %shift_right_arithmetic3A_1737 = arith.shrsi %bitcast_convert_type3A_1731, %shift_right_arithmetic3A_1736 : vector<16xi32>
      %and3A_1738 = arith.constant 1 : i32
      %and3A_1739 = vector.broadcast %and3A_1738 : i32 to vector<16xi32>
      %and3A_1740 = arith.andi %shift_right_arithmetic3A_1737, %and3A_1739 : vector<16xi32>
      %add3A_1741 = arith.addi %add3A_1734, %and3A_1740 : vector<16xi32>
      %and3A_1742 = arith.constant -65536 : i32
      %and3A_1743 = vector.broadcast %and3A_1742 : i32 to vector<16xi32>
      %and3A_1744 = arith.andi %add3A_1741, %and3A_1743 : vector<16xi32>
      %bitcast_convert_type3A_1745 = tpu.bitcast %and3A_1744 : vector<16xi32> -> vector<16xf32>
      %div3A_1746 = arith.divf %get3A_277, %max3A_1665 : vector<16xf32>
      %bitcast_convert_type3A_1747 = tpu.bitcast %div3A_1746 : vector<16xf32> -> vector<16xi32>
      %add3A_1748 = arith.constant 32767 : i32
      %add3A_1749 = vector.broadcast %add3A_1748 : i32 to vector<16xi32>
      %add3A_1750 = arith.addi %bitcast_convert_type3A_1747, %add3A_1749 : vector<16xi32>
      %shift_right_arithmetic3A_1751 = arith.constant 16 : i32
      %shift_right_arithmetic3A_1752 = vector.broadcast %shift_right_arithmetic3A_1751 : i32 to vector<16xi32>
      %shift_right_arithmetic3A_1753 = arith.shrsi %bitcast_convert_type3A_1747, %shift_right_arithmetic3A_1752 : vector<16xi32>
      %and3A_1754 = arith.constant 1 : i32
      %and3A_1755 = vector.broadcast %and3A_1754 : i32 to vector<16xi32>
      %and3A_1756 = arith.andi %shift_right_arithmetic3A_1753, %and3A_1755 : vector<16xi32>
      %add3A_1757 = arith.addi %add3A_1750, %and3A_1756 : vector<16xi32>
      %and3A_1758 = arith.constant -65536 : i32
      %and3A_1759 = vector.broadcast %and3A_1758 : i32 to vector<16xi32>
      %and3A_1760 = arith.andi %add3A_1757, %and3A_1759 : vector<16xi32>
      %bitcast_convert_type3A_1761 = tpu.bitcast %and3A_1760 : vector<16xi32> -> vector<16xf32>
      %div3A_1762 = arith.divf %get3A_282, %max3A_1665 : vector<16xf32>
      %bitcast_convert_type3A_1763 = tpu.bitcast %div3A_1762 : vector<16xf32> -> vector<16xi32>
      %add3A_1764 = arith.constant 32767 : i32
      %add3A_1765 = vector.broadcast %add3A_1764 : i32 to vector<16xi32>
      %add3A_1766 = arith.addi %bitcast_convert_type3A_1763, %add3A_1765 : vector<16xi32>
      %shift_right_arithmetic3A_1767 = arith.constant 16 : i32
      %shift_right_arithmetic3A_1768 = vector.broadcast %shift_right_arithmetic3A_1767 : i32 to vector<16xi32>
      %shift_right_arithmetic3A_1769 = arith.shrsi %bitcast_convert_type3A_1763, %shift_right_arithmetic3A_1768 : vector<16xi32>
      %and3A_1770 = arith.constant 1 : i32
      %and3A_1771 = vector.broadcast %and3A_1770 : i32 to vector<16xi32>
      %and3A_1772 = arith.andi %shift_right_arithmetic3A_1769, %and3A_1771 : vector<16xi32>
      %add3A_1773 = arith.addi %add3A_1766, %and3A_1772 : vector<16xi32>
      %and3A_1774 = arith.constant -65536 : i32
      %and3A_1775 = vector.broadcast %and3A_1774 : i32 to vector<16xi32>
      %and3A_1776 = arith.andi %add3A_1773, %and3A_1775 : vector<16xi32>
      %bitcast_convert_type3A_1777 = tpu.bitcast %and3A_1776 : vector<16xi32> -> vector<16xf32>
      %div3A_1778 = arith.divf %get3A_287, %max3A_1665 : vector<16xf32>
      %bitcast_convert_type3A_1779 = tpu.bitcast %div3A_1778 : vector<16xf32> -> vector<16xi32>
      %add3A_1780 = arith.constant 32767 : i32
      %add3A_1781 = vector.broadcast %add3A_1780 : i32 to vector<16xi32>
      %add3A_1782 = arith.addi %bitcast_convert_type3A_1779, %add3A_1781 : vector<16xi32>
      %shift_right_arithmetic3A_1783 = arith.constant 16 : i32
      %shift_right_arithmetic3A_1784 = vector.broadcast %shift_right_arithmetic3A_1783 : i32 to vector<16xi32>
      %shift_right_arithmetic3A_1785 = arith.shrsi %bitcast_convert_type3A_1779, %shift_right_arithmetic3A_1784 : vector<16xi32>
      %and3A_1786 = arith.constant 1 : i32
      %and3A_1787 = vector.broadcast %and3A_1786 : i32 to vector<16xi32>
      %and3A_1788 = arith.andi %shift_right_arithmetic3A_1785, %and3A_1787 : vector<16xi32>
      %add3A_1789 = arith.addi %add3A_1782, %and3A_1788 : vector<16xi32>
      %and3A_1790 = arith.constant -65536 : i32
      %and3A_1791 = vector.broadcast %and3A_1790 : i32 to vector<16xi32>
      %and3A_1792 = arith.andi %add3A_1789, %and3A_1791 : vector<16xi32>
      %bitcast_convert_type3A_1793 = tpu.bitcast %and3A_1792 : vector<16xi32> -> vector<16xf32>
      %div3A_1794 = arith.divf %get3A_292, %max3A_1665 : vector<16xf32>
      %bitcast_convert_type3A_1795 = tpu.bitcast %div3A_1794 : vector<16xf32> -> vector<16xi32>
      %add3A_1796 = arith.constant 32767 : i32
      %add3A_1797 = vector.broadcast %add3A_1796 : i32 to vector<16xi32>
      %add3A_1798 = arith.addi %bitcast_convert_type3A_1795, %add3A_1797 : vector<16xi32>
      %shift_right_arithmetic3A_1799 = arith.constant 16 : i32
      %shift_right_arithmetic3A_1800 = vector.broadcast %shift_right_arithmetic3A_1799 : i32 to vector<16xi32>
      %shift_right_arithmetic3A_1801 = arith.shrsi %bitcast_convert_type3A_1795, %shift_right_arithmetic3A_1800 : vector<16xi32>
      %and3A_1802 = arith.constant 1 : i32
      %and3A_1803 = vector.broadcast %and3A_1802 : i32 to vector<16xi32>
      %and3A_1804 = arith.andi %shift_right_arithmetic3A_1801, %and3A_1803 : vector<16xi32>
      %add3A_1805 = arith.addi %add3A_1798, %and3A_1804 : vector<16xi32>
      %and3A_1806 = arith.constant -65536 : i32
      %and3A_1807 = vector.broadcast %and3A_1806 : i32 to vector<16xi32>
      %and3A_1808 = arith.andi %add3A_1805, %and3A_1807 : vector<16xi32>
      %bitcast_convert_type3A_1809 = tpu.bitcast %and3A_1808 : vector<16xi32> -> vector<16xf32>
      %div3A_1810 = arith.divf %get3A_297, %max3A_1665 : vector<16xf32>
      %bitcast_convert_type3A_1811 = tpu.bitcast %div3A_1810 : vector<16xf32> -> vector<16xi32>
      %add3A_1812 = arith.constant 32767 : i32
      %add3A_1813 = vector.broadcast %add3A_1812 : i32 to vector<16xi32>
      %add3A_1814 = arith.addi %bitcast_convert_type3A_1811, %add3A_1813 : vector<16xi32>
      %shift_right_arithmetic3A_1815 = arith.constant 16 : i32
      %shift_right_arithmetic3A_1816 = vector.broadcast %shift_right_arithmetic3A_1815 : i32 to vector<16xi32>
      %shift_right_arithmetic3A_1817 = arith.shrsi %bitcast_convert_type3A_1811, %shift_right_arithmetic3A_1816 : vector<16xi32>
      %and3A_1818 = arith.constant 1 : i32
      %and3A_1819 = vector.broadcast %and3A_1818 : i32 to vector<16xi32>
      %and3A_1820 = arith.andi %shift_right_arithmetic3A_1817, %and3A_1819 : vector<16xi32>
      %add3A_1821 = arith.addi %add3A_1814, %and3A_1820 : vector<16xi32>
      %and3A_1822 = arith.constant -65536 : i32
      %and3A_1823 = vector.broadcast %and3A_1822 : i32 to vector<16xi32>
      %and3A_1824 = arith.andi %add3A_1821, %and3A_1823 : vector<16xi32>
      %bitcast_convert_type3A_1825 = tpu.bitcast %and3A_1824 : vector<16xi32> -> vector<16xf32>
      %div3A_1826 = arith.divf %get3A_302, %max3A_1665 : vector<16xf32>
      %bitcast_convert_type3A_1827 = tpu.bitcast %div3A_1826 : vector<16xf32> -> vector<16xi32>
      %add3A_1828 = arith.constant 32767 : i32
      %add3A_1829 = vector.broadcast %add3A_1828 : i32 to vector<16xi32>
      %add3A_1830 = arith.addi %bitcast_convert_type3A_1827, %add3A_1829 : vector<16xi32>
      %shift_right_arithmetic3A_1831 = arith.constant 16 : i32
      %shift_right_arithmetic3A_1832 = vector.broadcast %shift_right_arithmetic3A_1831 : i32 to vector<16xi32>
      %shift_right_arithmetic3A_1833 = arith.shrsi %bitcast_convert_type3A_1827, %shift_right_arithmetic3A_1832 : vector<16xi32>
      %and3A_1834 = arith.constant 1 : i32
      %and3A_1835 = vector.broadcast %and3A_1834 : i32 to vector<16xi32>
      %and3A_1836 = arith.andi %shift_right_arithmetic3A_1833, %and3A_1835 : vector<16xi32>
      %add3A_1837 = arith.addi %add3A_1830, %and3A_1836 : vector<16xi32>
      %and3A_1838 = arith.constant -65536 : i32
      %and3A_1839 = vector.broadcast %and3A_1838 : i32 to vector<16xi32>
      %and3A_1840 = arith.andi %add3A_1837, %and3A_1839 : vector<16xi32>
      %bitcast_convert_type3A_1841 = tpu.bitcast %and3A_1840 : vector<16xi32> -> vector<16xf32>
      %div3A_1842 = arith.divf %get3A_307, %max3A_1665 : vector<16xf32>
      %bitcast_convert_type3A_1843 = tpu.bitcast %div3A_1842 : vector<16xf32> -> vector<16xi32>
      %add3A_1844 = arith.constant 32767 : i32
      %add3A_1845 = vector.broadcast %add3A_1844 : i32 to vector<16xi32>
      %add3A_1846 = arith.addi %bitcast_convert_type3A_1843, %add3A_1845 : vector<16xi32>
      %shift_right_arithmetic3A_1847 = arith.constant 16 : i32
      %shift_right_arithmetic3A_1848 = vector.broadcast %shift_right_arithmetic3A_1847 : i32 to vector<16xi32>
      %shift_right_arithmetic3A_1849 = arith.shrsi %bitcast_convert_type3A_1843, %shift_right_arithmetic3A_1848 : vector<16xi32>
      %and3A_1850 = arith.constant 1 : i32
      %and3A_1851 = vector.broadcast %and3A_1850 : i32 to vector<16xi32>
      %and3A_1852 = arith.andi %shift_right_arithmetic3A_1849, %and3A_1851 : vector<16xi32>
      %add3A_1853 = arith.addi %add3A_1846, %and3A_1852 : vector<16xi32>
      %and3A_1854 = arith.constant -65536 : i32
      %and3A_1855 = vector.broadcast %and3A_1854 : i32 to vector<16xi32>
      %and3A_1856 = arith.andi %add3A_1853, %and3A_1855 : vector<16xi32>
      %bitcast_convert_type3A_1857 = tpu.bitcast %and3A_1856 : vector<16xi32> -> vector<16xf32>
      %div3A_1858 = arith.divf %get3A_312, %max3A_1665 : vector<16xf32>
      %bitcast_convert_type3A_1859 = tpu.bitcast %div3A_1858 : vector<16xf32> -> vector<16xi32>
      %add3A_1860 = arith.constant 32767 : i32
      %add3A_1861 = vector.broadcast %add3A_1860 : i32 to vector<16xi32>
      %add3A_1862 = arith.addi %bitcast_convert_type3A_1859, %add3A_1861 : vector<16xi32>
      %shift_right_arithmetic3A_1863 = arith.constant 16 : i32
      %shift_right_arithmetic3A_1864 = vector.broadcast %shift_right_arithmetic3A_1863 : i32 to vector<16xi32>
      %shift_right_arithmetic3A_1865 = arith.shrsi %bitcast_convert_type3A_1859, %shift_right_arithmetic3A_1864 : vector<16xi32>
      %and3A_1866 = arith.constant 1 : i32
      %and3A_1867 = vector.broadcast %and3A_1866 : i32 to vector<16xi32>
      %and3A_1868 = arith.andi %shift_right_arithmetic3A_1865, %and3A_1867 : vector<16xi32>
      %add3A_1869 = arith.addi %add3A_1862, %and3A_1868 : vector<16xi32>
      %and3A_1870 = arith.constant -65536 : i32
      %and3A_1871 = vector.broadcast %and3A_1870 : i32 to vector<16xi32>
      %and3A_1872 = arith.andi %add3A_1869, %and3A_1871 : vector<16xi32>
      %bitcast_convert_type3A_1873 = tpu.bitcast %and3A_1872 : vector<16xi32> -> vector<16xf32>
      %div3A_1874 = arith.divf %get3A_317, %max3A_1665 : vector<16xf32>
      %bitcast_convert_type3A_1875 = tpu.bitcast %div3A_1874 : vector<16xf32> -> vector<16xi32>
      %add3A_1876 = arith.constant 32767 : i32
      %add3A_1877 = vector.broadcast %add3A_1876 : i32 to vector<16xi32>
      %add3A_1878 = arith.addi %bitcast_convert_type3A_1875, %add3A_1877 : vector<16xi32>
      %shift_right_arithmetic3A_1879 = arith.constant 16 : i32
      %shift_right_arithmetic3A_1880 = vector.broadcast %shift_right_arithmetic3A_1879 : i32 to vector<16xi32>
      %shift_right_arithmetic3A_1881 = arith.shrsi %bitcast_convert_type3A_1875, %shift_right_arithmetic3A_1880 : vector<16xi32>
      %and3A_1882 = arith.constant 1 : i32
      %and3A_1883 = vector.broadcast %and3A_1882 : i32 to vector<16xi32>
      %and3A_1884 = arith.andi %shift_right_arithmetic3A_1881, %and3A_1883 : vector<16xi32>
      %add3A_1885 = arith.addi %add3A_1878, %and3A_1884 : vector<16xi32>
      %and3A_1886 = arith.constant -65536 : i32
      %and3A_1887 = vector.broadcast %and3A_1886 : i32 to vector<16xi32>
      %and3A_1888 = arith.andi %add3A_1885, %and3A_1887 : vector<16xi32>
      %bitcast_convert_type3A_1889 = tpu.bitcast %and3A_1888 : vector<16xi32> -> vector<16xf32>
      %div3A_1890 = arith.divf %get3A_322, %max3A_1665 : vector<16xf32>
      %bitcast_convert_type3A_1891 = tpu.bitcast %div3A_1890 : vector<16xf32> -> vector<16xi32>
      %add3A_1892 = arith.constant 32767 : i32
      %add3A_1893 = vector.broadcast %add3A_1892 : i32 to vector<16xi32>
      %add3A_1894 = arith.addi %bitcast_convert_type3A_1891, %add3A_1893 : vector<16xi32>
      %shift_right_arithmetic3A_1895 = arith.constant 16 : i32
      %shift_right_arithmetic3A_1896 = vector.broadcast %shift_right_arithmetic3A_1895 : i32 to vector<16xi32>
      %shift_right_arithmetic3A_1897 = arith.shrsi %bitcast_convert_type3A_1891, %shift_right_arithmetic3A_1896 : vector<16xi32>
      %and3A_1898 = arith.constant 1 : i32
      %and3A_1899 = vector.broadcast %and3A_1898 : i32 to vector<16xi32>
      %and3A_1900 = arith.andi %shift_right_arithmetic3A_1897, %and3A_1899 : vector<16xi32>
      %add3A_1901 = arith.addi %add3A_1894, %and3A_1900 : vector<16xi32>
      %and3A_1902 = arith.constant -65536 : i32
      %and3A_1903 = vector.broadcast %and3A_1902 : i32 to vector<16xi32>
      %and3A_1904 = arith.andi %add3A_1901, %and3A_1903 : vector<16xi32>
      %bitcast_convert_type3A_1905 = tpu.bitcast %and3A_1904 : vector<16xi32> -> vector<16xf32>
      %div3A_1906 = arith.divf %get3A_327, %max3A_1665 : vector<16xf32>
      %bitcast_convert_type3A_1907 = tpu.bitcast %div3A_1906 : vector<16xf32> -> vector<16xi32>
      %add3A_1908 = arith.constant 32767 : i32
      %add3A_1909 = vector.broadcast %add3A_1908 : i32 to vector<16xi32>
      %add3A_1910 = arith.addi %bitcast_convert_type3A_1907, %add3A_1909 : vector<16xi32>
      %shift_right_arithmetic3A_1911 = arith.constant 16 : i32
      %shift_right_arithmetic3A_1912 = vector.broadcast %shift_right_arithmetic3A_1911 : i32 to vector<16xi32>
      %shift_right_arithmetic3A_1913 = arith.shrsi %bitcast_convert_type3A_1907, %shift_right_arithmetic3A_1912 : vector<16xi32>
      %and3A_1914 = arith.constant 1 : i32
      %and3A_1915 = vector.broadcast %and3A_1914 : i32 to vector<16xi32>
      %and3A_1916 = arith.andi %shift_right_arithmetic3A_1913, %and3A_1915 : vector<16xi32>
      %add3A_1917 = arith.addi %add3A_1910, %and3A_1916 : vector<16xi32>
      %and3A_1918 = arith.constant -65536 : i32
      %and3A_1919 = vector.broadcast %and3A_1918 : i32 to vector<16xi32>
      %and3A_1920 = arith.andi %add3A_1917, %and3A_1919 : vector<16xi32>
      %bitcast_convert_type3A_1921 = tpu.bitcast %and3A_1920 : vector<16xi32> -> vector<16xf32>
      %mul3A_1922 = arith.mulf %get3A_332, %get3A_332 : vector<16xf32>
      %mul3A_1923 = arith.mulf %get3A_337, %get3A_337 : vector<16xf32>
      %mul3A_1924 = arith.mulf %get3A_342, %get3A_342 : vector<16xf32>
      %mul3A_1925 = arith.mulf %get3A_347, %get3A_347 : vector<16xf32>
      %mul3A_1926 = arith.mulf %get3A_352, %get3A_352 : vector<16xf32>
      %mul3A_1927 = arith.mulf %get3A_357, %get3A_357 : vector<16xf32>
      %mul3A_1928 = arith.mulf %get3A_362, %get3A_362 : vector<16xf32>
      %mul3A_1929 = arith.mulf %get3A_367, %get3A_367 : vector<16xf32>
      %mul3A_1930 = arith.mulf %get3A_372, %get3A_372 : vector<16xf32>
      %mul3A_1931 = arith.mulf %get3A_377, %get3A_377 : vector<16xf32>
      %mul3A_1932 = arith.mulf %get3A_382, %get3A_382 : vector<16xf32>
      %mul3A_1933 = arith.mulf %get3A_387, %get3A_387 : vector<16xf32>
      %mul3A_1934 = arith.mulf %get3A_392, %get3A_392 : vector<16xf32>
      %mul3A_1935 = arith.mulf %get3A_397, %get3A_397 : vector<16xf32>
      %mul3A_1936 = arith.mulf %get3A_402, %get3A_402 : vector<16xf32>
      %mul3A_1937 = arith.mulf %get3A_407, %get3A_407 : vector<16xf32>
      %add3A_1938 = arith.addf %mul3A_1922, %mul3A_1923 : vector<16xf32>
      %add3A_1939 = arith.addf %mul3A_1924, %mul3A_1925 : vector<16xf32>
      %add3A_1940 = arith.addf %mul3A_1926, %mul3A_1927 : vector<16xf32>
      %add3A_1941 = arith.addf %mul3A_1928, %mul3A_1929 : vector<16xf32>
      %add3A_1942 = arith.addf %mul3A_1930, %mul3A_1931 : vector<16xf32>
      %add3A_1943 = arith.addf %mul3A_1932, %mul3A_1933 : vector<16xf32>
      %add3A_1944 = arith.addf %mul3A_1934, %mul3A_1935 : vector<16xf32>
      %add3A_1945 = arith.addf %mul3A_1936, %mul3A_1937 : vector<16xf32>
      %add3A_1946 = arith.addf %add3A_1938, %add3A_1939 : vector<16xf32>
      %add3A_1947 = arith.addf %add3A_1940, %add3A_1941 : vector<16xf32>
      %add3A_1948 = arith.addf %add3A_1942, %add3A_1943 : vector<16xf32>
      %add3A_1949 = arith.addf %add3A_1944, %add3A_1945 : vector<16xf32>
      %add3A_1950 = arith.addf %add3A_1946, %add3A_1947 : vector<16xf32>
      %add3A_1951 = arith.addf %add3A_1948, %add3A_1949 : vector<16xf32>
      %add3A_1952 = arith.addf %add3A_1950, %add3A_1951 : vector<16xf32>
      %bitcast_convert_type3A_1953 = tpu.bitcast %add3A_1952 : vector<16xf32> -> vector<16xi32>
      %shift_right_arithmetic3A_1954 = arith.constant 1 : i32
      %shift_right_arithmetic3A_1955 = vector.broadcast %shift_right_arithmetic3A_1954 : i32 to vector<16xi32>
      %shift_right_arithmetic3A_1956 = arith.shrsi %bitcast_convert_type3A_1953, %shift_right_arithmetic3A_1955 : vector<16xi32>
      %sub3A_1957 = arith.constant 1597463007 : i32
      %sub3A_1958 = vector.broadcast %sub3A_1957 : i32 to vector<16xi32>
      %sub3A_1959 = arith.subi %sub3A_1958, %shift_right_arithmetic3A_1956 : vector<16xi32>
      %bitcast_convert_type3A_1960 = tpu.bitcast %sub3A_1959 : vector<16xi32> -> vector<16xf32>
      %mul3A_1961 = arith.constant 5.000000e-01 : f32
      %mul3A_1962 = vector.broadcast %mul3A_1961 : f32 to vector<16xf32>
      %mul3A_1963 = arith.mulf %mul3A_1962, %add3A_1952 : vector<16xf32>
      %mul3A_1964 = arith.mulf %mul3A_1963, %bitcast_convert_type3A_1960 : vector<16xf32>
      %mul3A_1965 = arith.mulf %mul3A_1964, %bitcast_convert_type3A_1960 : vector<16xf32>
      %sub3A_1966 = arith.constant 1.500000e+00 : f32
      %sub3A_1967 = vector.broadcast %sub3A_1966 : f32 to vector<16xf32>
      %sub3A_1968 = arith.subf %sub3A_1967, %mul3A_1965 : vector<16xf32>
      %mul3A_1969 = arith.mulf %bitcast_convert_type3A_1960, %sub3A_1968 : vector<16xf32>
      %mul3A_1970 = arith.mulf %mul3A_1963, %mul3A_1969 : vector<16xf32>
      %mul3A_1971 = arith.mulf %mul3A_1970, %mul3A_1969 : vector<16xf32>
      %sub3A_1972 = arith.constant 1.500000e+00 : f32
      %sub3A_1973 = vector.broadcast %sub3A_1972 : f32 to vector<16xf32>
      %sub3A_1974 = arith.subf %sub3A_1973, %mul3A_1971 : vector<16xf32>
      %mul3A_1975 = arith.mulf %mul3A_1969, %sub3A_1974 : vector<16xf32>
      %mul3A_1976 = arith.mulf %mul3A_1963, %mul3A_1975 : vector<16xf32>
      %mul3A_1977 = arith.mulf %mul3A_1976, %mul3A_1975 : vector<16xf32>
      %sub3A_1978 = arith.constant 1.500000e+00 : f32
      %sub3A_1979 = vector.broadcast %sub3A_1978 : f32 to vector<16xf32>
      %sub3A_1980 = arith.subf %sub3A_1979, %mul3A_1977 : vector<16xf32>
      %mul3A_1981 = arith.mulf %mul3A_1975, %sub3A_1980 : vector<16xf32>
      %mul3A_1982 = arith.mulf %add3A_1952, %mul3A_1981 : vector<16xf32>
      %max3A_1983 = arith.constant 9.99999996E-13 : f32
      %max3A_1984 = vector.broadcast %max3A_1983 : f32 to vector<16xf32>
      %max3A_1985 = arith.maximumf %mul3A_1982, %max3A_1984 : vector<16xf32>
      %div3A_1986 = arith.divf %get3A_332, %max3A_1985 : vector<16xf32>
      %bitcast_convert_type3A_1987 = tpu.bitcast %div3A_1986 : vector<16xf32> -> vector<16xi32>
      %add3A_1988 = arith.constant 32767 : i32
      %add3A_1989 = vector.broadcast %add3A_1988 : i32 to vector<16xi32>
      %add3A_1990 = arith.addi %bitcast_convert_type3A_1987, %add3A_1989 : vector<16xi32>
      %shift_right_arithmetic3A_1991 = arith.constant 16 : i32
      %shift_right_arithmetic3A_1992 = vector.broadcast %shift_right_arithmetic3A_1991 : i32 to vector<16xi32>
      %shift_right_arithmetic3A_1993 = arith.shrsi %bitcast_convert_type3A_1987, %shift_right_arithmetic3A_1992 : vector<16xi32>
      %and3A_1994 = arith.constant 1 : i32
      %and3A_1995 = vector.broadcast %and3A_1994 : i32 to vector<16xi32>
      %and3A_1996 = arith.andi %shift_right_arithmetic3A_1993, %and3A_1995 : vector<16xi32>
      %add3A_1997 = arith.addi %add3A_1990, %and3A_1996 : vector<16xi32>
      %and3A_1998 = arith.constant -65536 : i32
      %and3A_1999 = vector.broadcast %and3A_1998 : i32 to vector<16xi32>
      %and3A_2000 = arith.andi %add3A_1997, %and3A_1999 : vector<16xi32>
      %bitcast_convert_type3A_2001 = tpu.bitcast %and3A_2000 : vector<16xi32> -> vector<16xf32>
      %div3A_2002 = arith.divf %get3A_337, %max3A_1985 : vector<16xf32>
      %bitcast_convert_type3A_2003 = tpu.bitcast %div3A_2002 : vector<16xf32> -> vector<16xi32>
      %add3A_2004 = arith.constant 32767 : i32
      %add3A_2005 = vector.broadcast %add3A_2004 : i32 to vector<16xi32>
      %add3A_2006 = arith.addi %bitcast_convert_type3A_2003, %add3A_2005 : vector<16xi32>
      %shift_right_arithmetic3A_2007 = arith.constant 16 : i32
      %shift_right_arithmetic3A_2008 = vector.broadcast %shift_right_arithmetic3A_2007 : i32 to vector<16xi32>
      %shift_right_arithmetic3A_2009 = arith.shrsi %bitcast_convert_type3A_2003, %shift_right_arithmetic3A_2008 : vector<16xi32>
      %and3A_2010 = arith.constant 1 : i32
      %and3A_2011 = vector.broadcast %and3A_2010 : i32 to vector<16xi32>
      %and3A_2012 = arith.andi %shift_right_arithmetic3A_2009, %and3A_2011 : vector<16xi32>
      %add3A_2013 = arith.addi %add3A_2006, %and3A_2012 : vector<16xi32>
      %and3A_2014 = arith.constant -65536 : i32
      %and3A_2015 = vector.broadcast %and3A_2014 : i32 to vector<16xi32>
      %and3A_2016 = arith.andi %add3A_2013, %and3A_2015 : vector<16xi32>
      %bitcast_convert_type3A_2017 = tpu.bitcast %and3A_2016 : vector<16xi32> -> vector<16xf32>
      %div3A_2018 = arith.divf %get3A_342, %max3A_1985 : vector<16xf32>
      %bitcast_convert_type3A_2019 = tpu.bitcast %div3A_2018 : vector<16xf32> -> vector<16xi32>
      %add3A_2020 = arith.constant 32767 : i32
      %add3A_2021 = vector.broadcast %add3A_2020 : i32 to vector<16xi32>
      %add3A_2022 = arith.addi %bitcast_convert_type3A_2019, %add3A_2021 : vector<16xi32>
      %shift_right_arithmetic3A_2023 = arith.constant 16 : i32
      %shift_right_arithmetic3A_2024 = vector.broadcast %shift_right_arithmetic3A_2023 : i32 to vector<16xi32>
      %shift_right_arithmetic3A_2025 = arith.shrsi %bitcast_convert_type3A_2019, %shift_right_arithmetic3A_2024 : vector<16xi32>
      %and3A_2026 = arith.constant 1 : i32
      %and3A_2027 = vector.broadcast %and3A_2026 : i32 to vector<16xi32>
      %and3A_2028 = arith.andi %shift_right_arithmetic3A_2025, %and3A_2027 : vector<16xi32>
      %add3A_2029 = arith.addi %add3A_2022, %and3A_2028 : vector<16xi32>
      %and3A_2030 = arith.constant -65536 : i32
      %and3A_2031 = vector.broadcast %and3A_2030 : i32 to vector<16xi32>
      %and3A_2032 = arith.andi %add3A_2029, %and3A_2031 : vector<16xi32>
      %bitcast_convert_type3A_2033 = tpu.bitcast %and3A_2032 : vector<16xi32> -> vector<16xf32>
      %div3A_2034 = arith.divf %get3A_347, %max3A_1985 : vector<16xf32>
      %bitcast_convert_type3A_2035 = tpu.bitcast %div3A_2034 : vector<16xf32> -> vector<16xi32>
      %add3A_2036 = arith.constant 32767 : i32
      %add3A_2037 = vector.broadcast %add3A_2036 : i32 to vector<16xi32>
      %add3A_2038 = arith.addi %bitcast_convert_type3A_2035, %add3A_2037 : vector<16xi32>
      %shift_right_arithmetic3A_2039 = arith.constant 16 : i32
      %shift_right_arithmetic3A_2040 = vector.broadcast %shift_right_arithmetic3A_2039 : i32 to vector<16xi32>
      %shift_right_arithmetic3A_2041 = arith.shrsi %bitcast_convert_type3A_2035, %shift_right_arithmetic3A_2040 : vector<16xi32>
      %and3A_2042 = arith.constant 1 : i32
      %and3A_2043 = vector.broadcast %and3A_2042 : i32 to vector<16xi32>
      %and3A_2044 = arith.andi %shift_right_arithmetic3A_2041, %and3A_2043 : vector<16xi32>
      %add3A_2045 = arith.addi %add3A_2038, %and3A_2044 : vector<16xi32>
      %and3A_2046 = arith.constant -65536 : i32
      %and3A_2047 = vector.broadcast %and3A_2046 : i32 to vector<16xi32>
      %and3A_2048 = arith.andi %add3A_2045, %and3A_2047 : vector<16xi32>
      %bitcast_convert_type3A_2049 = tpu.bitcast %and3A_2048 : vector<16xi32> -> vector<16xf32>
      %div3A_2050 = arith.divf %get3A_352, %max3A_1985 : vector<16xf32>
      %bitcast_convert_type3A_2051 = tpu.bitcast %div3A_2050 : vector<16xf32> -> vector<16xi32>
      %add3A_2052 = arith.constant 32767 : i32
      %add3A_2053 = vector.broadcast %add3A_2052 : i32 to vector<16xi32>
      %add3A_2054 = arith.addi %bitcast_convert_type3A_2051, %add3A_2053 : vector<16xi32>
      %shift_right_arithmetic3A_2055 = arith.constant 16 : i32
      %shift_right_arithmetic3A_2056 = vector.broadcast %shift_right_arithmetic3A_2055 : i32 to vector<16xi32>
      %shift_right_arithmetic3A_2057 = arith.shrsi %bitcast_convert_type3A_2051, %shift_right_arithmetic3A_2056 : vector<16xi32>
      %and3A_2058 = arith.constant 1 : i32
      %and3A_2059 = vector.broadcast %and3A_2058 : i32 to vector<16xi32>
      %and3A_2060 = arith.andi %shift_right_arithmetic3A_2057, %and3A_2059 : vector<16xi32>
      %add3A_2061 = arith.addi %add3A_2054, %and3A_2060 : vector<16xi32>
      %and3A_2062 = arith.constant -65536 : i32
      %and3A_2063 = vector.broadcast %and3A_2062 : i32 to vector<16xi32>
      %and3A_2064 = arith.andi %add3A_2061, %and3A_2063 : vector<16xi32>
      %bitcast_convert_type3A_2065 = tpu.bitcast %and3A_2064 : vector<16xi32> -> vector<16xf32>
      %div3A_2066 = arith.divf %get3A_357, %max3A_1985 : vector<16xf32>
      %bitcast_convert_type3A_2067 = tpu.bitcast %div3A_2066 : vector<16xf32> -> vector<16xi32>
      %add3A_2068 = arith.constant 32767 : i32
      %add3A_2069 = vector.broadcast %add3A_2068 : i32 to vector<16xi32>
      %add3A_2070 = arith.addi %bitcast_convert_type3A_2067, %add3A_2069 : vector<16xi32>
      %shift_right_arithmetic3A_2071 = arith.constant 16 : i32
      %shift_right_arithmetic3A_2072 = vector.broadcast %shift_right_arithmetic3A_2071 : i32 to vector<16xi32>
      %shift_right_arithmetic3A_2073 = arith.shrsi %bitcast_convert_type3A_2067, %shift_right_arithmetic3A_2072 : vector<16xi32>
      %and3A_2074 = arith.constant 1 : i32
      %and3A_2075 = vector.broadcast %and3A_2074 : i32 to vector<16xi32>
      %and3A_2076 = arith.andi %shift_right_arithmetic3A_2073, %and3A_2075 : vector<16xi32>
      %add3A_2077 = arith.addi %add3A_2070, %and3A_2076 : vector<16xi32>
      %and3A_2078 = arith.constant -65536 : i32
      %and3A_2079 = vector.broadcast %and3A_2078 : i32 to vector<16xi32>
      %and3A_2080 = arith.andi %add3A_2077, %and3A_2079 : vector<16xi32>
      %bitcast_convert_type3A_2081 = tpu.bitcast %and3A_2080 : vector<16xi32> -> vector<16xf32>
      %div3A_2082 = arith.divf %get3A_362, %max3A_1985 : vector<16xf32>
      %bitcast_convert_type3A_2083 = tpu.bitcast %div3A_2082 : vector<16xf32> -> vector<16xi32>
      %add3A_2084 = arith.constant 32767 : i32
      %add3A_2085 = vector.broadcast %add3A_2084 : i32 to vector<16xi32>
      %add3A_2086 = arith.addi %bitcast_convert_type3A_2083, %add3A_2085 : vector<16xi32>
      %shift_right_arithmetic3A_2087 = arith.constant 16 : i32
      %shift_right_arithmetic3A_2088 = vector.broadcast %shift_right_arithmetic3A_2087 : i32 to vector<16xi32>
      %shift_right_arithmetic3A_2089 = arith.shrsi %bitcast_convert_type3A_2083, %shift_right_arithmetic3A_2088 : vector<16xi32>
      %and3A_2090 = arith.constant 1 : i32
      %and3A_2091 = vector.broadcast %and3A_2090 : i32 to vector<16xi32>
      %and3A_2092 = arith.andi %shift_right_arithmetic3A_2089, %and3A_2091 : vector<16xi32>
      %add3A_2093 = arith.addi %add3A_2086, %and3A_2092 : vector<16xi32>
      %and3A_2094 = arith.constant -65536 : i32
      %and3A_2095 = vector.broadcast %and3A_2094 : i32 to vector<16xi32>
      %and3A_2096 = arith.andi %add3A_2093, %and3A_2095 : vector<16xi32>
      %bitcast_convert_type3A_2097 = tpu.bitcast %and3A_2096 : vector<16xi32> -> vector<16xf32>
      %div3A_2098 = arith.divf %get3A_367, %max3A_1985 : vector<16xf32>
      %bitcast_convert_type3A_2099 = tpu.bitcast %div3A_2098 : vector<16xf32> -> vector<16xi32>
      %add3A_2100 = arith.constant 32767 : i32
      %add3A_2101 = vector.broadcast %add3A_2100 : i32 to vector<16xi32>
      %add3A_2102 = arith.addi %bitcast_convert_type3A_2099, %add3A_2101 : vector<16xi32>
      %shift_right_arithmetic3A_2103 = arith.constant 16 : i32
      %shift_right_arithmetic3A_2104 = vector.broadcast %shift_right_arithmetic3A_2103 : i32 to vector<16xi32>
      %shift_right_arithmetic3A_2105 = arith.shrsi %bitcast_convert_type3A_2099, %shift_right_arithmetic3A_2104 : vector<16xi32>
      %and3A_2106 = arith.constant 1 : i32
      %and3A_2107 = vector.broadcast %and3A_2106 : i32 to vector<16xi32>
      %and3A_2108 = arith.andi %shift_right_arithmetic3A_2105, %and3A_2107 : vector<16xi32>
      %add3A_2109 = arith.addi %add3A_2102, %and3A_2108 : vector<16xi32>
      %and3A_2110 = arith.constant -65536 : i32
      %and3A_2111 = vector.broadcast %and3A_2110 : i32 to vector<16xi32>
      %and3A_2112 = arith.andi %add3A_2109, %and3A_2111 : vector<16xi32>
      %bitcast_convert_type3A_2113 = tpu.bitcast %and3A_2112 : vector<16xi32> -> vector<16xf32>
      %div3A_2114 = arith.divf %get3A_372, %max3A_1985 : vector<16xf32>
      %bitcast_convert_type3A_2115 = tpu.bitcast %div3A_2114 : vector<16xf32> -> vector<16xi32>
      %add3A_2116 = arith.constant 32767 : i32
      %add3A_2117 = vector.broadcast %add3A_2116 : i32 to vector<16xi32>
      %add3A_2118 = arith.addi %bitcast_convert_type3A_2115, %add3A_2117 : vector<16xi32>
      %shift_right_arithmetic3A_2119 = arith.constant 16 : i32
      %shift_right_arithmetic3A_2120 = vector.broadcast %shift_right_arithmetic3A_2119 : i32 to vector<16xi32>
      %shift_right_arithmetic3A_2121 = arith.shrsi %bitcast_convert_type3A_2115, %shift_right_arithmetic3A_2120 : vector<16xi32>
      %and3A_2122 = arith.constant 1 : i32
      %and3A_2123 = vector.broadcast %and3A_2122 : i32 to vector<16xi32>
      %and3A_2124 = arith.andi %shift_right_arithmetic3A_2121, %and3A_2123 : vector<16xi32>
      %add3A_2125 = arith.addi %add3A_2118, %and3A_2124 : vector<16xi32>
      %and3A_2126 = arith.constant -65536 : i32
      %and3A_2127 = vector.broadcast %and3A_2126 : i32 to vector<16xi32>
      %and3A_2128 = arith.andi %add3A_2125, %and3A_2127 : vector<16xi32>
      %bitcast_convert_type3A_2129 = tpu.bitcast %and3A_2128 : vector<16xi32> -> vector<16xf32>
      %div3A_2130 = arith.divf %get3A_377, %max3A_1985 : vector<16xf32>
      %bitcast_convert_type3A_2131 = tpu.bitcast %div3A_2130 : vector<16xf32> -> vector<16xi32>
      %add3A_2132 = arith.constant 32767 : i32
      %add3A_2133 = vector.broadcast %add3A_2132 : i32 to vector<16xi32>
      %add3A_2134 = arith.addi %bitcast_convert_type3A_2131, %add3A_2133 : vector<16xi32>
      %shift_right_arithmetic3A_2135 = arith.constant 16 : i32
      %shift_right_arithmetic3A_2136 = vector.broadcast %shift_right_arithmetic3A_2135 : i32 to vector<16xi32>
      %shift_right_arithmetic3A_2137 = arith.shrsi %bitcast_convert_type3A_2131, %shift_right_arithmetic3A_2136 : vector<16xi32>
      %and3A_2138 = arith.constant 1 : i32
      %and3A_2139 = vector.broadcast %and3A_2138 : i32 to vector<16xi32>
      %and3A_2140 = arith.andi %shift_right_arithmetic3A_2137, %and3A_2139 : vector<16xi32>
      %add3A_2141 = arith.addi %add3A_2134, %and3A_2140 : vector<16xi32>
      %and3A_2142 = arith.constant -65536 : i32
      %and3A_2143 = vector.broadcast %and3A_2142 : i32 to vector<16xi32>
      %and3A_2144 = arith.andi %add3A_2141, %and3A_2143 : vector<16xi32>
      %bitcast_convert_type3A_2145 = tpu.bitcast %and3A_2144 : vector<16xi32> -> vector<16xf32>
      %div3A_2146 = arith.divf %get3A_382, %max3A_1985 : vector<16xf32>
      %bitcast_convert_type3A_2147 = tpu.bitcast %div3A_2146 : vector<16xf32> -> vector<16xi32>
      %add3A_2148 = arith.constant 32767 : i32
      %add3A_2149 = vector.broadcast %add3A_2148 : i32 to vector<16xi32>
      %add3A_2150 = arith.addi %bitcast_convert_type3A_2147, %add3A_2149 : vector<16xi32>
      %shift_right_arithmetic3A_2151 = arith.constant 16 : i32
      %shift_right_arithmetic3A_2152 = vector.broadcast %shift_right_arithmetic3A_2151 : i32 to vector<16xi32>
      %shift_right_arithmetic3A_2153 = arith.shrsi %bitcast_convert_type3A_2147, %shift_right_arithmetic3A_2152 : vector<16xi32>
      %and3A_2154 = arith.constant 1 : i32
      %and3A_2155 = vector.broadcast %and3A_2154 : i32 to vector<16xi32>
      %and3A_2156 = arith.andi %shift_right_arithmetic3A_2153, %and3A_2155 : vector<16xi32>
      %add3A_2157 = arith.addi %add3A_2150, %and3A_2156 : vector<16xi32>
      %and3A_2158 = arith.constant -65536 : i32
      %and3A_2159 = vector.broadcast %and3A_2158 : i32 to vector<16xi32>
      %and3A_2160 = arith.andi %add3A_2157, %and3A_2159 : vector<16xi32>
      %bitcast_convert_type3A_2161 = tpu.bitcast %and3A_2160 : vector<16xi32> -> vector<16xf32>
      %div3A_2162 = arith.divf %get3A_387, %max3A_1985 : vector<16xf32>
      %bitcast_convert_type3A_2163 = tpu.bitcast %div3A_2162 : vector<16xf32> -> vector<16xi32>
      %add3A_2164 = arith.constant 32767 : i32
      %add3A_2165 = vector.broadcast %add3A_2164 : i32 to vector<16xi32>
      %add3A_2166 = arith.addi %bitcast_convert_type3A_2163, %add3A_2165 : vector<16xi32>
      %shift_right_arithmetic3A_2167 = arith.constant 16 : i32
      %shift_right_arithmetic3A_2168 = vector.broadcast %shift_right_arithmetic3A_2167 : i32 to vector<16xi32>
      %shift_right_arithmetic3A_2169 = arith.shrsi %bitcast_convert_type3A_2163, %shift_right_arithmetic3A_2168 : vector<16xi32>
      %and3A_2170 = arith.constant 1 : i32
      %and3A_2171 = vector.broadcast %and3A_2170 : i32 to vector<16xi32>
      %and3A_2172 = arith.andi %shift_right_arithmetic3A_2169, %and3A_2171 : vector<16xi32>
      %add3A_2173 = arith.addi %add3A_2166, %and3A_2172 : vector<16xi32>
      %and3A_2174 = arith.constant -65536 : i32
      %and3A_2175 = vector.broadcast %and3A_2174 : i32 to vector<16xi32>
      %and3A_2176 = arith.andi %add3A_2173, %and3A_2175 : vector<16xi32>
      %bitcast_convert_type3A_2177 = tpu.bitcast %and3A_2176 : vector<16xi32> -> vector<16xf32>
      %div3A_2178 = arith.divf %get3A_392, %max3A_1985 : vector<16xf32>
      %bitcast_convert_type3A_2179 = tpu.bitcast %div3A_2178 : vector<16xf32> -> vector<16xi32>
      %add3A_2180 = arith.constant 32767 : i32
      %add3A_2181 = vector.broadcast %add3A_2180 : i32 to vector<16xi32>
      %add3A_2182 = arith.addi %bitcast_convert_type3A_2179, %add3A_2181 : vector<16xi32>
      %shift_right_arithmetic3A_2183 = arith.constant 16 : i32
      %shift_right_arithmetic3A_2184 = vector.broadcast %shift_right_arithmetic3A_2183 : i32 to vector<16xi32>
      %shift_right_arithmetic3A_2185 = arith.shrsi %bitcast_convert_type3A_2179, %shift_right_arithmetic3A_2184 : vector<16xi32>
      %and3A_2186 = arith.constant 1 : i32
      %and3A_2187 = vector.broadcast %and3A_2186 : i32 to vector<16xi32>
      %and3A_2188 = arith.andi %shift_right_arithmetic3A_2185, %and3A_2187 : vector<16xi32>
      %add3A_2189 = arith.addi %add3A_2182, %and3A_2188 : vector<16xi32>
      %and3A_2190 = arith.constant -65536 : i32
      %and3A_2191 = vector.broadcast %and3A_2190 : i32 to vector<16xi32>
      %and3A_2192 = arith.andi %add3A_2189, %and3A_2191 : vector<16xi32>
      %bitcast_convert_type3A_2193 = tpu.bitcast %and3A_2192 : vector<16xi32> -> vector<16xf32>
      %div3A_2194 = arith.divf %get3A_397, %max3A_1985 : vector<16xf32>
      %bitcast_convert_type3A_2195 = tpu.bitcast %div3A_2194 : vector<16xf32> -> vector<16xi32>
      %add3A_2196 = arith.constant 32767 : i32
      %add3A_2197 = vector.broadcast %add3A_2196 : i32 to vector<16xi32>
      %add3A_2198 = arith.addi %bitcast_convert_type3A_2195, %add3A_2197 : vector<16xi32>
      %shift_right_arithmetic3A_2199 = arith.constant 16 : i32
      %shift_right_arithmetic3A_2200 = vector.broadcast %shift_right_arithmetic3A_2199 : i32 to vector<16xi32>
      %shift_right_arithmetic3A_2201 = arith.shrsi %bitcast_convert_type3A_2195, %shift_right_arithmetic3A_2200 : vector<16xi32>
      %and3A_2202 = arith.constant 1 : i32
      %and3A_2203 = vector.broadcast %and3A_2202 : i32 to vector<16xi32>
      %and3A_2204 = arith.andi %shift_right_arithmetic3A_2201, %and3A_2203 : vector<16xi32>
      %add3A_2205 = arith.addi %add3A_2198, %and3A_2204 : vector<16xi32>
      %and3A_2206 = arith.constant -65536 : i32
      %and3A_2207 = vector.broadcast %and3A_2206 : i32 to vector<16xi32>
      %and3A_2208 = arith.andi %add3A_2205, %and3A_2207 : vector<16xi32>
      %bitcast_convert_type3A_2209 = tpu.bitcast %and3A_2208 : vector<16xi32> -> vector<16xf32>
      %div3A_2210 = arith.divf %get3A_402, %max3A_1985 : vector<16xf32>
      %bitcast_convert_type3A_2211 = tpu.bitcast %div3A_2210 : vector<16xf32> -> vector<16xi32>
      %add3A_2212 = arith.constant 32767 : i32
      %add3A_2213 = vector.broadcast %add3A_2212 : i32 to vector<16xi32>
      %add3A_2214 = arith.addi %bitcast_convert_type3A_2211, %add3A_2213 : vector<16xi32>
      %shift_right_arithmetic3A_2215 = arith.constant 16 : i32
      %shift_right_arithmetic3A_2216 = vector.broadcast %shift_right_arithmetic3A_2215 : i32 to vector<16xi32>
      %shift_right_arithmetic3A_2217 = arith.shrsi %bitcast_convert_type3A_2211, %shift_right_arithmetic3A_2216 : vector<16xi32>
      %and3A_2218 = arith.constant 1 : i32
      %and3A_2219 = vector.broadcast %and3A_2218 : i32 to vector<16xi32>
      %and3A_2220 = arith.andi %shift_right_arithmetic3A_2217, %and3A_2219 : vector<16xi32>
      %add3A_2221 = arith.addi %add3A_2214, %and3A_2220 : vector<16xi32>
      %and3A_2222 = arith.constant -65536 : i32
      %and3A_2223 = vector.broadcast %and3A_2222 : i32 to vector<16xi32>
      %and3A_2224 = arith.andi %add3A_2221, %and3A_2223 : vector<16xi32>
      %bitcast_convert_type3A_2225 = tpu.bitcast %and3A_2224 : vector<16xi32> -> vector<16xf32>
      %div3A_2226 = arith.divf %get3A_407, %max3A_1985 : vector<16xf32>
      %bitcast_convert_type3A_2227 = tpu.bitcast %div3A_2226 : vector<16xf32> -> vector<16xi32>
      %add3A_2228 = arith.constant 32767 : i32
      %add3A_2229 = vector.broadcast %add3A_2228 : i32 to vector<16xi32>
      %add3A_2230 = arith.addi %bitcast_convert_type3A_2227, %add3A_2229 : vector<16xi32>
      %shift_right_arithmetic3A_2231 = arith.constant 16 : i32
      %shift_right_arithmetic3A_2232 = vector.broadcast %shift_right_arithmetic3A_2231 : i32 to vector<16xi32>
      %shift_right_arithmetic3A_2233 = arith.shrsi %bitcast_convert_type3A_2227, %shift_right_arithmetic3A_2232 : vector<16xi32>
      %and3A_2234 = arith.constant 1 : i32
      %and3A_2235 = vector.broadcast %and3A_2234 : i32 to vector<16xi32>
      %and3A_2236 = arith.andi %shift_right_arithmetic3A_2233, %and3A_2235 : vector<16xi32>
      %add3A_2237 = arith.addi %add3A_2230, %and3A_2236 : vector<16xi32>
      %and3A_2238 = arith.constant -65536 : i32
      %and3A_2239 = vector.broadcast %and3A_2238 : i32 to vector<16xi32>
      %and3A_2240 = arith.andi %add3A_2237, %and3A_2239 : vector<16xi32>
      %bitcast_convert_type3A_2241 = tpu.bitcast %and3A_2240 : vector<16xi32> -> vector<16xf32>
      %mul3A_2242 = arith.mulf %get3A_412, %get3A_412 : vector<16xf32>
      %mul3A_2243 = arith.mulf %get3A_417, %get3A_417 : vector<16xf32>
      %mul3A_2244 = arith.mulf %get3A_422, %get3A_422 : vector<16xf32>
      %mul3A_2245 = arith.mulf %get3A_427, %get3A_427 : vector<16xf32>
      %mul3A_2246 = arith.mulf %get3A_432, %get3A_432 : vector<16xf32>
      %mul3A_2247 = arith.mulf %get3A_437, %get3A_437 : vector<16xf32>
      %mul3A_2248 = arith.mulf %get3A_442, %get3A_442 : vector<16xf32>
      %mul3A_2249 = arith.mulf %get3A_447, %get3A_447 : vector<16xf32>
      %mul3A_2250 = arith.mulf %get3A_452, %get3A_452 : vector<16xf32>
      %mul3A_2251 = arith.mulf %get3A_457, %get3A_457 : vector<16xf32>
      %mul3A_2252 = arith.mulf %get3A_462, %get3A_462 : vector<16xf32>
      %mul3A_2253 = arith.mulf %get3A_467, %get3A_467 : vector<16xf32>
      %mul3A_2254 = arith.mulf %get3A_472, %get3A_472 : vector<16xf32>
      %mul3A_2255 = arith.mulf %get3A_477, %get3A_477 : vector<16xf32>
      %mul3A_2256 = arith.mulf %get3A_482, %get3A_482 : vector<16xf32>
      %mul3A_2257 = arith.mulf %get3A_487, %get3A_487 : vector<16xf32>
      %add3A_2258 = arith.addf %mul3A_2242, %mul3A_2243 : vector<16xf32>
      %add3A_2259 = arith.addf %mul3A_2244, %mul3A_2245 : vector<16xf32>
      %add3A_2260 = arith.addf %mul3A_2246, %mul3A_2247 : vector<16xf32>
      %add3A_2261 = arith.addf %mul3A_2248, %mul3A_2249 : vector<16xf32>
      %add3A_2262 = arith.addf %mul3A_2250, %mul3A_2251 : vector<16xf32>
      %add3A_2263 = arith.addf %mul3A_2252, %mul3A_2253 : vector<16xf32>
      %add3A_2264 = arith.addf %mul3A_2254, %mul3A_2255 : vector<16xf32>
      %add3A_2265 = arith.addf %mul3A_2256, %mul3A_2257 : vector<16xf32>
      %add3A_2266 = arith.addf %add3A_2258, %add3A_2259 : vector<16xf32>
      %add3A_2267 = arith.addf %add3A_2260, %add3A_2261 : vector<16xf32>
      %add3A_2268 = arith.addf %add3A_2262, %add3A_2263 : vector<16xf32>
      %add3A_2269 = arith.addf %add3A_2264, %add3A_2265 : vector<16xf32>
      %add3A_2270 = arith.addf %add3A_2266, %add3A_2267 : vector<16xf32>
      %add3A_2271 = arith.addf %add3A_2268, %add3A_2269 : vector<16xf32>
      %add3A_2272 = arith.addf %add3A_2270, %add3A_2271 : vector<16xf32>
      %bitcast_convert_type3A_2273 = tpu.bitcast %add3A_2272 : vector<16xf32> -> vector<16xi32>
      %shift_right_arithmetic3A_2274 = arith.constant 1 : i32
      %shift_right_arithmetic3A_2275 = vector.broadcast %shift_right_arithmetic3A_2274 : i32 to vector<16xi32>
      %shift_right_arithmetic3A_2276 = arith.shrsi %bitcast_convert_type3A_2273, %shift_right_arithmetic3A_2275 : vector<16xi32>
      %sub3A_2277 = arith.constant 1597463007 : i32
      %sub3A_2278 = vector.broadcast %sub3A_2277 : i32 to vector<16xi32>
      %sub3A_2279 = arith.subi %sub3A_2278, %shift_right_arithmetic3A_2276 : vector<16xi32>
      %bitcast_convert_type3A_2280 = tpu.bitcast %sub3A_2279 : vector<16xi32> -> vector<16xf32>
      %mul3A_2281 = arith.constant 5.000000e-01 : f32
      %mul3A_2282 = vector.broadcast %mul3A_2281 : f32 to vector<16xf32>
      %mul3A_2283 = arith.mulf %mul3A_2282, %add3A_2272 : vector<16xf32>
      %mul3A_2284 = arith.mulf %mul3A_2283, %bitcast_convert_type3A_2280 : vector<16xf32>
      %mul3A_2285 = arith.mulf %mul3A_2284, %bitcast_convert_type3A_2280 : vector<16xf32>
      %sub3A_2286 = arith.constant 1.500000e+00 : f32
      %sub3A_2287 = vector.broadcast %sub3A_2286 : f32 to vector<16xf32>
      %sub3A_2288 = arith.subf %sub3A_2287, %mul3A_2285 : vector<16xf32>
      %mul3A_2289 = arith.mulf %bitcast_convert_type3A_2280, %sub3A_2288 : vector<16xf32>
      %mul3A_2290 = arith.mulf %mul3A_2283, %mul3A_2289 : vector<16xf32>
      %mul3A_2291 = arith.mulf %mul3A_2290, %mul3A_2289 : vector<16xf32>
      %sub3A_2292 = arith.constant 1.500000e+00 : f32
      %sub3A_2293 = vector.broadcast %sub3A_2292 : f32 to vector<16xf32>
      %sub3A_2294 = arith.subf %sub3A_2293, %mul3A_2291 : vector<16xf32>
      %mul3A_2295 = arith.mulf %mul3A_2289, %sub3A_2294 : vector<16xf32>
      %mul3A_2296 = arith.mulf %mul3A_2283, %mul3A_2295 : vector<16xf32>
      %mul3A_2297 = arith.mulf %mul3A_2296, %mul3A_2295 : vector<16xf32>
      %sub3A_2298 = arith.constant 1.500000e+00 : f32
      %sub3A_2299 = vector.broadcast %sub3A_2298 : f32 to vector<16xf32>
      %sub3A_2300 = arith.subf %sub3A_2299, %mul3A_2297 : vector<16xf32>
      %mul3A_2301 = arith.mulf %mul3A_2295, %sub3A_2300 : vector<16xf32>
      %mul3A_2302 = arith.mulf %add3A_2272, %mul3A_2301 : vector<16xf32>
      %max3A_2303 = arith.constant 9.99999996E-13 : f32
      %max3A_2304 = vector.broadcast %max3A_2303 : f32 to vector<16xf32>
      %max3A_2305 = arith.maximumf %mul3A_2302, %max3A_2304 : vector<16xf32>
      %div3A_2306 = arith.divf %get3A_412, %max3A_2305 : vector<16xf32>
      %bitcast_convert_type3A_2307 = tpu.bitcast %div3A_2306 : vector<16xf32> -> vector<16xi32>
      %add3A_2308 = arith.constant 32767 : i32
      %add3A_2309 = vector.broadcast %add3A_2308 : i32 to vector<16xi32>
      %add3A_2310 = arith.addi %bitcast_convert_type3A_2307, %add3A_2309 : vector<16xi32>
      %shift_right_arithmetic3A_2311 = arith.constant 16 : i32
      %shift_right_arithmetic3A_2312 = vector.broadcast %shift_right_arithmetic3A_2311 : i32 to vector<16xi32>
      %shift_right_arithmetic3A_2313 = arith.shrsi %bitcast_convert_type3A_2307, %shift_right_arithmetic3A_2312 : vector<16xi32>
      %and3A_2314 = arith.constant 1 : i32
      %and3A_2315 = vector.broadcast %and3A_2314 : i32 to vector<16xi32>
      %and3A_2316 = arith.andi %shift_right_arithmetic3A_2313, %and3A_2315 : vector<16xi32>
      %add3A_2317 = arith.addi %add3A_2310, %and3A_2316 : vector<16xi32>
      %and3A_2318 = arith.constant -65536 : i32
      %and3A_2319 = vector.broadcast %and3A_2318 : i32 to vector<16xi32>
      %and3A_2320 = arith.andi %add3A_2317, %and3A_2319 : vector<16xi32>
      %bitcast_convert_type3A_2321 = tpu.bitcast %and3A_2320 : vector<16xi32> -> vector<16xf32>
      %div3A_2322 = arith.divf %get3A_417, %max3A_2305 : vector<16xf32>
      %bitcast_convert_type3A_2323 = tpu.bitcast %div3A_2322 : vector<16xf32> -> vector<16xi32>
      %add3A_2324 = arith.constant 32767 : i32
      %add3A_2325 = vector.broadcast %add3A_2324 : i32 to vector<16xi32>
      %add3A_2326 = arith.addi %bitcast_convert_type3A_2323, %add3A_2325 : vector<16xi32>
      %shift_right_arithmetic3A_2327 = arith.constant 16 : i32
      %shift_right_arithmetic3A_2328 = vector.broadcast %shift_right_arithmetic3A_2327 : i32 to vector<16xi32>
      %shift_right_arithmetic3A_2329 = arith.shrsi %bitcast_convert_type3A_2323, %shift_right_arithmetic3A_2328 : vector<16xi32>
      %and3A_2330 = arith.constant 1 : i32
      %and3A_2331 = vector.broadcast %and3A_2330 : i32 to vector<16xi32>
      %and3A_2332 = arith.andi %shift_right_arithmetic3A_2329, %and3A_2331 : vector<16xi32>
      %add3A_2333 = arith.addi %add3A_2326, %and3A_2332 : vector<16xi32>
      %and3A_2334 = arith.constant -65536 : i32
      %and3A_2335 = vector.broadcast %and3A_2334 : i32 to vector<16xi32>
      %and3A_2336 = arith.andi %add3A_2333, %and3A_2335 : vector<16xi32>
      %bitcast_convert_type3A_2337 = tpu.bitcast %and3A_2336 : vector<16xi32> -> vector<16xf32>
      %div3A_2338 = arith.divf %get3A_422, %max3A_2305 : vector<16xf32>
      %bitcast_convert_type3A_2339 = tpu.bitcast %div3A_2338 : vector<16xf32> -> vector<16xi32>
      %add3A_2340 = arith.constant 32767 : i32
      %add3A_2341 = vector.broadcast %add3A_2340 : i32 to vector<16xi32>
      %add3A_2342 = arith.addi %bitcast_convert_type3A_2339, %add3A_2341 : vector<16xi32>
      %shift_right_arithmetic3A_2343 = arith.constant 16 : i32
      %shift_right_arithmetic3A_2344 = vector.broadcast %shift_right_arithmetic3A_2343 : i32 to vector<16xi32>
      %shift_right_arithmetic3A_2345 = arith.shrsi %bitcast_convert_type3A_2339, %shift_right_arithmetic3A_2344 : vector<16xi32>
      %and3A_2346 = arith.constant 1 : i32
      %and3A_2347 = vector.broadcast %and3A_2346 : i32 to vector<16xi32>
      %and3A_2348 = arith.andi %shift_right_arithmetic3A_2345, %and3A_2347 : vector<16xi32>
      %add3A_2349 = arith.addi %add3A_2342, %and3A_2348 : vector<16xi32>
      %and3A_2350 = arith.constant -65536 : i32
      %and3A_2351 = vector.broadcast %and3A_2350 : i32 to vector<16xi32>
      %and3A_2352 = arith.andi %add3A_2349, %and3A_2351 : vector<16xi32>
      %bitcast_convert_type3A_2353 = tpu.bitcast %and3A_2352 : vector<16xi32> -> vector<16xf32>
      %div3A_2354 = arith.divf %get3A_427, %max3A_2305 : vector<16xf32>
      %bitcast_convert_type3A_2355 = tpu.bitcast %div3A_2354 : vector<16xf32> -> vector<16xi32>
      %add3A_2356 = arith.constant 32767 : i32
      %add3A_2357 = vector.broadcast %add3A_2356 : i32 to vector<16xi32>
      %add3A_2358 = arith.addi %bitcast_convert_type3A_2355, %add3A_2357 : vector<16xi32>
      %shift_right_arithmetic3A_2359 = arith.constant 16 : i32
      %shift_right_arithmetic3A_2360 = vector.broadcast %shift_right_arithmetic3A_2359 : i32 to vector<16xi32>
      %shift_right_arithmetic3A_2361 = arith.shrsi %bitcast_convert_type3A_2355, %shift_right_arithmetic3A_2360 : vector<16xi32>
      %and3A_2362 = arith.constant 1 : i32
      %and3A_2363 = vector.broadcast %and3A_2362 : i32 to vector<16xi32>
      %and3A_2364 = arith.andi %shift_right_arithmetic3A_2361, %and3A_2363 : vector<16xi32>
      %add3A_2365 = arith.addi %add3A_2358, %and3A_2364 : vector<16xi32>
      %and3A_2366 = arith.constant -65536 : i32
      %and3A_2367 = vector.broadcast %and3A_2366 : i32 to vector<16xi32>
      %and3A_2368 = arith.andi %add3A_2365, %and3A_2367 : vector<16xi32>
      %bitcast_convert_type3A_2369 = tpu.bitcast %and3A_2368 : vector<16xi32> -> vector<16xf32>
      %div3A_2370 = arith.divf %get3A_432, %max3A_2305 : vector<16xf32>
      %bitcast_convert_type3A_2371 = tpu.bitcast %div3A_2370 : vector<16xf32> -> vector<16xi32>
      %add3A_2372 = arith.constant 32767 : i32
      %add3A_2373 = vector.broadcast %add3A_2372 : i32 to vector<16xi32>
      %add3A_2374 = arith.addi %bitcast_convert_type3A_2371, %add3A_2373 : vector<16xi32>
      %shift_right_arithmetic3A_2375 = arith.constant 16 : i32
      %shift_right_arithmetic3A_2376 = vector.broadcast %shift_right_arithmetic3A_2375 : i32 to vector<16xi32>
      %shift_right_arithmetic3A_2377 = arith.shrsi %bitcast_convert_type3A_2371, %shift_right_arithmetic3A_2376 : vector<16xi32>
      %and3A_2378 = arith.constant 1 : i32
      %and3A_2379 = vector.broadcast %and3A_2378 : i32 to vector<16xi32>
      %and3A_2380 = arith.andi %shift_right_arithmetic3A_2377, %and3A_2379 : vector<16xi32>
      %add3A_2381 = arith.addi %add3A_2374, %and3A_2380 : vector<16xi32>
      %and3A_2382 = arith.constant -65536 : i32
      %and3A_2383 = vector.broadcast %and3A_2382 : i32 to vector<16xi32>
      %and3A_2384 = arith.andi %add3A_2381, %and3A_2383 : vector<16xi32>
      %bitcast_convert_type3A_2385 = tpu.bitcast %and3A_2384 : vector<16xi32> -> vector<16xf32>
      %div3A_2386 = arith.divf %get3A_437, %max3A_2305 : vector<16xf32>
      %bitcast_convert_type3A_2387 = tpu.bitcast %div3A_2386 : vector<16xf32> -> vector<16xi32>
      %add3A_2388 = arith.constant 32767 : i32
      %add3A_2389 = vector.broadcast %add3A_2388 : i32 to vector<16xi32>
      %add3A_2390 = arith.addi %bitcast_convert_type3A_2387, %add3A_2389 : vector<16xi32>
      %shift_right_arithmetic3A_2391 = arith.constant 16 : i32
      %shift_right_arithmetic3A_2392 = vector.broadcast %shift_right_arithmetic3A_2391 : i32 to vector<16xi32>
      %shift_right_arithmetic3A_2393 = arith.shrsi %bitcast_convert_type3A_2387, %shift_right_arithmetic3A_2392 : vector<16xi32>
      %and3A_2394 = arith.constant 1 : i32
      %and3A_2395 = vector.broadcast %and3A_2394 : i32 to vector<16xi32>
      %and3A_2396 = arith.andi %shift_right_arithmetic3A_2393, %and3A_2395 : vector<16xi32>
      %add3A_2397 = arith.addi %add3A_2390, %and3A_2396 : vector<16xi32>
      %and3A_2398 = arith.constant -65536 : i32
      %and3A_2399 = vector.broadcast %and3A_2398 : i32 to vector<16xi32>
      %and3A_2400 = arith.andi %add3A_2397, %and3A_2399 : vector<16xi32>
      %bitcast_convert_type3A_2401 = tpu.bitcast %and3A_2400 : vector<16xi32> -> vector<16xf32>
      %div3A_2402 = arith.divf %get3A_442, %max3A_2305 : vector<16xf32>
      %bitcast_convert_type3A_2403 = tpu.bitcast %div3A_2402 : vector<16xf32> -> vector<16xi32>
      %add3A_2404 = arith.constant 32767 : i32
      %add3A_2405 = vector.broadcast %add3A_2404 : i32 to vector<16xi32>
      %add3A_2406 = arith.addi %bitcast_convert_type3A_2403, %add3A_2405 : vector<16xi32>
      %shift_right_arithmetic3A_2407 = arith.constant 16 : i32
      %shift_right_arithmetic3A_2408 = vector.broadcast %shift_right_arithmetic3A_2407 : i32 to vector<16xi32>
      %shift_right_arithmetic3A_2409 = arith.shrsi %bitcast_convert_type3A_2403, %shift_right_arithmetic3A_2408 : vector<16xi32>
      %and3A_2410 = arith.constant 1 : i32
      %and3A_2411 = vector.broadcast %and3A_2410 : i32 to vector<16xi32>
      %and3A_2412 = arith.andi %shift_right_arithmetic3A_2409, %and3A_2411 : vector<16xi32>
      %add3A_2413 = arith.addi %add3A_2406, %and3A_2412 : vector<16xi32>
      %and3A_2414 = arith.constant -65536 : i32
      %and3A_2415 = vector.broadcast %and3A_2414 : i32 to vector<16xi32>
      %and3A_2416 = arith.andi %add3A_2413, %and3A_2415 : vector<16xi32>
      %bitcast_convert_type3A_2417 = tpu.bitcast %and3A_2416 : vector<16xi32> -> vector<16xf32>
      %div3A_2418 = arith.divf %get3A_447, %max3A_2305 : vector<16xf32>
      %bitcast_convert_type3A_2419 = tpu.bitcast %div3A_2418 : vector<16xf32> -> vector<16xi32>
      %add3A_2420 = arith.constant 32767 : i32
      %add3A_2421 = vector.broadcast %add3A_2420 : i32 to vector<16xi32>
      %add3A_2422 = arith.addi %bitcast_convert_type3A_2419, %add3A_2421 : vector<16xi32>
      %shift_right_arithmetic3A_2423 = arith.constant 16 : i32
      %shift_right_arithmetic3A_2424 = vector.broadcast %shift_right_arithmetic3A_2423 : i32 to vector<16xi32>
      %shift_right_arithmetic3A_2425 = arith.shrsi %bitcast_convert_type3A_2419, %shift_right_arithmetic3A_2424 : vector<16xi32>
      %and3A_2426 = arith.constant 1 : i32
      %and3A_2427 = vector.broadcast %and3A_2426 : i32 to vector<16xi32>
      %and3A_2428 = arith.andi %shift_right_arithmetic3A_2425, %and3A_2427 : vector<16xi32>
      %add3A_2429 = arith.addi %add3A_2422, %and3A_2428 : vector<16xi32>
      %and3A_2430 = arith.constant -65536 : i32
      %and3A_2431 = vector.broadcast %and3A_2430 : i32 to vector<16xi32>
      %and3A_2432 = arith.andi %add3A_2429, %and3A_2431 : vector<16xi32>
      %bitcast_convert_type3A_2433 = tpu.bitcast %and3A_2432 : vector<16xi32> -> vector<16xf32>
      %div3A_2434 = arith.divf %get3A_452, %max3A_2305 : vector<16xf32>
      %bitcast_convert_type3A_2435 = tpu.bitcast %div3A_2434 : vector<16xf32> -> vector<16xi32>
      %add3A_2436 = arith.constant 32767 : i32
      %add3A_2437 = vector.broadcast %add3A_2436 : i32 to vector<16xi32>
      %add3A_2438 = arith.addi %bitcast_convert_type3A_2435, %add3A_2437 : vector<16xi32>
      %shift_right_arithmetic3A_2439 = arith.constant 16 : i32
      %shift_right_arithmetic3A_2440 = vector.broadcast %shift_right_arithmetic3A_2439 : i32 to vector<16xi32>
      %shift_right_arithmetic3A_2441 = arith.shrsi %bitcast_convert_type3A_2435, %shift_right_arithmetic3A_2440 : vector<16xi32>
      %and3A_2442 = arith.constant 1 : i32
      %and3A_2443 = vector.broadcast %and3A_2442 : i32 to vector<16xi32>
      %and3A_2444 = arith.andi %shift_right_arithmetic3A_2441, %and3A_2443 : vector<16xi32>
      %add3A_2445 = arith.addi %add3A_2438, %and3A_2444 : vector<16xi32>
      %and3A_2446 = arith.constant -65536 : i32
      %and3A_2447 = vector.broadcast %and3A_2446 : i32 to vector<16xi32>
      %and3A_2448 = arith.andi %add3A_2445, %and3A_2447 : vector<16xi32>
      %bitcast_convert_type3A_2449 = tpu.bitcast %and3A_2448 : vector<16xi32> -> vector<16xf32>
      %div3A_2450 = arith.divf %get3A_457, %max3A_2305 : vector<16xf32>
      %bitcast_convert_type3A_2451 = tpu.bitcast %div3A_2450 : vector<16xf32> -> vector<16xi32>
      %add3A_2452 = arith.constant 32767 : i32
      %add3A_2453 = vector.broadcast %add3A_2452 : i32 to vector<16xi32>
      %add3A_2454 = arith.addi %bitcast_convert_type3A_2451, %add3A_2453 : vector<16xi32>
      %shift_right_arithmetic3A_2455 = arith.constant 16 : i32
      %shift_right_arithmetic3A_2456 = vector.broadcast %shift_right_arithmetic3A_2455 : i32 to vector<16xi32>
      %shift_right_arithmetic3A_2457 = arith.shrsi %bitcast_convert_type3A_2451, %shift_right_arithmetic3A_2456 : vector<16xi32>
      %and3A_2458 = arith.constant 1 : i32
      %and3A_2459 = vector.broadcast %and3A_2458 : i32 to vector<16xi32>
      %and3A_2460 = arith.andi %shift_right_arithmetic3A_2457, %and3A_2459 : vector<16xi32>
      %add3A_2461 = arith.addi %add3A_2454, %and3A_2460 : vector<16xi32>
      %and3A_2462 = arith.constant -65536 : i32
      %and3A_2463 = vector.broadcast %and3A_2462 : i32 to vector<16xi32>
      %and3A_2464 = arith.andi %add3A_2461, %and3A_2463 : vector<16xi32>
      %bitcast_convert_type3A_2465 = tpu.bitcast %and3A_2464 : vector<16xi32> -> vector<16xf32>
      %div3A_2466 = arith.divf %get3A_462, %max3A_2305 : vector<16xf32>
      %bitcast_convert_type3A_2467 = tpu.bitcast %div3A_2466 : vector<16xf32> -> vector<16xi32>
      %add3A_2468 = arith.constant 32767 : i32
      %add3A_2469 = vector.broadcast %add3A_2468 : i32 to vector<16xi32>
      %add3A_2470 = arith.addi %bitcast_convert_type3A_2467, %add3A_2469 : vector<16xi32>
      %shift_right_arithmetic3A_2471 = arith.constant 16 : i32
      %shift_right_arithmetic3A_2472 = vector.broadcast %shift_right_arithmetic3A_2471 : i32 to vector<16xi32>
      %shift_right_arithmetic3A_2473 = arith.shrsi %bitcast_convert_type3A_2467, %shift_right_arithmetic3A_2472 : vector<16xi32>
      %and3A_2474 = arith.constant 1 : i32
      %and3A_2475 = vector.broadcast %and3A_2474 : i32 to vector<16xi32>
      %and3A_2476 = arith.andi %shift_right_arithmetic3A_2473, %and3A_2475 : vector<16xi32>
      %add3A_2477 = arith.addi %add3A_2470, %and3A_2476 : vector<16xi32>
      %and3A_2478 = arith.constant -65536 : i32
      %and3A_2479 = vector.broadcast %and3A_2478 : i32 to vector<16xi32>
      %and3A_2480 = arith.andi %add3A_2477, %and3A_2479 : vector<16xi32>
      %bitcast_convert_type3A_2481 = tpu.bitcast %and3A_2480 : vector<16xi32> -> vector<16xf32>
      %div3A_2482 = arith.divf %get3A_467, %max3A_2305 : vector<16xf32>
      %bitcast_convert_type3A_2483 = tpu.bitcast %div3A_2482 : vector<16xf32> -> vector<16xi32>
      %add3A_2484 = arith.constant 32767 : i32
      %add3A_2485 = vector.broadcast %add3A_2484 : i32 to vector<16xi32>
      %add3A_2486 = arith.addi %bitcast_convert_type3A_2483, %add3A_2485 : vector<16xi32>
      %shift_right_arithmetic3A_2487 = arith.constant 16 : i32
      %shift_right_arithmetic3A_2488 = vector.broadcast %shift_right_arithmetic3A_2487 : i32 to vector<16xi32>
      %shift_right_arithmetic3A_2489 = arith.shrsi %bitcast_convert_type3A_2483, %shift_right_arithmetic3A_2488 : vector<16xi32>
      %and3A_2490 = arith.constant 1 : i32
      %and3A_2491 = vector.broadcast %and3A_2490 : i32 to vector<16xi32>
      %and3A_2492 = arith.andi %shift_right_arithmetic3A_2489, %and3A_2491 : vector<16xi32>
      %add3A_2493 = arith.addi %add3A_2486, %and3A_2492 : vector<16xi32>
      %and3A_2494 = arith.constant -65536 : i32
      %and3A_2495 = vector.broadcast %and3A_2494 : i32 to vector<16xi32>
      %and3A_2496 = arith.andi %add3A_2493, %and3A_2495 : vector<16xi32>
      %bitcast_convert_type3A_2497 = tpu.bitcast %and3A_2496 : vector<16xi32> -> vector<16xf32>
      %div3A_2498 = arith.divf %get3A_472, %max3A_2305 : vector<16xf32>
      %bitcast_convert_type3A_2499 = tpu.bitcast %div3A_2498 : vector<16xf32> -> vector<16xi32>
      %add3A_2500 = arith.constant 32767 : i32
      %add3A_2501 = vector.broadcast %add3A_2500 : i32 to vector<16xi32>
      %add3A_2502 = arith.addi %bitcast_convert_type3A_2499, %add3A_2501 : vector<16xi32>
      %shift_right_arithmetic3A_2503 = arith.constant 16 : i32
      %shift_right_arithmetic3A_2504 = vector.broadcast %shift_right_arithmetic3A_2503 : i32 to vector<16xi32>
      %shift_right_arithmetic3A_2505 = arith.shrsi %bitcast_convert_type3A_2499, %shift_right_arithmetic3A_2504 : vector<16xi32>
      %and3A_2506 = arith.constant 1 : i32
      %and3A_2507 = vector.broadcast %and3A_2506 : i32 to vector<16xi32>
      %and3A_2508 = arith.andi %shift_right_arithmetic3A_2505, %and3A_2507 : vector<16xi32>
      %add3A_2509 = arith.addi %add3A_2502, %and3A_2508 : vector<16xi32>
      %and3A_2510 = arith.constant -65536 : i32
      %and3A_2511 = vector.broadcast %and3A_2510 : i32 to vector<16xi32>
      %and3A_2512 = arith.andi %add3A_2509, %and3A_2511 : vector<16xi32>
      %bitcast_convert_type3A_2513 = tpu.bitcast %and3A_2512 : vector<16xi32> -> vector<16xf32>
      %div3A_2514 = arith.divf %get3A_477, %max3A_2305 : vector<16xf32>
      %bitcast_convert_type3A_2515 = tpu.bitcast %div3A_2514 : vector<16xf32> -> vector<16xi32>
      %add3A_2516 = arith.constant 32767 : i32
      %add3A_2517 = vector.broadcast %add3A_2516 : i32 to vector<16xi32>
      %add3A_2518 = arith.addi %bitcast_convert_type3A_2515, %add3A_2517 : vector<16xi32>
      %shift_right_arithmetic3A_2519 = arith.constant 16 : i32
      %shift_right_arithmetic3A_2520 = vector.broadcast %shift_right_arithmetic3A_2519 : i32 to vector<16xi32>
      %shift_right_arithmetic3A_2521 = arith.shrsi %bitcast_convert_type3A_2515, %shift_right_arithmetic3A_2520 : vector<16xi32>
      %and3A_2522 = arith.constant 1 : i32
      %and3A_2523 = vector.broadcast %and3A_2522 : i32 to vector<16xi32>
      %and3A_2524 = arith.andi %shift_right_arithmetic3A_2521, %and3A_2523 : vector<16xi32>
      %add3A_2525 = arith.addi %add3A_2518, %and3A_2524 : vector<16xi32>
      %and3A_2526 = arith.constant -65536 : i32
      %and3A_2527 = vector.broadcast %and3A_2526 : i32 to vector<16xi32>
      %and3A_2528 = arith.andi %add3A_2525, %and3A_2527 : vector<16xi32>
      %bitcast_convert_type3A_2529 = tpu.bitcast %and3A_2528 : vector<16xi32> -> vector<16xf32>
      %div3A_2530 = arith.divf %get3A_482, %max3A_2305 : vector<16xf32>
      %bitcast_convert_type3A_2531 = tpu.bitcast %div3A_2530 : vector<16xf32> -> vector<16xi32>
      %add3A_2532 = arith.constant 32767 : i32
      %add3A_2533 = vector.broadcast %add3A_2532 : i32 to vector<16xi32>
      %add3A_2534 = arith.addi %bitcast_convert_type3A_2531, %add3A_2533 : vector<16xi32>
      %shift_right_arithmetic3A_2535 = arith.constant 16 : i32
      %shift_right_arithmetic3A_2536 = vector.broadcast %shift_right_arithmetic3A_2535 : i32 to vector<16xi32>
      %shift_right_arithmetic3A_2537 = arith.shrsi %bitcast_convert_type3A_2531, %shift_right_arithmetic3A_2536 : vector<16xi32>
      %and3A_2538 = arith.constant 1 : i32
      %and3A_2539 = vector.broadcast %and3A_2538 : i32 to vector<16xi32>
      %and3A_2540 = arith.andi %shift_right_arithmetic3A_2537, %and3A_2539 : vector<16xi32>
      %add3A_2541 = arith.addi %add3A_2534, %and3A_2540 : vector<16xi32>
      %and3A_2542 = arith.constant -65536 : i32
      %and3A_2543 = vector.broadcast %and3A_2542 : i32 to vector<16xi32>
      %and3A_2544 = arith.andi %add3A_2541, %and3A_2543 : vector<16xi32>
      %bitcast_convert_type3A_2545 = tpu.bitcast %and3A_2544 : vector<16xi32> -> vector<16xf32>
      %div3A_2546 = arith.divf %get3A_487, %max3A_2305 : vector<16xf32>
      %bitcast_convert_type3A_2547 = tpu.bitcast %div3A_2546 : vector<16xf32> -> vector<16xi32>
      %add3A_2548 = arith.constant 32767 : i32
      %add3A_2549 = vector.broadcast %add3A_2548 : i32 to vector<16xi32>
      %add3A_2550 = arith.addi %bitcast_convert_type3A_2547, %add3A_2549 : vector<16xi32>
      %shift_right_arithmetic3A_2551 = arith.constant 16 : i32
      %shift_right_arithmetic3A_2552 = vector.broadcast %shift_right_arithmetic3A_2551 : i32 to vector<16xi32>
      %shift_right_arithmetic3A_2553 = arith.shrsi %bitcast_convert_type3A_2547, %shift_right_arithmetic3A_2552 : vector<16xi32>
      %and3A_2554 = arith.constant 1 : i32
      %and3A_2555 = vector.broadcast %and3A_2554 : i32 to vector<16xi32>
      %and3A_2556 = arith.andi %shift_right_arithmetic3A_2553, %and3A_2555 : vector<16xi32>
      %add3A_2557 = arith.addi %add3A_2550, %and3A_2556 : vector<16xi32>
      %and3A_2558 = arith.constant -65536 : i32
      %and3A_2559 = vector.broadcast %and3A_2558 : i32 to vector<16xi32>
      %and3A_2560 = arith.andi %add3A_2557, %and3A_2559 : vector<16xi32>
      %bitcast_convert_type3A_2561 = tpu.bitcast %and3A_2560 : vector<16xi32> -> vector<16xf32>
      %mul3A_2562 = arith.mulf %get3A_492, %get3A_492 : vector<16xf32>
      %mul3A_2563 = arith.mulf %get3A_497, %get3A_497 : vector<16xf32>
      %mul3A_2564 = arith.mulf %get3A_502, %get3A_502 : vector<16xf32>
      %mul3A_2565 = arith.mulf %get3A_507, %get3A_507 : vector<16xf32>
      %mul3A_2566 = arith.mulf %get3A_512, %get3A_512 : vector<16xf32>
      %mul3A_2567 = arith.mulf %get3A_517, %get3A_517 : vector<16xf32>
      %mul3A_2568 = arith.mulf %get3A_522, %get3A_522 : vector<16xf32>
      %mul3A_2569 = arith.mulf %get3A_527, %get3A_527 : vector<16xf32>
      %mul3A_2570 = arith.mulf %get3A_532, %get3A_532 : vector<16xf32>
      %mul3A_2571 = arith.mulf %get3A_537, %get3A_537 : vector<16xf32>
      %mul3A_2572 = arith.mulf %get3A_542, %get3A_542 : vector<16xf32>
      %mul3A_2573 = arith.mulf %get3A_547, %get3A_547 : vector<16xf32>
      %mul3A_2574 = arith.mulf %get3A_552, %get3A_552 : vector<16xf32>
      %mul3A_2575 = arith.mulf %get3A_557, %get3A_557 : vector<16xf32>
      %mul3A_2576 = arith.mulf %get3A_562, %get3A_562 : vector<16xf32>
      %mul3A_2577 = arith.mulf %get3A_567, %get3A_567 : vector<16xf32>
      %add3A_2578 = arith.addf %mul3A_2562, %mul3A_2563 : vector<16xf32>
      %add3A_2579 = arith.addf %mul3A_2564, %mul3A_2565 : vector<16xf32>
      %add3A_2580 = arith.addf %mul3A_2566, %mul3A_2567 : vector<16xf32>
      %add3A_2581 = arith.addf %mul3A_2568, %mul3A_2569 : vector<16xf32>
      %add3A_2582 = arith.addf %mul3A_2570, %mul3A_2571 : vector<16xf32>
      %add3A_2583 = arith.addf %mul3A_2572, %mul3A_2573 : vector<16xf32>
      %add3A_2584 = arith.addf %mul3A_2574, %mul3A_2575 : vector<16xf32>
      %add3A_2585 = arith.addf %mul3A_2576, %mul3A_2577 : vector<16xf32>
      %add3A_2586 = arith.addf %add3A_2578, %add3A_2579 : vector<16xf32>
      %add3A_2587 = arith.addf %add3A_2580, %add3A_2581 : vector<16xf32>
      %add3A_2588 = arith.addf %add3A_2582, %add3A_2583 : vector<16xf32>
      %add3A_2589 = arith.addf %add3A_2584, %add3A_2585 : vector<16xf32>
      %add3A_2590 = arith.addf %add3A_2586, %add3A_2587 : vector<16xf32>
      %add3A_2591 = arith.addf %add3A_2588, %add3A_2589 : vector<16xf32>
      %add3A_2592 = arith.addf %add3A_2590, %add3A_2591 : vector<16xf32>
      %bitcast_convert_type3A_2593 = tpu.bitcast %add3A_2592 : vector<16xf32> -> vector<16xi32>
      %shift_right_arithmetic3A_2594 = arith.constant 1 : i32
      %shift_right_arithmetic3A_2595 = vector.broadcast %shift_right_arithmetic3A_2594 : i32 to vector<16xi32>
      %shift_right_arithmetic3A_2596 = arith.shrsi %bitcast_convert_type3A_2593, %shift_right_arithmetic3A_2595 : vector<16xi32>
      %sub3A_2597 = arith.constant 1597463007 : i32
      %sub3A_2598 = vector.broadcast %sub3A_2597 : i32 to vector<16xi32>
      %sub3A_2599 = arith.subi %sub3A_2598, %shift_right_arithmetic3A_2596 : vector<16xi32>
      %bitcast_convert_type3A_2600 = tpu.bitcast %sub3A_2599 : vector<16xi32> -> vector<16xf32>
      %mul3A_2601 = arith.constant 5.000000e-01 : f32
      %mul3A_2602 = vector.broadcast %mul3A_2601 : f32 to vector<16xf32>
      %mul3A_2603 = arith.mulf %mul3A_2602, %add3A_2592 : vector<16xf32>
      %mul3A_2604 = arith.mulf %mul3A_2603, %bitcast_convert_type3A_2600 : vector<16xf32>
      %mul3A_2605 = arith.mulf %mul3A_2604, %bitcast_convert_type3A_2600 : vector<16xf32>
      %sub3A_2606 = arith.constant 1.500000e+00 : f32
      %sub3A_2607 = vector.broadcast %sub3A_2606 : f32 to vector<16xf32>
      %sub3A_2608 = arith.subf %sub3A_2607, %mul3A_2605 : vector<16xf32>
      %mul3A_2609 = arith.mulf %bitcast_convert_type3A_2600, %sub3A_2608 : vector<16xf32>
      %mul3A_2610 = arith.mulf %mul3A_2603, %mul3A_2609 : vector<16xf32>
      %mul3A_2611 = arith.mulf %mul3A_2610, %mul3A_2609 : vector<16xf32>
      %sub3A_2612 = arith.constant 1.500000e+00 : f32
      %sub3A_2613 = vector.broadcast %sub3A_2612 : f32 to vector<16xf32>
      %sub3A_2614 = arith.subf %sub3A_2613, %mul3A_2611 : vector<16xf32>
      %mul3A_2615 = arith.mulf %mul3A_2609, %sub3A_2614 : vector<16xf32>
      %mul3A_2616 = arith.mulf %mul3A_2603, %mul3A_2615 : vector<16xf32>
      %mul3A_2617 = arith.mulf %mul3A_2616, %mul3A_2615 : vector<16xf32>
      %sub3A_2618 = arith.constant 1.500000e+00 : f32
      %sub3A_2619 = vector.broadcast %sub3A_2618 : f32 to vector<16xf32>
      %sub3A_2620 = arith.subf %sub3A_2619, %mul3A_2617 : vector<16xf32>
      %mul3A_2621 = arith.mulf %mul3A_2615, %sub3A_2620 : vector<16xf32>
      %mul3A_2622 = arith.mulf %add3A_2592, %mul3A_2621 : vector<16xf32>
      %max3A_2623 = arith.constant 9.99999996E-13 : f32
      %max3A_2624 = vector.broadcast %max3A_2623 : f32 to vector<16xf32>
      %max3A_2625 = arith.maximumf %mul3A_2622, %max3A_2624 : vector<16xf32>
      %div3A_2626 = arith.divf %get3A_492, %max3A_2625 : vector<16xf32>
      %bitcast_convert_type3A_2627 = tpu.bitcast %div3A_2626 : vector<16xf32> -> vector<16xi32>
      %add3A_2628 = arith.constant 32767 : i32
      %add3A_2629 = vector.broadcast %add3A_2628 : i32 to vector<16xi32>
      %add3A_2630 = arith.addi %bitcast_convert_type3A_2627, %add3A_2629 : vector<16xi32>
      %shift_right_arithmetic3A_2631 = arith.constant 16 : i32
      %shift_right_arithmetic3A_2632 = vector.broadcast %shift_right_arithmetic3A_2631 : i32 to vector<16xi32>
      %shift_right_arithmetic3A_2633 = arith.shrsi %bitcast_convert_type3A_2627, %shift_right_arithmetic3A_2632 : vector<16xi32>
      %and3A_2634 = arith.constant 1 : i32
      %and3A_2635 = vector.broadcast %and3A_2634 : i32 to vector<16xi32>
      %and3A_2636 = arith.andi %shift_right_arithmetic3A_2633, %and3A_2635 : vector<16xi32>
      %add3A_2637 = arith.addi %add3A_2630, %and3A_2636 : vector<16xi32>
      %and3A_2638 = arith.constant -65536 : i32
      %and3A_2639 = vector.broadcast %and3A_2638 : i32 to vector<16xi32>
      %and3A_2640 = arith.andi %add3A_2637, %and3A_2639 : vector<16xi32>
      %bitcast_convert_type3A_2641 = tpu.bitcast %and3A_2640 : vector<16xi32> -> vector<16xf32>
      %div3A_2642 = arith.divf %get3A_497, %max3A_2625 : vector<16xf32>
      %bitcast_convert_type3A_2643 = tpu.bitcast %div3A_2642 : vector<16xf32> -> vector<16xi32>
      %add3A_2644 = arith.constant 32767 : i32
      %add3A_2645 = vector.broadcast %add3A_2644 : i32 to vector<16xi32>
      %add3A_2646 = arith.addi %bitcast_convert_type3A_2643, %add3A_2645 : vector<16xi32>
      %shift_right_arithmetic3A_2647 = arith.constant 16 : i32
      %shift_right_arithmetic3A_2648 = vector.broadcast %shift_right_arithmetic3A_2647 : i32 to vector<16xi32>
      %shift_right_arithmetic3A_2649 = arith.shrsi %bitcast_convert_type3A_2643, %shift_right_arithmetic3A_2648 : vector<16xi32>
      %and3A_2650 = arith.constant 1 : i32
      %and3A_2651 = vector.broadcast %and3A_2650 : i32 to vector<16xi32>
      %and3A_2652 = arith.andi %shift_right_arithmetic3A_2649, %and3A_2651 : vector<16xi32>
      %add3A_2653 = arith.addi %add3A_2646, %and3A_2652 : vector<16xi32>
      %and3A_2654 = arith.constant -65536 : i32
      %and3A_2655 = vector.broadcast %and3A_2654 : i32 to vector<16xi32>
      %and3A_2656 = arith.andi %add3A_2653, %and3A_2655 : vector<16xi32>
      %bitcast_convert_type3A_2657 = tpu.bitcast %and3A_2656 : vector<16xi32> -> vector<16xf32>
      %div3A_2658 = arith.divf %get3A_502, %max3A_2625 : vector<16xf32>
      %bitcast_convert_type3A_2659 = tpu.bitcast %div3A_2658 : vector<16xf32> -> vector<16xi32>
      %add3A_2660 = arith.constant 32767 : i32
      %add3A_2661 = vector.broadcast %add3A_2660 : i32 to vector<16xi32>
      %add3A_2662 = arith.addi %bitcast_convert_type3A_2659, %add3A_2661 : vector<16xi32>
      %shift_right_arithmetic3A_2663 = arith.constant 16 : i32
      %shift_right_arithmetic3A_2664 = vector.broadcast %shift_right_arithmetic3A_2663 : i32 to vector<16xi32>
      %shift_right_arithmetic3A_2665 = arith.shrsi %bitcast_convert_type3A_2659, %shift_right_arithmetic3A_2664 : vector<16xi32>
      %and3A_2666 = arith.constant 1 : i32
      %and3A_2667 = vector.broadcast %and3A_2666 : i32 to vector<16xi32>
      %and3A_2668 = arith.andi %shift_right_arithmetic3A_2665, %and3A_2667 : vector<16xi32>
      %add3A_2669 = arith.addi %add3A_2662, %and3A_2668 : vector<16xi32>
      %and3A_2670 = arith.constant -65536 : i32
      %and3A_2671 = vector.broadcast %and3A_2670 : i32 to vector<16xi32>
      %and3A_2672 = arith.andi %add3A_2669, %and3A_2671 : vector<16xi32>
      %bitcast_convert_type3A_2673 = tpu.bitcast %and3A_2672 : vector<16xi32> -> vector<16xf32>
      %div3A_2674 = arith.divf %get3A_507, %max3A_2625 : vector<16xf32>
      %bitcast_convert_type3A_2675 = tpu.bitcast %div3A_2674 : vector<16xf32> -> vector<16xi32>
      %add3A_2676 = arith.constant 32767 : i32
      %add3A_2677 = vector.broadcast %add3A_2676 : i32 to vector<16xi32>
      %add3A_2678 = arith.addi %bitcast_convert_type3A_2675, %add3A_2677 : vector<16xi32>
      %shift_right_arithmetic3A_2679 = arith.constant 16 : i32
      %shift_right_arithmetic3A_2680 = vector.broadcast %shift_right_arithmetic3A_2679 : i32 to vector<16xi32>
      %shift_right_arithmetic3A_2681 = arith.shrsi %bitcast_convert_type3A_2675, %shift_right_arithmetic3A_2680 : vector<16xi32>
      %and3A_2682 = arith.constant 1 : i32
      %and3A_2683 = vector.broadcast %and3A_2682 : i32 to vector<16xi32>
      %and3A_2684 = arith.andi %shift_right_arithmetic3A_2681, %and3A_2683 : vector<16xi32>
      %add3A_2685 = arith.addi %add3A_2678, %and3A_2684 : vector<16xi32>
      %and3A_2686 = arith.constant -65536 : i32
      %and3A_2687 = vector.broadcast %and3A_2686 : i32 to vector<16xi32>
      %and3A_2688 = arith.andi %add3A_2685, %and3A_2687 : vector<16xi32>
      %bitcast_convert_type3A_2689 = tpu.bitcast %and3A_2688 : vector<16xi32> -> vector<16xf32>
      %div3A_2690 = arith.divf %get3A_512, %max3A_2625 : vector<16xf32>
      %bitcast_convert_type3A_2691 = tpu.bitcast %div3A_2690 : vector<16xf32> -> vector<16xi32>
      %add3A_2692 = arith.constant 32767 : i32
      %add3A_2693 = vector.broadcast %add3A_2692 : i32 to vector<16xi32>
      %add3A_2694 = arith.addi %bitcast_convert_type3A_2691, %add3A_2693 : vector<16xi32>
      %shift_right_arithmetic3A_2695 = arith.constant 16 : i32
      %shift_right_arithmetic3A_2696 = vector.broadcast %shift_right_arithmetic3A_2695 : i32 to vector<16xi32>
      %shift_right_arithmetic3A_2697 = arith.shrsi %bitcast_convert_type3A_2691, %shift_right_arithmetic3A_2696 : vector<16xi32>
      %and3A_2698 = arith.constant 1 : i32
      %and3A_2699 = vector.broadcast %and3A_2698 : i32 to vector<16xi32>
      %and3A_2700 = arith.andi %shift_right_arithmetic3A_2697, %and3A_2699 : vector<16xi32>
      %add3A_2701 = arith.addi %add3A_2694, %and3A_2700 : vector<16xi32>
      %and3A_2702 = arith.constant -65536 : i32
      %and3A_2703 = vector.broadcast %and3A_2702 : i32 to vector<16xi32>
      %and3A_2704 = arith.andi %add3A_2701, %and3A_2703 : vector<16xi32>
      %bitcast_convert_type3A_2705 = tpu.bitcast %and3A_2704 : vector<16xi32> -> vector<16xf32>
      %div3A_2706 = arith.divf %get3A_517, %max3A_2625 : vector<16xf32>
      %bitcast_convert_type3A_2707 = tpu.bitcast %div3A_2706 : vector<16xf32> -> vector<16xi32>
      %add3A_2708 = arith.constant 32767 : i32
      %add3A_2709 = vector.broadcast %add3A_2708 : i32 to vector<16xi32>
      %add3A_2710 = arith.addi %bitcast_convert_type3A_2707, %add3A_2709 : vector<16xi32>
      %shift_right_arithmetic3A_2711 = arith.constant 16 : i32
      %shift_right_arithmetic3A_2712 = vector.broadcast %shift_right_arithmetic3A_2711 : i32 to vector<16xi32>
      %shift_right_arithmetic3A_2713 = arith.shrsi %bitcast_convert_type3A_2707, %shift_right_arithmetic3A_2712 : vector<16xi32>
      %and3A_2714 = arith.constant 1 : i32
      %and3A_2715 = vector.broadcast %and3A_2714 : i32 to vector<16xi32>
      %and3A_2716 = arith.andi %shift_right_arithmetic3A_2713, %and3A_2715 : vector<16xi32>
      %add3A_2717 = arith.addi %add3A_2710, %and3A_2716 : vector<16xi32>
      %and3A_2718 = arith.constant -65536 : i32
      %and3A_2719 = vector.broadcast %and3A_2718 : i32 to vector<16xi32>
      %and3A_2720 = arith.andi %add3A_2717, %and3A_2719 : vector<16xi32>
      %bitcast_convert_type3A_2721 = tpu.bitcast %and3A_2720 : vector<16xi32> -> vector<16xf32>
      %div3A_2722 = arith.divf %get3A_522, %max3A_2625 : vector<16xf32>
      %bitcast_convert_type3A_2723 = tpu.bitcast %div3A_2722 : vector<16xf32> -> vector<16xi32>
      %add3A_2724 = arith.constant 32767 : i32
      %add3A_2725 = vector.broadcast %add3A_2724 : i32 to vector<16xi32>
      %add3A_2726 = arith.addi %bitcast_convert_type3A_2723, %add3A_2725 : vector<16xi32>
      %shift_right_arithmetic3A_2727 = arith.constant 16 : i32
      %shift_right_arithmetic3A_2728 = vector.broadcast %shift_right_arithmetic3A_2727 : i32 to vector<16xi32>
      %shift_right_arithmetic3A_2729 = arith.shrsi %bitcast_convert_type3A_2723, %shift_right_arithmetic3A_2728 : vector<16xi32>
      %and3A_2730 = arith.constant 1 : i32
      %and3A_2731 = vector.broadcast %and3A_2730 : i32 to vector<16xi32>
      %and3A_2732 = arith.andi %shift_right_arithmetic3A_2729, %and3A_2731 : vector<16xi32>
      %add3A_2733 = arith.addi %add3A_2726, %and3A_2732 : vector<16xi32>
      %and3A_2734 = arith.constant -65536 : i32
      %and3A_2735 = vector.broadcast %and3A_2734 : i32 to vector<16xi32>
      %and3A_2736 = arith.andi %add3A_2733, %and3A_2735 : vector<16xi32>
      %bitcast_convert_type3A_2737 = tpu.bitcast %and3A_2736 : vector<16xi32> -> vector<16xf32>
      %div3A_2738 = arith.divf %get3A_527, %max3A_2625 : vector<16xf32>
      %bitcast_convert_type3A_2739 = tpu.bitcast %div3A_2738 : vector<16xf32> -> vector<16xi32>
      %add3A_2740 = arith.constant 32767 : i32
      %add3A_2741 = vector.broadcast %add3A_2740 : i32 to vector<16xi32>
      %add3A_2742 = arith.addi %bitcast_convert_type3A_2739, %add3A_2741 : vector<16xi32>
      %shift_right_arithmetic3A_2743 = arith.constant 16 : i32
      %shift_right_arithmetic3A_2744 = vector.broadcast %shift_right_arithmetic3A_2743 : i32 to vector<16xi32>
      %shift_right_arithmetic3A_2745 = arith.shrsi %bitcast_convert_type3A_2739, %shift_right_arithmetic3A_2744 : vector<16xi32>
      %and3A_2746 = arith.constant 1 : i32
      %and3A_2747 = vector.broadcast %and3A_2746 : i32 to vector<16xi32>
      %and3A_2748 = arith.andi %shift_right_arithmetic3A_2745, %and3A_2747 : vector<16xi32>
      %add3A_2749 = arith.addi %add3A_2742, %and3A_2748 : vector<16xi32>
      %and3A_2750 = arith.constant -65536 : i32
      %and3A_2751 = vector.broadcast %and3A_2750 : i32 to vector<16xi32>
      %and3A_2752 = arith.andi %add3A_2749, %and3A_2751 : vector<16xi32>
      %bitcast_convert_type3A_2753 = tpu.bitcast %and3A_2752 : vector<16xi32> -> vector<16xf32>
      %div3A_2754 = arith.divf %get3A_532, %max3A_2625 : vector<16xf32>
      %bitcast_convert_type3A_2755 = tpu.bitcast %div3A_2754 : vector<16xf32> -> vector<16xi32>
      %add3A_2756 = arith.constant 32767 : i32
      %add3A_2757 = vector.broadcast %add3A_2756 : i32 to vector<16xi32>
      %add3A_2758 = arith.addi %bitcast_convert_type3A_2755, %add3A_2757 : vector<16xi32>
      %shift_right_arithmetic3A_2759 = arith.constant 16 : i32
      %shift_right_arithmetic3A_2760 = vector.broadcast %shift_right_arithmetic3A_2759 : i32 to vector<16xi32>
      %shift_right_arithmetic3A_2761 = arith.shrsi %bitcast_convert_type3A_2755, %shift_right_arithmetic3A_2760 : vector<16xi32>
      %and3A_2762 = arith.constant 1 : i32
      %and3A_2763 = vector.broadcast %and3A_2762 : i32 to vector<16xi32>
      %and3A_2764 = arith.andi %shift_right_arithmetic3A_2761, %and3A_2763 : vector<16xi32>
      %add3A_2765 = arith.addi %add3A_2758, %and3A_2764 : vector<16xi32>
      %and3A_2766 = arith.constant -65536 : i32
      %and3A_2767 = vector.broadcast %and3A_2766 : i32 to vector<16xi32>
      %and3A_2768 = arith.andi %add3A_2765, %and3A_2767 : vector<16xi32>
      %bitcast_convert_type3A_2769 = tpu.bitcast %and3A_2768 : vector<16xi32> -> vector<16xf32>
      %div3A_2770 = arith.divf %get3A_537, %max3A_2625 : vector<16xf32>
      %bitcast_convert_type3A_2771 = tpu.bitcast %div3A_2770 : vector<16xf32> -> vector<16xi32>
      %add3A_2772 = arith.constant 32767 : i32
      %add3A_2773 = vector.broadcast %add3A_2772 : i32 to vector<16xi32>
      %add3A_2774 = arith.addi %bitcast_convert_type3A_2771, %add3A_2773 : vector<16xi32>
      %shift_right_arithmetic3A_2775 = arith.constant 16 : i32
      %shift_right_arithmetic3A_2776 = vector.broadcast %shift_right_arithmetic3A_2775 : i32 to vector<16xi32>
      %shift_right_arithmetic3A_2777 = arith.shrsi %bitcast_convert_type3A_2771, %shift_right_arithmetic3A_2776 : vector<16xi32>
      %and3A_2778 = arith.constant 1 : i32
      %and3A_2779 = vector.broadcast %and3A_2778 : i32 to vector<16xi32>
      %and3A_2780 = arith.andi %shift_right_arithmetic3A_2777, %and3A_2779 : vector<16xi32>
      %add3A_2781 = arith.addi %add3A_2774, %and3A_2780 : vector<16xi32>
      %and3A_2782 = arith.constant -65536 : i32
      %and3A_2783 = vector.broadcast %and3A_2782 : i32 to vector<16xi32>
      %and3A_2784 = arith.andi %add3A_2781, %and3A_2783 : vector<16xi32>
      %bitcast_convert_type3A_2785 = tpu.bitcast %and3A_2784 : vector<16xi32> -> vector<16xf32>
      %div3A_2786 = arith.divf %get3A_542, %max3A_2625 : vector<16xf32>
      %bitcast_convert_type3A_2787 = tpu.bitcast %div3A_2786 : vector<16xf32> -> vector<16xi32>
      %add3A_2788 = arith.constant 32767 : i32
      %add3A_2789 = vector.broadcast %add3A_2788 : i32 to vector<16xi32>
      %add3A_2790 = arith.addi %bitcast_convert_type3A_2787, %add3A_2789 : vector<16xi32>
      %shift_right_arithmetic3A_2791 = arith.constant 16 : i32
      %shift_right_arithmetic3A_2792 = vector.broadcast %shift_right_arithmetic3A_2791 : i32 to vector<16xi32>
      %shift_right_arithmetic3A_2793 = arith.shrsi %bitcast_convert_type3A_2787, %shift_right_arithmetic3A_2792 : vector<16xi32>
      %and3A_2794 = arith.constant 1 : i32
      %and3A_2795 = vector.broadcast %and3A_2794 : i32 to vector<16xi32>
      %and3A_2796 = arith.andi %shift_right_arithmetic3A_2793, %and3A_2795 : vector<16xi32>
      %add3A_2797 = arith.addi %add3A_2790, %and3A_2796 : vector<16xi32>
      %and3A_2798 = arith.constant -65536 : i32
      %and3A_2799 = vector.broadcast %and3A_2798 : i32 to vector<16xi32>
      %and3A_2800 = arith.andi %add3A_2797, %and3A_2799 : vector<16xi32>
      %bitcast_convert_type3A_2801 = tpu.bitcast %and3A_2800 : vector<16xi32> -> vector<16xf32>
      %div3A_2802 = arith.divf %get3A_547, %max3A_2625 : vector<16xf32>
      %bitcast_convert_type3A_2803 = tpu.bitcast %div3A_2802 : vector<16xf32> -> vector<16xi32>
      %add3A_2804 = arith.constant 32767 : i32
      %add3A_2805 = vector.broadcast %add3A_2804 : i32 to vector<16xi32>
      %add3A_2806 = arith.addi %bitcast_convert_type3A_2803, %add3A_2805 : vector<16xi32>
      %shift_right_arithmetic3A_2807 = arith.constant 16 : i32
      %shift_right_arithmetic3A_2808 = vector.broadcast %shift_right_arithmetic3A_2807 : i32 to vector<16xi32>
      %shift_right_arithmetic3A_2809 = arith.shrsi %bitcast_convert_type3A_2803, %shift_right_arithmetic3A_2808 : vector<16xi32>
      %and3A_2810 = arith.constant 1 : i32
      %and3A_2811 = vector.broadcast %and3A_2810 : i32 to vector<16xi32>
      %and3A_2812 = arith.andi %shift_right_arithmetic3A_2809, %and3A_2811 : vector<16xi32>
      %add3A_2813 = arith.addi %add3A_2806, %and3A_2812 : vector<16xi32>
      %and3A_2814 = arith.constant -65536 : i32
      %and3A_2815 = vector.broadcast %and3A_2814 : i32 to vector<16xi32>
      %and3A_2816 = arith.andi %add3A_2813, %and3A_2815 : vector<16xi32>
      %bitcast_convert_type3A_2817 = tpu.bitcast %and3A_2816 : vector<16xi32> -> vector<16xf32>
      %div3A_2818 = arith.divf %get3A_552, %max3A_2625 : vector<16xf32>
      %bitcast_convert_type3A_2819 = tpu.bitcast %div3A_2818 : vector<16xf32> -> vector<16xi32>
      %add3A_2820 = arith.constant 32767 : i32
      %add3A_2821 = vector.broadcast %add3A_2820 : i32 to vector<16xi32>
      %add3A_2822 = arith.addi %bitcast_convert_type3A_2819, %add3A_2821 : vector<16xi32>
      %shift_right_arithmetic3A_2823 = arith.constant 16 : i32
      %shift_right_arithmetic3A_2824 = vector.broadcast %shift_right_arithmetic3A_2823 : i32 to vector<16xi32>
      %shift_right_arithmetic3A_2825 = arith.shrsi %bitcast_convert_type3A_2819, %shift_right_arithmetic3A_2824 : vector<16xi32>
      %and3A_2826 = arith.constant 1 : i32
      %and3A_2827 = vector.broadcast %and3A_2826 : i32 to vector<16xi32>
      %and3A_2828 = arith.andi %shift_right_arithmetic3A_2825, %and3A_2827 : vector<16xi32>
      %add3A_2829 = arith.addi %add3A_2822, %and3A_2828 : vector<16xi32>
      %and3A_2830 = arith.constant -65536 : i32
      %and3A_2831 = vector.broadcast %and3A_2830 : i32 to vector<16xi32>
      %and3A_2832 = arith.andi %add3A_2829, %and3A_2831 : vector<16xi32>
      %bitcast_convert_type3A_2833 = tpu.bitcast %and3A_2832 : vector<16xi32> -> vector<16xf32>
      %div3A_2834 = arith.divf %get3A_557, %max3A_2625 : vector<16xf32>
      %bitcast_convert_type3A_2835 = tpu.bitcast %div3A_2834 : vector<16xf32> -> vector<16xi32>
      %add3A_2836 = arith.constant 32767 : i32
      %add3A_2837 = vector.broadcast %add3A_2836 : i32 to vector<16xi32>
      %add3A_2838 = arith.addi %bitcast_convert_type3A_2835, %add3A_2837 : vector<16xi32>
      %shift_right_arithmetic3A_2839 = arith.constant 16 : i32
      %shift_right_arithmetic3A_2840 = vector.broadcast %shift_right_arithmetic3A_2839 : i32 to vector<16xi32>
      %shift_right_arithmetic3A_2841 = arith.shrsi %bitcast_convert_type3A_2835, %shift_right_arithmetic3A_2840 : vector<16xi32>
      %and3A_2842 = arith.constant 1 : i32
      %and3A_2843 = vector.broadcast %and3A_2842 : i32 to vector<16xi32>
      %and3A_2844 = arith.andi %shift_right_arithmetic3A_2841, %and3A_2843 : vector<16xi32>
      %add3A_2845 = arith.addi %add3A_2838, %and3A_2844 : vector<16xi32>
      %and3A_2846 = arith.constant -65536 : i32
      %and3A_2847 = vector.broadcast %and3A_2846 : i32 to vector<16xi32>
      %and3A_2848 = arith.andi %add3A_2845, %and3A_2847 : vector<16xi32>
      %bitcast_convert_type3A_2849 = tpu.bitcast %and3A_2848 : vector<16xi32> -> vector<16xf32>
      %div3A_2850 = arith.divf %get3A_562, %max3A_2625 : vector<16xf32>
      %bitcast_convert_type3A_2851 = tpu.bitcast %div3A_2850 : vector<16xf32> -> vector<16xi32>
      %add3A_2852 = arith.constant 32767 : i32
      %add3A_2853 = vector.broadcast %add3A_2852 : i32 to vector<16xi32>
      %add3A_2854 = arith.addi %bitcast_convert_type3A_2851, %add3A_2853 : vector<16xi32>
      %shift_right_arithmetic3A_2855 = arith.constant 16 : i32
      %shift_right_arithmetic3A_2856 = vector.broadcast %shift_right_arithmetic3A_2855 : i32 to vector<16xi32>
      %shift_right_arithmetic3A_2857 = arith.shrsi %bitcast_convert_type3A_2851, %shift_right_arithmetic3A_2856 : vector<16xi32>
      %and3A_2858 = arith.constant 1 : i32
      %and3A_2859 = vector.broadcast %and3A_2858 : i32 to vector<16xi32>
      %and3A_2860 = arith.andi %shift_right_arithmetic3A_2857, %and3A_2859 : vector<16xi32>
      %add3A_2861 = arith.addi %add3A_2854, %and3A_2860 : vector<16xi32>
      %and3A_2862 = arith.constant -65536 : i32
      %and3A_2863 = vector.broadcast %and3A_2862 : i32 to vector<16xi32>
      %and3A_2864 = arith.andi %add3A_2861, %and3A_2863 : vector<16xi32>
      %bitcast_convert_type3A_2865 = tpu.bitcast %and3A_2864 : vector<16xi32> -> vector<16xf32>
      %div3A_2866 = arith.divf %get3A_567, %max3A_2625 : vector<16xf32>
      %bitcast_convert_type3A_2867 = tpu.bitcast %div3A_2866 : vector<16xf32> -> vector<16xi32>
      %add3A_2868 = arith.constant 32767 : i32
      %add3A_2869 = vector.broadcast %add3A_2868 : i32 to vector<16xi32>
      %add3A_2870 = arith.addi %bitcast_convert_type3A_2867, %add3A_2869 : vector<16xi32>
      %shift_right_arithmetic3A_2871 = arith.constant 16 : i32
      %shift_right_arithmetic3A_2872 = vector.broadcast %shift_right_arithmetic3A_2871 : i32 to vector<16xi32>
      %shift_right_arithmetic3A_2873 = arith.shrsi %bitcast_convert_type3A_2867, %shift_right_arithmetic3A_2872 : vector<16xi32>
      %and3A_2874 = arith.constant 1 : i32
      %and3A_2875 = vector.broadcast %and3A_2874 : i32 to vector<16xi32>
      %and3A_2876 = arith.andi %shift_right_arithmetic3A_2873, %and3A_2875 : vector<16xi32>
      %add3A_2877 = arith.addi %add3A_2870, %and3A_2876 : vector<16xi32>
      %and3A_2878 = arith.constant -65536 : i32
      %and3A_2879 = vector.broadcast %and3A_2878 : i32 to vector<16xi32>
      %and3A_2880 = arith.andi %add3A_2877, %and3A_2879 : vector<16xi32>
      %bitcast_convert_type3A_2881 = tpu.bitcast %and3A_2880 : vector<16xi32> -> vector<16xf32>
      %mul3A_2882 = arith.mulf %get3A_572, %get3A_572 : vector<16xf32>
      %mul3A_2883 = arith.mulf %get3A_577, %get3A_577 : vector<16xf32>
      %mul3A_2884 = arith.mulf %get3A_582, %get3A_582 : vector<16xf32>
      %mul3A_2885 = arith.mulf %get3A_587, %get3A_587 : vector<16xf32>
      %mul3A_2886 = arith.mulf %get3A_592, %get3A_592 : vector<16xf32>
      %mul3A_2887 = arith.mulf %get3A_597, %get3A_597 : vector<16xf32>
      %mul3A_2888 = arith.mulf %get3A_602, %get3A_602 : vector<16xf32>
      %mul3A_2889 = arith.mulf %get3A_607, %get3A_607 : vector<16xf32>
      %mul3A_2890 = arith.mulf %get3A_612, %get3A_612 : vector<16xf32>
      %mul3A_2891 = arith.mulf %get3A_617, %get3A_617 : vector<16xf32>
      %mul3A_2892 = arith.mulf %get3A_622, %get3A_622 : vector<16xf32>
      %mul3A_2893 = arith.mulf %get3A_627, %get3A_627 : vector<16xf32>
      %mul3A_2894 = arith.mulf %get3A_632, %get3A_632 : vector<16xf32>
      %mul3A_2895 = arith.mulf %get3A_637, %get3A_637 : vector<16xf32>
      %mul3A_2896 = arith.mulf %get3A_642, %get3A_642 : vector<16xf32>
      %mul3A_2897 = arith.mulf %get3A_647, %get3A_647 : vector<16xf32>
      %add3A_2898 = arith.addf %mul3A_2882, %mul3A_2883 : vector<16xf32>
      %add3A_2899 = arith.addf %mul3A_2884, %mul3A_2885 : vector<16xf32>
      %add3A_2900 = arith.addf %mul3A_2886, %mul3A_2887 : vector<16xf32>
      %add3A_2901 = arith.addf %mul3A_2888, %mul3A_2889 : vector<16xf32>
      %add3A_2902 = arith.addf %mul3A_2890, %mul3A_2891 : vector<16xf32>
      %add3A_2903 = arith.addf %mul3A_2892, %mul3A_2893 : vector<16xf32>
      %add3A_2904 = arith.addf %mul3A_2894, %mul3A_2895 : vector<16xf32>
      %add3A_2905 = arith.addf %mul3A_2896, %mul3A_2897 : vector<16xf32>
      %add3A_2906 = arith.addf %add3A_2898, %add3A_2899 : vector<16xf32>
      %add3A_2907 = arith.addf %add3A_2900, %add3A_2901 : vector<16xf32>
      %add3A_2908 = arith.addf %add3A_2902, %add3A_2903 : vector<16xf32>
      %add3A_2909 = arith.addf %add3A_2904, %add3A_2905 : vector<16xf32>
      %add3A_2910 = arith.addf %add3A_2906, %add3A_2907 : vector<16xf32>
      %add3A_2911 = arith.addf %add3A_2908, %add3A_2909 : vector<16xf32>
      %add3A_2912 = arith.addf %add3A_2910, %add3A_2911 : vector<16xf32>
      %bitcast_convert_type3A_2913 = tpu.bitcast %add3A_2912 : vector<16xf32> -> vector<16xi32>
      %shift_right_arithmetic3A_2914 = arith.constant 1 : i32
      %shift_right_arithmetic3A_2915 = vector.broadcast %shift_right_arithmetic3A_2914 : i32 to vector<16xi32>
      %shift_right_arithmetic3A_2916 = arith.shrsi %bitcast_convert_type3A_2913, %shift_right_arithmetic3A_2915 : vector<16xi32>
      %sub3A_2917 = arith.constant 1597463007 : i32
      %sub3A_2918 = vector.broadcast %sub3A_2917 : i32 to vector<16xi32>
      %sub3A_2919 = arith.subi %sub3A_2918, %shift_right_arithmetic3A_2916 : vector<16xi32>
      %bitcast_convert_type3A_2920 = tpu.bitcast %sub3A_2919 : vector<16xi32> -> vector<16xf32>
      %mul3A_2921 = arith.constant 5.000000e-01 : f32
      %mul3A_2922 = vector.broadcast %mul3A_2921 : f32 to vector<16xf32>
      %mul3A_2923 = arith.mulf %mul3A_2922, %add3A_2912 : vector<16xf32>
      %mul3A_2924 = arith.mulf %mul3A_2923, %bitcast_convert_type3A_2920 : vector<16xf32>
      %mul3A_2925 = arith.mulf %mul3A_2924, %bitcast_convert_type3A_2920 : vector<16xf32>
      %sub3A_2926 = arith.constant 1.500000e+00 : f32
      %sub3A_2927 = vector.broadcast %sub3A_2926 : f32 to vector<16xf32>
      %sub3A_2928 = arith.subf %sub3A_2927, %mul3A_2925 : vector<16xf32>
      %mul3A_2929 = arith.mulf %bitcast_convert_type3A_2920, %sub3A_2928 : vector<16xf32>
      %mul3A_2930 = arith.mulf %mul3A_2923, %mul3A_2929 : vector<16xf32>
      %mul3A_2931 = arith.mulf %mul3A_2930, %mul3A_2929 : vector<16xf32>
      %sub3A_2932 = arith.constant 1.500000e+00 : f32
      %sub3A_2933 = vector.broadcast %sub3A_2932 : f32 to vector<16xf32>
      %sub3A_2934 = arith.subf %sub3A_2933, %mul3A_2931 : vector<16xf32>
      %mul3A_2935 = arith.mulf %mul3A_2929, %sub3A_2934 : vector<16xf32>
      %mul3A_2936 = arith.mulf %mul3A_2923, %mul3A_2935 : vector<16xf32>
      %mul3A_2937 = arith.mulf %mul3A_2936, %mul3A_2935 : vector<16xf32>
      %sub3A_2938 = arith.constant 1.500000e+00 : f32
      %sub3A_2939 = vector.broadcast %sub3A_2938 : f32 to vector<16xf32>
      %sub3A_2940 = arith.subf %sub3A_2939, %mul3A_2937 : vector<16xf32>
      %mul3A_2941 = arith.mulf %mul3A_2935, %sub3A_2940 : vector<16xf32>
      %mul3A_2942 = arith.mulf %add3A_2912, %mul3A_2941 : vector<16xf32>
      %max3A_2943 = arith.constant 9.99999996E-13 : f32
      %max3A_2944 = vector.broadcast %max3A_2943 : f32 to vector<16xf32>
      %max3A_2945 = arith.maximumf %mul3A_2942, %max3A_2944 : vector<16xf32>
      %div3A_2946 = arith.divf %get3A_572, %max3A_2945 : vector<16xf32>
      %bitcast_convert_type3A_2947 = tpu.bitcast %div3A_2946 : vector<16xf32> -> vector<16xi32>
      %add3A_2948 = arith.constant 32767 : i32
      %add3A_2949 = vector.broadcast %add3A_2948 : i32 to vector<16xi32>
      %add3A_2950 = arith.addi %bitcast_convert_type3A_2947, %add3A_2949 : vector<16xi32>
      %shift_right_arithmetic3A_2951 = arith.constant 16 : i32
      %shift_right_arithmetic3A_2952 = vector.broadcast %shift_right_arithmetic3A_2951 : i32 to vector<16xi32>
      %shift_right_arithmetic3A_2953 = arith.shrsi %bitcast_convert_type3A_2947, %shift_right_arithmetic3A_2952 : vector<16xi32>
      %and3A_2954 = arith.constant 1 : i32
      %and3A_2955 = vector.broadcast %and3A_2954 : i32 to vector<16xi32>
      %and3A_2956 = arith.andi %shift_right_arithmetic3A_2953, %and3A_2955 : vector<16xi32>
      %add3A_2957 = arith.addi %add3A_2950, %and3A_2956 : vector<16xi32>
      %and3A_2958 = arith.constant -65536 : i32
      %and3A_2959 = vector.broadcast %and3A_2958 : i32 to vector<16xi32>
      %and3A_2960 = arith.andi %add3A_2957, %and3A_2959 : vector<16xi32>
      %bitcast_convert_type3A_2961 = tpu.bitcast %and3A_2960 : vector<16xi32> -> vector<16xf32>
      %div3A_2962 = arith.divf %get3A_577, %max3A_2945 : vector<16xf32>
      %bitcast_convert_type3A_2963 = tpu.bitcast %div3A_2962 : vector<16xf32> -> vector<16xi32>
      %add3A_2964 = arith.constant 32767 : i32
      %add3A_2965 = vector.broadcast %add3A_2964 : i32 to vector<16xi32>
      %add3A_2966 = arith.addi %bitcast_convert_type3A_2963, %add3A_2965 : vector<16xi32>
      %shift_right_arithmetic3A_2967 = arith.constant 16 : i32
      %shift_right_arithmetic3A_2968 = vector.broadcast %shift_right_arithmetic3A_2967 : i32 to vector<16xi32>
      %shift_right_arithmetic3A_2969 = arith.shrsi %bitcast_convert_type3A_2963, %shift_right_arithmetic3A_2968 : vector<16xi32>
      %and3A_2970 = arith.constant 1 : i32
      %and3A_2971 = vector.broadcast %and3A_2970 : i32 to vector<16xi32>
      %and3A_2972 = arith.andi %shift_right_arithmetic3A_2969, %and3A_2971 : vector<16xi32>
      %add3A_2973 = arith.addi %add3A_2966, %and3A_2972 : vector<16xi32>
      %and3A_2974 = arith.constant -65536 : i32
      %and3A_2975 = vector.broadcast %and3A_2974 : i32 to vector<16xi32>
      %and3A_2976 = arith.andi %add3A_2973, %and3A_2975 : vector<16xi32>
      %bitcast_convert_type3A_2977 = tpu.bitcast %and3A_2976 : vector<16xi32> -> vector<16xf32>
      %div3A_2978 = arith.divf %get3A_582, %max3A_2945 : vector<16xf32>
      %bitcast_convert_type3A_2979 = tpu.bitcast %div3A_2978 : vector<16xf32> -> vector<16xi32>
      %add3A_2980 = arith.constant 32767 : i32
      %add3A_2981 = vector.broadcast %add3A_2980 : i32 to vector<16xi32>
      %add3A_2982 = arith.addi %bitcast_convert_type3A_2979, %add3A_2981 : vector<16xi32>
      %shift_right_arithmetic3A_2983 = arith.constant 16 : i32
      %shift_right_arithmetic3A_2984 = vector.broadcast %shift_right_arithmetic3A_2983 : i32 to vector<16xi32>
      %shift_right_arithmetic3A_2985 = arith.shrsi %bitcast_convert_type3A_2979, %shift_right_arithmetic3A_2984 : vector<16xi32>
      %and3A_2986 = arith.constant 1 : i32
      %and3A_2987 = vector.broadcast %and3A_2986 : i32 to vector<16xi32>
      %and3A_2988 = arith.andi %shift_right_arithmetic3A_2985, %and3A_2987 : vector<16xi32>
      %add3A_2989 = arith.addi %add3A_2982, %and3A_2988 : vector<16xi32>
      %and3A_2990 = arith.constant -65536 : i32
      %and3A_2991 = vector.broadcast %and3A_2990 : i32 to vector<16xi32>
      %and3A_2992 = arith.andi %add3A_2989, %and3A_2991 : vector<16xi32>
      %bitcast_convert_type3A_2993 = tpu.bitcast %and3A_2992 : vector<16xi32> -> vector<16xf32>
      %div3A_2994 = arith.divf %get3A_587, %max3A_2945 : vector<16xf32>
      %bitcast_convert_type3A_2995 = tpu.bitcast %div3A_2994 : vector<16xf32> -> vector<16xi32>
      %add3A_2996 = arith.constant 32767 : i32
      %add3A_2997 = vector.broadcast %add3A_2996 : i32 to vector<16xi32>
      %add3A_2998 = arith.addi %bitcast_convert_type3A_2995, %add3A_2997 : vector<16xi32>
      %shift_right_arithmetic3A_2999 = arith.constant 16 : i32
      %shift_right_arithmetic3A_3000 = vector.broadcast %shift_right_arithmetic3A_2999 : i32 to vector<16xi32>
      %shift_right_arithmetic3A_3001 = arith.shrsi %bitcast_convert_type3A_2995, %shift_right_arithmetic3A_3000 : vector<16xi32>
      %and3A_3002 = arith.constant 1 : i32
      %and3A_3003 = vector.broadcast %and3A_3002 : i32 to vector<16xi32>
      %and3A_3004 = arith.andi %shift_right_arithmetic3A_3001, %and3A_3003 : vector<16xi32>
      %add3A_3005 = arith.addi %add3A_2998, %and3A_3004 : vector<16xi32>
      %and3A_3006 = arith.constant -65536 : i32
      %and3A_3007 = vector.broadcast %and3A_3006 : i32 to vector<16xi32>
      %and3A_3008 = arith.andi %add3A_3005, %and3A_3007 : vector<16xi32>
      %bitcast_convert_type3A_3009 = tpu.bitcast %and3A_3008 : vector<16xi32> -> vector<16xf32>
      %div3A_3010 = arith.divf %get3A_592, %max3A_2945 : vector<16xf32>
      %bitcast_convert_type3A_3011 = tpu.bitcast %div3A_3010 : vector<16xf32> -> vector<16xi32>
      %add3A_3012 = arith.constant 32767 : i32
      %add3A_3013 = vector.broadcast %add3A_3012 : i32 to vector<16xi32>
      %add3A_3014 = arith.addi %bitcast_convert_type3A_3011, %add3A_3013 : vector<16xi32>
      %shift_right_arithmetic3A_3015 = arith.constant 16 : i32
      %shift_right_arithmetic3A_3016 = vector.broadcast %shift_right_arithmetic3A_3015 : i32 to vector<16xi32>
      %shift_right_arithmetic3A_3017 = arith.shrsi %bitcast_convert_type3A_3011, %shift_right_arithmetic3A_3016 : vector<16xi32>
      %and3A_3018 = arith.constant 1 : i32
      %and3A_3019 = vector.broadcast %and3A_3018 : i32 to vector<16xi32>
      %and3A_3020 = arith.andi %shift_right_arithmetic3A_3017, %and3A_3019 : vector<16xi32>
      %add3A_3021 = arith.addi %add3A_3014, %and3A_3020 : vector<16xi32>
      %and3A_3022 = arith.constant -65536 : i32
      %and3A_3023 = vector.broadcast %and3A_3022 : i32 to vector<16xi32>
      %and3A_3024 = arith.andi %add3A_3021, %and3A_3023 : vector<16xi32>
      %bitcast_convert_type3A_3025 = tpu.bitcast %and3A_3024 : vector<16xi32> -> vector<16xf32>
      %div3A_3026 = arith.divf %get3A_597, %max3A_2945 : vector<16xf32>
      %bitcast_convert_type3A_3027 = tpu.bitcast %div3A_3026 : vector<16xf32> -> vector<16xi32>
      %add3A_3028 = arith.constant 32767 : i32
      %add3A_3029 = vector.broadcast %add3A_3028 : i32 to vector<16xi32>
      %add3A_3030 = arith.addi %bitcast_convert_type3A_3027, %add3A_3029 : vector<16xi32>
      %shift_right_arithmetic3A_3031 = arith.constant 16 : i32
      %shift_right_arithmetic3A_3032 = vector.broadcast %shift_right_arithmetic3A_3031 : i32 to vector<16xi32>
      %shift_right_arithmetic3A_3033 = arith.shrsi %bitcast_convert_type3A_3027, %shift_right_arithmetic3A_3032 : vector<16xi32>
      %and3A_3034 = arith.constant 1 : i32
      %and3A_3035 = vector.broadcast %and3A_3034 : i32 to vector<16xi32>
      %and3A_3036 = arith.andi %shift_right_arithmetic3A_3033, %and3A_3035 : vector<16xi32>
      %add3A_3037 = arith.addi %add3A_3030, %and3A_3036 : vector<16xi32>
      %and3A_3038 = arith.constant -65536 : i32
      %and3A_3039 = vector.broadcast %and3A_3038 : i32 to vector<16xi32>
      %and3A_3040 = arith.andi %add3A_3037, %and3A_3039 : vector<16xi32>
      %bitcast_convert_type3A_3041 = tpu.bitcast %and3A_3040 : vector<16xi32> -> vector<16xf32>
      %div3A_3042 = arith.divf %get3A_602, %max3A_2945 : vector<16xf32>
      %bitcast_convert_type3A_3043 = tpu.bitcast %div3A_3042 : vector<16xf32> -> vector<16xi32>
      %add3A_3044 = arith.constant 32767 : i32
      %add3A_3045 = vector.broadcast %add3A_3044 : i32 to vector<16xi32>
      %add3A_3046 = arith.addi %bitcast_convert_type3A_3043, %add3A_3045 : vector<16xi32>
      %shift_right_arithmetic3A_3047 = arith.constant 16 : i32
      %shift_right_arithmetic3A_3048 = vector.broadcast %shift_right_arithmetic3A_3047 : i32 to vector<16xi32>
      %shift_right_arithmetic3A_3049 = arith.shrsi %bitcast_convert_type3A_3043, %shift_right_arithmetic3A_3048 : vector<16xi32>
      %and3A_3050 = arith.constant 1 : i32
      %and3A_3051 = vector.broadcast %and3A_3050 : i32 to vector<16xi32>
      %and3A_3052 = arith.andi %shift_right_arithmetic3A_3049, %and3A_3051 : vector<16xi32>
      %add3A_3053 = arith.addi %add3A_3046, %and3A_3052 : vector<16xi32>
      %and3A_3054 = arith.constant -65536 : i32
      %and3A_3055 = vector.broadcast %and3A_3054 : i32 to vector<16xi32>
      %and3A_3056 = arith.andi %add3A_3053, %and3A_3055 : vector<16xi32>
      %bitcast_convert_type3A_3057 = tpu.bitcast %and3A_3056 : vector<16xi32> -> vector<16xf32>
      %div3A_3058 = arith.divf %get3A_607, %max3A_2945 : vector<16xf32>
      %bitcast_convert_type3A_3059 = tpu.bitcast %div3A_3058 : vector<16xf32> -> vector<16xi32>
      %add3A_3060 = arith.constant 32767 : i32
      %add3A_3061 = vector.broadcast %add3A_3060 : i32 to vector<16xi32>
      %add3A_3062 = arith.addi %bitcast_convert_type3A_3059, %add3A_3061 : vector<16xi32>
      %shift_right_arithmetic3A_3063 = arith.constant 16 : i32
      %shift_right_arithmetic3A_3064 = vector.broadcast %shift_right_arithmetic3A_3063 : i32 to vector<16xi32>
      %shift_right_arithmetic3A_3065 = arith.shrsi %bitcast_convert_type3A_3059, %shift_right_arithmetic3A_3064 : vector<16xi32>
      %and3A_3066 = arith.constant 1 : i32
      %and3A_3067 = vector.broadcast %and3A_3066 : i32 to vector<16xi32>
      %and3A_3068 = arith.andi %shift_right_arithmetic3A_3065, %and3A_3067 : vector<16xi32>
      %add3A_3069 = arith.addi %add3A_3062, %and3A_3068 : vector<16xi32>
      %and3A_3070 = arith.constant -65536 : i32
      %and3A_3071 = vector.broadcast %and3A_3070 : i32 to vector<16xi32>
      %and3A_3072 = arith.andi %add3A_3069, %and3A_3071 : vector<16xi32>
      %bitcast_convert_type3A_3073 = tpu.bitcast %and3A_3072 : vector<16xi32> -> vector<16xf32>
      %div3A_3074 = arith.divf %get3A_612, %max3A_2945 : vector<16xf32>
      %bitcast_convert_type3A_3075 = tpu.bitcast %div3A_3074 : vector<16xf32> -> vector<16xi32>
      %add3A_3076 = arith.constant 32767 : i32
      %add3A_3077 = vector.broadcast %add3A_3076 : i32 to vector<16xi32>
      %add3A_3078 = arith.addi %bitcast_convert_type3A_3075, %add3A_3077 : vector<16xi32>
      %shift_right_arithmetic3A_3079 = arith.constant 16 : i32
      %shift_right_arithmetic3A_3080 = vector.broadcast %shift_right_arithmetic3A_3079 : i32 to vector<16xi32>
      %shift_right_arithmetic3A_3081 = arith.shrsi %bitcast_convert_type3A_3075, %shift_right_arithmetic3A_3080 : vector<16xi32>
      %and3A_3082 = arith.constant 1 : i32
      %and3A_3083 = vector.broadcast %and3A_3082 : i32 to vector<16xi32>
      %and3A_3084 = arith.andi %shift_right_arithmetic3A_3081, %and3A_3083 : vector<16xi32>
      %add3A_3085 = arith.addi %add3A_3078, %and3A_3084 : vector<16xi32>
      %and3A_3086 = arith.constant -65536 : i32
      %and3A_3087 = vector.broadcast %and3A_3086 : i32 to vector<16xi32>
      %and3A_3088 = arith.andi %add3A_3085, %and3A_3087 : vector<16xi32>
      %bitcast_convert_type3A_3089 = tpu.bitcast %and3A_3088 : vector<16xi32> -> vector<16xf32>
      %div3A_3090 = arith.divf %get3A_617, %max3A_2945 : vector<16xf32>
      %bitcast_convert_type3A_3091 = tpu.bitcast %div3A_3090 : vector<16xf32> -> vector<16xi32>
      %add3A_3092 = arith.constant 32767 : i32
      %add3A_3093 = vector.broadcast %add3A_3092 : i32 to vector<16xi32>
      %add3A_3094 = arith.addi %bitcast_convert_type3A_3091, %add3A_3093 : vector<16xi32>
      %shift_right_arithmetic3A_3095 = arith.constant 16 : i32
      %shift_right_arithmetic3A_3096 = vector.broadcast %shift_right_arithmetic3A_3095 : i32 to vector<16xi32>
      %shift_right_arithmetic3A_3097 = arith.shrsi %bitcast_convert_type3A_3091, %shift_right_arithmetic3A_3096 : vector<16xi32>
      %and3A_3098 = arith.constant 1 : i32
      %and3A_3099 = vector.broadcast %and3A_3098 : i32 to vector<16xi32>
      %and3A_3100 = arith.andi %shift_right_arithmetic3A_3097, %and3A_3099 : vector<16xi32>
      %add3A_3101 = arith.addi %add3A_3094, %and3A_3100 : vector<16xi32>
      %and3A_3102 = arith.constant -65536 : i32
      %and3A_3103 = vector.broadcast %and3A_3102 : i32 to vector<16xi32>
      %and3A_3104 = arith.andi %add3A_3101, %and3A_3103 : vector<16xi32>
      %bitcast_convert_type3A_3105 = tpu.bitcast %and3A_3104 : vector<16xi32> -> vector<16xf32>
      %div3A_3106 = arith.divf %get3A_622, %max3A_2945 : vector<16xf32>
      %bitcast_convert_type3A_3107 = tpu.bitcast %div3A_3106 : vector<16xf32> -> vector<16xi32>
      %add3A_3108 = arith.constant 32767 : i32
      %add3A_3109 = vector.broadcast %add3A_3108 : i32 to vector<16xi32>
      %add3A_3110 = arith.addi %bitcast_convert_type3A_3107, %add3A_3109 : vector<16xi32>
      %shift_right_arithmetic3A_3111 = arith.constant 16 : i32
      %shift_right_arithmetic3A_3112 = vector.broadcast %shift_right_arithmetic3A_3111 : i32 to vector<16xi32>
      %shift_right_arithmetic3A_3113 = arith.shrsi %bitcast_convert_type3A_3107, %shift_right_arithmetic3A_3112 : vector<16xi32>
      %and3A_3114 = arith.constant 1 : i32
      %and3A_3115 = vector.broadcast %and3A_3114 : i32 to vector<16xi32>
      %and3A_3116 = arith.andi %shift_right_arithmetic3A_3113, %and3A_3115 : vector<16xi32>
      %add3A_3117 = arith.addi %add3A_3110, %and3A_3116 : vector<16xi32>
      %and3A_3118 = arith.constant -65536 : i32
      %and3A_3119 = vector.broadcast %and3A_3118 : i32 to vector<16xi32>
      %and3A_3120 = arith.andi %add3A_3117, %and3A_3119 : vector<16xi32>
      %bitcast_convert_type3A_3121 = tpu.bitcast %and3A_3120 : vector<16xi32> -> vector<16xf32>
      %div3A_3122 = arith.divf %get3A_627, %max3A_2945 : vector<16xf32>
      %bitcast_convert_type3A_3123 = tpu.bitcast %div3A_3122 : vector<16xf32> -> vector<16xi32>
      %add3A_3124 = arith.constant 32767 : i32
      %add3A_3125 = vector.broadcast %add3A_3124 : i32 to vector<16xi32>
      %add3A_3126 = arith.addi %bitcast_convert_type3A_3123, %add3A_3125 : vector<16xi32>
      %shift_right_arithmetic3A_3127 = arith.constant 16 : i32
      %shift_right_arithmetic3A_3128 = vector.broadcast %shift_right_arithmetic3A_3127 : i32 to vector<16xi32>
      %shift_right_arithmetic3A_3129 = arith.shrsi %bitcast_convert_type3A_3123, %shift_right_arithmetic3A_3128 : vector<16xi32>
      %and3A_3130 = arith.constant 1 : i32
      %and3A_3131 = vector.broadcast %and3A_3130 : i32 to vector<16xi32>
      %and3A_3132 = arith.andi %shift_right_arithmetic3A_3129, %and3A_3131 : vector<16xi32>
      %add3A_3133 = arith.addi %add3A_3126, %and3A_3132 : vector<16xi32>
      %and3A_3134 = arith.constant -65536 : i32
      %and3A_3135 = vector.broadcast %and3A_3134 : i32 to vector<16xi32>
      %and3A_3136 = arith.andi %add3A_3133, %and3A_3135 : vector<16xi32>
      %bitcast_convert_type3A_3137 = tpu.bitcast %and3A_3136 : vector<16xi32> -> vector<16xf32>
      %div3A_3138 = arith.divf %get3A_632, %max3A_2945 : vector<16xf32>
      %bitcast_convert_type3A_3139 = tpu.bitcast %div3A_3138 : vector<16xf32> -> vector<16xi32>
      %add3A_3140 = arith.constant 32767 : i32
      %add3A_3141 = vector.broadcast %add3A_3140 : i32 to vector<16xi32>
      %add3A_3142 = arith.addi %bitcast_convert_type3A_3139, %add3A_3141 : vector<16xi32>
      %shift_right_arithmetic3A_3143 = arith.constant 16 : i32
      %shift_right_arithmetic3A_3144 = vector.broadcast %shift_right_arithmetic3A_3143 : i32 to vector<16xi32>
      %shift_right_arithmetic3A_3145 = arith.shrsi %bitcast_convert_type3A_3139, %shift_right_arithmetic3A_3144 : vector<16xi32>
      %and3A_3146 = arith.constant 1 : i32
      %and3A_3147 = vector.broadcast %and3A_3146 : i32 to vector<16xi32>
      %and3A_3148 = arith.andi %shift_right_arithmetic3A_3145, %and3A_3147 : vector<16xi32>
      %add3A_3149 = arith.addi %add3A_3142, %and3A_3148 : vector<16xi32>
      %and3A_3150 = arith.constant -65536 : i32
      %and3A_3151 = vector.broadcast %and3A_3150 : i32 to vector<16xi32>
      %and3A_3152 = arith.andi %add3A_3149, %and3A_3151 : vector<16xi32>
      %bitcast_convert_type3A_3153 = tpu.bitcast %and3A_3152 : vector<16xi32> -> vector<16xf32>
      %div3A_3154 = arith.divf %get3A_637, %max3A_2945 : vector<16xf32>
      %bitcast_convert_type3A_3155 = tpu.bitcast %div3A_3154 : vector<16xf32> -> vector<16xi32>
      %add3A_3156 = arith.constant 32767 : i32
      %add3A_3157 = vector.broadcast %add3A_3156 : i32 to vector<16xi32>
      %add3A_3158 = arith.addi %bitcast_convert_type3A_3155, %add3A_3157 : vector<16xi32>
      %shift_right_arithmetic3A_3159 = arith.constant 16 : i32
      %shift_right_arithmetic3A_3160 = vector.broadcast %shift_right_arithmetic3A_3159 : i32 to vector<16xi32>
      %shift_right_arithmetic3A_3161 = arith.shrsi %bitcast_convert_type3A_3155, %shift_right_arithmetic3A_3160 : vector<16xi32>
      %and3A_3162 = arith.constant 1 : i32
      %and3A_3163 = vector.broadcast %and3A_3162 : i32 to vector<16xi32>
      %and3A_3164 = arith.andi %shift_right_arithmetic3A_3161, %and3A_3163 : vector<16xi32>
      %add3A_3165 = arith.addi %add3A_3158, %and3A_3164 : vector<16xi32>
      %and3A_3166 = arith.constant -65536 : i32
      %and3A_3167 = vector.broadcast %and3A_3166 : i32 to vector<16xi32>
      %and3A_3168 = arith.andi %add3A_3165, %and3A_3167 : vector<16xi32>
      %bitcast_convert_type3A_3169 = tpu.bitcast %and3A_3168 : vector<16xi32> -> vector<16xf32>
      %div3A_3170 = arith.divf %get3A_642, %max3A_2945 : vector<16xf32>
      %bitcast_convert_type3A_3171 = tpu.bitcast %div3A_3170 : vector<16xf32> -> vector<16xi32>
      %add3A_3172 = arith.constant 32767 : i32
      %add3A_3173 = vector.broadcast %add3A_3172 : i32 to vector<16xi32>
      %add3A_3174 = arith.addi %bitcast_convert_type3A_3171, %add3A_3173 : vector<16xi32>
      %shift_right_arithmetic3A_3175 = arith.constant 16 : i32
      %shift_right_arithmetic3A_3176 = vector.broadcast %shift_right_arithmetic3A_3175 : i32 to vector<16xi32>
      %shift_right_arithmetic3A_3177 = arith.shrsi %bitcast_convert_type3A_3171, %shift_right_arithmetic3A_3176 : vector<16xi32>
      %and3A_3178 = arith.constant 1 : i32
      %and3A_3179 = vector.broadcast %and3A_3178 : i32 to vector<16xi32>
      %and3A_3180 = arith.andi %shift_right_arithmetic3A_3177, %and3A_3179 : vector<16xi32>
      %add3A_3181 = arith.addi %add3A_3174, %and3A_3180 : vector<16xi32>
      %and3A_3182 = arith.constant -65536 : i32
      %and3A_3183 = vector.broadcast %and3A_3182 : i32 to vector<16xi32>
      %and3A_3184 = arith.andi %add3A_3181, %and3A_3183 : vector<16xi32>
      %bitcast_convert_type3A_3185 = tpu.bitcast %and3A_3184 : vector<16xi32> -> vector<16xf32>
      %div3A_3186 = arith.divf %get3A_647, %max3A_2945 : vector<16xf32>
      %bitcast_convert_type3A_3187 = tpu.bitcast %div3A_3186 : vector<16xf32> -> vector<16xi32>
      %add3A_3188 = arith.constant 32767 : i32
      %add3A_3189 = vector.broadcast %add3A_3188 : i32 to vector<16xi32>
      %add3A_3190 = arith.addi %bitcast_convert_type3A_3187, %add3A_3189 : vector<16xi32>
      %shift_right_arithmetic3A_3191 = arith.constant 16 : i32
      %shift_right_arithmetic3A_3192 = vector.broadcast %shift_right_arithmetic3A_3191 : i32 to vector<16xi32>
      %shift_right_arithmetic3A_3193 = arith.shrsi %bitcast_convert_type3A_3187, %shift_right_arithmetic3A_3192 : vector<16xi32>
      %and3A_3194 = arith.constant 1 : i32
      %and3A_3195 = vector.broadcast %and3A_3194 : i32 to vector<16xi32>
      %and3A_3196 = arith.andi %shift_right_arithmetic3A_3193, %and3A_3195 : vector<16xi32>
      %add3A_3197 = arith.addi %add3A_3190, %and3A_3196 : vector<16xi32>
      %and3A_3198 = arith.constant -65536 : i32
      %and3A_3199 = vector.broadcast %and3A_3198 : i32 to vector<16xi32>
      %and3A_3200 = arith.andi %add3A_3197, %and3A_3199 : vector<16xi32>
      %bitcast_convert_type3A_3201 = tpu.bitcast %and3A_3200 : vector<16xi32> -> vector<16xf32>
      %broadcast_in_dim3A = arith.constant 0xFF800000 : f32
      %broadcast_in_dim3A_3202 = vector.broadcast %broadcast_in_dim3A : f32 to vector<16xf32>
      %broadcast_in_dim3A_3203 = arith.constant 0 : i32
      %broadcast_in_dim3A_3204 = vector.broadcast %broadcast_in_dim3A_3203 : i32 to vector<16xi32>
      %broadcast_in_dim3A_3205 = arith.constant 0 : i32
      %broadcast_in_dim3A_3206 = vector.broadcast %broadcast_in_dim3A_3205 : i32 to vector<16xi32>
      %mul3A_3207 = arith.mulf %bitcast_convert_type3A_721, %bitcast_convert_type3A_1041 : vector<16xf32>
      %mul3A_3208 = arith.mulf %bitcast_convert_type3A_737, %bitcast_convert_type3A_1057 : vector<16xf32>
      %mul3A_3209 = arith.mulf %bitcast_convert_type3A_753, %bitcast_convert_type3A_1073 : vector<16xf32>
      %mul3A_3210 = arith.mulf %bitcast_convert_type3A_769, %bitcast_convert_type3A_1089 : vector<16xf32>
      %mul3A_3211 = arith.mulf %bitcast_convert_type3A_785, %bitcast_convert_type3A_1105 : vector<16xf32>
      %mul3A_3212 = arith.mulf %bitcast_convert_type3A_801, %bitcast_convert_type3A_1121 : vector<16xf32>
      %mul3A_3213 = arith.mulf %bitcast_convert_type3A_817, %bitcast_convert_type3A_1137 : vector<16xf32>
      %mul3A_3214 = arith.mulf %bitcast_convert_type3A_833, %bitcast_convert_type3A_1153 : vector<16xf32>
      %mul3A_3215 = arith.mulf %bitcast_convert_type3A_849, %bitcast_convert_type3A_1169 : vector<16xf32>
      %mul3A_3216 = arith.mulf %bitcast_convert_type3A_865, %bitcast_convert_type3A_1185 : vector<16xf32>
      %mul3A_3217 = arith.mulf %bitcast_convert_type3A_881, %bitcast_convert_type3A_1201 : vector<16xf32>
      %mul3A_3218 = arith.mulf %bitcast_convert_type3A_897, %bitcast_convert_type3A_1217 : vector<16xf32>
      %mul3A_3219 = arith.mulf %bitcast_convert_type3A_913, %bitcast_convert_type3A_1233 : vector<16xf32>
      %mul3A_3220 = arith.mulf %bitcast_convert_type3A_929, %bitcast_convert_type3A_1249 : vector<16xf32>
      %mul3A_3221 = arith.mulf %bitcast_convert_type3A_945, %bitcast_convert_type3A_1265 : vector<16xf32>
      %mul3A_3222 = arith.mulf %bitcast_convert_type3A_961, %bitcast_convert_type3A_1281 : vector<16xf32>
      %add3A_3223 = arith.addf %mul3A_3207, %mul3A_3208 : vector<16xf32>
      %add3A_3224 = arith.addf %mul3A_3209, %mul3A_3210 : vector<16xf32>
      %add3A_3225 = arith.addf %mul3A_3211, %mul3A_3212 : vector<16xf32>
      %add3A_3226 = arith.addf %mul3A_3213, %mul3A_3214 : vector<16xf32>
      %add3A_3227 = arith.addf %mul3A_3215, %mul3A_3216 : vector<16xf32>
      %add3A_3228 = arith.addf %mul3A_3217, %mul3A_3218 : vector<16xf32>
      %add3A_3229 = arith.addf %mul3A_3219, %mul3A_3220 : vector<16xf32>
      %add3A_3230 = arith.addf %mul3A_3221, %mul3A_3222 : vector<16xf32>
      %add3A_3231 = arith.addf %add3A_3223, %add3A_3224 : vector<16xf32>
      %add3A_3232 = arith.addf %add3A_3225, %add3A_3226 : vector<16xf32>
      %add3A_3233 = arith.addf %add3A_3227, %add3A_3228 : vector<16xf32>
      %add3A_3234 = arith.addf %add3A_3229, %add3A_3230 : vector<16xf32>
      %add3A_3235 = arith.addf %add3A_3231, %add3A_3232 : vector<16xf32>
      %add3A_3236 = arith.addf %add3A_3233, %add3A_3234 : vector<16xf32>
      %add3A_3237 = arith.addf %add3A_3235, %add3A_3236 : vector<16xf32>
      %gt3A = arith.cmpf ogt, %add3A_3237, %broadcast_in_dim3A_3202 : vector<16xf32>
      %select_n3A = arith.select %gt3A, %add3A_3237, %broadcast_in_dim3A_3202 : vector<16xi1>, vector<16xf32>
      %jit3A = arith.constant 0 : i32
      %broadcast_in_dim3A_3238 = vector.broadcast %jit3A : i32 to vector<16xi32>
      %select_n3A_3239 = arith.select %gt3A, %broadcast_in_dim3A_3238, %broadcast_in_dim3A_3204 : vector<16xi1>, vector<16xi32>
      %jit3A_3240 = arith.constant 1 : i32
      %broadcast_in_dim3A_3241 = vector.broadcast %jit3A_3240 : i32 to vector<16xi32>
      %select_n3A_3242 = arith.select %gt3A, %broadcast_in_dim3A_3241, %broadcast_in_dim3A_3206 : vector<16xi1>, vector<16xi32>
      %mul3A_3243 = arith.mulf %bitcast_convert_type3A_721, %bitcast_convert_type3A_1361 : vector<16xf32>
      %mul3A_3244 = arith.mulf %bitcast_convert_type3A_737, %bitcast_convert_type3A_1377 : vector<16xf32>
      %mul3A_3245 = arith.mulf %bitcast_convert_type3A_753, %bitcast_convert_type3A_1393 : vector<16xf32>
      %mul3A_3246 = arith.mulf %bitcast_convert_type3A_769, %bitcast_convert_type3A_1409 : vector<16xf32>
      %mul3A_3247 = arith.mulf %bitcast_convert_type3A_785, %bitcast_convert_type3A_1425 : vector<16xf32>
      %mul3A_3248 = arith.mulf %bitcast_convert_type3A_801, %bitcast_convert_type3A_1441 : vector<16xf32>
      %mul3A_3249 = arith.mulf %bitcast_convert_type3A_817, %bitcast_convert_type3A_1457 : vector<16xf32>
      %mul3A_3250 = arith.mulf %bitcast_convert_type3A_833, %bitcast_convert_type3A_1473 : vector<16xf32>
      %mul3A_3251 = arith.mulf %bitcast_convert_type3A_849, %bitcast_convert_type3A_1489 : vector<16xf32>
      %mul3A_3252 = arith.mulf %bitcast_convert_type3A_865, %bitcast_convert_type3A_1505 : vector<16xf32>
      %mul3A_3253 = arith.mulf %bitcast_convert_type3A_881, %bitcast_convert_type3A_1521 : vector<16xf32>
      %mul3A_3254 = arith.mulf %bitcast_convert_type3A_897, %bitcast_convert_type3A_1537 : vector<16xf32>
      %mul3A_3255 = arith.mulf %bitcast_convert_type3A_913, %bitcast_convert_type3A_1553 : vector<16xf32>
      %mul3A_3256 = arith.mulf %bitcast_convert_type3A_929, %bitcast_convert_type3A_1569 : vector<16xf32>
      %mul3A_3257 = arith.mulf %bitcast_convert_type3A_945, %bitcast_convert_type3A_1585 : vector<16xf32>
      %mul3A_3258 = arith.mulf %bitcast_convert_type3A_961, %bitcast_convert_type3A_1601 : vector<16xf32>
      %add3A_3259 = arith.addf %mul3A_3243, %mul3A_3244 : vector<16xf32>
      %add3A_3260 = arith.addf %mul3A_3245, %mul3A_3246 : vector<16xf32>
      %add3A_3261 = arith.addf %mul3A_3247, %mul3A_3248 : vector<16xf32>
      %add3A_3262 = arith.addf %mul3A_3249, %mul3A_3250 : vector<16xf32>
      %add3A_3263 = arith.addf %mul3A_3251, %mul3A_3252 : vector<16xf32>
      %add3A_3264 = arith.addf %mul3A_3253, %mul3A_3254 : vector<16xf32>
      %add3A_3265 = arith.addf %mul3A_3255, %mul3A_3256 : vector<16xf32>
      %add3A_3266 = arith.addf %mul3A_3257, %mul3A_3258 : vector<16xf32>
      %add3A_3267 = arith.addf %add3A_3259, %add3A_3260 : vector<16xf32>
      %add3A_3268 = arith.addf %add3A_3261, %add3A_3262 : vector<16xf32>
      %add3A_3269 = arith.addf %add3A_3263, %add3A_3264 : vector<16xf32>
      %add3A_3270 = arith.addf %add3A_3265, %add3A_3266 : vector<16xf32>
      %add3A_3271 = arith.addf %add3A_3267, %add3A_3268 : vector<16xf32>
      %add3A_3272 = arith.addf %add3A_3269, %add3A_3270 : vector<16xf32>
      %add3A_3273 = arith.addf %add3A_3271, %add3A_3272 : vector<16xf32>
      %gt3A_3274 = arith.cmpf ogt, %add3A_3273, %select_n3A : vector<16xf32>
      %select_n3A_3275 = arith.select %gt3A_3274, %add3A_3273, %select_n3A : vector<16xi1>, vector<16xf32>
      %jit3A_3276 = arith.constant 0 : i32
      %broadcast_in_dim3A_3277 = vector.broadcast %jit3A_3276 : i32 to vector<16xi32>
      %select_n3A_3278 = arith.select %gt3A_3274, %broadcast_in_dim3A_3277, %select_n3A_3239 : vector<16xi1>, vector<16xi32>
      %jit3A_3279 = arith.constant 2 : i32
      %broadcast_in_dim3A_3280 = vector.broadcast %jit3A_3279 : i32 to vector<16xi32>
      %select_n3A_3281 = arith.select %gt3A_3274, %broadcast_in_dim3A_3280, %select_n3A_3242 : vector<16xi1>, vector<16xi32>
      %mul3A_3282 = arith.mulf %bitcast_convert_type3A_721, %bitcast_convert_type3A_1681 : vector<16xf32>
      %mul3A_3283 = arith.mulf %bitcast_convert_type3A_737, %bitcast_convert_type3A_1697 : vector<16xf32>
      %mul3A_3284 = arith.mulf %bitcast_convert_type3A_753, %bitcast_convert_type3A_1713 : vector<16xf32>
      %mul3A_3285 = arith.mulf %bitcast_convert_type3A_769, %bitcast_convert_type3A_1729 : vector<16xf32>
      %mul3A_3286 = arith.mulf %bitcast_convert_type3A_785, %bitcast_convert_type3A_1745 : vector<16xf32>
      %mul3A_3287 = arith.mulf %bitcast_convert_type3A_801, %bitcast_convert_type3A_1761 : vector<16xf32>
      %mul3A_3288 = arith.mulf %bitcast_convert_type3A_817, %bitcast_convert_type3A_1777 : vector<16xf32>
      %mul3A_3289 = arith.mulf %bitcast_convert_type3A_833, %bitcast_convert_type3A_1793 : vector<16xf32>
      %mul3A_3290 = arith.mulf %bitcast_convert_type3A_849, %bitcast_convert_type3A_1809 : vector<16xf32>
      %mul3A_3291 = arith.mulf %bitcast_convert_type3A_865, %bitcast_convert_type3A_1825 : vector<16xf32>
      %mul3A_3292 = arith.mulf %bitcast_convert_type3A_881, %bitcast_convert_type3A_1841 : vector<16xf32>
      %mul3A_3293 = arith.mulf %bitcast_convert_type3A_897, %bitcast_convert_type3A_1857 : vector<16xf32>
      %mul3A_3294 = arith.mulf %bitcast_convert_type3A_913, %bitcast_convert_type3A_1873 : vector<16xf32>
      %mul3A_3295 = arith.mulf %bitcast_convert_type3A_929, %bitcast_convert_type3A_1889 : vector<16xf32>
      %mul3A_3296 = arith.mulf %bitcast_convert_type3A_945, %bitcast_convert_type3A_1905 : vector<16xf32>
      %mul3A_3297 = arith.mulf %bitcast_convert_type3A_961, %bitcast_convert_type3A_1921 : vector<16xf32>
      %add3A_3298 = arith.addf %mul3A_3282, %mul3A_3283 : vector<16xf32>
      %add3A_3299 = arith.addf %mul3A_3284, %mul3A_3285 : vector<16xf32>
      %add3A_3300 = arith.addf %mul3A_3286, %mul3A_3287 : vector<16xf32>
      %add3A_3301 = arith.addf %mul3A_3288, %mul3A_3289 : vector<16xf32>
      %add3A_3302 = arith.addf %mul3A_3290, %mul3A_3291 : vector<16xf32>
      %add3A_3303 = arith.addf %mul3A_3292, %mul3A_3293 : vector<16xf32>
      %add3A_3304 = arith.addf %mul3A_3294, %mul3A_3295 : vector<16xf32>
      %add3A_3305 = arith.addf %mul3A_3296, %mul3A_3297 : vector<16xf32>
      %add3A_3306 = arith.addf %add3A_3298, %add3A_3299 : vector<16xf32>
      %add3A_3307 = arith.addf %add3A_3300, %add3A_3301 : vector<16xf32>
      %add3A_3308 = arith.addf %add3A_3302, %add3A_3303 : vector<16xf32>
      %add3A_3309 = arith.addf %add3A_3304, %add3A_3305 : vector<16xf32>
      %add3A_3310 = arith.addf %add3A_3306, %add3A_3307 : vector<16xf32>
      %add3A_3311 = arith.addf %add3A_3308, %add3A_3309 : vector<16xf32>
      %add3A_3312 = arith.addf %add3A_3310, %add3A_3311 : vector<16xf32>
      %gt3A_3313 = arith.cmpf ogt, %add3A_3312, %select_n3A_3275 : vector<16xf32>
      %select_n3A_3314 = arith.select %gt3A_3313, %add3A_3312, %select_n3A_3275 : vector<16xi1>, vector<16xf32>
      %jit3A_3315 = arith.constant 0 : i32
      %broadcast_in_dim3A_3316 = vector.broadcast %jit3A_3315 : i32 to vector<16xi32>
      %select_n3A_3317 = arith.select %gt3A_3313, %broadcast_in_dim3A_3316, %select_n3A_3278 : vector<16xi1>, vector<16xi32>
      %jit3A_3318 = arith.constant 3 : i32
      %broadcast_in_dim3A_3319 = vector.broadcast %jit3A_3318 : i32 to vector<16xi32>
      %select_n3A_3320 = arith.select %gt3A_3313, %broadcast_in_dim3A_3319, %select_n3A_3281 : vector<16xi1>, vector<16xi32>
      %mul3A_3321 = arith.mulf %bitcast_convert_type3A_721, %bitcast_convert_type3A_2001 : vector<16xf32>
      %mul3A_3322 = arith.mulf %bitcast_convert_type3A_737, %bitcast_convert_type3A_2017 : vector<16xf32>
      %mul3A_3323 = arith.mulf %bitcast_convert_type3A_753, %bitcast_convert_type3A_2033 : vector<16xf32>
      %mul3A_3324 = arith.mulf %bitcast_convert_type3A_769, %bitcast_convert_type3A_2049 : vector<16xf32>
      %mul3A_3325 = arith.mulf %bitcast_convert_type3A_785, %bitcast_convert_type3A_2065 : vector<16xf32>
      %mul3A_3326 = arith.mulf %bitcast_convert_type3A_801, %bitcast_convert_type3A_2081 : vector<16xf32>
      %mul3A_3327 = arith.mulf %bitcast_convert_type3A_817, %bitcast_convert_type3A_2097 : vector<16xf32>
      %mul3A_3328 = arith.mulf %bitcast_convert_type3A_833, %bitcast_convert_type3A_2113 : vector<16xf32>
      %mul3A_3329 = arith.mulf %bitcast_convert_type3A_849, %bitcast_convert_type3A_2129 : vector<16xf32>
      %mul3A_3330 = arith.mulf %bitcast_convert_type3A_865, %bitcast_convert_type3A_2145 : vector<16xf32>
      %mul3A_3331 = arith.mulf %bitcast_convert_type3A_881, %bitcast_convert_type3A_2161 : vector<16xf32>
      %mul3A_3332 = arith.mulf %bitcast_convert_type3A_897, %bitcast_convert_type3A_2177 : vector<16xf32>
      %mul3A_3333 = arith.mulf %bitcast_convert_type3A_913, %bitcast_convert_type3A_2193 : vector<16xf32>
      %mul3A_3334 = arith.mulf %bitcast_convert_type3A_929, %bitcast_convert_type3A_2209 : vector<16xf32>
      %mul3A_3335 = arith.mulf %bitcast_convert_type3A_945, %bitcast_convert_type3A_2225 : vector<16xf32>
      %mul3A_3336 = arith.mulf %bitcast_convert_type3A_961, %bitcast_convert_type3A_2241 : vector<16xf32>
      %add3A_3337 = arith.addf %mul3A_3321, %mul3A_3322 : vector<16xf32>
      %add3A_3338 = arith.addf %mul3A_3323, %mul3A_3324 : vector<16xf32>
      %add3A_3339 = arith.addf %mul3A_3325, %mul3A_3326 : vector<16xf32>
      %add3A_3340 = arith.addf %mul3A_3327, %mul3A_3328 : vector<16xf32>
      %add3A_3341 = arith.addf %mul3A_3329, %mul3A_3330 : vector<16xf32>
      %add3A_3342 = arith.addf %mul3A_3331, %mul3A_3332 : vector<16xf32>
      %add3A_3343 = arith.addf %mul3A_3333, %mul3A_3334 : vector<16xf32>
      %add3A_3344 = arith.addf %mul3A_3335, %mul3A_3336 : vector<16xf32>
      %add3A_3345 = arith.addf %add3A_3337, %add3A_3338 : vector<16xf32>
      %add3A_3346 = arith.addf %add3A_3339, %add3A_3340 : vector<16xf32>
      %add3A_3347 = arith.addf %add3A_3341, %add3A_3342 : vector<16xf32>
      %add3A_3348 = arith.addf %add3A_3343, %add3A_3344 : vector<16xf32>
      %add3A_3349 = arith.addf %add3A_3345, %add3A_3346 : vector<16xf32>
      %add3A_3350 = arith.addf %add3A_3347, %add3A_3348 : vector<16xf32>
      %add3A_3351 = arith.addf %add3A_3349, %add3A_3350 : vector<16xf32>
      %gt3A_3352 = arith.cmpf ogt, %add3A_3351, %select_n3A_3314 : vector<16xf32>
      %select_n3A_3353 = arith.select %gt3A_3352, %add3A_3351, %select_n3A_3314 : vector<16xi1>, vector<16xf32>
      %jit3A_3354 = arith.constant 0 : i32
      %broadcast_in_dim3A_3355 = vector.broadcast %jit3A_3354 : i32 to vector<16xi32>
      %select_n3A_3356 = arith.select %gt3A_3352, %broadcast_in_dim3A_3355, %select_n3A_3317 : vector<16xi1>, vector<16xi32>
      %jit3A_3357 = arith.constant 4 : i32
      %broadcast_in_dim3A_3358 = vector.broadcast %jit3A_3357 : i32 to vector<16xi32>
      %select_n3A_3359 = arith.select %gt3A_3352, %broadcast_in_dim3A_3358, %select_n3A_3320 : vector<16xi1>, vector<16xi32>
      %mul3A_3360 = arith.mulf %bitcast_convert_type3A_721, %bitcast_convert_type3A_2321 : vector<16xf32>
      %mul3A_3361 = arith.mulf %bitcast_convert_type3A_737, %bitcast_convert_type3A_2337 : vector<16xf32>
      %mul3A_3362 = arith.mulf %bitcast_convert_type3A_753, %bitcast_convert_type3A_2353 : vector<16xf32>
      %mul3A_3363 = arith.mulf %bitcast_convert_type3A_769, %bitcast_convert_type3A_2369 : vector<16xf32>
      %mul3A_3364 = arith.mulf %bitcast_convert_type3A_785, %bitcast_convert_type3A_2385 : vector<16xf32>
      %mul3A_3365 = arith.mulf %bitcast_convert_type3A_801, %bitcast_convert_type3A_2401 : vector<16xf32>
      %mul3A_3366 = arith.mulf %bitcast_convert_type3A_817, %bitcast_convert_type3A_2417 : vector<16xf32>
      %mul3A_3367 = arith.mulf %bitcast_convert_type3A_833, %bitcast_convert_type3A_2433 : vector<16xf32>
      %mul3A_3368 = arith.mulf %bitcast_convert_type3A_849, %bitcast_convert_type3A_2449 : vector<16xf32>
      %mul3A_3369 = arith.mulf %bitcast_convert_type3A_865, %bitcast_convert_type3A_2465 : vector<16xf32>
      %mul3A_3370 = arith.mulf %bitcast_convert_type3A_881, %bitcast_convert_type3A_2481 : vector<16xf32>
      %mul3A_3371 = arith.mulf %bitcast_convert_type3A_897, %bitcast_convert_type3A_2497 : vector<16xf32>
      %mul3A_3372 = arith.mulf %bitcast_convert_type3A_913, %bitcast_convert_type3A_2513 : vector<16xf32>
      %mul3A_3373 = arith.mulf %bitcast_convert_type3A_929, %bitcast_convert_type3A_2529 : vector<16xf32>
      %mul3A_3374 = arith.mulf %bitcast_convert_type3A_945, %bitcast_convert_type3A_2545 : vector<16xf32>
      %mul3A_3375 = arith.mulf %bitcast_convert_type3A_961, %bitcast_convert_type3A_2561 : vector<16xf32>
      %add3A_3376 = arith.addf %mul3A_3360, %mul3A_3361 : vector<16xf32>
      %add3A_3377 = arith.addf %mul3A_3362, %mul3A_3363 : vector<16xf32>
      %add3A_3378 = arith.addf %mul3A_3364, %mul3A_3365 : vector<16xf32>
      %add3A_3379 = arith.addf %mul3A_3366, %mul3A_3367 : vector<16xf32>
      %add3A_3380 = arith.addf %mul3A_3368, %mul3A_3369 : vector<16xf32>
      %add3A_3381 = arith.addf %mul3A_3370, %mul3A_3371 : vector<16xf32>
      %add3A_3382 = arith.addf %mul3A_3372, %mul3A_3373 : vector<16xf32>
      %add3A_3383 = arith.addf %mul3A_3374, %mul3A_3375 : vector<16xf32>
      %add3A_3384 = arith.addf %add3A_3376, %add3A_3377 : vector<16xf32>
      %add3A_3385 = arith.addf %add3A_3378, %add3A_3379 : vector<16xf32>
      %add3A_3386 = arith.addf %add3A_3380, %add3A_3381 : vector<16xf32>
      %add3A_3387 = arith.addf %add3A_3382, %add3A_3383 : vector<16xf32>
      %add3A_3388 = arith.addf %add3A_3384, %add3A_3385 : vector<16xf32>
      %add3A_3389 = arith.addf %add3A_3386, %add3A_3387 : vector<16xf32>
      %add3A_3390 = arith.addf %add3A_3388, %add3A_3389 : vector<16xf32>
      %gt3A_3391 = arith.cmpf ogt, %add3A_3390, %select_n3A_3353 : vector<16xf32>
      %select_n3A_3392 = arith.select %gt3A_3391, %add3A_3390, %select_n3A_3353 : vector<16xi1>, vector<16xf32>
      %jit3A_3393 = arith.constant 0 : i32
      %broadcast_in_dim3A_3394 = vector.broadcast %jit3A_3393 : i32 to vector<16xi32>
      %select_n3A_3395 = arith.select %gt3A_3391, %broadcast_in_dim3A_3394, %select_n3A_3356 : vector<16xi1>, vector<16xi32>
      %jit3A_3396 = arith.constant 5 : i32
      %broadcast_in_dim3A_3397 = vector.broadcast %jit3A_3396 : i32 to vector<16xi32>
      %select_n3A_3398 = arith.select %gt3A_3391, %broadcast_in_dim3A_3397, %select_n3A_3359 : vector<16xi1>, vector<16xi32>
      %mul3A_3399 = arith.mulf %bitcast_convert_type3A_721, %bitcast_convert_type3A_2641 : vector<16xf32>
      %mul3A_3400 = arith.mulf %bitcast_convert_type3A_737, %bitcast_convert_type3A_2657 : vector<16xf32>
      %mul3A_3401 = arith.mulf %bitcast_convert_type3A_753, %bitcast_convert_type3A_2673 : vector<16xf32>
      %mul3A_3402 = arith.mulf %bitcast_convert_type3A_769, %bitcast_convert_type3A_2689 : vector<16xf32>
      %mul3A_3403 = arith.mulf %bitcast_convert_type3A_785, %bitcast_convert_type3A_2705 : vector<16xf32>
      %mul3A_3404 = arith.mulf %bitcast_convert_type3A_801, %bitcast_convert_type3A_2721 : vector<16xf32>
      %mul3A_3405 = arith.mulf %bitcast_convert_type3A_817, %bitcast_convert_type3A_2737 : vector<16xf32>
      %mul3A_3406 = arith.mulf %bitcast_convert_type3A_833, %bitcast_convert_type3A_2753 : vector<16xf32>
      %mul3A_3407 = arith.mulf %bitcast_convert_type3A_849, %bitcast_convert_type3A_2769 : vector<16xf32>
      %mul3A_3408 = arith.mulf %bitcast_convert_type3A_865, %bitcast_convert_type3A_2785 : vector<16xf32>
      %mul3A_3409 = arith.mulf %bitcast_convert_type3A_881, %bitcast_convert_type3A_2801 : vector<16xf32>
      %mul3A_3410 = arith.mulf %bitcast_convert_type3A_897, %bitcast_convert_type3A_2817 : vector<16xf32>
      %mul3A_3411 = arith.mulf %bitcast_convert_type3A_913, %bitcast_convert_type3A_2833 : vector<16xf32>
      %mul3A_3412 = arith.mulf %bitcast_convert_type3A_929, %bitcast_convert_type3A_2849 : vector<16xf32>
      %mul3A_3413 = arith.mulf %bitcast_convert_type3A_945, %bitcast_convert_type3A_2865 : vector<16xf32>
      %mul3A_3414 = arith.mulf %bitcast_convert_type3A_961, %bitcast_convert_type3A_2881 : vector<16xf32>
      %add3A_3415 = arith.addf %mul3A_3399, %mul3A_3400 : vector<16xf32>
      %add3A_3416 = arith.addf %mul3A_3401, %mul3A_3402 : vector<16xf32>
      %add3A_3417 = arith.addf %mul3A_3403, %mul3A_3404 : vector<16xf32>
      %add3A_3418 = arith.addf %mul3A_3405, %mul3A_3406 : vector<16xf32>
      %add3A_3419 = arith.addf %mul3A_3407, %mul3A_3408 : vector<16xf32>
      %add3A_3420 = arith.addf %mul3A_3409, %mul3A_3410 : vector<16xf32>
      %add3A_3421 = arith.addf %mul3A_3411, %mul3A_3412 : vector<16xf32>
      %add3A_3422 = arith.addf %mul3A_3413, %mul3A_3414 : vector<16xf32>
      %add3A_3423 = arith.addf %add3A_3415, %add3A_3416 : vector<16xf32>
      %add3A_3424 = arith.addf %add3A_3417, %add3A_3418 : vector<16xf32>
      %add3A_3425 = arith.addf %add3A_3419, %add3A_3420 : vector<16xf32>
      %add3A_3426 = arith.addf %add3A_3421, %add3A_3422 : vector<16xf32>
      %add3A_3427 = arith.addf %add3A_3423, %add3A_3424 : vector<16xf32>
      %add3A_3428 = arith.addf %add3A_3425, %add3A_3426 : vector<16xf32>
      %add3A_3429 = arith.addf %add3A_3427, %add3A_3428 : vector<16xf32>
      %gt3A_3430 = arith.cmpf ogt, %add3A_3429, %select_n3A_3392 : vector<16xf32>
      %select_n3A_3431 = arith.select %gt3A_3430, %add3A_3429, %select_n3A_3392 : vector<16xi1>, vector<16xf32>
      %jit3A_3432 = arith.constant 0 : i32
      %broadcast_in_dim3A_3433 = vector.broadcast %jit3A_3432 : i32 to vector<16xi32>
      %select_n3A_3434 = arith.select %gt3A_3430, %broadcast_in_dim3A_3433, %select_n3A_3395 : vector<16xi1>, vector<16xi32>
      %jit3A_3435 = arith.constant 6 : i32
      %broadcast_in_dim3A_3436 = vector.broadcast %jit3A_3435 : i32 to vector<16xi32>
      %select_n3A_3437 = arith.select %gt3A_3430, %broadcast_in_dim3A_3436, %select_n3A_3398 : vector<16xi1>, vector<16xi32>
      %mul3A_3438 = arith.mulf %bitcast_convert_type3A_721, %bitcast_convert_type3A_2961 : vector<16xf32>
      %mul3A_3439 = arith.mulf %bitcast_convert_type3A_737, %bitcast_convert_type3A_2977 : vector<16xf32>
      %mul3A_3440 = arith.mulf %bitcast_convert_type3A_753, %bitcast_convert_type3A_2993 : vector<16xf32>
      %mul3A_3441 = arith.mulf %bitcast_convert_type3A_769, %bitcast_convert_type3A_3009 : vector<16xf32>
      %mul3A_3442 = arith.mulf %bitcast_convert_type3A_785, %bitcast_convert_type3A_3025 : vector<16xf32>
      %mul3A_3443 = arith.mulf %bitcast_convert_type3A_801, %bitcast_convert_type3A_3041 : vector<16xf32>
      %mul3A_3444 = arith.mulf %bitcast_convert_type3A_817, %bitcast_convert_type3A_3057 : vector<16xf32>
      %mul3A_3445 = arith.mulf %bitcast_convert_type3A_833, %bitcast_convert_type3A_3073 : vector<16xf32>
      %mul3A_3446 = arith.mulf %bitcast_convert_type3A_849, %bitcast_convert_type3A_3089 : vector<16xf32>
      %mul3A_3447 = arith.mulf %bitcast_convert_type3A_865, %bitcast_convert_type3A_3105 : vector<16xf32>
      %mul3A_3448 = arith.mulf %bitcast_convert_type3A_881, %bitcast_convert_type3A_3121 : vector<16xf32>
      %mul3A_3449 = arith.mulf %bitcast_convert_type3A_897, %bitcast_convert_type3A_3137 : vector<16xf32>
      %mul3A_3450 = arith.mulf %bitcast_convert_type3A_913, %bitcast_convert_type3A_3153 : vector<16xf32>
      %mul3A_3451 = arith.mulf %bitcast_convert_type3A_929, %bitcast_convert_type3A_3169 : vector<16xf32>
      %mul3A_3452 = arith.mulf %bitcast_convert_type3A_945, %bitcast_convert_type3A_3185 : vector<16xf32>
      %mul3A_3453 = arith.mulf %bitcast_convert_type3A_961, %bitcast_convert_type3A_3201 : vector<16xf32>
      %add3A_3454 = arith.addf %mul3A_3438, %mul3A_3439 : vector<16xf32>
      %add3A_3455 = arith.addf %mul3A_3440, %mul3A_3441 : vector<16xf32>
      %add3A_3456 = arith.addf %mul3A_3442, %mul3A_3443 : vector<16xf32>
      %add3A_3457 = arith.addf %mul3A_3444, %mul3A_3445 : vector<16xf32>
      %add3A_3458 = arith.addf %mul3A_3446, %mul3A_3447 : vector<16xf32>
      %add3A_3459 = arith.addf %mul3A_3448, %mul3A_3449 : vector<16xf32>
      %add3A_3460 = arith.addf %mul3A_3450, %mul3A_3451 : vector<16xf32>
      %add3A_3461 = arith.addf %mul3A_3452, %mul3A_3453 : vector<16xf32>
      %add3A_3462 = arith.addf %add3A_3454, %add3A_3455 : vector<16xf32>
      %add3A_3463 = arith.addf %add3A_3456, %add3A_3457 : vector<16xf32>
      %add3A_3464 = arith.addf %add3A_3458, %add3A_3459 : vector<16xf32>
      %add3A_3465 = arith.addf %add3A_3460, %add3A_3461 : vector<16xf32>
      %add3A_3466 = arith.addf %add3A_3462, %add3A_3463 : vector<16xf32>
      %add3A_3467 = arith.addf %add3A_3464, %add3A_3465 : vector<16xf32>
      %add3A_3468 = arith.addf %add3A_3466, %add3A_3467 : vector<16xf32>
      %gt3A_3469 = arith.cmpf ogt, %add3A_3468, %select_n3A_3431 : vector<16xf32>
      %select_n3A_3470 = arith.select %gt3A_3469, %add3A_3468, %select_n3A_3431 : vector<16xi1>, vector<16xf32>
      %jit3A_3471 = arith.constant 0 : i32
      %broadcast_in_dim3A_3472 = vector.broadcast %jit3A_3471 : i32 to vector<16xi32>
      %select_n3A_3473 = arith.select %gt3A_3469, %broadcast_in_dim3A_3472, %select_n3A_3434 : vector<16xi1>, vector<16xi32>
      %jit3A_3474 = arith.constant 7 : i32
      %broadcast_in_dim3A_3475 = vector.broadcast %jit3A_3474 : i32 to vector<16xi32>
      %select_n3A_3476 = arith.select %gt3A_3469, %broadcast_in_dim3A_3475, %select_n3A_3437 : vector<16xi1>, vector<16xi32>
      %mul3A_3477 = arith.mulf %bitcast_convert_type3A_1041, %bitcast_convert_type3A_1361 : vector<16xf32>
      %mul3A_3478 = arith.mulf %bitcast_convert_type3A_1057, %bitcast_convert_type3A_1377 : vector<16xf32>
      %mul3A_3479 = arith.mulf %bitcast_convert_type3A_1073, %bitcast_convert_type3A_1393 : vector<16xf32>
      %mul3A_3480 = arith.mulf %bitcast_convert_type3A_1089, %bitcast_convert_type3A_1409 : vector<16xf32>
      %mul3A_3481 = arith.mulf %bitcast_convert_type3A_1105, %bitcast_convert_type3A_1425 : vector<16xf32>
      %mul3A_3482 = arith.mulf %bitcast_convert_type3A_1121, %bitcast_convert_type3A_1441 : vector<16xf32>
      %mul3A_3483 = arith.mulf %bitcast_convert_type3A_1137, %bitcast_convert_type3A_1457 : vector<16xf32>
      %mul3A_3484 = arith.mulf %bitcast_convert_type3A_1153, %bitcast_convert_type3A_1473 : vector<16xf32>
      %mul3A_3485 = arith.mulf %bitcast_convert_type3A_1169, %bitcast_convert_type3A_1489 : vector<16xf32>
      %mul3A_3486 = arith.mulf %bitcast_convert_type3A_1185, %bitcast_convert_type3A_1505 : vector<16xf32>
      %mul3A_3487 = arith.mulf %bitcast_convert_type3A_1201, %bitcast_convert_type3A_1521 : vector<16xf32>
      %mul3A_3488 = arith.mulf %bitcast_convert_type3A_1217, %bitcast_convert_type3A_1537 : vector<16xf32>
      %mul3A_3489 = arith.mulf %bitcast_convert_type3A_1233, %bitcast_convert_type3A_1553 : vector<16xf32>
      %mul3A_3490 = arith.mulf %bitcast_convert_type3A_1249, %bitcast_convert_type3A_1569 : vector<16xf32>
      %mul3A_3491 = arith.mulf %bitcast_convert_type3A_1265, %bitcast_convert_type3A_1585 : vector<16xf32>
      %mul3A_3492 = arith.mulf %bitcast_convert_type3A_1281, %bitcast_convert_type3A_1601 : vector<16xf32>
      %add3A_3493 = arith.addf %mul3A_3477, %mul3A_3478 : vector<16xf32>
      %add3A_3494 = arith.addf %mul3A_3479, %mul3A_3480 : vector<16xf32>
      %add3A_3495 = arith.addf %mul3A_3481, %mul3A_3482 : vector<16xf32>
      %add3A_3496 = arith.addf %mul3A_3483, %mul3A_3484 : vector<16xf32>
      %add3A_3497 = arith.addf %mul3A_3485, %mul3A_3486 : vector<16xf32>
      %add3A_3498 = arith.addf %mul3A_3487, %mul3A_3488 : vector<16xf32>
      %add3A_3499 = arith.addf %mul3A_3489, %mul3A_3490 : vector<16xf32>
      %add3A_3500 = arith.addf %mul3A_3491, %mul3A_3492 : vector<16xf32>
      %add3A_3501 = arith.addf %add3A_3493, %add3A_3494 : vector<16xf32>
      %add3A_3502 = arith.addf %add3A_3495, %add3A_3496 : vector<16xf32>
      %add3A_3503 = arith.addf %add3A_3497, %add3A_3498 : vector<16xf32>
      %add3A_3504 = arith.addf %add3A_3499, %add3A_3500 : vector<16xf32>
      %add3A_3505 = arith.addf %add3A_3501, %add3A_3502 : vector<16xf32>
      %add3A_3506 = arith.addf %add3A_3503, %add3A_3504 : vector<16xf32>
      %add3A_3507 = arith.addf %add3A_3505, %add3A_3506 : vector<16xf32>
      %gt3A_3508 = arith.cmpf ogt, %add3A_3507, %select_n3A_3470 : vector<16xf32>
      %select_n3A_3509 = arith.select %gt3A_3508, %add3A_3507, %select_n3A_3470 : vector<16xi1>, vector<16xf32>
      %jit3A_3510 = arith.constant 1 : i32
      %broadcast_in_dim3A_3511 = vector.broadcast %jit3A_3510 : i32 to vector<16xi32>
      %select_n3A_3512 = arith.select %gt3A_3508, %broadcast_in_dim3A_3511, %select_n3A_3473 : vector<16xi1>, vector<16xi32>
      %jit3A_3513 = arith.constant 2 : i32
      %broadcast_in_dim3A_3514 = vector.broadcast %jit3A_3513 : i32 to vector<16xi32>
      %select_n3A_3515 = arith.select %gt3A_3508, %broadcast_in_dim3A_3514, %select_n3A_3476 : vector<16xi1>, vector<16xi32>
      %mul3A_3516 = arith.mulf %bitcast_convert_type3A_1041, %bitcast_convert_type3A_1681 : vector<16xf32>
      %mul3A_3517 = arith.mulf %bitcast_convert_type3A_1057, %bitcast_convert_type3A_1697 : vector<16xf32>
      %mul3A_3518 = arith.mulf %bitcast_convert_type3A_1073, %bitcast_convert_type3A_1713 : vector<16xf32>
      %mul3A_3519 = arith.mulf %bitcast_convert_type3A_1089, %bitcast_convert_type3A_1729 : vector<16xf32>
      %mul3A_3520 = arith.mulf %bitcast_convert_type3A_1105, %bitcast_convert_type3A_1745 : vector<16xf32>
      %mul3A_3521 = arith.mulf %bitcast_convert_type3A_1121, %bitcast_convert_type3A_1761 : vector<16xf32>
      %mul3A_3522 = arith.mulf %bitcast_convert_type3A_1137, %bitcast_convert_type3A_1777 : vector<16xf32>
      %mul3A_3523 = arith.mulf %bitcast_convert_type3A_1153, %bitcast_convert_type3A_1793 : vector<16xf32>
      %mul3A_3524 = arith.mulf %bitcast_convert_type3A_1169, %bitcast_convert_type3A_1809 : vector<16xf32>
      %mul3A_3525 = arith.mulf %bitcast_convert_type3A_1185, %bitcast_convert_type3A_1825 : vector<16xf32>
      %mul3A_3526 = arith.mulf %bitcast_convert_type3A_1201, %bitcast_convert_type3A_1841 : vector<16xf32>
      %mul3A_3527 = arith.mulf %bitcast_convert_type3A_1217, %bitcast_convert_type3A_1857 : vector<16xf32>
      %mul3A_3528 = arith.mulf %bitcast_convert_type3A_1233, %bitcast_convert_type3A_1873 : vector<16xf32>
      %mul3A_3529 = arith.mulf %bitcast_convert_type3A_1249, %bitcast_convert_type3A_1889 : vector<16xf32>
      %mul3A_3530 = arith.mulf %bitcast_convert_type3A_1265, %bitcast_convert_type3A_1905 : vector<16xf32>
      %mul3A_3531 = arith.mulf %bitcast_convert_type3A_1281, %bitcast_convert_type3A_1921 : vector<16xf32>
      %add3A_3532 = arith.addf %mul3A_3516, %mul3A_3517 : vector<16xf32>
      %add3A_3533 = arith.addf %mul3A_3518, %mul3A_3519 : vector<16xf32>
      %add3A_3534 = arith.addf %mul3A_3520, %mul3A_3521 : vector<16xf32>
      %add3A_3535 = arith.addf %mul3A_3522, %mul3A_3523 : vector<16xf32>
      %add3A_3536 = arith.addf %mul3A_3524, %mul3A_3525 : vector<16xf32>
      %add3A_3537 = arith.addf %mul3A_3526, %mul3A_3527 : vector<16xf32>
      %add3A_3538 = arith.addf %mul3A_3528, %mul3A_3529 : vector<16xf32>
      %add3A_3539 = arith.addf %mul3A_3530, %mul3A_3531 : vector<16xf32>
      %add3A_3540 = arith.addf %add3A_3532, %add3A_3533 : vector<16xf32>
      %add3A_3541 = arith.addf %add3A_3534, %add3A_3535 : vector<16xf32>
      %add3A_3542 = arith.addf %add3A_3536, %add3A_3537 : vector<16xf32>
      %add3A_3543 = arith.addf %add3A_3538, %add3A_3539 : vector<16xf32>
      %add3A_3544 = arith.addf %add3A_3540, %add3A_3541 : vector<16xf32>
      %add3A_3545 = arith.addf %add3A_3542, %add3A_3543 : vector<16xf32>
      %add3A_3546 = arith.addf %add3A_3544, %add3A_3545 : vector<16xf32>
      %gt3A_3547 = arith.cmpf ogt, %add3A_3546, %select_n3A_3509 : vector<16xf32>
      %select_n3A_3548 = arith.select %gt3A_3547, %add3A_3546, %select_n3A_3509 : vector<16xi1>, vector<16xf32>
      %jit3A_3549 = arith.constant 1 : i32
      %broadcast_in_dim3A_3550 = vector.broadcast %jit3A_3549 : i32 to vector<16xi32>
      %select_n3A_3551 = arith.select %gt3A_3547, %broadcast_in_dim3A_3550, %select_n3A_3512 : vector<16xi1>, vector<16xi32>
      %jit3A_3552 = arith.constant 3 : i32
      %broadcast_in_dim3A_3553 = vector.broadcast %jit3A_3552 : i32 to vector<16xi32>
      %select_n3A_3554 = arith.select %gt3A_3547, %broadcast_in_dim3A_3553, %select_n3A_3515 : vector<16xi1>, vector<16xi32>
      %mul3A_3555 = arith.mulf %bitcast_convert_type3A_1041, %bitcast_convert_type3A_2001 : vector<16xf32>
      %mul3A_3556 = arith.mulf %bitcast_convert_type3A_1057, %bitcast_convert_type3A_2017 : vector<16xf32>
      %mul3A_3557 = arith.mulf %bitcast_convert_type3A_1073, %bitcast_convert_type3A_2033 : vector<16xf32>
      %mul3A_3558 = arith.mulf %bitcast_convert_type3A_1089, %bitcast_convert_type3A_2049 : vector<16xf32>
      %mul3A_3559 = arith.mulf %bitcast_convert_type3A_1105, %bitcast_convert_type3A_2065 : vector<16xf32>
      %mul3A_3560 = arith.mulf %bitcast_convert_type3A_1121, %bitcast_convert_type3A_2081 : vector<16xf32>
      %mul3A_3561 = arith.mulf %bitcast_convert_type3A_1137, %bitcast_convert_type3A_2097 : vector<16xf32>
      %mul3A_3562 = arith.mulf %bitcast_convert_type3A_1153, %bitcast_convert_type3A_2113 : vector<16xf32>
      %mul3A_3563 = arith.mulf %bitcast_convert_type3A_1169, %bitcast_convert_type3A_2129 : vector<16xf32>
      %mul3A_3564 = arith.mulf %bitcast_convert_type3A_1185, %bitcast_convert_type3A_2145 : vector<16xf32>
      %mul3A_3565 = arith.mulf %bitcast_convert_type3A_1201, %bitcast_convert_type3A_2161 : vector<16xf32>
      %mul3A_3566 = arith.mulf %bitcast_convert_type3A_1217, %bitcast_convert_type3A_2177 : vector<16xf32>
      %mul3A_3567 = arith.mulf %bitcast_convert_type3A_1233, %bitcast_convert_type3A_2193 : vector<16xf32>
      %mul3A_3568 = arith.mulf %bitcast_convert_type3A_1249, %bitcast_convert_type3A_2209 : vector<16xf32>
      %mul3A_3569 = arith.mulf %bitcast_convert_type3A_1265, %bitcast_convert_type3A_2225 : vector<16xf32>
      %mul3A_3570 = arith.mulf %bitcast_convert_type3A_1281, %bitcast_convert_type3A_2241 : vector<16xf32>
      %add3A_3571 = arith.addf %mul3A_3555, %mul3A_3556 : vector<16xf32>
      %add3A_3572 = arith.addf %mul3A_3557, %mul3A_3558 : vector<16xf32>
      %add3A_3573 = arith.addf %mul3A_3559, %mul3A_3560 : vector<16xf32>
      %add3A_3574 = arith.addf %mul3A_3561, %mul3A_3562 : vector<16xf32>
      %add3A_3575 = arith.addf %mul3A_3563, %mul3A_3564 : vector<16xf32>
      %add3A_3576 = arith.addf %mul3A_3565, %mul3A_3566 : vector<16xf32>
      %add3A_3577 = arith.addf %mul3A_3567, %mul3A_3568 : vector<16xf32>
      %add3A_3578 = arith.addf %mul3A_3569, %mul3A_3570 : vector<16xf32>
      %add3A_3579 = arith.addf %add3A_3571, %add3A_3572 : vector<16xf32>
      %add3A_3580 = arith.addf %add3A_3573, %add3A_3574 : vector<16xf32>
      %add3A_3581 = arith.addf %add3A_3575, %add3A_3576 : vector<16xf32>
      %add3A_3582 = arith.addf %add3A_3577, %add3A_3578 : vector<16xf32>
      %add3A_3583 = arith.addf %add3A_3579, %add3A_3580 : vector<16xf32>
      %add3A_3584 = arith.addf %add3A_3581, %add3A_3582 : vector<16xf32>
      %add3A_3585 = arith.addf %add3A_3583, %add3A_3584 : vector<16xf32>
      %gt3A_3586 = arith.cmpf ogt, %add3A_3585, %select_n3A_3548 : vector<16xf32>
      %select_n3A_3587 = arith.select %gt3A_3586, %add3A_3585, %select_n3A_3548 : vector<16xi1>, vector<16xf32>
      %jit3A_3588 = arith.constant 1 : i32
      %broadcast_in_dim3A_3589 = vector.broadcast %jit3A_3588 : i32 to vector<16xi32>
      %select_n3A_3590 = arith.select %gt3A_3586, %broadcast_in_dim3A_3589, %select_n3A_3551 : vector<16xi1>, vector<16xi32>
      %jit3A_3591 = arith.constant 4 : i32
      %broadcast_in_dim3A_3592 = vector.broadcast %jit3A_3591 : i32 to vector<16xi32>
      %select_n3A_3593 = arith.select %gt3A_3586, %broadcast_in_dim3A_3592, %select_n3A_3554 : vector<16xi1>, vector<16xi32>
      %mul3A_3594 = arith.mulf %bitcast_convert_type3A_1041, %bitcast_convert_type3A_2321 : vector<16xf32>
      %mul3A_3595 = arith.mulf %bitcast_convert_type3A_1057, %bitcast_convert_type3A_2337 : vector<16xf32>
      %mul3A_3596 = arith.mulf %bitcast_convert_type3A_1073, %bitcast_convert_type3A_2353 : vector<16xf32>
      %mul3A_3597 = arith.mulf %bitcast_convert_type3A_1089, %bitcast_convert_type3A_2369 : vector<16xf32>
      %mul3A_3598 = arith.mulf %bitcast_convert_type3A_1105, %bitcast_convert_type3A_2385 : vector<16xf32>
      %mul3A_3599 = arith.mulf %bitcast_convert_type3A_1121, %bitcast_convert_type3A_2401 : vector<16xf32>
      %mul3A_3600 = arith.mulf %bitcast_convert_type3A_1137, %bitcast_convert_type3A_2417 : vector<16xf32>
      %mul3A_3601 = arith.mulf %bitcast_convert_type3A_1153, %bitcast_convert_type3A_2433 : vector<16xf32>
      %mul3A_3602 = arith.mulf %bitcast_convert_type3A_1169, %bitcast_convert_type3A_2449 : vector<16xf32>
      %mul3A_3603 = arith.mulf %bitcast_convert_type3A_1185, %bitcast_convert_type3A_2465 : vector<16xf32>
      %mul3A_3604 = arith.mulf %bitcast_convert_type3A_1201, %bitcast_convert_type3A_2481 : vector<16xf32>
      %mul3A_3605 = arith.mulf %bitcast_convert_type3A_1217, %bitcast_convert_type3A_2497 : vector<16xf32>
      %mul3A_3606 = arith.mulf %bitcast_convert_type3A_1233, %bitcast_convert_type3A_2513 : vector<16xf32>
      %mul3A_3607 = arith.mulf %bitcast_convert_type3A_1249, %bitcast_convert_type3A_2529 : vector<16xf32>
      %mul3A_3608 = arith.mulf %bitcast_convert_type3A_1265, %bitcast_convert_type3A_2545 : vector<16xf32>
      %mul3A_3609 = arith.mulf %bitcast_convert_type3A_1281, %bitcast_convert_type3A_2561 : vector<16xf32>
      %add3A_3610 = arith.addf %mul3A_3594, %mul3A_3595 : vector<16xf32>
      %add3A_3611 = arith.addf %mul3A_3596, %mul3A_3597 : vector<16xf32>
      %add3A_3612 = arith.addf %mul3A_3598, %mul3A_3599 : vector<16xf32>
      %add3A_3613 = arith.addf %mul3A_3600, %mul3A_3601 : vector<16xf32>
      %add3A_3614 = arith.addf %mul3A_3602, %mul3A_3603 : vector<16xf32>
      %add3A_3615 = arith.addf %mul3A_3604, %mul3A_3605 : vector<16xf32>
      %add3A_3616 = arith.addf %mul3A_3606, %mul3A_3607 : vector<16xf32>
      %add3A_3617 = arith.addf %mul3A_3608, %mul3A_3609 : vector<16xf32>
      %add3A_3618 = arith.addf %add3A_3610, %add3A_3611 : vector<16xf32>
      %add3A_3619 = arith.addf %add3A_3612, %add3A_3613 : vector<16xf32>
      %add3A_3620 = arith.addf %add3A_3614, %add3A_3615 : vector<16xf32>
      %add3A_3621 = arith.addf %add3A_3616, %add3A_3617 : vector<16xf32>
      %add3A_3622 = arith.addf %add3A_3618, %add3A_3619 : vector<16xf32>
      %add3A_3623 = arith.addf %add3A_3620, %add3A_3621 : vector<16xf32>
      %add3A_3624 = arith.addf %add3A_3622, %add3A_3623 : vector<16xf32>
      %gt3A_3625 = arith.cmpf ogt, %add3A_3624, %select_n3A_3587 : vector<16xf32>
      %select_n3A_3626 = arith.select %gt3A_3625, %add3A_3624, %select_n3A_3587 : vector<16xi1>, vector<16xf32>
      %jit3A_3627 = arith.constant 1 : i32
      %broadcast_in_dim3A_3628 = vector.broadcast %jit3A_3627 : i32 to vector<16xi32>
      %select_n3A_3629 = arith.select %gt3A_3625, %broadcast_in_dim3A_3628, %select_n3A_3590 : vector<16xi1>, vector<16xi32>
      %jit3A_3630 = arith.constant 5 : i32
      %broadcast_in_dim3A_3631 = vector.broadcast %jit3A_3630 : i32 to vector<16xi32>
      %select_n3A_3632 = arith.select %gt3A_3625, %broadcast_in_dim3A_3631, %select_n3A_3593 : vector<16xi1>, vector<16xi32>
      %mul3A_3633 = arith.mulf %bitcast_convert_type3A_1041, %bitcast_convert_type3A_2641 : vector<16xf32>
      %mul3A_3634 = arith.mulf %bitcast_convert_type3A_1057, %bitcast_convert_type3A_2657 : vector<16xf32>
      %mul3A_3635 = arith.mulf %bitcast_convert_type3A_1073, %bitcast_convert_type3A_2673 : vector<16xf32>
      %mul3A_3636 = arith.mulf %bitcast_convert_type3A_1089, %bitcast_convert_type3A_2689 : vector<16xf32>
      %mul3A_3637 = arith.mulf %bitcast_convert_type3A_1105, %bitcast_convert_type3A_2705 : vector<16xf32>
      %mul3A_3638 = arith.mulf %bitcast_convert_type3A_1121, %bitcast_convert_type3A_2721 : vector<16xf32>
      %mul3A_3639 = arith.mulf %bitcast_convert_type3A_1137, %bitcast_convert_type3A_2737 : vector<16xf32>
      %mul3A_3640 = arith.mulf %bitcast_convert_type3A_1153, %bitcast_convert_type3A_2753 : vector<16xf32>
      %mul3A_3641 = arith.mulf %bitcast_convert_type3A_1169, %bitcast_convert_type3A_2769 : vector<16xf32>
      %mul3A_3642 = arith.mulf %bitcast_convert_type3A_1185, %bitcast_convert_type3A_2785 : vector<16xf32>
      %mul3A_3643 = arith.mulf %bitcast_convert_type3A_1201, %bitcast_convert_type3A_2801 : vector<16xf32>
      %mul3A_3644 = arith.mulf %bitcast_convert_type3A_1217, %bitcast_convert_type3A_2817 : vector<16xf32>
      %mul3A_3645 = arith.mulf %bitcast_convert_type3A_1233, %bitcast_convert_type3A_2833 : vector<16xf32>
      %mul3A_3646 = arith.mulf %bitcast_convert_type3A_1249, %bitcast_convert_type3A_2849 : vector<16xf32>
      %mul3A_3647 = arith.mulf %bitcast_convert_type3A_1265, %bitcast_convert_type3A_2865 : vector<16xf32>
      %mul3A_3648 = arith.mulf %bitcast_convert_type3A_1281, %bitcast_convert_type3A_2881 : vector<16xf32>
      %add3A_3649 = arith.addf %mul3A_3633, %mul3A_3634 : vector<16xf32>
      %add3A_3650 = arith.addf %mul3A_3635, %mul3A_3636 : vector<16xf32>
      %add3A_3651 = arith.addf %mul3A_3637, %mul3A_3638 : vector<16xf32>
      %add3A_3652 = arith.addf %mul3A_3639, %mul3A_3640 : vector<16xf32>
      %add3A_3653 = arith.addf %mul3A_3641, %mul3A_3642 : vector<16xf32>
      %add3A_3654 = arith.addf %mul3A_3643, %mul3A_3644 : vector<16xf32>
      %add3A_3655 = arith.addf %mul3A_3645, %mul3A_3646 : vector<16xf32>
      %add3A_3656 = arith.addf %mul3A_3647, %mul3A_3648 : vector<16xf32>
      %add3A_3657 = arith.addf %add3A_3649, %add3A_3650 : vector<16xf32>
      %add3A_3658 = arith.addf %add3A_3651, %add3A_3652 : vector<16xf32>
      %add3A_3659 = arith.addf %add3A_3653, %add3A_3654 : vector<16xf32>
      %add3A_3660 = arith.addf %add3A_3655, %add3A_3656 : vector<16xf32>
      %add3A_3661 = arith.addf %add3A_3657, %add3A_3658 : vector<16xf32>
      %add3A_3662 = arith.addf %add3A_3659, %add3A_3660 : vector<16xf32>
      %add3A_3663 = arith.addf %add3A_3661, %add3A_3662 : vector<16xf32>
      %gt3A_3664 = arith.cmpf ogt, %add3A_3663, %select_n3A_3626 : vector<16xf32>
      %select_n3A_3665 = arith.select %gt3A_3664, %add3A_3663, %select_n3A_3626 : vector<16xi1>, vector<16xf32>
      %jit3A_3666 = arith.constant 1 : i32
      %broadcast_in_dim3A_3667 = vector.broadcast %jit3A_3666 : i32 to vector<16xi32>
      %select_n3A_3668 = arith.select %gt3A_3664, %broadcast_in_dim3A_3667, %select_n3A_3629 : vector<16xi1>, vector<16xi32>
      %jit3A_3669 = arith.constant 6 : i32
      %broadcast_in_dim3A_3670 = vector.broadcast %jit3A_3669 : i32 to vector<16xi32>
      %select_n3A_3671 = arith.select %gt3A_3664, %broadcast_in_dim3A_3670, %select_n3A_3632 : vector<16xi1>, vector<16xi32>
      %mul3A_3672 = arith.mulf %bitcast_convert_type3A_1041, %bitcast_convert_type3A_2961 : vector<16xf32>
      %mul3A_3673 = arith.mulf %bitcast_convert_type3A_1057, %bitcast_convert_type3A_2977 : vector<16xf32>
      %mul3A_3674 = arith.mulf %bitcast_convert_type3A_1073, %bitcast_convert_type3A_2993 : vector<16xf32>
      %mul3A_3675 = arith.mulf %bitcast_convert_type3A_1089, %bitcast_convert_type3A_3009 : vector<16xf32>
      %mul3A_3676 = arith.mulf %bitcast_convert_type3A_1105, %bitcast_convert_type3A_3025 : vector<16xf32>
      %mul3A_3677 = arith.mulf %bitcast_convert_type3A_1121, %bitcast_convert_type3A_3041 : vector<16xf32>
      %mul3A_3678 = arith.mulf %bitcast_convert_type3A_1137, %bitcast_convert_type3A_3057 : vector<16xf32>
      %mul3A_3679 = arith.mulf %bitcast_convert_type3A_1153, %bitcast_convert_type3A_3073 : vector<16xf32>
      %mul3A_3680 = arith.mulf %bitcast_convert_type3A_1169, %bitcast_convert_type3A_3089 : vector<16xf32>
      %mul3A_3681 = arith.mulf %bitcast_convert_type3A_1185, %bitcast_convert_type3A_3105 : vector<16xf32>
      %mul3A_3682 = arith.mulf %bitcast_convert_type3A_1201, %bitcast_convert_type3A_3121 : vector<16xf32>
      %mul3A_3683 = arith.mulf %bitcast_convert_type3A_1217, %bitcast_convert_type3A_3137 : vector<16xf32>
      %mul3A_3684 = arith.mulf %bitcast_convert_type3A_1233, %bitcast_convert_type3A_3153 : vector<16xf32>
      %mul3A_3685 = arith.mulf %bitcast_convert_type3A_1249, %bitcast_convert_type3A_3169 : vector<16xf32>
      %mul3A_3686 = arith.mulf %bitcast_convert_type3A_1265, %bitcast_convert_type3A_3185 : vector<16xf32>
      %mul3A_3687 = arith.mulf %bitcast_convert_type3A_1281, %bitcast_convert_type3A_3201 : vector<16xf32>
      %add3A_3688 = arith.addf %mul3A_3672, %mul3A_3673 : vector<16xf32>
      %add3A_3689 = arith.addf %mul3A_3674, %mul3A_3675 : vector<16xf32>
      %add3A_3690 = arith.addf %mul3A_3676, %mul3A_3677 : vector<16xf32>
      %add3A_3691 = arith.addf %mul3A_3678, %mul3A_3679 : vector<16xf32>
      %add3A_3692 = arith.addf %mul3A_3680, %mul3A_3681 : vector<16xf32>
      %add3A_3693 = arith.addf %mul3A_3682, %mul3A_3683 : vector<16xf32>
      %add3A_3694 = arith.addf %mul3A_3684, %mul3A_3685 : vector<16xf32>
      %add3A_3695 = arith.addf %mul3A_3686, %mul3A_3687 : vector<16xf32>
      %add3A_3696 = arith.addf %add3A_3688, %add3A_3689 : vector<16xf32>
      %add3A_3697 = arith.addf %add3A_3690, %add3A_3691 : vector<16xf32>
      %add3A_3698 = arith.addf %add3A_3692, %add3A_3693 : vector<16xf32>
      %add3A_3699 = arith.addf %add3A_3694, %add3A_3695 : vector<16xf32>
      %add3A_3700 = arith.addf %add3A_3696, %add3A_3697 : vector<16xf32>
      %add3A_3701 = arith.addf %add3A_3698, %add3A_3699 : vector<16xf32>
      %add3A_3702 = arith.addf %add3A_3700, %add3A_3701 : vector<16xf32>
      %gt3A_3703 = arith.cmpf ogt, %add3A_3702, %select_n3A_3665 : vector<16xf32>
      %select_n3A_3704 = arith.select %gt3A_3703, %add3A_3702, %select_n3A_3665 : vector<16xi1>, vector<16xf32>
      %jit3A_3705 = arith.constant 1 : i32
      %broadcast_in_dim3A_3706 = vector.broadcast %jit3A_3705 : i32 to vector<16xi32>
      %select_n3A_3707 = arith.select %gt3A_3703, %broadcast_in_dim3A_3706, %select_n3A_3668 : vector<16xi1>, vector<16xi32>
      %jit3A_3708 = arith.constant 7 : i32
      %broadcast_in_dim3A_3709 = vector.broadcast %jit3A_3708 : i32 to vector<16xi32>
      %select_n3A_3710 = arith.select %gt3A_3703, %broadcast_in_dim3A_3709, %select_n3A_3671 : vector<16xi1>, vector<16xi32>
      %mul3A_3711 = arith.mulf %bitcast_convert_type3A_1361, %bitcast_convert_type3A_1681 : vector<16xf32>
      %mul3A_3712 = arith.mulf %bitcast_convert_type3A_1377, %bitcast_convert_type3A_1697 : vector<16xf32>
      %mul3A_3713 = arith.mulf %bitcast_convert_type3A_1393, %bitcast_convert_type3A_1713 : vector<16xf32>
      %mul3A_3714 = arith.mulf %bitcast_convert_type3A_1409, %bitcast_convert_type3A_1729 : vector<16xf32>
      %mul3A_3715 = arith.mulf %bitcast_convert_type3A_1425, %bitcast_convert_type3A_1745 : vector<16xf32>
      %mul3A_3716 = arith.mulf %bitcast_convert_type3A_1441, %bitcast_convert_type3A_1761 : vector<16xf32>
      %mul3A_3717 = arith.mulf %bitcast_convert_type3A_1457, %bitcast_convert_type3A_1777 : vector<16xf32>
      %mul3A_3718 = arith.mulf %bitcast_convert_type3A_1473, %bitcast_convert_type3A_1793 : vector<16xf32>
      %mul3A_3719 = arith.mulf %bitcast_convert_type3A_1489, %bitcast_convert_type3A_1809 : vector<16xf32>
      %mul3A_3720 = arith.mulf %bitcast_convert_type3A_1505, %bitcast_convert_type3A_1825 : vector<16xf32>
      %mul3A_3721 = arith.mulf %bitcast_convert_type3A_1521, %bitcast_convert_type3A_1841 : vector<16xf32>
      %mul3A_3722 = arith.mulf %bitcast_convert_type3A_1537, %bitcast_convert_type3A_1857 : vector<16xf32>
      %mul3A_3723 = arith.mulf %bitcast_convert_type3A_1553, %bitcast_convert_type3A_1873 : vector<16xf32>
      %mul3A_3724 = arith.mulf %bitcast_convert_type3A_1569, %bitcast_convert_type3A_1889 : vector<16xf32>
      %mul3A_3725 = arith.mulf %bitcast_convert_type3A_1585, %bitcast_convert_type3A_1905 : vector<16xf32>
      %mul3A_3726 = arith.mulf %bitcast_convert_type3A_1601, %bitcast_convert_type3A_1921 : vector<16xf32>
      %add3A_3727 = arith.addf %mul3A_3711, %mul3A_3712 : vector<16xf32>
      %add3A_3728 = arith.addf %mul3A_3713, %mul3A_3714 : vector<16xf32>
      %add3A_3729 = arith.addf %mul3A_3715, %mul3A_3716 : vector<16xf32>
      %add3A_3730 = arith.addf %mul3A_3717, %mul3A_3718 : vector<16xf32>
      %add3A_3731 = arith.addf %mul3A_3719, %mul3A_3720 : vector<16xf32>
      %add3A_3732 = arith.addf %mul3A_3721, %mul3A_3722 : vector<16xf32>
      %add3A_3733 = arith.addf %mul3A_3723, %mul3A_3724 : vector<16xf32>
      %add3A_3734 = arith.addf %mul3A_3725, %mul3A_3726 : vector<16xf32>
      %add3A_3735 = arith.addf %add3A_3727, %add3A_3728 : vector<16xf32>
      %add3A_3736 = arith.addf %add3A_3729, %add3A_3730 : vector<16xf32>
      %add3A_3737 = arith.addf %add3A_3731, %add3A_3732 : vector<16xf32>
      %add3A_3738 = arith.addf %add3A_3733, %add3A_3734 : vector<16xf32>
      %add3A_3739 = arith.addf %add3A_3735, %add3A_3736 : vector<16xf32>
      %add3A_3740 = arith.addf %add3A_3737, %add3A_3738 : vector<16xf32>
      %add3A_3741 = arith.addf %add3A_3739, %add3A_3740 : vector<16xf32>
      %gt3A_3742 = arith.cmpf ogt, %add3A_3741, %select_n3A_3704 : vector<16xf32>
      %select_n3A_3743 = arith.select %gt3A_3742, %add3A_3741, %select_n3A_3704 : vector<16xi1>, vector<16xf32>
      %jit3A_3744 = arith.constant 2 : i32
      %broadcast_in_dim3A_3745 = vector.broadcast %jit3A_3744 : i32 to vector<16xi32>
      %select_n3A_3746 = arith.select %gt3A_3742, %broadcast_in_dim3A_3745, %select_n3A_3707 : vector<16xi1>, vector<16xi32>
      %jit3A_3747 = arith.constant 3 : i32
      %broadcast_in_dim3A_3748 = vector.broadcast %jit3A_3747 : i32 to vector<16xi32>
      %select_n3A_3749 = arith.select %gt3A_3742, %broadcast_in_dim3A_3748, %select_n3A_3710 : vector<16xi1>, vector<16xi32>
      %mul3A_3750 = arith.mulf %bitcast_convert_type3A_1361, %bitcast_convert_type3A_2001 : vector<16xf32>
      %mul3A_3751 = arith.mulf %bitcast_convert_type3A_1377, %bitcast_convert_type3A_2017 : vector<16xf32>
      %mul3A_3752 = arith.mulf %bitcast_convert_type3A_1393, %bitcast_convert_type3A_2033 : vector<16xf32>
      %mul3A_3753 = arith.mulf %bitcast_convert_type3A_1409, %bitcast_convert_type3A_2049 : vector<16xf32>
      %mul3A_3754 = arith.mulf %bitcast_convert_type3A_1425, %bitcast_convert_type3A_2065 : vector<16xf32>
      %mul3A_3755 = arith.mulf %bitcast_convert_type3A_1441, %bitcast_convert_type3A_2081 : vector<16xf32>
      %mul3A_3756 = arith.mulf %bitcast_convert_type3A_1457, %bitcast_convert_type3A_2097 : vector<16xf32>
      %mul3A_3757 = arith.mulf %bitcast_convert_type3A_1473, %bitcast_convert_type3A_2113 : vector<16xf32>
      %mul3A_3758 = arith.mulf %bitcast_convert_type3A_1489, %bitcast_convert_type3A_2129 : vector<16xf32>
      %mul3A_3759 = arith.mulf %bitcast_convert_type3A_1505, %bitcast_convert_type3A_2145 : vector<16xf32>
      %mul3A_3760 = arith.mulf %bitcast_convert_type3A_1521, %bitcast_convert_type3A_2161 : vector<16xf32>
      %mul3A_3761 = arith.mulf %bitcast_convert_type3A_1537, %bitcast_convert_type3A_2177 : vector<16xf32>
      %mul3A_3762 = arith.mulf %bitcast_convert_type3A_1553, %bitcast_convert_type3A_2193 : vector<16xf32>
      %mul3A_3763 = arith.mulf %bitcast_convert_type3A_1569, %bitcast_convert_type3A_2209 : vector<16xf32>
      %mul3A_3764 = arith.mulf %bitcast_convert_type3A_1585, %bitcast_convert_type3A_2225 : vector<16xf32>
      %mul3A_3765 = arith.mulf %bitcast_convert_type3A_1601, %bitcast_convert_type3A_2241 : vector<16xf32>
      %add3A_3766 = arith.addf %mul3A_3750, %mul3A_3751 : vector<16xf32>
      %add3A_3767 = arith.addf %mul3A_3752, %mul3A_3753 : vector<16xf32>
      %add3A_3768 = arith.addf %mul3A_3754, %mul3A_3755 : vector<16xf32>
      %add3A_3769 = arith.addf %mul3A_3756, %mul3A_3757 : vector<16xf32>
      %add3A_3770 = arith.addf %mul3A_3758, %mul3A_3759 : vector<16xf32>
      %add3A_3771 = arith.addf %mul3A_3760, %mul3A_3761 : vector<16xf32>
      %add3A_3772 = arith.addf %mul3A_3762, %mul3A_3763 : vector<16xf32>
      %add3A_3773 = arith.addf %mul3A_3764, %mul3A_3765 : vector<16xf32>
      %add3A_3774 = arith.addf %add3A_3766, %add3A_3767 : vector<16xf32>
      %add3A_3775 = arith.addf %add3A_3768, %add3A_3769 : vector<16xf32>
      %add3A_3776 = arith.addf %add3A_3770, %add3A_3771 : vector<16xf32>
      %add3A_3777 = arith.addf %add3A_3772, %add3A_3773 : vector<16xf32>
      %add3A_3778 = arith.addf %add3A_3774, %add3A_3775 : vector<16xf32>
      %add3A_3779 = arith.addf %add3A_3776, %add3A_3777 : vector<16xf32>
      %add3A_3780 = arith.addf %add3A_3778, %add3A_3779 : vector<16xf32>
      %gt3A_3781 = arith.cmpf ogt, %add3A_3780, %select_n3A_3743 : vector<16xf32>
      %select_n3A_3782 = arith.select %gt3A_3781, %add3A_3780, %select_n3A_3743 : vector<16xi1>, vector<16xf32>
      %jit3A_3783 = arith.constant 2 : i32
      %broadcast_in_dim3A_3784 = vector.broadcast %jit3A_3783 : i32 to vector<16xi32>
      %select_n3A_3785 = arith.select %gt3A_3781, %broadcast_in_dim3A_3784, %select_n3A_3746 : vector<16xi1>, vector<16xi32>
      %jit3A_3786 = arith.constant 4 : i32
      %broadcast_in_dim3A_3787 = vector.broadcast %jit3A_3786 : i32 to vector<16xi32>
      %select_n3A_3788 = arith.select %gt3A_3781, %broadcast_in_dim3A_3787, %select_n3A_3749 : vector<16xi1>, vector<16xi32>
      %mul3A_3789 = arith.mulf %bitcast_convert_type3A_1361, %bitcast_convert_type3A_2321 : vector<16xf32>
      %mul3A_3790 = arith.mulf %bitcast_convert_type3A_1377, %bitcast_convert_type3A_2337 : vector<16xf32>
      %mul3A_3791 = arith.mulf %bitcast_convert_type3A_1393, %bitcast_convert_type3A_2353 : vector<16xf32>
      %mul3A_3792 = arith.mulf %bitcast_convert_type3A_1409, %bitcast_convert_type3A_2369 : vector<16xf32>
      %mul3A_3793 = arith.mulf %bitcast_convert_type3A_1425, %bitcast_convert_type3A_2385 : vector<16xf32>
      %mul3A_3794 = arith.mulf %bitcast_convert_type3A_1441, %bitcast_convert_type3A_2401 : vector<16xf32>
      %mul3A_3795 = arith.mulf %bitcast_convert_type3A_1457, %bitcast_convert_type3A_2417 : vector<16xf32>
      %mul3A_3796 = arith.mulf %bitcast_convert_type3A_1473, %bitcast_convert_type3A_2433 : vector<16xf32>
      %mul3A_3797 = arith.mulf %bitcast_convert_type3A_1489, %bitcast_convert_type3A_2449 : vector<16xf32>
      %mul3A_3798 = arith.mulf %bitcast_convert_type3A_1505, %bitcast_convert_type3A_2465 : vector<16xf32>
      %mul3A_3799 = arith.mulf %bitcast_convert_type3A_1521, %bitcast_convert_type3A_2481 : vector<16xf32>
      %mul3A_3800 = arith.mulf %bitcast_convert_type3A_1537, %bitcast_convert_type3A_2497 : vector<16xf32>
      %mul3A_3801 = arith.mulf %bitcast_convert_type3A_1553, %bitcast_convert_type3A_2513 : vector<16xf32>
      %mul3A_3802 = arith.mulf %bitcast_convert_type3A_1569, %bitcast_convert_type3A_2529 : vector<16xf32>
      %mul3A_3803 = arith.mulf %bitcast_convert_type3A_1585, %bitcast_convert_type3A_2545 : vector<16xf32>
      %mul3A_3804 = arith.mulf %bitcast_convert_type3A_1601, %bitcast_convert_type3A_2561 : vector<16xf32>
      %add3A_3805 = arith.addf %mul3A_3789, %mul3A_3790 : vector<16xf32>
      %add3A_3806 = arith.addf %mul3A_3791, %mul3A_3792 : vector<16xf32>
      %add3A_3807 = arith.addf %mul3A_3793, %mul3A_3794 : vector<16xf32>
      %add3A_3808 = arith.addf %mul3A_3795, %mul3A_3796 : vector<16xf32>
      %add3A_3809 = arith.addf %mul3A_3797, %mul3A_3798 : vector<16xf32>
      %add3A_3810 = arith.addf %mul3A_3799, %mul3A_3800 : vector<16xf32>
      %add3A_3811 = arith.addf %mul3A_3801, %mul3A_3802 : vector<16xf32>
      %add3A_3812 = arith.addf %mul3A_3803, %mul3A_3804 : vector<16xf32>
      %add3A_3813 = arith.addf %add3A_3805, %add3A_3806 : vector<16xf32>
      %add3A_3814 = arith.addf %add3A_3807, %add3A_3808 : vector<16xf32>
      %add3A_3815 = arith.addf %add3A_3809, %add3A_3810 : vector<16xf32>
      %add3A_3816 = arith.addf %add3A_3811, %add3A_3812 : vector<16xf32>
      %add3A_3817 = arith.addf %add3A_3813, %add3A_3814 : vector<16xf32>
      %add3A_3818 = arith.addf %add3A_3815, %add3A_3816 : vector<16xf32>
      %add3A_3819 = arith.addf %add3A_3817, %add3A_3818 : vector<16xf32>
      %gt3A_3820 = arith.cmpf ogt, %add3A_3819, %select_n3A_3782 : vector<16xf32>
      %select_n3A_3821 = arith.select %gt3A_3820, %add3A_3819, %select_n3A_3782 : vector<16xi1>, vector<16xf32>
      %jit3A_3822 = arith.constant 2 : i32
      %broadcast_in_dim3A_3823 = vector.broadcast %jit3A_3822 : i32 to vector<16xi32>
      %select_n3A_3824 = arith.select %gt3A_3820, %broadcast_in_dim3A_3823, %select_n3A_3785 : vector<16xi1>, vector<16xi32>
      %jit3A_3825 = arith.constant 5 : i32
      %broadcast_in_dim3A_3826 = vector.broadcast %jit3A_3825 : i32 to vector<16xi32>
      %select_n3A_3827 = arith.select %gt3A_3820, %broadcast_in_dim3A_3826, %select_n3A_3788 : vector<16xi1>, vector<16xi32>
      %mul3A_3828 = arith.mulf %bitcast_convert_type3A_1361, %bitcast_convert_type3A_2641 : vector<16xf32>
      %mul3A_3829 = arith.mulf %bitcast_convert_type3A_1377, %bitcast_convert_type3A_2657 : vector<16xf32>
      %mul3A_3830 = arith.mulf %bitcast_convert_type3A_1393, %bitcast_convert_type3A_2673 : vector<16xf32>
      %mul3A_3831 = arith.mulf %bitcast_convert_type3A_1409, %bitcast_convert_type3A_2689 : vector<16xf32>
      %mul3A_3832 = arith.mulf %bitcast_convert_type3A_1425, %bitcast_convert_type3A_2705 : vector<16xf32>
      %mul3A_3833 = arith.mulf %bitcast_convert_type3A_1441, %bitcast_convert_type3A_2721 : vector<16xf32>
      %mul3A_3834 = arith.mulf %bitcast_convert_type3A_1457, %bitcast_convert_type3A_2737 : vector<16xf32>
      %mul3A_3835 = arith.mulf %bitcast_convert_type3A_1473, %bitcast_convert_type3A_2753 : vector<16xf32>
      %mul3A_3836 = arith.mulf %bitcast_convert_type3A_1489, %bitcast_convert_type3A_2769 : vector<16xf32>
      %mul3A_3837 = arith.mulf %bitcast_convert_type3A_1505, %bitcast_convert_type3A_2785 : vector<16xf32>
      %mul3A_3838 = arith.mulf %bitcast_convert_type3A_1521, %bitcast_convert_type3A_2801 : vector<16xf32>
      %mul3A_3839 = arith.mulf %bitcast_convert_type3A_1537, %bitcast_convert_type3A_2817 : vector<16xf32>
      %mul3A_3840 = arith.mulf %bitcast_convert_type3A_1553, %bitcast_convert_type3A_2833 : vector<16xf32>
      %mul3A_3841 = arith.mulf %bitcast_convert_type3A_1569, %bitcast_convert_type3A_2849 : vector<16xf32>
      %mul3A_3842 = arith.mulf %bitcast_convert_type3A_1585, %bitcast_convert_type3A_2865 : vector<16xf32>
      %mul3A_3843 = arith.mulf %bitcast_convert_type3A_1601, %bitcast_convert_type3A_2881 : vector<16xf32>
      %add3A_3844 = arith.addf %mul3A_3828, %mul3A_3829 : vector<16xf32>
      %add3A_3845 = arith.addf %mul3A_3830, %mul3A_3831 : vector<16xf32>
      %add3A_3846 = arith.addf %mul3A_3832, %mul3A_3833 : vector<16xf32>
      %add3A_3847 = arith.addf %mul3A_3834, %mul3A_3835 : vector<16xf32>
      %add3A_3848 = arith.addf %mul3A_3836, %mul3A_3837 : vector<16xf32>
      %add3A_3849 = arith.addf %mul3A_3838, %mul3A_3839 : vector<16xf32>
      %add3A_3850 = arith.addf %mul3A_3840, %mul3A_3841 : vector<16xf32>
      %add3A_3851 = arith.addf %mul3A_3842, %mul3A_3843 : vector<16xf32>
      %add3A_3852 = arith.addf %add3A_3844, %add3A_3845 : vector<16xf32>
      %add3A_3853 = arith.addf %add3A_3846, %add3A_3847 : vector<16xf32>
      %add3A_3854 = arith.addf %add3A_3848, %add3A_3849 : vector<16xf32>
      %add3A_3855 = arith.addf %add3A_3850, %add3A_3851 : vector<16xf32>
      %add3A_3856 = arith.addf %add3A_3852, %add3A_3853 : vector<16xf32>
      %add3A_3857 = arith.addf %add3A_3854, %add3A_3855 : vector<16xf32>
      %add3A_3858 = arith.addf %add3A_3856, %add3A_3857 : vector<16xf32>
      %gt3A_3859 = arith.cmpf ogt, %add3A_3858, %select_n3A_3821 : vector<16xf32>
      %select_n3A_3860 = arith.select %gt3A_3859, %add3A_3858, %select_n3A_3821 : vector<16xi1>, vector<16xf32>
      %jit3A_3861 = arith.constant 2 : i32
      %broadcast_in_dim3A_3862 = vector.broadcast %jit3A_3861 : i32 to vector<16xi32>
      %select_n3A_3863 = arith.select %gt3A_3859, %broadcast_in_dim3A_3862, %select_n3A_3824 : vector<16xi1>, vector<16xi32>
      %jit3A_3864 = arith.constant 6 : i32
      %broadcast_in_dim3A_3865 = vector.broadcast %jit3A_3864 : i32 to vector<16xi32>
      %select_n3A_3866 = arith.select %gt3A_3859, %broadcast_in_dim3A_3865, %select_n3A_3827 : vector<16xi1>, vector<16xi32>
      %mul3A_3867 = arith.mulf %bitcast_convert_type3A_1361, %bitcast_convert_type3A_2961 : vector<16xf32>
      %mul3A_3868 = arith.mulf %bitcast_convert_type3A_1377, %bitcast_convert_type3A_2977 : vector<16xf32>
      %mul3A_3869 = arith.mulf %bitcast_convert_type3A_1393, %bitcast_convert_type3A_2993 : vector<16xf32>
      %mul3A_3870 = arith.mulf %bitcast_convert_type3A_1409, %bitcast_convert_type3A_3009 : vector<16xf32>
      %mul3A_3871 = arith.mulf %bitcast_convert_type3A_1425, %bitcast_convert_type3A_3025 : vector<16xf32>
      %mul3A_3872 = arith.mulf %bitcast_convert_type3A_1441, %bitcast_convert_type3A_3041 : vector<16xf32>
      %mul3A_3873 = arith.mulf %bitcast_convert_type3A_1457, %bitcast_convert_type3A_3057 : vector<16xf32>
      %mul3A_3874 = arith.mulf %bitcast_convert_type3A_1473, %bitcast_convert_type3A_3073 : vector<16xf32>
      %mul3A_3875 = arith.mulf %bitcast_convert_type3A_1489, %bitcast_convert_type3A_3089 : vector<16xf32>
      %mul3A_3876 = arith.mulf %bitcast_convert_type3A_1505, %bitcast_convert_type3A_3105 : vector<16xf32>
      %mul3A_3877 = arith.mulf %bitcast_convert_type3A_1521, %bitcast_convert_type3A_3121 : vector<16xf32>
      %mul3A_3878 = arith.mulf %bitcast_convert_type3A_1537, %bitcast_convert_type3A_3137 : vector<16xf32>
      %mul3A_3879 = arith.mulf %bitcast_convert_type3A_1553, %bitcast_convert_type3A_3153 : vector<16xf32>
      %mul3A_3880 = arith.mulf %bitcast_convert_type3A_1569, %bitcast_convert_type3A_3169 : vector<16xf32>
      %mul3A_3881 = arith.mulf %bitcast_convert_type3A_1585, %bitcast_convert_type3A_3185 : vector<16xf32>
      %mul3A_3882 = arith.mulf %bitcast_convert_type3A_1601, %bitcast_convert_type3A_3201 : vector<16xf32>
      %add3A_3883 = arith.addf %mul3A_3867, %mul3A_3868 : vector<16xf32>
      %add3A_3884 = arith.addf %mul3A_3869, %mul3A_3870 : vector<16xf32>
      %add3A_3885 = arith.addf %mul3A_3871, %mul3A_3872 : vector<16xf32>
      %add3A_3886 = arith.addf %mul3A_3873, %mul3A_3874 : vector<16xf32>
      %add3A_3887 = arith.addf %mul3A_3875, %mul3A_3876 : vector<16xf32>
      %add3A_3888 = arith.addf %mul3A_3877, %mul3A_3878 : vector<16xf32>
      %add3A_3889 = arith.addf %mul3A_3879, %mul3A_3880 : vector<16xf32>
      %add3A_3890 = arith.addf %mul3A_3881, %mul3A_3882 : vector<16xf32>
      %add3A_3891 = arith.addf %add3A_3883, %add3A_3884 : vector<16xf32>
      %add3A_3892 = arith.addf %add3A_3885, %add3A_3886 : vector<16xf32>
      %add3A_3893 = arith.addf %add3A_3887, %add3A_3888 : vector<16xf32>
      %add3A_3894 = arith.addf %add3A_3889, %add3A_3890 : vector<16xf32>
      %add3A_3895 = arith.addf %add3A_3891, %add3A_3892 : vector<16xf32>
      %add3A_3896 = arith.addf %add3A_3893, %add3A_3894 : vector<16xf32>
      %add3A_3897 = arith.addf %add3A_3895, %add3A_3896 : vector<16xf32>
      %gt3A_3898 = arith.cmpf ogt, %add3A_3897, %select_n3A_3860 : vector<16xf32>
      %select_n3A_3899 = arith.select %gt3A_3898, %add3A_3897, %select_n3A_3860 : vector<16xi1>, vector<16xf32>
      %jit3A_3900 = arith.constant 2 : i32
      %broadcast_in_dim3A_3901 = vector.broadcast %jit3A_3900 : i32 to vector<16xi32>
      %select_n3A_3902 = arith.select %gt3A_3898, %broadcast_in_dim3A_3901, %select_n3A_3863 : vector<16xi1>, vector<16xi32>
      %jit3A_3903 = arith.constant 7 : i32
      %broadcast_in_dim3A_3904 = vector.broadcast %jit3A_3903 : i32 to vector<16xi32>
      %select_n3A_3905 = arith.select %gt3A_3898, %broadcast_in_dim3A_3904, %select_n3A_3866 : vector<16xi1>, vector<16xi32>
      %mul3A_3906 = arith.mulf %bitcast_convert_type3A_1681, %bitcast_convert_type3A_2001 : vector<16xf32>
      %mul3A_3907 = arith.mulf %bitcast_convert_type3A_1697, %bitcast_convert_type3A_2017 : vector<16xf32>
      %mul3A_3908 = arith.mulf %bitcast_convert_type3A_1713, %bitcast_convert_type3A_2033 : vector<16xf32>
      %mul3A_3909 = arith.mulf %bitcast_convert_type3A_1729, %bitcast_convert_type3A_2049 : vector<16xf32>
      %mul3A_3910 = arith.mulf %bitcast_convert_type3A_1745, %bitcast_convert_type3A_2065 : vector<16xf32>
      %mul3A_3911 = arith.mulf %bitcast_convert_type3A_1761, %bitcast_convert_type3A_2081 : vector<16xf32>
      %mul3A_3912 = arith.mulf %bitcast_convert_type3A_1777, %bitcast_convert_type3A_2097 : vector<16xf32>
      %mul3A_3913 = arith.mulf %bitcast_convert_type3A_1793, %bitcast_convert_type3A_2113 : vector<16xf32>
      %mul3A_3914 = arith.mulf %bitcast_convert_type3A_1809, %bitcast_convert_type3A_2129 : vector<16xf32>
      %mul3A_3915 = arith.mulf %bitcast_convert_type3A_1825, %bitcast_convert_type3A_2145 : vector<16xf32>
      %mul3A_3916 = arith.mulf %bitcast_convert_type3A_1841, %bitcast_convert_type3A_2161 : vector<16xf32>
      %mul3A_3917 = arith.mulf %bitcast_convert_type3A_1857, %bitcast_convert_type3A_2177 : vector<16xf32>
      %mul3A_3918 = arith.mulf %bitcast_convert_type3A_1873, %bitcast_convert_type3A_2193 : vector<16xf32>
      %mul3A_3919 = arith.mulf %bitcast_convert_type3A_1889, %bitcast_convert_type3A_2209 : vector<16xf32>
      %mul3A_3920 = arith.mulf %bitcast_convert_type3A_1905, %bitcast_convert_type3A_2225 : vector<16xf32>
      %mul3A_3921 = arith.mulf %bitcast_convert_type3A_1921, %bitcast_convert_type3A_2241 : vector<16xf32>
      %add3A_3922 = arith.addf %mul3A_3906, %mul3A_3907 : vector<16xf32>
      %add3A_3923 = arith.addf %mul3A_3908, %mul3A_3909 : vector<16xf32>
      %add3A_3924 = arith.addf %mul3A_3910, %mul3A_3911 : vector<16xf32>
      %add3A_3925 = arith.addf %mul3A_3912, %mul3A_3913 : vector<16xf32>
      %add3A_3926 = arith.addf %mul3A_3914, %mul3A_3915 : vector<16xf32>
      %add3A_3927 = arith.addf %mul3A_3916, %mul3A_3917 : vector<16xf32>
      %add3A_3928 = arith.addf %mul3A_3918, %mul3A_3919 : vector<16xf32>
      %add3A_3929 = arith.addf %mul3A_3920, %mul3A_3921 : vector<16xf32>
      %add3A_3930 = arith.addf %add3A_3922, %add3A_3923 : vector<16xf32>
      %add3A_3931 = arith.addf %add3A_3924, %add3A_3925 : vector<16xf32>
      %add3A_3932 = arith.addf %add3A_3926, %add3A_3927 : vector<16xf32>
      %add3A_3933 = arith.addf %add3A_3928, %add3A_3929 : vector<16xf32>
      %add3A_3934 = arith.addf %add3A_3930, %add3A_3931 : vector<16xf32>
      %add3A_3935 = arith.addf %add3A_3932, %add3A_3933 : vector<16xf32>
      %add3A_3936 = arith.addf %add3A_3934, %add3A_3935 : vector<16xf32>
      %gt3A_3937 = arith.cmpf ogt, %add3A_3936, %select_n3A_3899 : vector<16xf32>
      %select_n3A_3938 = arith.select %gt3A_3937, %add3A_3936, %select_n3A_3899 : vector<16xi1>, vector<16xf32>
      %jit3A_3939 = arith.constant 3 : i32
      %broadcast_in_dim3A_3940 = vector.broadcast %jit3A_3939 : i32 to vector<16xi32>
      %select_n3A_3941 = arith.select %gt3A_3937, %broadcast_in_dim3A_3940, %select_n3A_3902 : vector<16xi1>, vector<16xi32>
      %jit3A_3942 = arith.constant 4 : i32
      %broadcast_in_dim3A_3943 = vector.broadcast %jit3A_3942 : i32 to vector<16xi32>
      %select_n3A_3944 = arith.select %gt3A_3937, %broadcast_in_dim3A_3943, %select_n3A_3905 : vector<16xi1>, vector<16xi32>
      %mul3A_3945 = arith.mulf %bitcast_convert_type3A_1681, %bitcast_convert_type3A_2321 : vector<16xf32>
      %mul3A_3946 = arith.mulf %bitcast_convert_type3A_1697, %bitcast_convert_type3A_2337 : vector<16xf32>
      %mul3A_3947 = arith.mulf %bitcast_convert_type3A_1713, %bitcast_convert_type3A_2353 : vector<16xf32>
      %mul3A_3948 = arith.mulf %bitcast_convert_type3A_1729, %bitcast_convert_type3A_2369 : vector<16xf32>
      %mul3A_3949 = arith.mulf %bitcast_convert_type3A_1745, %bitcast_convert_type3A_2385 : vector<16xf32>
      %mul3A_3950 = arith.mulf %bitcast_convert_type3A_1761, %bitcast_convert_type3A_2401 : vector<16xf32>
      %mul3A_3951 = arith.mulf %bitcast_convert_type3A_1777, %bitcast_convert_type3A_2417 : vector<16xf32>
      %mul3A_3952 = arith.mulf %bitcast_convert_type3A_1793, %bitcast_convert_type3A_2433 : vector<16xf32>
      %mul3A_3953 = arith.mulf %bitcast_convert_type3A_1809, %bitcast_convert_type3A_2449 : vector<16xf32>
      %mul3A_3954 = arith.mulf %bitcast_convert_type3A_1825, %bitcast_convert_type3A_2465 : vector<16xf32>
      %mul3A_3955 = arith.mulf %bitcast_convert_type3A_1841, %bitcast_convert_type3A_2481 : vector<16xf32>
      %mul3A_3956 = arith.mulf %bitcast_convert_type3A_1857, %bitcast_convert_type3A_2497 : vector<16xf32>
      %mul3A_3957 = arith.mulf %bitcast_convert_type3A_1873, %bitcast_convert_type3A_2513 : vector<16xf32>
      %mul3A_3958 = arith.mulf %bitcast_convert_type3A_1889, %bitcast_convert_type3A_2529 : vector<16xf32>
      %mul3A_3959 = arith.mulf %bitcast_convert_type3A_1905, %bitcast_convert_type3A_2545 : vector<16xf32>
      %mul3A_3960 = arith.mulf %bitcast_convert_type3A_1921, %bitcast_convert_type3A_2561 : vector<16xf32>
      %add3A_3961 = arith.addf %mul3A_3945, %mul3A_3946 : vector<16xf32>
      %add3A_3962 = arith.addf %mul3A_3947, %mul3A_3948 : vector<16xf32>
      %add3A_3963 = arith.addf %mul3A_3949, %mul3A_3950 : vector<16xf32>
      %add3A_3964 = arith.addf %mul3A_3951, %mul3A_3952 : vector<16xf32>
      %add3A_3965 = arith.addf %mul3A_3953, %mul3A_3954 : vector<16xf32>
      %add3A_3966 = arith.addf %mul3A_3955, %mul3A_3956 : vector<16xf32>
      %add3A_3967 = arith.addf %mul3A_3957, %mul3A_3958 : vector<16xf32>
      %add3A_3968 = arith.addf %mul3A_3959, %mul3A_3960 : vector<16xf32>
      %add3A_3969 = arith.addf %add3A_3961, %add3A_3962 : vector<16xf32>
      %add3A_3970 = arith.addf %add3A_3963, %add3A_3964 : vector<16xf32>
      %add3A_3971 = arith.addf %add3A_3965, %add3A_3966 : vector<16xf32>
      %add3A_3972 = arith.addf %add3A_3967, %add3A_3968 : vector<16xf32>
      %add3A_3973 = arith.addf %add3A_3969, %add3A_3970 : vector<16xf32>
      %add3A_3974 = arith.addf %add3A_3971, %add3A_3972 : vector<16xf32>
      %add3A_3975 = arith.addf %add3A_3973, %add3A_3974 : vector<16xf32>
      %gt3A_3976 = arith.cmpf ogt, %add3A_3975, %select_n3A_3938 : vector<16xf32>
      %select_n3A_3977 = arith.select %gt3A_3976, %add3A_3975, %select_n3A_3938 : vector<16xi1>, vector<16xf32>
      %jit3A_3978 = arith.constant 3 : i32
      %broadcast_in_dim3A_3979 = vector.broadcast %jit3A_3978 : i32 to vector<16xi32>
      %select_n3A_3980 = arith.select %gt3A_3976, %broadcast_in_dim3A_3979, %select_n3A_3941 : vector<16xi1>, vector<16xi32>
      %jit3A_3981 = arith.constant 5 : i32
      %broadcast_in_dim3A_3982 = vector.broadcast %jit3A_3981 : i32 to vector<16xi32>
      %select_n3A_3983 = arith.select %gt3A_3976, %broadcast_in_dim3A_3982, %select_n3A_3944 : vector<16xi1>, vector<16xi32>
      %mul3A_3984 = arith.mulf %bitcast_convert_type3A_1681, %bitcast_convert_type3A_2641 : vector<16xf32>
      %mul3A_3985 = arith.mulf %bitcast_convert_type3A_1697, %bitcast_convert_type3A_2657 : vector<16xf32>
      %mul3A_3986 = arith.mulf %bitcast_convert_type3A_1713, %bitcast_convert_type3A_2673 : vector<16xf32>
      %mul3A_3987 = arith.mulf %bitcast_convert_type3A_1729, %bitcast_convert_type3A_2689 : vector<16xf32>
      %mul3A_3988 = arith.mulf %bitcast_convert_type3A_1745, %bitcast_convert_type3A_2705 : vector<16xf32>
      %mul3A_3989 = arith.mulf %bitcast_convert_type3A_1761, %bitcast_convert_type3A_2721 : vector<16xf32>
      %mul3A_3990 = arith.mulf %bitcast_convert_type3A_1777, %bitcast_convert_type3A_2737 : vector<16xf32>
      %mul3A_3991 = arith.mulf %bitcast_convert_type3A_1793, %bitcast_convert_type3A_2753 : vector<16xf32>
      %mul3A_3992 = arith.mulf %bitcast_convert_type3A_1809, %bitcast_convert_type3A_2769 : vector<16xf32>
      %mul3A_3993 = arith.mulf %bitcast_convert_type3A_1825, %bitcast_convert_type3A_2785 : vector<16xf32>
      %mul3A_3994 = arith.mulf %bitcast_convert_type3A_1841, %bitcast_convert_type3A_2801 : vector<16xf32>
      %mul3A_3995 = arith.mulf %bitcast_convert_type3A_1857, %bitcast_convert_type3A_2817 : vector<16xf32>
      %mul3A_3996 = arith.mulf %bitcast_convert_type3A_1873, %bitcast_convert_type3A_2833 : vector<16xf32>
      %mul3A_3997 = arith.mulf %bitcast_convert_type3A_1889, %bitcast_convert_type3A_2849 : vector<16xf32>
      %mul3A_3998 = arith.mulf %bitcast_convert_type3A_1905, %bitcast_convert_type3A_2865 : vector<16xf32>
      %mul3A_3999 = arith.mulf %bitcast_convert_type3A_1921, %bitcast_convert_type3A_2881 : vector<16xf32>
      %add3A_4000 = arith.addf %mul3A_3984, %mul3A_3985 : vector<16xf32>
      %add3A_4001 = arith.addf %mul3A_3986, %mul3A_3987 : vector<16xf32>
      %add3A_4002 = arith.addf %mul3A_3988, %mul3A_3989 : vector<16xf32>
      %add3A_4003 = arith.addf %mul3A_3990, %mul3A_3991 : vector<16xf32>
      %add3A_4004 = arith.addf %mul3A_3992, %mul3A_3993 : vector<16xf32>
      %add3A_4005 = arith.addf %mul3A_3994, %mul3A_3995 : vector<16xf32>
      %add3A_4006 = arith.addf %mul3A_3996, %mul3A_3997 : vector<16xf32>
      %add3A_4007 = arith.addf %mul3A_3998, %mul3A_3999 : vector<16xf32>
      %add3A_4008 = arith.addf %add3A_4000, %add3A_4001 : vector<16xf32>
      %add3A_4009 = arith.addf %add3A_4002, %add3A_4003 : vector<16xf32>
      %add3A_4010 = arith.addf %add3A_4004, %add3A_4005 : vector<16xf32>
      %add3A_4011 = arith.addf %add3A_4006, %add3A_4007 : vector<16xf32>
      %add3A_4012 = arith.addf %add3A_4008, %add3A_4009 : vector<16xf32>
      %add3A_4013 = arith.addf %add3A_4010, %add3A_4011 : vector<16xf32>
      %add3A_4014 = arith.addf %add3A_4012, %add3A_4013 : vector<16xf32>
      %gt3A_4015 = arith.cmpf ogt, %add3A_4014, %select_n3A_3977 : vector<16xf32>
      %select_n3A_4016 = arith.select %gt3A_4015, %add3A_4014, %select_n3A_3977 : vector<16xi1>, vector<16xf32>
      %jit3A_4017 = arith.constant 3 : i32
      %broadcast_in_dim3A_4018 = vector.broadcast %jit3A_4017 : i32 to vector<16xi32>
      %select_n3A_4019 = arith.select %gt3A_4015, %broadcast_in_dim3A_4018, %select_n3A_3980 : vector<16xi1>, vector<16xi32>
      %jit3A_4020 = arith.constant 6 : i32
      %broadcast_in_dim3A_4021 = vector.broadcast %jit3A_4020 : i32 to vector<16xi32>
      %select_n3A_4022 = arith.select %gt3A_4015, %broadcast_in_dim3A_4021, %select_n3A_3983 : vector<16xi1>, vector<16xi32>
      %mul3A_4023 = arith.mulf %bitcast_convert_type3A_1681, %bitcast_convert_type3A_2961 : vector<16xf32>
      %mul3A_4024 = arith.mulf %bitcast_convert_type3A_1697, %bitcast_convert_type3A_2977 : vector<16xf32>
      %mul3A_4025 = arith.mulf %bitcast_convert_type3A_1713, %bitcast_convert_type3A_2993 : vector<16xf32>
      %mul3A_4026 = arith.mulf %bitcast_convert_type3A_1729, %bitcast_convert_type3A_3009 : vector<16xf32>
      %mul3A_4027 = arith.mulf %bitcast_convert_type3A_1745, %bitcast_convert_type3A_3025 : vector<16xf32>
      %mul3A_4028 = arith.mulf %bitcast_convert_type3A_1761, %bitcast_convert_type3A_3041 : vector<16xf32>
      %mul3A_4029 = arith.mulf %bitcast_convert_type3A_1777, %bitcast_convert_type3A_3057 : vector<16xf32>
      %mul3A_4030 = arith.mulf %bitcast_convert_type3A_1793, %bitcast_convert_type3A_3073 : vector<16xf32>
      %mul3A_4031 = arith.mulf %bitcast_convert_type3A_1809, %bitcast_convert_type3A_3089 : vector<16xf32>
      %mul3A_4032 = arith.mulf %bitcast_convert_type3A_1825, %bitcast_convert_type3A_3105 : vector<16xf32>
      %mul3A_4033 = arith.mulf %bitcast_convert_type3A_1841, %bitcast_convert_type3A_3121 : vector<16xf32>
      %mul3A_4034 = arith.mulf %bitcast_convert_type3A_1857, %bitcast_convert_type3A_3137 : vector<16xf32>
      %mul3A_4035 = arith.mulf %bitcast_convert_type3A_1873, %bitcast_convert_type3A_3153 : vector<16xf32>
      %mul3A_4036 = arith.mulf %bitcast_convert_type3A_1889, %bitcast_convert_type3A_3169 : vector<16xf32>
      %mul3A_4037 = arith.mulf %bitcast_convert_type3A_1905, %bitcast_convert_type3A_3185 : vector<16xf32>
      %mul3A_4038 = arith.mulf %bitcast_convert_type3A_1921, %bitcast_convert_type3A_3201 : vector<16xf32>
      %add3A_4039 = arith.addf %mul3A_4023, %mul3A_4024 : vector<16xf32>
      %add3A_4040 = arith.addf %mul3A_4025, %mul3A_4026 : vector<16xf32>
      %add3A_4041 = arith.addf %mul3A_4027, %mul3A_4028 : vector<16xf32>
      %add3A_4042 = arith.addf %mul3A_4029, %mul3A_4030 : vector<16xf32>
      %add3A_4043 = arith.addf %mul3A_4031, %mul3A_4032 : vector<16xf32>
      %add3A_4044 = arith.addf %mul3A_4033, %mul3A_4034 : vector<16xf32>
      %add3A_4045 = arith.addf %mul3A_4035, %mul3A_4036 : vector<16xf32>
      %add3A_4046 = arith.addf %mul3A_4037, %mul3A_4038 : vector<16xf32>
      %add3A_4047 = arith.addf %add3A_4039, %add3A_4040 : vector<16xf32>
      %add3A_4048 = arith.addf %add3A_4041, %add3A_4042 : vector<16xf32>
      %add3A_4049 = arith.addf %add3A_4043, %add3A_4044 : vector<16xf32>
      %add3A_4050 = arith.addf %add3A_4045, %add3A_4046 : vector<16xf32>
      %add3A_4051 = arith.addf %add3A_4047, %add3A_4048 : vector<16xf32>
      %add3A_4052 = arith.addf %add3A_4049, %add3A_4050 : vector<16xf32>
      %add3A_4053 = arith.addf %add3A_4051, %add3A_4052 : vector<16xf32>
      %gt3A_4054 = arith.cmpf ogt, %add3A_4053, %select_n3A_4016 : vector<16xf32>
      %select_n3A_4055 = arith.select %gt3A_4054, %add3A_4053, %select_n3A_4016 : vector<16xi1>, vector<16xf32>
      %jit3A_4056 = arith.constant 3 : i32
      %broadcast_in_dim3A_4057 = vector.broadcast %jit3A_4056 : i32 to vector<16xi32>
      %select_n3A_4058 = arith.select %gt3A_4054, %broadcast_in_dim3A_4057, %select_n3A_4019 : vector<16xi1>, vector<16xi32>
      %jit3A_4059 = arith.constant 7 : i32
      %broadcast_in_dim3A_4060 = vector.broadcast %jit3A_4059 : i32 to vector<16xi32>
      %select_n3A_4061 = arith.select %gt3A_4054, %broadcast_in_dim3A_4060, %select_n3A_4022 : vector<16xi1>, vector<16xi32>
      %mul3A_4062 = arith.mulf %bitcast_convert_type3A_2001, %bitcast_convert_type3A_2321 : vector<16xf32>
      %mul3A_4063 = arith.mulf %bitcast_convert_type3A_2017, %bitcast_convert_type3A_2337 : vector<16xf32>
      %mul3A_4064 = arith.mulf %bitcast_convert_type3A_2033, %bitcast_convert_type3A_2353 : vector<16xf32>
      %mul3A_4065 = arith.mulf %bitcast_convert_type3A_2049, %bitcast_convert_type3A_2369 : vector<16xf32>
      %mul3A_4066 = arith.mulf %bitcast_convert_type3A_2065, %bitcast_convert_type3A_2385 : vector<16xf32>
      %mul3A_4067 = arith.mulf %bitcast_convert_type3A_2081, %bitcast_convert_type3A_2401 : vector<16xf32>
      %mul3A_4068 = arith.mulf %bitcast_convert_type3A_2097, %bitcast_convert_type3A_2417 : vector<16xf32>
      %mul3A_4069 = arith.mulf %bitcast_convert_type3A_2113, %bitcast_convert_type3A_2433 : vector<16xf32>
      %mul3A_4070 = arith.mulf %bitcast_convert_type3A_2129, %bitcast_convert_type3A_2449 : vector<16xf32>
      %mul3A_4071 = arith.mulf %bitcast_convert_type3A_2145, %bitcast_convert_type3A_2465 : vector<16xf32>
      %mul3A_4072 = arith.mulf %bitcast_convert_type3A_2161, %bitcast_convert_type3A_2481 : vector<16xf32>
      %mul3A_4073 = arith.mulf %bitcast_convert_type3A_2177, %bitcast_convert_type3A_2497 : vector<16xf32>
      %mul3A_4074 = arith.mulf %bitcast_convert_type3A_2193, %bitcast_convert_type3A_2513 : vector<16xf32>
      %mul3A_4075 = arith.mulf %bitcast_convert_type3A_2209, %bitcast_convert_type3A_2529 : vector<16xf32>
      %mul3A_4076 = arith.mulf %bitcast_convert_type3A_2225, %bitcast_convert_type3A_2545 : vector<16xf32>
      %mul3A_4077 = arith.mulf %bitcast_convert_type3A_2241, %bitcast_convert_type3A_2561 : vector<16xf32>
      %add3A_4078 = arith.addf %mul3A_4062, %mul3A_4063 : vector<16xf32>
      %add3A_4079 = arith.addf %mul3A_4064, %mul3A_4065 : vector<16xf32>
      %add3A_4080 = arith.addf %mul3A_4066, %mul3A_4067 : vector<16xf32>
      %add3A_4081 = arith.addf %mul3A_4068, %mul3A_4069 : vector<16xf32>
      %add3A_4082 = arith.addf %mul3A_4070, %mul3A_4071 : vector<16xf32>
      %add3A_4083 = arith.addf %mul3A_4072, %mul3A_4073 : vector<16xf32>
      %add3A_4084 = arith.addf %mul3A_4074, %mul3A_4075 : vector<16xf32>
      %add3A_4085 = arith.addf %mul3A_4076, %mul3A_4077 : vector<16xf32>
      %add3A_4086 = arith.addf %add3A_4078, %add3A_4079 : vector<16xf32>
      %add3A_4087 = arith.addf %add3A_4080, %add3A_4081 : vector<16xf32>
      %add3A_4088 = arith.addf %add3A_4082, %add3A_4083 : vector<16xf32>
      %add3A_4089 = arith.addf %add3A_4084, %add3A_4085 : vector<16xf32>
      %add3A_4090 = arith.addf %add3A_4086, %add3A_4087 : vector<16xf32>
      %add3A_4091 = arith.addf %add3A_4088, %add3A_4089 : vector<16xf32>
      %add3A_4092 = arith.addf %add3A_4090, %add3A_4091 : vector<16xf32>
      %gt3A_4093 = arith.cmpf ogt, %add3A_4092, %select_n3A_4055 : vector<16xf32>
      %select_n3A_4094 = arith.select %gt3A_4093, %add3A_4092, %select_n3A_4055 : vector<16xi1>, vector<16xf32>
      %jit3A_4095 = arith.constant 4 : i32
      %broadcast_in_dim3A_4096 = vector.broadcast %jit3A_4095 : i32 to vector<16xi32>
      %select_n3A_4097 = arith.select %gt3A_4093, %broadcast_in_dim3A_4096, %select_n3A_4058 : vector<16xi1>, vector<16xi32>
      %jit3A_4098 = arith.constant 5 : i32
      %broadcast_in_dim3A_4099 = vector.broadcast %jit3A_4098 : i32 to vector<16xi32>
      %select_n3A_4100 = arith.select %gt3A_4093, %broadcast_in_dim3A_4099, %select_n3A_4061 : vector<16xi1>, vector<16xi32>
      %mul3A_4101 = arith.mulf %bitcast_convert_type3A_2001, %bitcast_convert_type3A_2641 : vector<16xf32>
      %mul3A_4102 = arith.mulf %bitcast_convert_type3A_2017, %bitcast_convert_type3A_2657 : vector<16xf32>
      %mul3A_4103 = arith.mulf %bitcast_convert_type3A_2033, %bitcast_convert_type3A_2673 : vector<16xf32>
      %mul3A_4104 = arith.mulf %bitcast_convert_type3A_2049, %bitcast_convert_type3A_2689 : vector<16xf32>
      %mul3A_4105 = arith.mulf %bitcast_convert_type3A_2065, %bitcast_convert_type3A_2705 : vector<16xf32>
      %mul3A_4106 = arith.mulf %bitcast_convert_type3A_2081, %bitcast_convert_type3A_2721 : vector<16xf32>
      %mul3A_4107 = arith.mulf %bitcast_convert_type3A_2097, %bitcast_convert_type3A_2737 : vector<16xf32>
      %mul3A_4108 = arith.mulf %bitcast_convert_type3A_2113, %bitcast_convert_type3A_2753 : vector<16xf32>
      %mul3A_4109 = arith.mulf %bitcast_convert_type3A_2129, %bitcast_convert_type3A_2769 : vector<16xf32>
      %mul3A_4110 = arith.mulf %bitcast_convert_type3A_2145, %bitcast_convert_type3A_2785 : vector<16xf32>
      %mul3A_4111 = arith.mulf %bitcast_convert_type3A_2161, %bitcast_convert_type3A_2801 : vector<16xf32>
      %mul3A_4112 = arith.mulf %bitcast_convert_type3A_2177, %bitcast_convert_type3A_2817 : vector<16xf32>
      %mul3A_4113 = arith.mulf %bitcast_convert_type3A_2193, %bitcast_convert_type3A_2833 : vector<16xf32>
      %mul3A_4114 = arith.mulf %bitcast_convert_type3A_2209, %bitcast_convert_type3A_2849 : vector<16xf32>
      %mul3A_4115 = arith.mulf %bitcast_convert_type3A_2225, %bitcast_convert_type3A_2865 : vector<16xf32>
      %mul3A_4116 = arith.mulf %bitcast_convert_type3A_2241, %bitcast_convert_type3A_2881 : vector<16xf32>
      %add3A_4117 = arith.addf %mul3A_4101, %mul3A_4102 : vector<16xf32>
      %add3A_4118 = arith.addf %mul3A_4103, %mul3A_4104 : vector<16xf32>
      %add3A_4119 = arith.addf %mul3A_4105, %mul3A_4106 : vector<16xf32>
      %add3A_4120 = arith.addf %mul3A_4107, %mul3A_4108 : vector<16xf32>
      %add3A_4121 = arith.addf %mul3A_4109, %mul3A_4110 : vector<16xf32>
      %add3A_4122 = arith.addf %mul3A_4111, %mul3A_4112 : vector<16xf32>
      %add3A_4123 = arith.addf %mul3A_4113, %mul3A_4114 : vector<16xf32>
      %add3A_4124 = arith.addf %mul3A_4115, %mul3A_4116 : vector<16xf32>
      %add3A_4125 = arith.addf %add3A_4117, %add3A_4118 : vector<16xf32>
      %add3A_4126 = arith.addf %add3A_4119, %add3A_4120 : vector<16xf32>
      %add3A_4127 = arith.addf %add3A_4121, %add3A_4122 : vector<16xf32>
      %add3A_4128 = arith.addf %add3A_4123, %add3A_4124 : vector<16xf32>
      %add3A_4129 = arith.addf %add3A_4125, %add3A_4126 : vector<16xf32>
      %add3A_4130 = arith.addf %add3A_4127, %add3A_4128 : vector<16xf32>
      %add3A_4131 = arith.addf %add3A_4129, %add3A_4130 : vector<16xf32>
      %gt3A_4132 = arith.cmpf ogt, %add3A_4131, %select_n3A_4094 : vector<16xf32>
      %select_n3A_4133 = arith.select %gt3A_4132, %add3A_4131, %select_n3A_4094 : vector<16xi1>, vector<16xf32>
      %jit3A_4134 = arith.constant 4 : i32
      %broadcast_in_dim3A_4135 = vector.broadcast %jit3A_4134 : i32 to vector<16xi32>
      %select_n3A_4136 = arith.select %gt3A_4132, %broadcast_in_dim3A_4135, %select_n3A_4097 : vector<16xi1>, vector<16xi32>
      %jit3A_4137 = arith.constant 6 : i32
      %broadcast_in_dim3A_4138 = vector.broadcast %jit3A_4137 : i32 to vector<16xi32>
      %select_n3A_4139 = arith.select %gt3A_4132, %broadcast_in_dim3A_4138, %select_n3A_4100 : vector<16xi1>, vector<16xi32>
      %mul3A_4140 = arith.mulf %bitcast_convert_type3A_2001, %bitcast_convert_type3A_2961 : vector<16xf32>
      %mul3A_4141 = arith.mulf %bitcast_convert_type3A_2017, %bitcast_convert_type3A_2977 : vector<16xf32>
      %mul3A_4142 = arith.mulf %bitcast_convert_type3A_2033, %bitcast_convert_type3A_2993 : vector<16xf32>
      %mul3A_4143 = arith.mulf %bitcast_convert_type3A_2049, %bitcast_convert_type3A_3009 : vector<16xf32>
      %mul3A_4144 = arith.mulf %bitcast_convert_type3A_2065, %bitcast_convert_type3A_3025 : vector<16xf32>
      %mul3A_4145 = arith.mulf %bitcast_convert_type3A_2081, %bitcast_convert_type3A_3041 : vector<16xf32>
      %mul3A_4146 = arith.mulf %bitcast_convert_type3A_2097, %bitcast_convert_type3A_3057 : vector<16xf32>
      %mul3A_4147 = arith.mulf %bitcast_convert_type3A_2113, %bitcast_convert_type3A_3073 : vector<16xf32>
      %mul3A_4148 = arith.mulf %bitcast_convert_type3A_2129, %bitcast_convert_type3A_3089 : vector<16xf32>
      %mul3A_4149 = arith.mulf %bitcast_convert_type3A_2145, %bitcast_convert_type3A_3105 : vector<16xf32>
      %mul3A_4150 = arith.mulf %bitcast_convert_type3A_2161, %bitcast_convert_type3A_3121 : vector<16xf32>
      %mul3A_4151 = arith.mulf %bitcast_convert_type3A_2177, %bitcast_convert_type3A_3137 : vector<16xf32>
      %mul3A_4152 = arith.mulf %bitcast_convert_type3A_2193, %bitcast_convert_type3A_3153 : vector<16xf32>
      %mul3A_4153 = arith.mulf %bitcast_convert_type3A_2209, %bitcast_convert_type3A_3169 : vector<16xf32>
      %mul3A_4154 = arith.mulf %bitcast_convert_type3A_2225, %bitcast_convert_type3A_3185 : vector<16xf32>
      %mul3A_4155 = arith.mulf %bitcast_convert_type3A_2241, %bitcast_convert_type3A_3201 : vector<16xf32>
      %add3A_4156 = arith.addf %mul3A_4140, %mul3A_4141 : vector<16xf32>
      %add3A_4157 = arith.addf %mul3A_4142, %mul3A_4143 : vector<16xf32>
      %add3A_4158 = arith.addf %mul3A_4144, %mul3A_4145 : vector<16xf32>
      %add3A_4159 = arith.addf %mul3A_4146, %mul3A_4147 : vector<16xf32>
      %add3A_4160 = arith.addf %mul3A_4148, %mul3A_4149 : vector<16xf32>
      %add3A_4161 = arith.addf %mul3A_4150, %mul3A_4151 : vector<16xf32>
      %add3A_4162 = arith.addf %mul3A_4152, %mul3A_4153 : vector<16xf32>
      %add3A_4163 = arith.addf %mul3A_4154, %mul3A_4155 : vector<16xf32>
      %add3A_4164 = arith.addf %add3A_4156, %add3A_4157 : vector<16xf32>
      %add3A_4165 = arith.addf %add3A_4158, %add3A_4159 : vector<16xf32>
      %add3A_4166 = arith.addf %add3A_4160, %add3A_4161 : vector<16xf32>
      %add3A_4167 = arith.addf %add3A_4162, %add3A_4163 : vector<16xf32>
      %add3A_4168 = arith.addf %add3A_4164, %add3A_4165 : vector<16xf32>
      %add3A_4169 = arith.addf %add3A_4166, %add3A_4167 : vector<16xf32>
      %add3A_4170 = arith.addf %add3A_4168, %add3A_4169 : vector<16xf32>
      %gt3A_4171 = arith.cmpf ogt, %add3A_4170, %select_n3A_4133 : vector<16xf32>
      %select_n3A_4172 = arith.select %gt3A_4171, %add3A_4170, %select_n3A_4133 : vector<16xi1>, vector<16xf32>
      %jit3A_4173 = arith.constant 4 : i32
      %broadcast_in_dim3A_4174 = vector.broadcast %jit3A_4173 : i32 to vector<16xi32>
      %select_n3A_4175 = arith.select %gt3A_4171, %broadcast_in_dim3A_4174, %select_n3A_4136 : vector<16xi1>, vector<16xi32>
      %jit3A_4176 = arith.constant 7 : i32
      %broadcast_in_dim3A_4177 = vector.broadcast %jit3A_4176 : i32 to vector<16xi32>
      %select_n3A_4178 = arith.select %gt3A_4171, %broadcast_in_dim3A_4177, %select_n3A_4139 : vector<16xi1>, vector<16xi32>
      %mul3A_4179 = arith.mulf %bitcast_convert_type3A_2321, %bitcast_convert_type3A_2641 : vector<16xf32>
      %mul3A_4180 = arith.mulf %bitcast_convert_type3A_2337, %bitcast_convert_type3A_2657 : vector<16xf32>
      %mul3A_4181 = arith.mulf %bitcast_convert_type3A_2353, %bitcast_convert_type3A_2673 : vector<16xf32>
      %mul3A_4182 = arith.mulf %bitcast_convert_type3A_2369, %bitcast_convert_type3A_2689 : vector<16xf32>
      %mul3A_4183 = arith.mulf %bitcast_convert_type3A_2385, %bitcast_convert_type3A_2705 : vector<16xf32>
      %mul3A_4184 = arith.mulf %bitcast_convert_type3A_2401, %bitcast_convert_type3A_2721 : vector<16xf32>
      %mul3A_4185 = arith.mulf %bitcast_convert_type3A_2417, %bitcast_convert_type3A_2737 : vector<16xf32>
      %mul3A_4186 = arith.mulf %bitcast_convert_type3A_2433, %bitcast_convert_type3A_2753 : vector<16xf32>
      %mul3A_4187 = arith.mulf %bitcast_convert_type3A_2449, %bitcast_convert_type3A_2769 : vector<16xf32>
      %mul3A_4188 = arith.mulf %bitcast_convert_type3A_2465, %bitcast_convert_type3A_2785 : vector<16xf32>
      %mul3A_4189 = arith.mulf %bitcast_convert_type3A_2481, %bitcast_convert_type3A_2801 : vector<16xf32>
      %mul3A_4190 = arith.mulf %bitcast_convert_type3A_2497, %bitcast_convert_type3A_2817 : vector<16xf32>
      %mul3A_4191 = arith.mulf %bitcast_convert_type3A_2513, %bitcast_convert_type3A_2833 : vector<16xf32>
      %mul3A_4192 = arith.mulf %bitcast_convert_type3A_2529, %bitcast_convert_type3A_2849 : vector<16xf32>
      %mul3A_4193 = arith.mulf %bitcast_convert_type3A_2545, %bitcast_convert_type3A_2865 : vector<16xf32>
      %mul3A_4194 = arith.mulf %bitcast_convert_type3A_2561, %bitcast_convert_type3A_2881 : vector<16xf32>
      %add3A_4195 = arith.addf %mul3A_4179, %mul3A_4180 : vector<16xf32>
      %add3A_4196 = arith.addf %mul3A_4181, %mul3A_4182 : vector<16xf32>
      %add3A_4197 = arith.addf %mul3A_4183, %mul3A_4184 : vector<16xf32>
      %add3A_4198 = arith.addf %mul3A_4185, %mul3A_4186 : vector<16xf32>
      %add3A_4199 = arith.addf %mul3A_4187, %mul3A_4188 : vector<16xf32>
      %add3A_4200 = arith.addf %mul3A_4189, %mul3A_4190 : vector<16xf32>
      %add3A_4201 = arith.addf %mul3A_4191, %mul3A_4192 : vector<16xf32>
      %add3A_4202 = arith.addf %mul3A_4193, %mul3A_4194 : vector<16xf32>
      %add3A_4203 = arith.addf %add3A_4195, %add3A_4196 : vector<16xf32>
      %add3A_4204 = arith.addf %add3A_4197, %add3A_4198 : vector<16xf32>
      %add3A_4205 = arith.addf %add3A_4199, %add3A_4200 : vector<16xf32>
      %add3A_4206 = arith.addf %add3A_4201, %add3A_4202 : vector<16xf32>
      %add3A_4207 = arith.addf %add3A_4203, %add3A_4204 : vector<16xf32>
      %add3A_4208 = arith.addf %add3A_4205, %add3A_4206 : vector<16xf32>
      %add3A_4209 = arith.addf %add3A_4207, %add3A_4208 : vector<16xf32>
      %gt3A_4210 = arith.cmpf ogt, %add3A_4209, %select_n3A_4172 : vector<16xf32>
      %select_n3A_4211 = arith.select %gt3A_4210, %add3A_4209, %select_n3A_4172 : vector<16xi1>, vector<16xf32>
      %jit3A_4212 = arith.constant 5 : i32
      %broadcast_in_dim3A_4213 = vector.broadcast %jit3A_4212 : i32 to vector<16xi32>
      %select_n3A_4214 = arith.select %gt3A_4210, %broadcast_in_dim3A_4213, %select_n3A_4175 : vector<16xi1>, vector<16xi32>
      %jit3A_4215 = arith.constant 6 : i32
      %broadcast_in_dim3A_4216 = vector.broadcast %jit3A_4215 : i32 to vector<16xi32>
      %select_n3A_4217 = arith.select %gt3A_4210, %broadcast_in_dim3A_4216, %select_n3A_4178 : vector<16xi1>, vector<16xi32>
      %mul3A_4218 = arith.mulf %bitcast_convert_type3A_2321, %bitcast_convert_type3A_2961 : vector<16xf32>
      %mul3A_4219 = arith.mulf %bitcast_convert_type3A_2337, %bitcast_convert_type3A_2977 : vector<16xf32>
      %mul3A_4220 = arith.mulf %bitcast_convert_type3A_2353, %bitcast_convert_type3A_2993 : vector<16xf32>
      %mul3A_4221 = arith.mulf %bitcast_convert_type3A_2369, %bitcast_convert_type3A_3009 : vector<16xf32>
      %mul3A_4222 = arith.mulf %bitcast_convert_type3A_2385, %bitcast_convert_type3A_3025 : vector<16xf32>
      %mul3A_4223 = arith.mulf %bitcast_convert_type3A_2401, %bitcast_convert_type3A_3041 : vector<16xf32>
      %mul3A_4224 = arith.mulf %bitcast_convert_type3A_2417, %bitcast_convert_type3A_3057 : vector<16xf32>
      %mul3A_4225 = arith.mulf %bitcast_convert_type3A_2433, %bitcast_convert_type3A_3073 : vector<16xf32>
      %mul3A_4226 = arith.mulf %bitcast_convert_type3A_2449, %bitcast_convert_type3A_3089 : vector<16xf32>
      %mul3A_4227 = arith.mulf %bitcast_convert_type3A_2465, %bitcast_convert_type3A_3105 : vector<16xf32>
      %mul3A_4228 = arith.mulf %bitcast_convert_type3A_2481, %bitcast_convert_type3A_3121 : vector<16xf32>
      %mul3A_4229 = arith.mulf %bitcast_convert_type3A_2497, %bitcast_convert_type3A_3137 : vector<16xf32>
      %mul3A_4230 = arith.mulf %bitcast_convert_type3A_2513, %bitcast_convert_type3A_3153 : vector<16xf32>
      %mul3A_4231 = arith.mulf %bitcast_convert_type3A_2529, %bitcast_convert_type3A_3169 : vector<16xf32>
      %mul3A_4232 = arith.mulf %bitcast_convert_type3A_2545, %bitcast_convert_type3A_3185 : vector<16xf32>
      %mul3A_4233 = arith.mulf %bitcast_convert_type3A_2561, %bitcast_convert_type3A_3201 : vector<16xf32>
      %add3A_4234 = arith.addf %mul3A_4218, %mul3A_4219 : vector<16xf32>
      %add3A_4235 = arith.addf %mul3A_4220, %mul3A_4221 : vector<16xf32>
      %add3A_4236 = arith.addf %mul3A_4222, %mul3A_4223 : vector<16xf32>
      %add3A_4237 = arith.addf %mul3A_4224, %mul3A_4225 : vector<16xf32>
      %add3A_4238 = arith.addf %mul3A_4226, %mul3A_4227 : vector<16xf32>
      %add3A_4239 = arith.addf %mul3A_4228, %mul3A_4229 : vector<16xf32>
      %add3A_4240 = arith.addf %mul3A_4230, %mul3A_4231 : vector<16xf32>
      %add3A_4241 = arith.addf %mul3A_4232, %mul3A_4233 : vector<16xf32>
      %add3A_4242 = arith.addf %add3A_4234, %add3A_4235 : vector<16xf32>
      %add3A_4243 = arith.addf %add3A_4236, %add3A_4237 : vector<16xf32>
      %add3A_4244 = arith.addf %add3A_4238, %add3A_4239 : vector<16xf32>
      %add3A_4245 = arith.addf %add3A_4240, %add3A_4241 : vector<16xf32>
      %add3A_4246 = arith.addf %add3A_4242, %add3A_4243 : vector<16xf32>
      %add3A_4247 = arith.addf %add3A_4244, %add3A_4245 : vector<16xf32>
      %add3A_4248 = arith.addf %add3A_4246, %add3A_4247 : vector<16xf32>
      %gt3A_4249 = arith.cmpf ogt, %add3A_4248, %select_n3A_4211 : vector<16xf32>
      %select_n3A_4250 = arith.select %gt3A_4249, %add3A_4248, %select_n3A_4211 : vector<16xi1>, vector<16xf32>
      %jit3A_4251 = arith.constant 5 : i32
      %broadcast_in_dim3A_4252 = vector.broadcast %jit3A_4251 : i32 to vector<16xi32>
      %select_n3A_4253 = arith.select %gt3A_4249, %broadcast_in_dim3A_4252, %select_n3A_4214 : vector<16xi1>, vector<16xi32>
      %jit3A_4254 = arith.constant 7 : i32
      %broadcast_in_dim3A_4255 = vector.broadcast %jit3A_4254 : i32 to vector<16xi32>
      %select_n3A_4256 = arith.select %gt3A_4249, %broadcast_in_dim3A_4255, %select_n3A_4217 : vector<16xi1>, vector<16xi32>
      %mul3A_4257 = arith.mulf %bitcast_convert_type3A_2641, %bitcast_convert_type3A_2961 : vector<16xf32>
      %mul3A_4258 = arith.mulf %bitcast_convert_type3A_2657, %bitcast_convert_type3A_2977 : vector<16xf32>
      %mul3A_4259 = arith.mulf %bitcast_convert_type3A_2673, %bitcast_convert_type3A_2993 : vector<16xf32>
      %mul3A_4260 = arith.mulf %bitcast_convert_type3A_2689, %bitcast_convert_type3A_3009 : vector<16xf32>
      %mul3A_4261 = arith.mulf %bitcast_convert_type3A_2705, %bitcast_convert_type3A_3025 : vector<16xf32>
      %mul3A_4262 = arith.mulf %bitcast_convert_type3A_2721, %bitcast_convert_type3A_3041 : vector<16xf32>
      %mul3A_4263 = arith.mulf %bitcast_convert_type3A_2737, %bitcast_convert_type3A_3057 : vector<16xf32>
      %mul3A_4264 = arith.mulf %bitcast_convert_type3A_2753, %bitcast_convert_type3A_3073 : vector<16xf32>
      %mul3A_4265 = arith.mulf %bitcast_convert_type3A_2769, %bitcast_convert_type3A_3089 : vector<16xf32>
      %mul3A_4266 = arith.mulf %bitcast_convert_type3A_2785, %bitcast_convert_type3A_3105 : vector<16xf32>
      %mul3A_4267 = arith.mulf %bitcast_convert_type3A_2801, %bitcast_convert_type3A_3121 : vector<16xf32>
      %mul3A_4268 = arith.mulf %bitcast_convert_type3A_2817, %bitcast_convert_type3A_3137 : vector<16xf32>
      %mul3A_4269 = arith.mulf %bitcast_convert_type3A_2833, %bitcast_convert_type3A_3153 : vector<16xf32>
      %mul3A_4270 = arith.mulf %bitcast_convert_type3A_2849, %bitcast_convert_type3A_3169 : vector<16xf32>
      %mul3A_4271 = arith.mulf %bitcast_convert_type3A_2865, %bitcast_convert_type3A_3185 : vector<16xf32>
      %mul3A_4272 = arith.mulf %bitcast_convert_type3A_2881, %bitcast_convert_type3A_3201 : vector<16xf32>
      %add3A_4273 = arith.addf %mul3A_4257, %mul3A_4258 : vector<16xf32>
      %add3A_4274 = arith.addf %mul3A_4259, %mul3A_4260 : vector<16xf32>
      %add3A_4275 = arith.addf %mul3A_4261, %mul3A_4262 : vector<16xf32>
      %add3A_4276 = arith.addf %mul3A_4263, %mul3A_4264 : vector<16xf32>
      %add3A_4277 = arith.addf %mul3A_4265, %mul3A_4266 : vector<16xf32>
      %add3A_4278 = arith.addf %mul3A_4267, %mul3A_4268 : vector<16xf32>
      %add3A_4279 = arith.addf %mul3A_4269, %mul3A_4270 : vector<16xf32>
      %add3A_4280 = arith.addf %mul3A_4271, %mul3A_4272 : vector<16xf32>
      %add3A_4281 = arith.addf %add3A_4273, %add3A_4274 : vector<16xf32>
      %add3A_4282 = arith.addf %add3A_4275, %add3A_4276 : vector<16xf32>
      %add3A_4283 = arith.addf %add3A_4277, %add3A_4278 : vector<16xf32>
      %add3A_4284 = arith.addf %add3A_4279, %add3A_4280 : vector<16xf32>
      %add3A_4285 = arith.addf %add3A_4281, %add3A_4282 : vector<16xf32>
      %add3A_4286 = arith.addf %add3A_4283, %add3A_4284 : vector<16xf32>
      %add3A_4287 = arith.addf %add3A_4285, %add3A_4286 : vector<16xf32>
      %gt3A_4288 = arith.cmpf ogt, %add3A_4287, %select_n3A_4250 : vector<16xf32>
      %select_n3A_4289 = arith.select %gt3A_4288, %add3A_4287, %select_n3A_4250 : vector<16xi1>, vector<16xf32>
      %jit3A_4290 = arith.constant 6 : i32
      %broadcast_in_dim3A_4291 = vector.broadcast %jit3A_4290 : i32 to vector<16xi32>
      %select_n3A_4292 = arith.select %gt3A_4288, %broadcast_in_dim3A_4291, %select_n3A_4253 : vector<16xi1>, vector<16xi32>
      %jit3A_4293 = arith.constant 7 : i32
      %broadcast_in_dim3A_4294 = vector.broadcast %jit3A_4293 : i32 to vector<16xi32>
      %select_n3A_4295 = arith.select %gt3A_4288, %broadcast_in_dim3A_4294, %select_n3A_4256 : vector<16xi1>, vector<16xi32>
      %swap3A = arith.index_cast %mul3A_8 : i32 to index
      %swap3A_4296 = tpu.vector_load %arg7[%swap3A] {strides = array<i32>} : memref<512xf32, #tpu.memory_space<vmem>>, vector<16xf32>,
      %swap3A_4297 = vector.shape_cast %swap3A_4296 : vector<16xf32> to vector<16xf32>
      %swap3A_4298 = vector.shape_cast %select_n3A_4289 : vector<16xf32> to vector<16xf32>
      tpu.vector_store %arg7[%swap3A], %swap3A_4298 {strides = array<i32>} : memref<512xf32, #tpu.memory_space<vmem>>, vector<16xf32>,
      %swap3A_4299 = arith.index_cast %mul3A_8 : i32 to index
      %swap3A_4300 = tpu.vector_load %arg8[%swap3A_4299] {strides = array<i32>} : memref<512xi32, #tpu.memory_space<vmem>>, vector<16xi32>,
      %swap3A_4301 = vector.shape_cast %swap3A_4300 : vector<16xi32> to vector<16xi32>
      %swap3A_4302 = vector.shape_cast %select_n3A_4292 : vector<16xi32> to vector<16xi32>
      tpu.vector_store %arg8[%swap3A_4299], %swap3A_4302 {strides = array<i32>} : memref<512xi32, #tpu.memory_space<vmem>>, vector<16xi32>,
      %swap3A_4303 = arith.index_cast %mul3A_8 : i32 to index
      %swap3A_4304 = tpu.vector_load %arg9[%swap3A_4303] {strides = array<i32>} : memref<512xi32, #tpu.memory_space<vmem>>, vector<16xi32>,
      %swap3A_4305 = vector.shape_cast %swap3A_4304 : vector<16xi32> to vector<16xi32>
      %swap3A_4306 = vector.shape_cast %select_n3A_4295 : vector<16xi32> to vector<16xi32>
      tpu.vector_store %arg9[%swap3A_4303], %swap3A_4306 {strides = array<i32>} : memref<512xi32, #tpu.memory_space<vmem>>, vector<16xi32>,
    }
    %scan3A_5 = arith.constant 32 : i32
    "tpu.region"() ({
      %run_scoped3A = tpu.sem_alloc : memref<!tpu.dma_semaphore, #tpu.memory_space<semaphore_mem>>
      %dma_start3A = arith.constant 0 : i32
      %dma_start3A_6 = tpu.memref_slice %arg3[%add3A, %dma_start3A] : memref<32x512xf32, #tpu.memory_space<hbm>> -> memref<1x512xf32, #tpu.memory_space<hbm>>
      %dma_start3A_7 = tpu.memref_squeeze %dma_start3A_6 : memref<1x512xf32, #tpu.memory_space<hbm>> -> memref<512xf32, #tpu.memory_space<hbm>>
      %dma_start3A_8 = arith.constant 0 : i32
      %dma_start3A_9 = tpu.memref_slice %arg3[%add3A, %dma_start3A_8] : memref<32x512xf32, #tpu.memory_space<hbm>> -> memref<1x512xf32, #tpu.memory_space<hbm>>
      %dma_start3A_10 = tpu.memref_squeeze %dma_start3A_9 : memref<1x512xf32, #tpu.memory_space<hbm>> -> memref<512xf32, #tpu.memory_space<hbm>>
      tpu.enqueue_dma source(%arg7 : memref<512xf32, #tpu.memory_space<vmem>>) target(%dma_start3A_10 : memref<512xf32, #tpu.memory_space<hbm>>) target_semaphore(%run_scoped3A : memref<!tpu.dma_semaphore, #tpu.memory_space<semaphore_mem>>)
      %dma_wait3A = arith.constant 0 : i32
      %dma_wait3A_11 = tpu.memref_slice %arg3[%add3A, %dma_wait3A] : memref<32x512xf32, #tpu.memory_space<hbm>> -> memref<1x512xf32, #tpu.memory_space<hbm>>
      %dma_wait3A_12 = tpu.memref_squeeze %dma_wait3A_11 : memref<1x512xf32, #tpu.memory_space<hbm>> -> memref<512xf32, #tpu.memory_space<hbm>>
      %dma_wait3A_13 = arith.constant 0 : i32
      %dma_wait3A_14 = tpu.memref_slice %arg3[%add3A, %dma_wait3A_13] : memref<32x512xf32, #tpu.memory_space<hbm>> -> memref<1x512xf32, #tpu.memory_space<hbm>>
      %dma_wait3A_15 = tpu.memref_squeeze %dma_wait3A_14 : memref<1x512xf32, #tpu.memory_space<hbm>> -> memref<512xf32, #tpu.memory_space<hbm>>
      tpu.wait_dma2 semaphore(%run_scoped3A : memref<!tpu.dma_semaphore, #tpu.memory_space<semaphore_mem>>) src(%arg7 : memref<512xf32, #tpu.memory_space<vmem>>) dst(%dma_wait3A_15 : memref<512xf32, #tpu.memory_space<hbm>>)
      tpu.yield
    }) : () -> ()
    "tpu.region"() ({
      %run_scoped3A = tpu.sem_alloc : memref<!tpu.dma_semaphore, #tpu.memory_space<semaphore_mem>>
      %dma_start3A = arith.constant 0 : i32
      %dma_start3A_6 = tpu.memref_slice %arg4[%add3A, %dma_start3A] : memref<32x512xi32, #tpu.memory_space<hbm>> -> memref<1x512xi32, #tpu.memory_space<hbm>>
      %dma_start3A_7 = tpu.memref_squeeze %dma_start3A_6 : memref<1x512xi32, #tpu.memory_space<hbm>> -> memref<512xi32, #tpu.memory_space<hbm>>
      %dma_start3A_8 = arith.constant 0 : i32
      %dma_start3A_9 = tpu.memref_slice %arg4[%add3A, %dma_start3A_8] : memref<32x512xi32, #tpu.memory_space<hbm>> -> memref<1x512xi32, #tpu.memory_space<hbm>>
      %dma_start3A_10 = tpu.memref_squeeze %dma_start3A_9 : memref<1x512xi32, #tpu.memory_space<hbm>> -> memref<512xi32, #tpu.memory_space<hbm>>
      tpu.enqueue_dma source(%arg8 : memref<512xi32, #tpu.memory_space<vmem>>) target(%dma_start3A_10 : memref<512xi32, #tpu.memory_space<hbm>>) target_semaphore(%run_scoped3A : memref<!tpu.dma_semaphore, #tpu.memory_space<semaphore_mem>>)
      %dma_wait3A = arith.constant 0 : i32
      %dma_wait3A_11 = tpu.memref_slice %arg4[%add3A, %dma_wait3A] : memref<32x512xi32, #tpu.memory_space<hbm>> -> memref<1x512xi32, #tpu.memory_space<hbm>>
      %dma_wait3A_12 = tpu.memref_squeeze %dma_wait3A_11 : memref<1x512xi32, #tpu.memory_space<hbm>> -> memref<512xi32, #tpu.memory_space<hbm>>
      %dma_wait3A_13 = arith.constant 0 : i32
      %dma_wait3A_14 = tpu.memref_slice %arg4[%add3A, %dma_wait3A_13] : memref<32x512xi32, #tpu.memory_space<hbm>> -> memref<1x512xi32, #tpu.memory_space<hbm>>
      %dma_wait3A_15 = tpu.memref_squeeze %dma_wait3A_14 : memref<1x512xi32, #tpu.memory_space<hbm>> -> memref<512xi32, #tpu.memory_space<hbm>>
      tpu.wait_dma2 semaphore(%run_scoped3A : memref<!tpu.dma_semaphore, #tpu.memory_space<semaphore_mem>>) src(%arg8 : memref<512xi32, #tpu.memory_space<vmem>>) dst(%dma_wait3A_15 : memref<512xi32, #tpu.memory_space<hbm>>)
      tpu.yield
    }) : () -> ()
    "tpu.region"() ({
      %run_scoped3A = tpu.sem_alloc : memref<!tpu.dma_semaphore, #tpu.memory_space<semaphore_mem>>
      %dma_start3A = arith.constant 0 : i32
      %dma_start3A_6 = tpu.memref_slice %arg5[%add3A, %dma_start3A] : memref<32x512xi32, #tpu.memory_space<hbm>> -> memref<1x512xi32, #tpu.memory_space<hbm>>
      %dma_start3A_7 = tpu.memref_squeeze %dma_start3A_6 : memref<1x512xi32, #tpu.memory_space<hbm>> -> memref<512xi32, #tpu.memory_space<hbm>>
      %dma_start3A_8 = arith.constant 0 : i32
      %dma_start3A_9 = tpu.memref_slice %arg5[%add3A, %dma_start3A_8] : memref<32x512xi32, #tpu.memory_space<hbm>> -> memref<1x512xi32, #tpu.memory_space<hbm>>
      %dma_start3A_10 = tpu.memref_squeeze %dma_start3A_9 : memref<1x512xi32, #tpu.memory_space<hbm>> -> memref<512xi32, #tpu.memory_space<hbm>>
      tpu.enqueue_dma source(%arg9 : memref<512xi32, #tpu.memory_space<vmem>>) target(%dma_start3A_10 : memref<512xi32, #tpu.memory_space<hbm>>) target_semaphore(%run_scoped3A : memref<!tpu.dma_semaphore, #tpu.memory_space<semaphore_mem>>)
      %dma_wait3A = arith.constant 0 : i32
      %dma_wait3A_11 = tpu.memref_slice %arg5[%add3A, %dma_wait3A] : memref<32x512xi32, #tpu.memory_space<hbm>> -> memref<1x512xi32, #tpu.memory_space<hbm>>
      %dma_wait3A_12 = tpu.memref_squeeze %dma_wait3A_11 : memref<1x512xi32, #tpu.memory_space<hbm>> -> memref<512xi32, #tpu.memory_space<hbm>>
      %dma_wait3A_13 = arith.constant 0 : i32
      %dma_wait3A_14 = tpu.memref_slice %arg5[%add3A, %dma_wait3A_13] : memref<32x512xi32, #tpu.memory_space<hbm>> -> memref<1x512xi32, #tpu.memory_space<hbm>>
      %dma_wait3A_15 = tpu.memref_squeeze %dma_wait3A_14 : memref<1x512xi32, #tpu.memory_space<hbm>> -> memref<512xi32, #tpu.memory_space<hbm>>
      tpu.wait_dma2 semaphore(%run_scoped3A : memref<!tpu.dma_semaphore, #tpu.memory_space<semaphore_mem>>) src(%arg9 : memref<512xi32, #tpu.memory_space<vmem>>) dst(%dma_wait3A_15 : memref<512xi32, #tpu.memory_space<hbm>>)
      tpu.yield
    }) : () -> ()
    return
  }
}

module attributes {stable_mosaic.version = 14 : i64} {
  func.func @_tc_body(%arg0: i32, %arg1: memref<2048x2048xf32, #tpu.memory_space<vmem>>, %arg2: memref<128x2048xf32, #tpu.memory_space<vmem>>, %arg3: memref<4x128x512xf32, #tpu.memory_space<vmem>>) attributes {dimension_semantics = [#tpu.dimension_semantics<arbitrary>], iteration_bounds = array<i64: 8>, scalar_prefetch = 0 : i64, scratch_operands = 0 : i64, tpu.core_type = #tpu.core_type<tc>, window_params = [{transform_indices = @transform_0, window_bounds = array<i64: 2048, 2048>}, {pipeline_mode = #tpu.pipeline_mode<synchronous>, transform_indices = @transform_1, window_bounds = array<i64: 128, 2048>}, {transform_indices = @transform_2, window_bounds = array<i64: 4, 128, 512>}]} {
    %get3A = arith.constant 0 : index
    %get3A_0 = arith.constant 0 : index
    %get3A_1 = vector.load %arg1[%get3A, %get3A_0] : memref<2048x2048xf32, #tpu.memory_space<vmem>>, vector<2048x2048xf32>
    %get3A_2 = arith.constant 0 : index
    %get3A_3 = arith.constant 0 : index
    %get3A_4 = vector.load %arg2[%get3A_2, %get3A_3] : memref<128x2048xf32, #tpu.memory_space<vmem>>, vector<128x2048xf32>
    %dot_general3A = arith.constant dense<0.000000e+00> : vector<128x2048xf32>
    %dot_general3A_5 = tpu.matmul %get3A_4, %get3A_1, %dot_general3A {dimension_numbers = #tpu.dot_dimension_numbers<[1], [1], [0], [0], [0, 0, 1, 0], [], []>, transpose_lhs_hint = false} : vector<128x2048xf32>, vector<2048x2048xf32>, vector<128x2048xf32> -> vector<128x2048xf32>
    %slice3A = vector.extract_strided_slice %dot_general3A_5 {offsets = [0, 0], sizes = [128, 512], strides = [1, 1]} : vector<128x2048xf32> to vector<128x512xf32>
    %swap3A = arith.constant 0 : index
    %swap3A_6 = arith.constant 0 : index
    %swap3A_7 = arith.constant 0 : index
    %swap3A_8 = vector.load %arg3[%swap3A, %swap3A_6, %swap3A_7] : memref<4x128x512xf32, #tpu.memory_space<vmem>>, vector<1x128x512xf32>
    %swap3A_9 = vector.shape_cast %swap3A_8 : vector<1x128x512xf32> to vector<128x512xf32>
    %swap3A_10 = vector.shape_cast %slice3A : vector<128x512xf32> to vector<1x128x512xf32>
    tpu.vector_store %arg3[%swap3A, %swap3A_6, %swap3A_7], %swap3A_10 {strides = array<i32>} : memref<4x128x512xf32, #tpu.memory_space<vmem>>, vector<1x128x512xf32>,
    %slice3A_11 = vector.extract_strided_slice %dot_general3A_5 {offsets = [0, 512], sizes = [128, 512], strides = [1, 1]} : vector<128x2048xf32> to vector<128x512xf32>
    %swap3A_12 = arith.constant 1 : index
    %swap3A_13 = arith.constant 0 : index
    %swap3A_14 = arith.constant 0 : index
    %swap3A_15 = vector.load %arg3[%swap3A_12, %swap3A_13, %swap3A_14] : memref<4x128x512xf32, #tpu.memory_space<vmem>>, vector<1x128x512xf32>
    %swap3A_16 = vector.shape_cast %swap3A_15 : vector<1x128x512xf32> to vector<128x512xf32>
    %swap3A_17 = vector.shape_cast %slice3A_11 : vector<128x512xf32> to vector<1x128x512xf32>
    tpu.vector_store %arg3[%swap3A_12, %swap3A_13, %swap3A_14], %swap3A_17 {strides = array<i32>} : memref<4x128x512xf32, #tpu.memory_space<vmem>>, vector<1x128x512xf32>,
    %slice3A_18 = vector.extract_strided_slice %dot_general3A_5 {offsets = [0, 1024], sizes = [128, 512], strides = [1, 1]} : vector<128x2048xf32> to vector<128x512xf32>
    %swap3A_19 = arith.constant 2 : index
    %swap3A_20 = arith.constant 0 : index
    %swap3A_21 = arith.constant 0 : index
    %swap3A_22 = vector.load %arg3[%swap3A_19, %swap3A_20, %swap3A_21] : memref<4x128x512xf32, #tpu.memory_space<vmem>>, vector<1x128x512xf32>
    %swap3A_23 = vector.shape_cast %swap3A_22 : vector<1x128x512xf32> to vector<128x512xf32>
    %swap3A_24 = vector.shape_cast %slice3A_18 : vector<128x512xf32> to vector<1x128x512xf32>
    tpu.vector_store %arg3[%swap3A_19, %swap3A_20, %swap3A_21], %swap3A_24 {strides = array<i32>} : memref<4x128x512xf32, #tpu.memory_space<vmem>>, vector<1x128x512xf32>,
    %slice3A_25 = vector.extract_strided_slice %dot_general3A_5 {offsets = [0, 1536], sizes = [128, 512], strides = [1, 1]} : vector<128x2048xf32> to vector<128x512xf32>
    %swap3A_26 = arith.constant 3 : index
    %swap3A_27 = arith.constant 0 : index
    %swap3A_28 = arith.constant 0 : index
    %swap3A_29 = vector.load %arg3[%swap3A_26, %swap3A_27, %swap3A_28] : memref<4x128x512xf32, #tpu.memory_space<vmem>>, vector<1x128x512xf32>
    %swap3A_30 = vector.shape_cast %swap3A_29 : vector<1x128x512xf32> to vector<128x512xf32>
    %swap3A_31 = vector.shape_cast %slice3A_25 : vector<128x512xf32> to vector<1x128x512xf32>
    tpu.vector_store %arg3[%swap3A_26, %swap3A_27, %swap3A_28], %swap3A_31 {strides = array<i32>} : memref<4x128x512xf32, #tpu.memory_space<vmem>>, vector<1x128x512xf32>,
    return
  }
  func.func @transform_0(%arg0: i32) -> (i32, i32) {
    %c0_i32 = arith.constant 0 : i32
    %c0_i32_0 = arith.constant 0 : i32
    return %arg0, %c0_i32 : i32, i32
  }
  func.func @transform_1(%arg0: i32) -> (i32, i32) {
    %c0_i32 = arith.constant 0 : i32
    %c0_i32_0 = arith.constant 0 : i32
    %c0_i32_1 = arith.constant 0 : i32
    return %c0_i32, %c0_i32_0 : i32, i32
  }
  func.func @transform_2(%arg0: i32) -> (i32, i32, i32) {
    %c0_i32 = arith.constant 0 : i32
    %c0_i32_0 = arith.constant 0 : i32
    %c0_i32_1 = arith.constant 0 : i32
    return %arg0, %c0_i32, %c0_i32_0 : i32, i32, i32
  }
}

</mosaic_0001>

<sc_bundles>
// kernel: kernel.4.cloned.1.call-start
scs
__scs_entry_jumppad:
0x0: {  	(pc) =	sbr.rel $0x88, $3  }
0x1: {  	(tag) =	ssettag $0x0;
	lr =	simm.s32 $0x1  }
0x2: {  	[smem:$0x3F9F] =	sst lr;
	_ =	strace $0xD0000000  }
0x3: {  	_ = 	snop  }
0x4: {  	_ = 	snop  }
0x5: {  	_ = 	snop  }
0x6: {  	_ = 	snop  }
0x7: {  	_ = 	snop  }
__scs_overlays_trampoline_lowered:
0x8: {  	[smem:$0x3FAE] =	sst s0  }
0x9: {  	[smem:$0x3FAF] =	sst s1  }
0xa: {  	[smem:$0x3FB0] =	sst s2  }
0xb: {  	[smem:$0x3FB1] =	sst s3  }
0xc: {  	[smem:$0x3FB2] =	sst s4  }
0xd: {  	[smem:$0x3FB3] =	sst s5  }
0xe: {  	[smem:$0x3FB4] =	sst s6  }
0xf: {  	[smem:$0x3FB5] =	sst s7  }
0x10: {  	[smem:$0x3FB6] =	sst s8  }
0x11: {  	[smem:$0x3FB7] =	sst s9;
	s0 =	simm.s32 @!p0 $0x0  }
0x12: {  	s1 =	sld [smem:$0x3F9D];
	s0 =	simm.s32 @p0 $0x1  }
0x13: {  	[smem:$0x3FB8] =	sst s0;
	s0 =	simm.s32 @!p1 $0x0  }
0x14: {  	s2 =	sld [smem:$0x3F9C];
	s0 =	simm.s32 @p1 $0x1  }
0x15: {  	[smem:$0x3FB9] =	sst s0;
	s0 =	simm.s32 @!p2 $0x0  }
0x16: {  	s3 =	sld [smem:$0x3FDB];
	s0 =	simm.s32 @p2 $0x1  }
0x17: {  	s4 =	simm.s32 $0x1BF5;
	[smem:$0x3FBB] =	sst s0  }
0x18: {  	s0 =	sld [smem:$0x3F9E];
	_ =	swait.ge [sflag:s4], $0x0  }
0x19: {  	s7 =	sld [smem:$0x3F9F]  }
0x1a: {  	s8 =	sadd.s32 $0xFFFFE003, lr  }
0x1b: {  	s9 =	sadd.s32 $0xFFFFFEF7, lr;
	s5 =	simm.s32 $0xFFFFFFFF;
	p2 =	slt.u32 s8, $0xFFFFF086  }
0x1c: {  	p1 =	slt.u32 s9, $0xF7A;
	s5 =	simm.s32 @!p2 $0x0  }
0x1d: {  	s5 =	simm.s32 @p1 $0x1;
	p0 =	seq.s32 s7, s2  }
0x1e: {  	s7 =	smul.u32 @!p0 $0xF7A, s2;
	p2 =	seq.s32 @!p0 s5, $0x0  }
0x1f: {  	s9 =	smul.u32 $0xF7A, s1;
	s8 =	simm.s32 @!p0 $0x1BF5;
	p2 =	por !p2, p0  }
0x20: {  	[sflag:s8] =	ssyncset.s32 @!p0 $0xFFFFF086;
	s6 =	sadd.s32 @!p0 s3, s7;
	s7 =	simm.s32 @!p0 $0x108  }
0x21: {  	s3 =	sadd.s32 s3, s9;
	s6 =	sadd.s32 @!p0 $0x88, s6;
	s7 =	simm.s32 @p2 $0x1082  }
0x22: {  	[simem:s7], [sflag:s8] =	dma.local @!p0 [hbm:s6], $0xF7A  }
0x23: {  	s9 =	sor.u32 $0xD0000000, s2;
	s6 =	simm.s32 $0x108;
	_ =	swait.ge @!p0 [sflag:s8], $0x0  }
0x24: {  	s3 =	sadd.s32 $0x88, s3;
	s6 =	simm.s32 @!p1 $0x1082;
	[sflag:s4] =	ssyncset.s32 $0xFFFFF086  }
0x25: {  	[simem:s6], [sflag:s4] =	dma.local [hbm:s3], $0xF7A  }
0x26: {  	[smem:$0x3F9F] =	sst s1;
	(tag) =	ssettag s2;
	_ =	strace s9  }
0x27: {  	s1 =	sld [smem:$0x3FAF]  }
0x28: {  	s2 =	sld [smem:$0x3FB0]  }
0x29: {  	s4 =	sld [smem:$0x3FB2]  }
0x2a: {  	p0 =	seq.s32 s5, $0x0;
	s5 =	sld [smem:$0x3FB3]  }
0x2b: {  	s6 =	sld [smem:$0x3FB4]  }
0x2c: {  	s7 =	sld [smem:$0x3FB5]  }
0x2d: {  	s3 =	simm.s32 $0x108;
	s8 =	sld [smem:$0x3FB6]  }
0x2e: {  	s3 =	simm.s32 @!p0 $0x1082;
	s9 =	sld [smem:$0x3FB7]  }
0x2f: {  	lr =	sadd.s32 s0, s3;
	s0 =	sld [smem:$0x3FAE]  }
0x30: {  	s3 =	sld [smem:$0x3FB1]  }
0x31: {  	[smem:$0x3FBA] =	sst s10  }
0x32: {  	s10 =	sld [smem:$0x3FB8];
	_ =	sdelay $0x3  }
0x33: {  	p0 =	seq.s32 s10, $0x1;
	s10 =	sld [smem:$0x3FBA];
	_ =	sdelay $0x3  }
0x34: {  	[smem:$0x3FBA] =	sst s10  }
0x35: {  	s10 =	sld [smem:$0x3FB9];
	_ =	sdelay $0x3  }
0x36: {  	p1 =	seq.s32 s10, $0x1;
	s10 =	sld [smem:$0x3FBA];
	_ =	sdelay $0x3  }
0x37: {  	[smem:$0x3FBA] =	sst s10  }
0x38: {  	s10 =	sld [smem:$0x3FBB]  }
0x39: {  	_ = 	snop;
	(pc) =	sbr.ind lr, $3  }
0x3a: {  	_ = 	snop  }
0x3b: {  	_ = 	snop  }
0x3c: {  	p2 =	seq.s32 s10, $0x1;
	s10 =	sld [smem:$0x3FBA]  }
0x3d: {  	_ =	shalt  }
0x3e: {  	_ =	shalt  }
0x3f: {  	_ =	shalt  }
0x40: {  	_ =	shalt  }
0x41: {  	_ =	shalt  }
0x42: {  	_ =	shalt  }
0x43: {  	_ =	shalt  }
0x44: {  	_ =	shalt  }
0x45: {  	_ =	shalt  }
0x46: {  	_ =	shalt  }
0x47: {  	_ =	shalt  }
0x48: {  	_ =	shalt  }
0x49: {  	_ =	shalt  }
0x4a: {  	_ =	shalt  }
0x4b: {  	_ =	shalt  }
0x4c: {  	_ =	shalt  }
0x4d: {  	_ =	shalt  }
0x4e: {  	_ =	shalt  }
0x4f: {  	_ =	shalt  }
0x50: {  	_ =	shalt  }
0x51: {  	_ =	shalt  }
0x52: {  	_ =	shalt  }
0x53: {  	_ =	shalt  }
0x54: {  	_ =	shalt  }
0x55: {  	_ =	shalt  }
0x56: {  	_ =	shalt  }
0x57: {  	_ =	shalt  }
0x58: {  	_ =	shalt  }
0x59: {  	_ =	shalt  }
0x5a: {  	_ =	shalt  }
0x5b: {  	_ =	shalt  }
0x5c: {  	_ =	shalt  }
0x5d: {  	_ =	shalt  }
0x5e: {  	_ =	shalt  }
0x5f: {  	_ =	shalt  }
0x60: {  	_ =	shalt  }
0x61: {  	_ =	shalt  }
0x62: {  	_ =	shalt  }
0x63: {  	_ =	shalt  }
0x64: {  	_ =	shalt  }
0x65: {  	_ =	shalt  }
0x66: {  	_ =	shalt  }
0x67: {  	_ =	shalt  }
0x68: {  	_ =	shalt  }
0x69: {  	_ =	shalt  }
0x6a: {  	_ =	shalt  }
0x6b: {  	_ =	shalt  }
0x6c: {  	_ =	shalt  }
0x6d: {  	_ =	shalt  }
0x6e: {  	_ =	shalt  }
0x6f: {  	_ =	shalt  }
0x70: {  	_ =	shalt  }
0x71: {  	_ =	shalt  }
0x72: {  	_ =	shalt  }
0x73: {  	_ =	shalt  }
0x74: {  	_ =	shalt  }
0x75: {  	_ =	shalt  }
0x76: {  	_ =	shalt  }
0x77: {  	_ =	shalt  }
0x78: {  	_ =	shalt  }
0x79: {  	_ =	shalt  }
0x7a: {  	_ =	shalt  }
0x7b: {  	_ =	shalt  }
0x7c: {  	_ =	shalt  }
0x7d: {  	_ =	shalt  }
0x7e: {  	_ =	shalt  }
0x7f: {  	_ =	shalt  }
0x80: {  	_ =	shalt  }
0x81: {  	_ =	shalt  }
0x82: {  	_ =	shalt  }
0x83: {  	_ =	shalt  }
0x84: {  	_ =	shalt  }
0x85: {  	_ =	shalt  }
0x86: {  	_ =	shalt  }
0x87: {  	_ =	shalt  }
.Lfunc_end0:
.L_simem_size_0:
called_computation_lowered:
.L_overlay_start_0:
0x88: {  	s2 =	sld [smem:$0x3FD9]  }
0x89: {  	s3 =	sld [smem:$0x3FFE];
	_ =	sdelay $0x1  }
0x8a: {  	s1 =	srdreg.scid  }
0x8b: {  	s0 =	sand.u32 $0x1, s1  }
0x8c: {  	s14 =	sshll.u32 s0, $0xA;
	s2 =	sadd.s32 s3, s2  }
0x8d: {  	s2 =	sadd.s32 s2, s14  }
0x8e: {  	[smem:$0x3FC6] =	sst s2  }
0x8f: {  	_ = 	snop  }
0x90: {  	s2 =	sld [smem:$0x3FD0];
	_ =	sdelay $0x2  }
0x91: {  	s15 =	simm.s32 $0xA;
	s4 =	simm.s32 $0x10  }
0x92: {  	[smem:s4], [sflag:s15] =	dma.local [hbm:s2], $0x1  }
0x93: {  	_ =	swait.eq [sflag:s15], $0x1  }
0x94: {  	[sflag:s15] =	ssyncset.done $0x0  }
0x95: {  	[sflag:s15] =	ssyncadd.s32 $0xFFFFFFFF  }
0x96: {  	s16 =	sld [smem:$0x11];
	(tm) =	ssettm $0x1  }
0x97: {  	s17 =	sld [smem:$0x3FFB];
	_ =	sdelay $0x3  }
0x98: {  	_ =	strace s17  }
0x99: {  	s3 =	sld [smem:$0x3FFC];
	_ =	sdelay $0x3  }
0x9a: {  	_ =	strace s3  }
0x9b: {  	s3 =	sld [smem:$0x3FFD];
	_ =	sdelay $0x3  }
0x9c: {  	_ =	strace s3  }
0x9d: {  	_ =	strace $0x8FFFFFFF  }
0x9e: {  	s18 =	sld [smem:$0x3FDB];
	_ =	sdelay $0x1  }
0x9f: {  	s19 =	simm.s32 $_scs_section_size  }
0xa0: {  	s5 =	simm.s32 $_size__tile_overlayer_lowered;
	s6 =	simm.s32 $_tile_overlayer_lowered  }
0xa1: {  	s22 =	simm.s32 $0x1BFF;
	s21 =	sshll.u32 s6, $0x1;
	s3 =	sadd.s32 s19, s18  }
0xa2: {  	s7 =	simm.s32 $0x0;
	s20 =	sshll.u32 s5, $0x1;
	s5 =	sadd.s32 s21, s3  }
0xa3: {  	[timem:s7], [sflag:s22] =	dma.local [hbm:s5], s20  }
0xa4: {  	_ =	swait.ge [sflag:s22], s20  }
0xa5: {  	s4 =	ssub.s32 $0x0, s20;
	[sflag:s22] =	ssyncset.done $0x0  }
0xa6: {  	[sflag:s22] =	ssyncadd.s32 s4;
	_ =	sdelay $0x1  }
0xa7: {  	s23 =	simm.s32 $0x1B8B  }
0xa8: {  	_ =	swait.ge [sflag:s23], $0x1  }
0xa9: {  	[sflag:s23] =	ssyncset.done $0x0  }
0xaa: {  	s25 =	simm.s32 $0x1B8E;
	s24 =	sld [smem:$0x3FFE];
	[sflag:s23] =	ssyncadd.s32 $0xFFFFFFFF  }
0xab: {  	s26 =	simm.s32 $execute0_lowered;
	[smem:$0x3FD2] =	sst s25  }
0xac: {  	s5 =	sshll.u32 s26, $0x1;
	_ =	strace $0x80000046;
	[dreg:$0x1] =	wrdreg $0xFFFFFFFF  }
0xad: {  	s28 =	simm.s32 $_size_execute0_lowered;
	s3 =	sadd.s32 s3, s5;
	[dreg:$0x0] =	wrdreg $0x0  }
0xae: {  	s5 =	sshll.u32 s28, $0x1;
	[dreg:$0x2] =	wrdreg s3  }
0xaf: {  	[dreg:$0x3] =	wrdreg s5  }
0xb0: {  	[dreg:$0x4] =	wrdreg $0xC0  }
0xb1: {  	_ =	task [dreg:s7], $0x5FFFF  }
0xb2: {  	[dreg:$0x1] =	wrdreg $0xFFFFFFFF  }
0xb3: {  	[dreg:$0x0] =	wrdreg $0x60  }
0xb4: {  	[dreg:$0x2] =	wrdreg s24  }
0xb5: {  	[dreg:$0x3] =	wrdreg s16  }
0xb6: {  	[dreg:$0x4] =	wrdreg $0x9  }
0xb7: {  	_ =	task.clear_ibuf [dreg:s7], $0x5FFFF;
	_ =	strace $0x90000046  }
0xb8: {  	s29 =	simm.s32 $0x9;
	_ =	strace $0x80000048  }
0xb9: {  	_ =	swait.ge [sflag:s29], $0x1  }
0xba: {  	[sflag:s29] =	ssyncadd.s32 $0xFFFFFFFF  }
0xbb: {  	_ =	strace $0x90000048  }
0xbc: {  	_ =	sfence  }
0xbd: {  	s30 =	sld [smem:$0x0];
	_ =	sdelay $0x2  }
0xbe: {  	s31 =	sshll.u32 s1, $0xD;
	s1 =	sshrl.u32 s1, $0x2  }
0xbf: {  	s3 =	sand.u32 $0x4000, s31;
	s1 =	sadd.s32 s1, s30  }
0xc0: {  	s0 =	sor.u32 s3, s0;
	s1 =	sshll.u32 s1, $0x11  }
0xc1: {  	s0 =	sor.u32 s1, s0  }
0xc2: {  	s0 =	sadd.s32 $0x8F2B, s0  }
0xc3: {  	[sflag:s0] =	ssyncadd.remote.s32 $0x1  }
0xc4: {  	_ =	sfence.sel $0xFFFF  }
0xc5: {  	[dreg:$0x0] =	wrdreg $0xFFFFFFFF;
	(pc) =	sbr.abs _section_cstart, $3  }
0xc6: {  	[dreg:$0x1] =	wrdreg $0xFFFFFFFF  }
0xc7: {  	_ =	task.clear_ibuf [dreg:s7], $0x2FFFF;
	_ =	strace $0x9FFFFFFF  }
0xc8: {  	(tm) =	ssettm $0x7FFFFFFF  }
0xc9: {  	_ =	shalt  }
tec
execute0_lowered:
.L_overlay_start_1:
0x0: {  	(tag) =	ssettag $0x1  }
0x1: {  	s3 =	rddreg [dreg:$0x0]  }
0x2: {  	s1 =	srdreg.scid;
	s0 =	stileid.u32  }
0x3: {  	s4 =	rddreg [dreg:$0x1];
	s2 =	simm.s32 $0x0;
	s10 =	simm.s32 $0x400  }
0x4: {  	s11 =	simm.s32 $0x10000;
	s12 =	simm.s32 $0x10200;
	s13 =	simm.s32 $0x10400  }
0x5: {  	s5 =	sand.u32 $0x1, s1;
	s6 =	sshll.u32 s0, $0x1;
	s1 =	rddreg [dreg:$0x2]  }
0x6: {  	s14 =	simm.s32 $0x0;
	[smem:$0x7FF] =	sst s2;
	s6 =	sor.u32 s5, s6  }
0x7: {  	s7 =	sshll.u32 s0, $0x7;
	_ =	strace $0x80000047;
	s8 =	sshll.u32 s6, $0x4  }
0x8: {  	s5 =	ssub.s32 $0x2, s5;
	s6 =	sshll.u32 s6, $0xD;
	s7 =	sor.u32 s7, s8  }
0x9: {  	s31 =	sshrl.u32 s5, $0x1;
	s6 =	sadd.s32 s6, s3;
	s7 =	sand.u32 $0x670, s7  }
0xa: {  	s8 =	ssub.s32 s5, s31;
	s9 =	sadd.s32 s7, s3;
	s3 =	sadd.s32 $0xC00, s6  }
0xb: {  	s4 =	sadd.s32 s4, s7;
	s7 =	smax.u32 s8, $0x1;
	s8 =	simm.s32 $0x1  }
0xc: {  	s5 =	sadd.s32 $0x40C00, s9;
	s6 =	sadd.s32 $0x41400, s9;
	s9 =	simm.s32 $0x80  }
.LBB2_1:
0xd: {  	[tilespmem:s2], [sflag:$0x1] =	stream.linear.gather [hbm4b:s3+s2], $0x10000, $0x38;
	[tilespmem:$0x10600] =	vst v63  }
0xe: {  	s15 =	simm.s32 $0x10400;
	_ =	swait.ge [sflag:s8], $0x10000  }
0xf: {  	s16 =	simm.s32 $0x10200;
	s17 =	simm.s32 $0x10000;
	[sflag:s8] =	ssyncset.done $0x0  }
0x10: {  	s18 =	simm.s32 $0x0;
	s19 =	simm.s32 $0x0;
	[sflag:s8] =	ssyncadd.s32 $0xFFFF0000  }
.LBB2_2:
0x11: {  	s20 =	sand.u32 $0x70, s19;
	s21 =	sand.u32 $0xC00, s18  }
0x12: {  	s20 =	sor.u32 s20, s21  }
0x13: {  	v10 =	vld [tilespmem:s20+$0x0]  }
0x14: {  	v17 =	vld [tilespmem:s20+$0x80]  }
0x15: {  	v7 =	vld [tilespmem:s20+$0x100]  }
0x16: {  	v8 =	vld [tilespmem:s20+$0x180]  }
0x17: {  	v22 =	vld [tilespmem:s20+$0x200]  }
0x18: {  	v25 =	vld [tilespmem:s20+$0x280]  }
0x19: {  	v41 =	vld [tilespmem:s20+$0x300]  }
0x1a: {  	v39 =	vld [tilespmem:s20+$0x380]  }
0x1b: {  	v37 =	vld [tilespmem:s20+$0x1000]  }
0x1c: {  	v32 =	vld [tilespmem:s20+$0x1080]  }
0x1d: {  	v31 =	vld [tilespmem:s20+$0x1100]  }
0x1e: {  	v30 =	vld [tilespmem:s20+$0x1180]  }
0x1f: {  	v14 =	vld [tilespmem:s20+$0x1200];
	v0 =	vmul.f32 v10, v10;
	v1 =	vmul.f32 v17, v17  }
0x20: {  	v23 =	vld [tilespmem:s20+$0x1280];
	v2 =	vmul.f32 v7, v7;
	v3 =	vmul.f32 v8, v8  }
0x21: {  	v21 =	vld [tilespmem:s20+$0x1300];
	v4 =	vmul.f32 v22, v22;
	v5 =	vmul.f32 v25, v25  }
0x22: {  	v20 =	vld [tilespmem:s20+$0x1380];
	v6 =	vmul.f32 v41, v41;
	v9 =	vmul.f32 v39, v39  }
0x23: {  	v11 =	vmul.f32 v37, v37;
	v12 =	vmul.f32 v32, v32  }
0x24: {  	v13 =	vmul.f32 v31, v31;
	v15 =	vmul.f32 v30, v30  }
0x25: {  	v16 =	vmul.f32 v14, v14;
	v18 =	vmul.f32 v23, v23  }
0x26: {  	v19 =	vmul.f32 v21, v21;
	v0 =	vadd.f32 v1, v0;
	v42 =	vadd.f32 v3, v2  }
0x27: {  	v43 =	vmul.f32 v20, v20;
	v44 =	vadd.f32 v5, v4;
	v45 =	vadd.f32 v9, v6  }
0x28: {  	v46 =	vadd.f32 v12, v11;
	v47 =	vadd.f32 v15, v13  }
0x29: {  	v48 =	vadd.f32 v18, v16;
	v2 =	vadd.f32 v43, v19  }
0x2a: {  	v0 =	vadd.f32 v42, v0;
	v49 =	vadd.f32 v45, v44  }
0x2b: {  	v50 =	vadd.f32 v47, v46;
	v2 =	vadd.f32 v2, v48;
	_ =	sdelay $0x1  }
0x2c: {  	v0 =	vadd.f32 v49, v0;
	v51 =	vadd.f32 v2, v50;
	_ =	sdelay $0x1  }
0x2d: {  	v13 =	vadd.f32 v51, v0;
	_ =	sdelay $0x1  }
0x2e: {  	v0 =	vshra.s32 v13, $0x1;
	v1 =	vmul.f32 $5.000000000e-01, v13  }
0x2f: {  	v0 =	vsub.s32 $0x5F3759DF, v0  }
0x30: {  	v52 =	vmul.f32 v0, v1;
	_ =	sdelay $0x1  }
0x31: {  	v2 =	vmul.f32 v0, v52  }
0x32: {  	v40 =	vld [tilespmem:s20+$0x2000]  }
0x33: {  	v38 =	vld [tilespmem:s20+$0x2080];
	v2 =	vsub.f32 $1.500000000e+00, v2  }
0x34: {  	v36 =	vld [tilespmem:s20+$0x2100]  }
0x35: {  	v24 =	vld [tilespmem:s20+$0x2180];
	v0 =	vmul.f32 v0, v2  }
0x36: {  	v27 =	vld [tilespmem:s20+$0x2200]  }
0x37: {  	v59 =	vld [tilespmem:s20+$0x3380];
	v2 =	vmul.f32 v0, v1  }
0x38: {  	v15 =	vld [tilespmem:s20+$0x2280]  }
0x39: {  	v9 =	vld [tilespmem:s20+$0x2300];
	v2 =	vmul.f32 v2, v0  }
0x3a: {  	v6 =	vld [tilespmem:s20+$0x2380]  }
0x3b: {  	v5 =	vld [tilespmem:s20+$0x3000];
	v2 =	vsub.f32 $1.500000000e+00, v2  }
0x3c: {  	v4 =	vld [tilespmem:s20+$0x3080]  }
0x3d: {  	v55 =	vmul.f32 v40, v40;
	v3 =	vld [tilespmem:s20+$0x3280];
	v53 =	vmul.f32 v2, v0  }
0x3e: {  	v26 =	vmul.f32 v38, v38;
	v28 =	vmul.f32 v36, v36;
	v11 =	vld [tilespmem:s20+$0x3300]  }
0x3f: {  	v29 =	vmul.f32 v24, v24;
	v0 =	vld [tilespmem:s20+$0x3180];
	v2 =	vmul.f32 v53, v1  }
0x40: {  	v33 =	vmul.f32 v27, v27;
	v60 =	vmul.f32 v59, v59;
	v1 =	vld [tilespmem:s20+$0x3100]  }
0x41: {  	v34 =	vmul.f32 v15, v15;
	v54 =	vmul.f32 v2, v53;
	v2 =	vld [tilespmem:s20+$0x3200]  }
0x42: {  	v19 =	vadd.f32 v26, v55;
	v35 =	vmul.f32 v9, v9;
	v42 =	vmul.f32 v6, v6  }
0x43: {  	v43 =	vmul.f32 v5, v5;
	v44 =	vmul.f32 v4, v4;
	v18 =	vsub.f32 $1.500000000e+00, v54  }
0x44: {  	v58 =	vadd.f32 v29, v28;
	v48 =	vmul.f32 v3, v3;
	v49 =	vmul.f32 v11, v11  }
0x45: {  	v61 =	vadd.f32 v34, v33;
	v46 =	vmul.f32 v0, v0;
	v16 =	vmul.f32 v18, v53  }
0x46: {  	v62 =	vadd.f32 v42, v35;
	v45 =	vmul.f32 v1, v1;
	v47 =	vmul.f32 v2, v2  }
0x47: {  	v63 =	vadd.f32 v44, v43;
	v28 =	vadd.f32 v60, v49;
	v13 =	vmul.f32 v16, v13  }
0x48: {  	v12 =	vadd.f32 v46, v45;
	v45 =	vadd.f32 v48, v47  }
0x49: {  	v19 =	vadd.f32 v58, v19;
	v46 =	vadd.f32 v62, v61;
	v13 =	vmax.f32 v13, $9.999999960e-13  }
0x4a: {  	v47 =	vadd.f32 v12, v63;
	v28 =	vadd.f32 v28, v45;
	(erf) = vrcp.f32 v13;
	_ =	sdelay $0x1  }
0x4b: {  	v48 =	vadd.f32 v46, v19;
	v49 =	vadd.f32 v28, v47  }
0x4c: {  	v34 =	vld [tilespmem:s20+$0x4100]  }
0x4d: {  	v19 =	vld [tilespmem:s20+$0x4000];
	v42 =	vadd.f32 v49, v48;
	_ =	sdelay $0x1  }
0x4e: {  	v50 =	vshra.s32 v42, $0x1;
	v26 =	vmul.f32 $5.000000000e-01, v42  }
0x4f: {  	v51 =	vsub.s32 $0x5F3759DF, v50  }
0x50: {  	v16 =	vmul.f32 v51, v26  }
0x51: {  	v48 =	vmul.f32 v19, v19;
	v50 =	vmul.f32 v34, v34;
	v43 =	vpop (erf)  }
0x52: {  	v16 =	vmul.f32 v51, v16;
	v54 =	vmul.f32 v43, v10  }
0x53: {  	v17 =	vmul.f32 v43, v17;
	v58 =	vmul.f32 v43, v7  }
0x54: {  	v49 =	vmul.f32 v43, v8;
	v46 =	vmul.f32 v43, v25  }
0x55: {  	v33 =	vld [tilespmem:s20+$0x5000];
	v41 =	vmul.f32 v43, v41;
	v39 =	vmul.f32 v43, v39;
	v16 =	vsub.f32 $1.500000000e+00, v16  }
0x56: {  	v13 =	vld [tilespmem:s20+$0x4200];
	v37 =	vmul.f32 v43, v37;
	v32 =	vmul.f32 v43, v32  }
0x57: {  	v25 =	vld [tilespmem:s20+$0x5280];
	v31 =	vmul.f32 v43, v31;
	v52 =	vmul.f32 v51, v16  }
0x58: {  	v10 =	vld [tilespmem:s20+$0x4300];
	v30 =	vmul.f32 v43, v30;
	v21 =	vmul.f32 v43, v21  }
0x59: {  	v20 =	vmul.f32 v43, v20;
	v56 =	vshrl.u32 v54, $0x10;
	v16 =	vld [tilespmem:s20+$0x4080];
	v53 =	vmul.f32 v52, v26  }
0x5a: {  	v57 =	vshrl.u32 v17, $0x10;
	v44 =	vand.u32 $0x1, v56;
	v56 =	vshrl.u32 v49, $0x10  }
0x5b: {  	v35 =	vld [tilespmem:s20+$0x4180];
	v45 =	vand.u32 $0x1, v57;
	v29 =	vand.u32 $0x1, v56;
	v55 =	vmul.f32 v53, v52  }
0x5c: {  	v7 =	vld [tilespmem:s20+$0x4380];
	v56 =	vmul.f32 v33, v33;
	v28 =	vadd.s32 v29, v49;
	v12 =	vmul.f32 v25, v25  }
0x5d: {  	[tilespmem:$0x1F050] =	vst v28;
	v28 =	vmul.f32 v10, v10;
	v53 =	vadd.s32 v45, v17;
	v17 =	vld [tilespmem:s20+$0x5180];
	v62 =	vsub.f32 $1.500000000e+00, v55  }
0x5e: {  	v18 =	vld [tilespmem:s20+$0x4280];
	v63 =	vshrl.u32 v58, $0x10;
	[tilespmem:$0x1F030] =	vst v53;
	v29 =	vmul.f32 v16, v16;
	v53 =	vmul.f32 v13, v13  }
0x5f: {  	v8 =	vld [tilespmem:s20+$0x5080];
	v47 =	vmul.f32 v62, v52;
	v52 =	vadd.s32 v44, v54;
	v54 =	vand.u32 $0x1, v63  }
0x60: {  	v60 =	vld [tilespmem:s20+$0x5100];
	v48 =	vadd.f32 v29, v48;
	v55 =	vadd.s32 v54, v58;
	v58 =	vmul.f32 v43, v22  }
0x61: {  	v61 =	vld [tilespmem:s20+$0x5380];
	[tilespmem:$0x1F020] =	vst v52;
	v52 =	vmul.f32 v35, v35;
	v54 =	vshrl.u32 v46, $0x10;
	v57 =	vmul.f32 v47, v26  }
0x62: {  	v62 =	vld [tilespmem:s20+$0x5300];
	v29 =	vmul.f32 v17, v17;
	[tilespmem:$0x1F040] =	vst v55;
	v55 =	vmul.f32 v7, v7;
	v54 =	vand.u32 $0x1, v54  }
0x63: {  	v22 =	vshrl.u32 v58, $0x10;
	v50 =	vadd.f32 v52, v50;
	v44 =	vmul.f32 v57, v47  }
0x64: {  	v26 =	vld [tilespmem:s20+$0x5200];
	v51 =	vand.u32 $0x1, v22;
	v22 =	vmul.f32 v18, v18;
	v57 =	vmul.f32 v8, v8  }
0x65: {  	v63 =	vadd.s32 v51, v58;
	v58 =	vmul.f32 v60, v60;
	v51 =	vadd.f32 v55, v28  }
0x66: {  	v28 =	vmul.f32 v61, v61;
	v48 =	vadd.f32 v50, v48;
	v44 =	vsub.f32 $1.500000000e+00, v44  }
0x67: {  	v50 =	vshrl.u32 v37, $0x10;
	v45 =	vadd.f32 v22, v53;
	v22 =	vmul.f32 v62, v62  }
0x68: {  	v56 =	vadd.f32 v57, v56;
	v57 =	vshrl.u32 v41, $0x10;
	v44 =	vmul.f32 v44, v47  }
0x69: {  	[tilespmem:$0x1F0A0] =	vst v63;
	v53 =	vshrl.u32 v32, $0x10;
	v63 =	vmul.f32 v26, v26;
	v49 =	vadd.f32 v29, v58  }
0x6a: {  	v29 =	vadd.f32 v28, v22;
	v45 =	vadd.f32 v51, v45;
	v42 =	vmul.f32 v44, v42  }
0x6b: {  	v22 =	vand.u32 $0x1, v57;
	v28 =	vshrl.u32 v39, $0x10;
	v52 =	vadd.f32 v12, v63  }
0x6c: {  	v57 =	vshrl.u32 v31, $0x10;
	v49 =	vadd.f32 v49, v56;
	v51 =	vmax.f32 v42, $9.999999960e-13  }
0x6d: {  	v63 =	vadd.s32 v54, v46;
	v58 =	vadd.f32 v29, v52;
	(erf) = vrcp.f32 v51  }
0x6e: {  	v47 =	vand.u32 $0x1, v28;
	v46 =	vadd.s32 v22, v41;
	v56 =	vand.u32 $0x1, v53  }
0x6f: {  	[tilespmem:$0x1F0B0] =	vst v63;
	v45 =	vadd.f32 v45, v48;
	v63 =	vmul.f32 v43, v14;
	v29 =	vadd.f32 v58, v49  }
0x70: {  	v49 =	vadd.s32 v47, v39;
	v39 =	vand.u32 $0x1, v50;
	v58 =	vshrl.u32 v30, $0x10  }
0x71: {  	v50 =	vand.u32 $0x1, v57;
	v47 =	vmul.f32 v43, v23;
	v44 =	vadd.f32 v29, v45  }
0x72: {  	[tilespmem:$0x1F0D0] =	vst v49;
	v55 =	vadd.s32 v39, v37;
	v49 =	vadd.s32 v56, v32;
	v51 =	vand.u32 $0x1, v58  }
0x73: {  	v53 =	vadd.s32 v50, v31;
	v52 =	vshra.s32 v44, $0x1;
	v42 =	vmul.f32 $5.000000000e-01, v44  }
0x74: {  	v56 =	vshrl.u32 v47, $0x10;
	v41 =	vsub.s32 $0x5F3759DF, v52;
	v52 =	vshrl.u32 v63, $0x10  }
0x75: {  	v39 =	vld [tilespmem:s20+$0x6180];
	[tilespmem:$0x1F0E0] =	vst v55;
	v58 =	vand.u32 $0x1, v56;
	v54 =	vmul.f32 v41, v42;
	v55 =	vand.u32 $0x1, v52  }
0x76: {  	[tilespmem:$0x1F0F0] =	vst v49;
	v49 =	vadd.s32 v58, v47;
	v57 =	vadd.s32 v55, v63;
	v63 =	vshrl.u32 v21, $0x10;
	v48 =	vpop (erf)  }
0x77: {  	[tilespmem:$0x1F0C0] =	vst v46;
	v46 =	vmul.f32 v41, v54;
	v54 =	vadd.s32 v51, v30;
	v40 =	vmul.f32 v48, v40  }
0x78: {  	v50 =	vand.u32 $0x1, v63;
	v38 =	vmul.f32 v48, v38;
	v36 =	vmul.f32 v48, v36  }
0x79: {  	v22 =	vld [tilespmem:s20+$0x6100];
	[tilespmem:$0x1F160] =	vst v53;
	v53 =	vadd.s32 v50, v21;
	v24 =	vmul.f32 v48, v24;
	v27 =	vmul.f32 v48, v27  }
0x7a: {  	v14 =	vld [tilespmem:s20+$0x6080];
	v51 =	vshrl.u32 v20, $0x10;
	[tilespmem:$0x1F1A0] =	vst v53;
	v53 =	vmul.f32 v39, v39;
	v15 =	vmul.f32 v48, v15  }
0x7b: {  	v37 =	vld [tilespmem:s20+$0x6000];
	v56 =	vand.u32 $0x1, v51;
	v9 =	vmul.f32 v48, v9;
	v6 =	vmul.f32 v48, v6  }
0x7c: {  	v55 =	vld [tilespmem:s20+$0x6280];
	v46 =	vsub.f32 $1.500000000e+00, v46;
	v5 =	vmul.f32 v48, v5;
	v4 =	vmul.f32 v48, v4  }
0x7d: {  	v32 =	vld [tilespmem:s20+$0x6200];
	v29 =	vadd.s32 v56, v20;
	v0 =	vmul.f32 v48, v0;
	v2 =	vmul.f32 v48, v2  }
0x7e: {  	v58 =	vld [tilespmem:s20+$0x7000];
	[tilespmem:$0x1F190] =	vst v49;
	v3 =	vmul.f32 v48, v3;
	v45 =	vmul.f32 v41, v46;
	v52 =	vshrl.u32 v40, $0x10  }
0x7f: {  	[tilespmem:$0x1F170] =	vst v54;
	v54 =	vld [tilespmem:s20+$0x6300];
	v28 =	vshrl.u32 v38, $0x10;
	v49 =	vshrl.u32 v36, $0x10;
	v51 =	vshrl.u32 v24, $0x10  }
0x80: {  	[tilespmem:$0x1F180] =	vst v57;
	v56 =	vld [tilespmem:s20+$0x7180];
	v57 =	vand.u32 $0x1, v52;
	v31 =	vand.u32 $0x1, v28;
	v52 =	vmul.f32 v22, v22  }
0x81: {  	v41 =	vld [tilespmem:s20+$0x6380];
	v21 =	vand.u32 $0x1, v49;
	v49 =	vmul.f32 v55, v55;
	v23 =	vmul.f32 v45, v42  }
0x82: {  	v47 =	vld [tilespmem:s20+$0x7200];
	v30 =	vadd.s32 v57, v40;
	v40 =	vadd.s32 v31, v38;
	v50 =	vadd.s32 v21, v36  }
0x83: {  	v46 =	vld [tilespmem:s20+$0x7100];
	v21 =	vmul.f32 v37, v37;
	v36 =	vand.u32 $0x1, v51;
	v43 =	vmul.f32 v23, v45  }
0x84: {  	v28 =	vld [tilespmem:s20+$0x7300];
	[tilespmem:$0x1F060] =	vst v30;
	v30 =	vmul.f32 v14, v14;
	v57 =	vadd.s32 v36, v24;
	v24 =	vmul.f32 v54, v54  }
0x85: {  	v38 =	vadd.f32 v53, v52;
	v52 =	vshrl.u32 v27, $0x10;
	v23 =	vld [tilespmem:s20+$0x7280];
	v63 =	vsub.f32 $1.500000000e+00, v43  }
0x86: {  	[tilespmem:$0x1F080] =	vst v50;
	v51 =	vmul.f32 v56, v56;
	v50 =	vand.u32 $0x1, v52;
	v12 =	vmul.f32 v41, v41;
	v43 =	vld [tilespmem:s20+$0x7080]  }
0x87: {  	v21 =	vadd.f32 v30, v21;
	v30 =	vmul.f32 v58, v58;
	v20 =	vmul.f32 v63, v45;
	v63 =	vld [tilespmem:s20+$0x7380]  }
0x88: {  	[tilespmem:$0x1F070] =	vst v40;
	v40 =	vmul.f32 v46, v46;
	v53 =	vadd.s32 v50, v27;
	v50 =	vshrl.u32 v6, $0x10  }
0x89: {  	v24 =	vadd.f32 v12, v24;
	v12 =	vmul.f32 v28, v28;
	v45 =	vmul.f32 v32, v32  }
0x8a: {  	[tilespmem:$0x1F090] =	vst v57;
	v52 =	vand.u32 $0x1, v50;
	v57 =	vmul.f32 v23, v23;
	v42 =	vmul.f32 v20, v42  }
0x8b: {  	v45 =	vadd.f32 v49, v45;
	v49 =	vmul.f32 v47, v47;
	v31 =	vmul.f32 v43, v43  }
0x8c: {  	v40 =	vadd.f32 v51, v40;
	[tilespmem:$0x1EFC0] =	vst v23;
	v42 =	vmul.f32 v42, v20;
	v23 =	vmul.f32 v63, v63  }
0x8d: {  	[tilespmem:$0x1F100] =	vst v53;
	v53 =	vshrl.u32 v5, $0x10;
	v49 =	vadd.f32 v57, v49;
	v30 =	vadd.f32 v31, v30  }
0x8e: {  	v6 =	vadd.s32 v52, v6;
	v36 =	vadd.f32 v23, v12;
	v23 =	vsub.f32 $1.500000000e+00, v42  }
0x8f: {  	v21 =	vadd.f32 v38, v21;
	[tilespmem:$0x1F130] =	vst v6;
	v6 =	vand.u32 $0x1, v53;
	v24 =	vadd.f32 v24, v45  }
0x90: {  	v57 =	vadd.f32 v40, v30;
	v36 =	vadd.f32 v36, v49;
	v40 =	vmul.f32 v23, v20  }
0x91: {  	v53 =	vshrl.u32 v2, $0x10;
	v42 =	vadd.f32 v24, v21;
	v49 =	vshrl.u32 v9, $0x10  }
0x92: {  	v24 =	vand.u32 $0x1, v49;
	v45 =	vadd.f32 v36, v57;
	v51 =	vmul.f32 v40, v44  }
0x93: {  	[tilespmem:$0x1F1B0] =	vst v29;
	v5 =	vadd.s32 v6, v5;
	v31 =	vshrl.u32 v15, $0x10;
	v9 =	vadd.s32 v24, v9  }
0x94: {  	v29 =	vld [tilespmem:s20+$0x8100];
	v38 =	vand.u32 $0x1, v31;
	[tilespmem:$0x1F120] =	vst v9;
	v20 =	vadd.f32 v45, v42;
	v9 =	vmax.f32 v51, $9.999999960e-13  }
0x95: {  	v6 =	vand.u32 $0x1, v53;
	v38 =	vadd.s32 v38, v15;
	(erf) = vrcp.f32 v9  }
0x96: {  	v57 =	vmul.f32 v48, v1;
	v36 =	vshra.s32 v20, $0x1;
	v21 =	vmul.f32 $5.000000000e-01, v20  }
0x97: {  	v59 =	vmul.f32 v48, v59;
	v30 =	vadd.s32 v6, v2;
	[tilespmem:$0x1F110] =	vst v38;
	v38 =	vsub.s32 $0x5F3759DF, v36  }
0x98: {  	v12 =	vld [tilespmem:s20+$0x8000];
	v40 =	vshrl.u32 v57, $0x10;
	v45 =	vshrl.u32 v0, $0x10;
	v42 =	vmul.f32 v38, v21  }
0x99: {  	v6 =	vld [tilespmem:s20+$0x9380];
	v51 =	vmul.f32 v48, v11;
	v48 =	vmul.f32 v29, v29;
	v44 =	vand.u32 $0x1, v40  }
0x9a: {  	v50 =	vadd.s32 v44, v57;
	v57 =	vshrl.u32 v3, $0x10;
	v15 =	vmul.f32 v38, v42  }
0x9b: {  	v23 =	vld [tilespmem:s20+$0x8080];
	v49 =	vand.u32 $0x1, v45;
	v40 =	vshrl.u32 v59, $0x10;
	v27 =	vand.u32 $0x1, v57  }
0x9c: {  	[tilespmem:$0x1EFD0] =	vst v28;
	v36 =	vadd.s32 v27, v3;
	v27 =	vand.u32 $0x1, v40;
	v42 =	vld [tilespmem:s20+$0x8380];
	v52 =	vsub.f32 $1.500000000e+00, v15  }
0x9d: {  	v28 =	vld [tilespmem:s20+$0x8180];
	[tilespmem:$0x1F140] =	vst v5;
	v0 =	vadd.s32 v49, v0;
	v49 =	vadd.s32 v27, v59;
	v59 =	vmul.f32 v12, v12  }
0x9e: {  	v5 =	vld [tilespmem:s20+$0x9200];
	v31 =	vshrl.u32 v4, $0x10;
	[tilespmem:$0x1F1F0] =	vst v36;
	v36 =	vmul.f32 v6, v6;
	v2 =	vmul.f32 v38, v52;
	v3 =	vpop (erf)  }
0x9f: {  	v1 =	vand.u32 $0x1, v31;
	v24 =	vld [tilespmem:s20+$0x9000];
	v19 =	vmul.f32 v3, v19;
	v45 =	vmul.f32 v3, v16  }
0xa0: {  	v31 =	vld [tilespmem:s20+$0x8200];
	v1 =	vadd.s32 v1, v4;
	v57 =	vmul.f32 v3, v34;
	v16 =	vmul.f32 v23, v23  }
0xa1: {  	[tilespmem:$0x1F150] =	vst v1;
	v9 =	vld [tilespmem:s20+$0x9180];
	v38 =	vshrl.u32 v51, $0x10;
	v1 =	vmul.f32 v42, v42;
	v13 =	vmul.f32 v3, v13  }
0xa2: {  	[tilespmem:$0x1F1D0] =	vst v0;
	v15 =	vld [tilespmem:s20+$0x8280];
	v44 =	vand.u32 $0x1, v38;
	v18 =	vmul.f32 v3, v18;
	v10 =	vmul.f32 v3, v10  }
0xa3: {  	[tilespmem:$0x1F210] =	vst v49;
	v49 =	vld [tilespmem:s20+$0x9100];
	v7 =	vmul.f32 v3, v7;
	v0 =	vadd.s32 v44, v51;
	v52 =	vmul.f32 v2, v21  }
0xa4: {  	[tilespmem:$0x1F1C0] =	vst v50;
	v27 =	vld [tilespmem:s20+$0x9080];
	v44 =	vmul.f32 v24, v24;
	v50 =	vshrl.u32 v19, $0x10;
	v51 =	vshrl.u32 v45, $0x10  }
0xa5: {  	v4 =	vld [tilespmem:s20+$0x9280];
	[tilespmem:$0x1F200] =	vst v0;
	v34 =	vshrl.u32 v57, $0x10;
	v0 =	vand.u32 $0x1, v50;
	v53 =	vand.u32 $0x1, v51  }
0xa6: {  	v34 =	vand.u32 $0x1, v34;
	v50 =	vmul.f32 v28, v28;
	v0 =	vadd.s32 v0, v19  }
0xa7: {  	[tilespmem:$0x1F1E0] =	vst v30;
	v30 =	vld [tilespmem:s20+$0x8300];
	v19 =	vmul.f32 v52, v2;
	v51 =	vadd.s32 v34, v57;
	v57 =	vmul.f32 v15, v15  }
0xa8: {  	v34 =	vmul.f32 v49, v49;
	[tilespmem:$0x1F220] =	vst v0;
	v0 =	vadd.s32 v53, v45;
	v53 =	vmul.f32 v31, v31  }
0xa9: {  	[tilespmem:$0x1EFF0] =	vst v5;
	v40 =	vadd.f32 v50, v48;
	v48 =	vmul.f32 v27, v27;
	v50 =	vmul.f32 v9, v9  }
0xaa: {  	v52 =	vld [tilespmem:s20+$0x9300];
	[tilespmem:$0x1F240] =	vst v51;
	v51 =	vmul.f32 v5, v5;
	v5 =	vmul.f32 v4, v4  }
0xab: {  	[tilespmem:$0x1F230] =	vst v0;
	v0 =	vmul.f32 v3, v35;
	v35 =	vadd.f32 v16, v59;
	v19 =	vsub.f32 $1.500000000e+00, v19  }
0xac: {  	[tilespmem:$0x1F000] =	vst v4;
	v59 =	vmul.f32 v30, v30;
	v11 =	vadd.f32 v57, v53;
	v4 =	vadd.f32 v48, v44  }
0xad: {  	v8 =	vmul.f32 v3, v8;
	v34 =	vadd.f32 v50, v34;
	v5 =	vadd.f32 v5, v51  }
0xae: {  	v50 =	vshrl.u32 v13, $0x10;
	v38 =	vadd.f32 v1, v59;
	v2 =	vmul.f32 v19, v2  }
0xaf: {  	[tilespmem:$0x1EFE0] =	vst v9;
	v9 =	vmul.f32 v52, v52;
	v19 =	vadd.f32 v34, v4;
	v34 =	vand.u32 $0x1, v50  }
0xb0: {  	v4 =	vshrl.u32 v18, $0x10;
	v50 =	vmul.f32 v3, v60;
	v60 =	vmul.f32 v3, v17  }
0xb1: {  	v21 =	vmul.f32 v2, v21;
	v11 =	vadd.f32 v38, v11;
	v53 =	vadd.s32 v34, v13  }
0xb2: {  	v38 =	vshrl.u32 v7, $0x10;
	v45 =	vadd.f32 v36, v9;
	v36 =	vshrl.u32 v0, $0x10  }
0xb3: {  	v9 =	vshrl.u32 v10, $0x10;
	v48 =	vand.u32 $0x1, v36;
	v21 =	vmul.f32 v21, v2  }
0xb4: {  	v0 =	vadd.s32 v48, v0;
	v48 =	vadd.f32 v40, v35;
	v51 =	vadd.f32 v45, v5  }
0xb5: {  	v5 =	vand.u32 $0x1, v4;
	v35 =	vmul.f32 v3, v33;
	v57 =	vsub.f32 $1.500000000e+00, v21  }
0xb6: {  	v45 =	vand.u32 $0x1, v38;
	[tilespmem:$0x1F250] =	vst v0;
	v0 =	vadd.f32 v11, v48;
	v59 =	vadd.f32 v51, v19  }
0xb7: {  	[tilespmem:$0x1F260] =	vst v53;
	v18 =	vadd.s32 v5, v18;
	v21 =	vand.u32 $0x1, v9;
	v53 =	vadd.s32 v45, v7  }
0xb8: {  	v9 =	vshrl.u32 v50, $0x10;
	v2 =	vmul.f32 v57, v2;
	v4 =	vadd.f32 v59, v0  }
0xb9: {  	v34 =	vadd.s32 v21, v10;
	v40 =	vshrl.u32 v35, $0x10;
	v51 =	vshrl.u32 v8, $0x10  }
0xba: {  	[tilespmem:$0x1F270] =	vst v18;
	v2 =	vmul.f32 v2, v20;
	v36 =	vshra.s32 v4, $0x1;
	v13 =	vmul.f32 $5.000000000e-01, v4  }
0xbb: {  	[tilespmem:$0x1F290] =	vst v53;
	v18 =	vand.u32 $0x1, v9;
	v53 =	vmul.f32 v3, v62;
	v11 =	vsub.s32 $0x5F3759DF, v36  }
0xbc: {  	v48 =	vand.u32 $0x1, v40;
	v2 =	vmax.f32 v2, $9.999999960e-13;
	v44 =	vmul.f32 v11, v13  }
0xbd: {  	v21 =	vadd.s32 v18, v50;
	v40 =	vshrl.u32 v60, $0x10;
	(erf) = vrcp.f32 v2  }
0xbe: {  	v33 =	vld [tilespmem:s20+$0xA080];
	v57 =	vadd.s32 v48, v35;
	v59 =	vand.u32 $0x1, v51;
	v20 =	vmul.f32 v11, v44  }
0xbf: {  	v10 =	vand.u32 $0x1, v40;
	v51 =	vld [tilespmem:s20+$0xA000];
	v16 =	vadd.s32 v59, v8;
	v44 =	vmul.f32 v3, v25  }
0xc0: {  	v35 =	vld [tilespmem:s20+$0xA100];
	v48 =	vadd.s32 v10, v60;
	v5 =	vsub.f32 $1.500000000e+00, v20;
	v20 =	vmul.f32 v3, v26  }
0xc1: {  	v36 =	vld [tilespmem:s20+$0xA180];
	v59 =	vshrl.u32 v44, $0x10;
	v3 =	vmul.f32 v3, v61;
	v61 =	vshrl.u32 v53, $0x10  }
0xc2: {  	[tilespmem:$0x1F280] =	vst v34;
	v7 =	vand.u32 $0x1, v59;
	v1 =	vand.u32 $0x1, v61;
	v26 =	vmul.f32 v11, v5  }
0xc3: {  	[tilespmem:$0x1F2B0] =	vst v16;
	v62 =	vadd.s32 v7, v44;
	v16 =	vadd.s32 v1, v53;
	v18 =	vshrl.u32 v3, $0x10  }
0xc4: {  	[tilespmem:$0x1F2F0] =	vst v62;
	v10 =	vand.u32 $0x1, v18;
	v62 =	vmul.f32 v51, v51;
	v60 =	vmul.f32 v26, v13  }
0xc5: {  	[tilespmem:$0x1F300] =	vst v16;
	v16 =	vmul.f32 v33, v33;
	v18 =	vmul.f32 v35, v35;
	v19 =	vadd.s32 v10, v3  }
0xc6: {  	v34 =	vld [tilespmem:s20+$0xA200];
	v45 =	vshrl.u32 v20, $0x10;
	v11 =	vpop (erf);
	[tilespmem:$0x1F310] =	vst v19;
	v19 =	vmul.f32 v36, v36;
	v8 =	vmul.f32 v60, v26  }
0xc7: {  	[tilespmem:$0x1F2A0] =	vst v57;
	v44 =	vld [tilespmem:s20+$0xA380];
	v50 =	vand.u32 $0x1, v45;
	v17 =	vmul.f32 v11, v37;
	v14 =	vmul.f32 v11, v14  }
0xc8: {  	[tilespmem:$0x1F2D0] =	vst v48;
	v48 =	vld [tilespmem:s20+$0xB000];
	v57 =	vadd.s32 v50, v20;
	v20 =	vmul.f32 v11, v22;
	v45 =	vmul.f32 v11, v39  }
0xc9: {  	v40 =	vld [tilespmem:s20+$0xA300];
	v9 =	vmul.f32 v11, v32;
	v43 =	vmul.f32 v11, v43  }
0xca: {  	[tilespmem:$0x1F2C0] =	vst v21;
	v25 =	vld [tilespmem:s20+$0xB100];
	v8 =	vsub.f32 $1.500000000e+00, v8;
	v21 =	vshrl.u32 v17, $0x10;
	v38 =	vshrl.u32 v14, $0x10  }
0xcb: {  	v37 =	vld [tilespmem:s20+$0xA280];
	v50 =	vshrl.u32 v20, $0x10;
	v61 =	vshrl.u32 v45, $0x10;
	v22 =	vand.u32 $0x1, v21  }
0xcc: {  	v39 =	vld [tilespmem:s20+$0xB080];
	v10 =	vand.u32 $0x1, v38;
	v59 =	vand.u32 $0x1, v50;
	v38 =	vmul.f32 v44, v44  }
0xcd: {  	v7 =	vand.u32 $0x1, v61;
	v61 =	vmul.f32 v48, v48;
	v2 =	vmul.f32 v8, v26  }
0xce: {  	v1 =	vld [tilespmem:s20+$0xB280];
	[tilespmem:$0x1F2E0] =	vst v57;
	v53 =	vadd.s32 v22, v17;
	v57 =	vadd.s32 v10, v14;
	v60 =	vadd.s32 v59, v20  }
0xcf: {  	v17 =	vadd.s32 v7, v45;
	v8 =	vadd.f32 v16, v62;
	v20 =	vmul.f32 v34, v34  }
0xd0: {  	v50 =	vld [tilespmem:s20+$0xB180];
	v7 =	vadd.f32 v19, v18;
	v22 =	vmul.f32 v40, v40;
	v16 =	vmul.f32 v25, v25  }
0xd1: {  	v26 =	vld [tilespmem:s20+$0xB380];
	v18 =	vshrl.u32 v9, $0x10;
	[tilespmem:$0x1F320] =	vst v53;
	v21 =	vmul.f32 v37, v37;
	v62 =	vmul.f32 v39, v39  }
0xd2: {  	[tilespmem:$0x1F330] =	vst v57;
	v53 =	vld [tilespmem:s20+$0xB200];
	v0 =	vand.u32 $0x1, v18;
	v57 =	vmul.f32 v11, v46;
	v3 =	vmul.f32 v2, v13  }
0xd3: {  	[tilespmem:$0x1F340] =	vst v60;
	v60 =	vld [tilespmem:s20+$0xB300];
	v13 =	vadd.f32 v38, v22;
	v10 =	vadd.f32 v21, v20;
	v21 =	vmul.f32 v1, v1  }
0xd4: {  	v14 =	vadd.f32 v62, v61;
	v62 =	vmul.f32 v11, v55;
	v20 =	vmul.f32 v11, v41  }
0xd5: {  	[tilespmem:$0x1F350] =	vst v17;
	v0 =	vadd.s32 v0, v9;
	v61 =	vmul.f32 v11, v56;
	v17 =	vmul.f32 v50, v50  }
0xd6: {  	v5 =	vshrl.u32 v57, $0x10;
	v3 =	vmul.f32 v3, v2;
	v38 =	vmul.f32 v26, v26  }
0xd7: {  	v18 =	vshrl.u32 v62, $0x10;
	v19 =	vmul.f32 v53, v53;
	v59 =	vadd.f32 v17, v16  }
0xd8: {  	v32 =	vmul.f32 v60, v60;
	v3 =	vsub.f32 $1.500000000e+00, v3;
	v16 =	vadd.f32 v7, v8  }
0xd9: {  	[tilespmem:$0x1F010] =	vst v1;
	v17 =	vadd.f32 v13, v10;
	v8 =	vand.u32 $0x1, v18;
	v22 =	vadd.f32 v21, v19  }
0xda: {  	[tilespmem:$0x1F360] =	vst v0;
	v1 =	vadd.f32 v38, v32;
	v2 =	vmul.f32 v3, v2;
	v0 =	vadd.f32 v59, v14  }
0xdb: {  	v19 =	vmul.f32 v11, v54;
	v21 =	vadd.s32 v8, v62;
	v3 =	vadd.f32 v17, v16  }
0xdc: {  	v32 =	vshrl.u32 v20, $0x10;
	v38 =	vmul.f32 v11, v58;
	v58 =	vshrl.u32 v43, $0x10  }
0xdd: {  	v62 =	vmul.f32 v11, v47;
	v14 =	vand.u32 $0x1, v5;
	v2 =	vmul.f32 v2, v4  }
0xde: {  	v17 =	vshrl.u32 v61, $0x10;
	v1 =	vadd.f32 v1, v22;
	v22 =	vshrl.u32 v19, $0x10  }
0xdf: {  	[tilespmem:$0x1F370] =	vst v21;
	v21 =	vld [tilespmem:$0x1EFC0];
	v4 =	vand.u32 $0x1, v32;
	v54 =	vshrl.u32 v38, $0x10;
	v45 =	vmax.f32 v2, $9.999999960e-13  }
0xe0: {  	v18 =	vshrl.u32 v62, $0x10;
	v32 =	vld [tilespmem:$0x1EFD0];
	v0 =	vadd.f32 v1, v0;
	(erf) = vrcp.f32 v45  }
0xe1: {  	v41 =	vadd.s32 v4, v20;
	v55 =	vand.u32 $0x1, v54;
	v1 =	vand.u32 $0x1, v22  }
0xe2: {  	v20 =	vand.u32 $0x1, v18;
	v1 =	vadd.s32 v1, v19;
	v22 =	vadd.f32 v0, v3  }
0xe3: {  	v19 =	vand.u32 $0x1, v17;
	[tilespmem:$0x1F380] =	vst v1;
	v3 =	vand.u32 $0x1, v58;
	v1 =	vadd.s32 v55, v38  }
0xe4: {  	v17 =	vld [tilespmem:s20+$0xC000];
	v0 =	vadd.s32 v3, v43;
	v59 =	vshra.s32 v22, $0x1;
	v8 =	vmul.f32 $5.000000000e-01, v22  }
0xe5: {  	[tilespmem:$0x1F390] =	vst v41;
	v3 =	vmul.f32 v11, v21;
	v38 =	vmul.f32 v11, v32;
	v4 =	vsub.s32 $0x5F3759DF, v59  }
0xe6: {  	v43 =	vmul.f32 v11, v63;
	[tilespmem:$0x1F3B0] =	vst v0;
	v0 =	vadd.s32 v14, v57;
	v9 =	vmul.f32 v4, v8  }
0xe7: {  	v41 =	vadd.s32 v20, v62;
	[tilespmem:$0x1F3C0] =	vst v0;
	v0 =	vadd.s32 v19, v61;
	v54 =	vshrl.u32 v3, $0x10  }
0xe8: {  	v55 =	vshrl.u32 v38, $0x10;
	v58 =	vshrl.u32 v43, $0x10;
	v16 =	vmul.f32 v4, v9  }
0xe9: {  	[tilespmem:$0x1F3A0] =	vst v1;
	v56 =	vand.u32 $0x1, v54;
	v62 =	vand.u32 $0x1, v58;
	v5 =	vmul.f32 v17, v17;
	v47 =	vpop (erf)  }
0xea: {  	v46 =	vld [tilespmem:s20+$0xC200];
	[tilespmem:$0x1F3D0] =	vst v0;
	v0 =	vadd.s32 v56, v3;
	v1 =	vsub.f32 $1.500000000e+00, v16;
	v12 =	vmul.f32 v47, v12  }
0xeb: {  	v13 =	vld [tilespmem:s20+$0xD200];
	v20 =	vadd.s32 v62, v43;
	v57 =	vmul.f32 v47, v23;
	v29 =	vmul.f32 v47, v29  }
0xec: {  	v16 =	vld [tilespmem:s20+$0xC180];
	v54 =	vmul.f32 v47, v31;
	v4 =	vmul.f32 v4, v1;
	v1 =	vand.u32 $0x1, v55  }
0xed: {  	v23 =	vld [tilespmem:s20+$0xC100];
	v15 =	vmul.f32 v47, v15;
	v61 =	vadd.s32 v1, v38;
	v18 =	vshrl.u32 v12, $0x10  }
0xee: {  	v31 =	vld [tilespmem:s20+$0xC380];
	v19 =	vshrl.u32 v57, $0x10;
	v38 =	vmul.f32 v47, v28;
	v58 =	vshrl.u32 v54, $0x10  }
0xef: {  	v59 =	vmul.f32 v4, v8;
	v21 =	vand.u32 $0x1, v18;
	v14 =	vand.u32 $0x1, v19;
	v18 =	vld [tilespmem:s20+$0xD000]  }
0xf0: {  	v9 =	vld [tilespmem:s20+$0xC080];
	v43 =	vadd.s32 v21, v12;
	v45 =	vadd.s32 v14, v57;
	v56 =	vshrl.u32 v38, $0x10  }
0xf1: {  	v11 =	vld [tilespmem:s20+$0xC280];
	v14 =	vand.u32 $0x1, v58;
	v63 =	vmul.f32 v59, v4;
	v57 =	vand.u32 $0x1, v56  }
0xf2: {  	v19 =	vld [tilespmem:s20+$0xC300];
	v58 =	vmul.f32 v46, v46;
	v62 =	vadd.s32 v57, v38;
	v38 =	vmul.f32 v23, v23  }
0xf3: {  	v21 =	vld [tilespmem:s20+$0xD080];
	v57 =	vmul.f32 v16, v16;
	v7 =	vsub.f32 $1.500000000e+00, v63;
	[tilespmem:$0x1F450] =	vst v62;
	v63 =	vadd.s32 v14, v54  }
0xf4: {  	v55 =	vshrl.u32 v29, $0x10;
	v12 =	vld [tilespmem:s20+$0xD180];
	v62 =	vmul.f32 v31, v31;
	[tilespmem:$0x1F460] =	vst v63;
	v63 =	vmul.f32 v18, v18  }
0xf5: {  	[tilespmem:$0x1F410] =	vst v20;
	v20 =	vld [tilespmem:s20+$0xD280];
	v28 =	vmul.f32 v7, v4;
	v4 =	vand.u32 $0x1, v55;
	v7 =	vmul.f32 v9, v9  }
0xf6: {  	[tilespmem:$0x1F400] =	vst v61;
	v14 =	vld [tilespmem:s20+$0xD300];
	v61 =	vadd.s32 v4, v29;
	v29 =	vmul.f32 v47, v30;
	v4 =	vshrl.u32 v15, $0x10  }
0xf7: {  	[tilespmem:$0x1F3E0] =	vst v41;
	v59 =	vmul.f32 v28, v8;
	v8 =	vld [tilespmem:s20+$0xD100];
	v10 =	vand.u32 $0x1, v4;
	v41 =	vadd.f32 v7, v5  }
0xf8: {  	[tilespmem:$0x1F440] =	vst v61;
	v61 =	vmul.f32 v19, v19;
	v4 =	vmul.f32 v21, v21;
	v30 =	vadd.s32 v10, v15;
	v10 =	vld [tilespmem:s20+$0xD380]  }
0xf9: {  	v7 =	vmul.f32 v12, v12;
	v15 =	vadd.f32 v57, v38;
	v38 =	vmul.f32 v13, v13  }
0xfa: {  	[tilespmem:$0x1F430] =	vst v45;
	v32 =	vmul.f32 v59, v28;
	v59 =	vmul.f32 v11, v11;
	v45 =	vadd.f32 v62, v61  }
0xfb: {  	v61 =	vmul.f32 v20, v20;
	v54 =	vadd.f32 v4, v63;
	v15 =	vadd.f32 v15, v41  }
0xfc: {  	[tilespmem:$0x1F420] =	vst v43;
	v62 =	vmul.f32 v14, v14;
	v43 =	vadd.f32 v59, v58;
	v32 =	vsub.f32 $1.500000000e+00, v32  }
0xfd: {  	v1 =	vadd.f32 v61, v38;
	v5 =	vmul.f32 v8, v8;
	v63 =	vmul.f32 v10, v10  }
0xfe: {  	v55 =	vld [tilespmem:$0x1EFF0];
	v28 =	vmul.f32 v32, v28;
	v43 =	vadd.f32 v45, v43;
	v45 =	vmul.f32 v47, v27  }
0xff: {  	v4 =	vadd.f32 v7, v5;
	v5 =	vshrl.u32 v29, $0x10;
	v7 =	vmul.f32 v47, v42  }
0x100: {  	[tilespmem:$0x1F3F0] =	vst v0;
	v42 =	vmul.f32 v47, v24;
	v0 =	vadd.f32 v63, v62;
	v41 =	vand.u32 $0x1, v5  }
0x101: {  	v38 =	vmul.f32 v28, v22;
	v15 =	vadd.f32 v43, v15;
	v59 =	vshrl.u32 v45, $0x10  }
0x102: {  	v63 =	vld [tilespmem:$0x1EFE0];
	v29 =	vadd.s32 v41, v29;
	v32 =	vadd.f32 v4, v54;
	v41 =	vshrl.u32 v7, $0x10  }
0x103: {  	v58 =	vshrl.u32 v42, $0x10;
	v62 =	vand.u32 $0x1, v59;
	v54 =	vmul.f32 v47, v55  }
0x104: {  	v27 =	vld [tilespmem:s20+$0xE080];
	v0 =	vadd.f32 v0, v1;
	v22 =	vand.u32 $0x1, v41;
	v1 =	vmax.f32 v38, $9.999999960e-13  }
0x105: {  	[tilespmem:$0x1F480] =	vst v29;
	v29 =	vmul.f32 v47, v49;
	v45 =	vadd.s32 v62, v45;
	v62 =	vld [tilespmem:$0x1F000];
	v43 =	vadd.s32 v22, v7  }
0x106: {  	v41 =	vld [tilespmem:s20+$0xE280];
	(erf) = vrcp.f32 v1;
	v1 =	vand.u32 $0x1, v58;
	v0 =	vadd.f32 v0, v32  }
0x107: {  	v56 =	vld [tilespmem:s20+$0xE100];
	v61 =	vadd.s32 v1, v42;
	v5 =	vshrl.u32 v29, $0x10;
	v4 =	vmul.f32 v47, v63  }
0x108: {  	[tilespmem:$0x1F470] =	vst v30;
	v49 =	vand.u32 $0x1, v5;
	v5 =	vshrl.u32 v54, $0x10;
	v7 =	vadd.f32 v0, v15  }
0x109: {  	v30 =	vld [tilespmem:s20+$0xE000];
	[tilespmem:$0x1F490] =	vst v43;
	v59 =	vadd.s32 v49, v29;
	v28 =	vand.u32 $0x1, v5;
	v57 =	vshrl.u32 v4, $0x10  }
0x10a: {  	v43 =	vld [tilespmem:s20+$0xE380];
	[tilespmem:$0x1F4A0] =	vst v61;
	v29 =	vmul.f32 v47, v62;
	v54 =	vadd.s32 v28, v54;
	v28 =	vmul.f32 v47, v6  }
0x10b: {  	v15 =	vld [tilespmem:s20+$0xE180];
	[tilespmem:$0x1F4C0] =	vst v59;
	v6 =	vmul.f32 v27, v27;
	v0 =	vmul.f32 v41, v41;
	v24 =	vshra.s32 v7, $0x1  }
0x10c: {  	v59 =	vld [tilespmem:s20+$0xF000];
	v42 =	vmul.f32 $5.000000000e-01, v7;
	v61 =	vand.u32 $0x1, v57;
	[tilespmem:$0x1F4E0] =	vst v54;
	v54 =	vmul.f32 v56, v56  }
0x10d: {  	[tilespmem:$0x1F4B0] =	vst v45;
	v32 =	vld [tilespmem:s20+$0xE300];
	v22 =	vsub.s32 $0x5F3759DF, v24;
	v24 =	vmul.f32 v47, v52;
	v45 =	vshrl.u32 v29, $0x10  }
0x10e: {  	v62 =	vld [tilespmem:s20+$0xF180];
	v63 =	vadd.s32 v61, v4;
	v58 =	vmul.f32 v22, v42;
	v57 =	vand.u32 $0x1, v45  }
0x10f: {  	v61 =	vld [tilespmem:s20+$0xF100];
	[tilespmem:$0x1F4D0] =	vst v63;
	v63 =	vadd.s32 v57, v29;
	v2 =	vshrl.u32 v24, $0x10;
	v57 =	vshrl.u32 v28, $0x10  }
0x110: {  	v38 =	vld [tilespmem:s20+$0xE200];
	v4 =	vmul.f32 v22, v58;
	[tilespmem:$0x1F4F0] =	vst v63;
	v3 =	vand.u32 $0x1, v2;
	v63 =	vmul.f32 v15, v15  }
0x111: {  	v45 =	vld [tilespmem:s20+$0xF380];
	v47 =	vpop (erf);
	v52 =	vand.u32 $0x1, v57;
	v57 =	vmul.f32 v43, v43;
	v49 =	vmul.f32 v59, v59  }
0x112: {  	v58 =	vld [tilespmem:s20+$0xF080];
	v29 =	vmul.f32 v47, v51;
	v52 =	vadd.s32 v52, v28;
	v28 =	vmul.f32 v32, v32  }
0x113: {  	v51 =	vld [tilespmem:s20+$0xF200];
	v33 =	vmul.f32 v47, v33;
	v1 =	vsub.f32 $1.500000000e+00, v4;
	v4 =	vadd.s32 v3, v24  }
0x114: {  	v24 =	vld [tilespmem:s20+$0xF300];
	v54 =	vadd.f32 v63, v54;
	v55 =	vmul.f32 v61, v61;
	v63 =	vmul.f32 v62, v62  }
0x115: {  	v5 =	vmul.f32 v22, v1;
	v22 =	vmul.f32 v30, v30  }
0x116: {  	v3 =	vmul.f32 v38, v38;
	v28 =	vadd.f32 v57, v28;
	v57 =	vmul.f32 v45, v45  }
0x117: {  	[tilespmem:$0x1F500] =	vst v4;
	v1 =	vld [tilespmem:s20+$0xF280];
	v2 =	vadd.f32 v63, v55;
	v4 =	vmul.f32 v58, v58;
	v22 =	vadd.f32 v6, v22  }
0x118: {  	[tilespmem:$0x1F520] =	vst v51;
	v6 =	vadd.f32 v0, v3;
	v3 =	vmul.f32 v51, v51;
	v63 =	vmul.f32 v5, v42  }
0x119: {  	v51 =	vshrl.u32 v33, $0x10;
	[tilespmem:$0x1F640] =	vst v24;
	v24 =	vmul.f32 v24, v24;
	v4 =	vadd.f32 v4, v49  }
0x11a: {  	[tilespmem:$0x1F510] =	vst v52;
	v52 =	vand.u32 $0x1, v51;
	v51 =	vmul.f32 v47, v44;
	v49 =	vmul.f32 v63, v5  }
0x11b: {  	[tilespmem:$0x1F650] =	vst v45;
	v45 =	vadd.f32 v54, v22;
	v6 =	vadd.f32 v28, v6;
	v54 =	vmul.f32 v47, v35  }
0x11c: {  	[tilespmem:$0x1F620] =	vst v1;
	v1 =	vmul.f32 v1, v1;
	v0 =	vadd.f32 v57, v24;
	v24 =	vshrl.u32 v29, $0x10  }
0x11d: {  	v2 =	vadd.f32 v2, v4;
	v57 =	vmul.f32 v47, v36;
	v49 =	vsub.f32 $1.500000000e+00, v49  }
0x11e: {  	v36 =	vmul.f32 v47, v37;
	v63 =	vshrl.u32 v54, $0x10;
	v1 =	vadd.f32 v1, v3  }
0x11f: {  	v3 =	vand.u32 $0x1, v24;
	v4 =	vand.u32 $0x1, v63;
	v55 =	vmul.f32 v49, v5  }
0x120: {  	v24 =	vmul.f32 v47, v34;
	v63 =	vmul.f32 v47, v48;
	v0 =	vadd.f32 v0, v1  }
0x121: {  	v3 =	vadd.s32 v3, v29;
	v4 =	vadd.s32 v4, v54;
	v28 =	vmul.f32 v55, v42  }
0x122: {  	v29 =	vshrl.u32 v57, $0x10;
	[tilespmem:$0x1F530] =	vst v3;
	v3 =	vadd.f32 v6, v45;
	v0 =	vadd.f32 v0, v2  }
0x123: {  	v49 =	vshrl.u32 v36, $0x10;
	v1 =	vadd.s32 v52, v33;
	v33 =	vmul.f32 v28, v55  }
0x124: {  	v34 =	vshrl.u32 v24, $0x10;
	v42 =	vmul.f32 v47, v40;
	v0 =	vadd.f32 v0, v3  }
0x125: {  	[tilespmem:$0x1F550] =	vst v4;
	v35 =	vand.u32 $0x1, v34;
	v40 =	vmul.f32 v47, v53;
	v4 =	vsub.f32 $1.500000000e+00, v33  }
0x126: {  	v52 =	vshrl.u32 v42, $0x10;
	v37 =	vshra.s32 v0, $0x1;
	v22 =	vmul.f32 $5.000000000e-01, v0  }
0x127: {  	[tilespmem:$0x1F540] =	vst v1;
	v48 =	vshrl.u32 v40, $0x10;
	v45 =	vsub.s32 $0x5F3759DF, v37;
	v1 =	vmul.f32 v4, v55  }
0x128: {  	v3 =	vand.u32 $0x1, v29;
	v54 =	vand.u32 $0x1, v52;
	v6 =	vmul.f32 v45, v22  }
0x129: {  	v29 =	vshrl.u32 v63, $0x10;
	v2 =	vadd.s32 v3, v57;
	v1 =	vmul.f32 v1, v7  }
0x12a: {  	v33 =	vmul.f32 v47, v25;
	[tilespmem:$0x1F560] =	vst v2;
	v2 =	vadd.s32 v35, v24;
	v55 =	vmul.f32 v45, v6  }
0x12b: {  	v24 =	vmul.f32 v47, v39;
	v4 =	vand.u32 $0x1, v49;
	v1 =	vmax.f32 v1, $9.999999960e-13  }
0x12c: {  	v3 =	vadd.s32 v4, v36;
	v4 =	vsub.f32 $1.500000000e+00, v55;
	(erf) = vrcp.f32 v1  }
0x12d: {  	v57 =	vshrl.u32 v51, $0x10;
	[tilespmem:$0x1F570] =	vst v2;
	v2 =	vadd.s32 v54, v42;
	v37 =	vshrl.u32 v33, $0x10  }
0x12e: {  	[tilespmem:$0x1F590] =	vst v2;
	v2 =	vand.u32 $0x1, v57;
	v34 =	vshrl.u32 v24, $0x10;
	v28 =	vmul.f32 v45, v4  }
0x12f: {  	v36 =	vmul.f32 v47, v50;
	[tilespmem:$0x1F580] =	vst v3;
	v2 =	vadd.s32 v2, v51;
	v35 =	vand.u32 $0x1, v34  }
0x130: {  	[tilespmem:$0x1F5A0] =	vst v2;
	v2 =	vadd.s32 v35, v24;
	v4 =	vand.u32 $0x1, v29;
	v45 =	vld [tilespmem:$0x1F010];
	v39 =	vmul.f32 v28, v22  }
0x131: {  	v49 =	vmul.f32 v47, v60;
	v50 =	vmul.f32 v47, v26;
	[tilespmem:$0x1F5C0] =	vst v2;
	v3 =	vadd.s32 v4, v63  }
0x132: {  	v42 =	vshrl.u32 v36, $0x10;
	v2 =	vand.u32 $0x1, v37;
	[tilespmem:$0x1F5B0] =	vst v3;
	v3 =	vmul.f32 v39, v28  }
0x133: {  	v53 =	vshrl.u32 v49, $0x10;
	v44 =	vand.u32 $0x1, v42;
	v2 =	vadd.s32 v2, v33  }
0x134: {  	v60 =	vshrl.u32 v50, $0x10;
	[tilespmem:$0x1F5D0] =	vst v2;
	v2 =	vadd.s32 v44, v36;
	v3 =	vsub.f32 $1.500000000e+00, v3  }
0x135: {  	v54 =	vand.u32 $0x1, v53;
	v5 =	vand.u32 $0x1, v60;
	[tilespmem:$0x1F5E0] =	vst v2;
	v2 =	vmul.f32 v47, v45;
	v7 =	vpop (erf)  }
0x136: {  	v4 =	vand.u32 $0x1, v48;
	v1 =	vmul.f32 v3, v28;
	v55 =	vmul.f32 v7, v17  }
0x137: {  	v4 =	vadd.s32 v4, v40;
	v63 =	vmul.f32 v7, v9;
	v24 =	vmul.f32 v7, v23  }
0x138: {  	[tilespmem:$0x1F5F0] =	vst v4;
	v4 =	vadd.s32 v5, v50;
	v26 =	vmul.f32 v7, v16;
	v28 =	vmul.f32 v7, v46  }
0x139: {  	v51 =	vshrl.u32 v2, $0x10;
	v35 =	vmul.f32 v7, v11;
	v42 =	vmul.f32 v7, v19  }
0x13a: {  	v52 =	vand.u32 $0x1, v51;
	v44 =	vmul.f32 v7, v31;
	v45 =	vmul.f32 v7, v18  }
0x13b: {  	v8 =	vmul.f32 v7, v8;
	v16 =	vmul.f32 v7, v14;
	v2 =	vadd.s32 v52, v2  }
0x13c: {  	v52 =	vmul.f32 v7, v12;
	[tilespmem:$0x1F600] =	vst v2;
	v2 =	vadd.s32 v54, v49;
	v57 =	vmul.f32 v1, v22  }
0x13d: {  	v17 =	vshrl.u32 v55, $0x10;
	v25 =	vshrl.u32 v63, $0x10;
	v29 =	vshrl.u32 v24, $0x10  }
0x13e: {  	v34 =	vshrl.u32 v26, $0x10;
	v36 =	vshrl.u32 v28, $0x10;
	v40 =	vshrl.u32 v35, $0x10  }
0x13f: {  	v46 =	vshrl.u32 v42, $0x10;
	v47 =	vshrl.u32 v44, $0x10;
	v48 =	vshrl.u32 v45, $0x10  }
0x140: {  	v49 =	vmul.f32 v7, v21;
	v54 =	vshrl.u32 v8, $0x10;
	v22 =	vand.u32 $0x1, v17  }
0x141: {  	[tilespmem:$0x1F630] =	vst v4;
	v4 =	vand.u32 $0x1, v25;
	v33 =	vand.u32 $0x1, v29;
	v6 =	vand.u32 $0x1, v34  }
0x142: {  	v39 =	vand.u32 $0x1, v36;
	v5 =	vand.u32 $0x1, v48;
	v60 =	vshrl.u32 v52, $0x10  }
0x143: {  	[tilespmem:$0x1F610] =	vst v2;
	v17 =	vmul.f32 v7, v10;
	v2 =	vmul.f32 v57, v1;
	v3 =	vadd.s32 v22, v55  }
0x144: {  	v4 =	vadd.s32 v4, v63;
	v37 =	vadd.s32 v6, v26;
	v51 =	vadd.s32 v5, v45  }
0x145: {  	v48 =	vld [tilespmem:$0x1F070];
	v53 =	vshrl.u32 v49, $0x10;
	v55 =	vmul.f32 v7, v13;
	v63 =	vmul.f32 v7, v20;
	[tilespmem:$0x1F670] =	vst v4  }
0x146: {  	v20 =	vshrl.u32 v16, $0x10;
	[tilespmem:$0x1F690] =	vst v37;
	v4 =	vand.u32 $0x1, v47;
	v37 =	vld [tilespmem:$0x1F040];
	v2 =	vsub.f32 $1.500000000e+00, v2  }
0x147: {  	v22 =	vand.u32 $0x1, v20;
	v25 =	vshrl.u32 v17, $0x10;
	v20 =	vld [tilespmem:$0x1F0D0];
	v50 =	vadd.s32 v4, v44  }
0x148: {  	[tilespmem:$0x1F6E0] =	vst v51;
	v12 =	vshrl.u32 v55, $0x10;
	v18 =	vshrl.u32 v63, $0x10;
	v44 =	vld [tilespmem:$0x1F060];
	v1 =	vmul.f32 v2, v1  }
0x149: {  	[tilespmem:$0x1F6D0] =	vst v50;
	v13 =	vand.u32 $0x1, v12;
	v4 =	vand.u32 $0x1, v18;
	v50 =	vld [tilespmem:$0x1F080];
	v2 =	vadd.s32 v33, v24  }
0x14a: {  	v21 =	vadd.s32 v4, v63;
	v33 =	vld [tilespmem:$0x1F020];
	[tilespmem:$0x1F680] =	vst v2;
	v2 =	vadd.s32 v39, v28;
	v0 =	vmul.f32 v1, v0  }
0x14b: {  	v24 =	vadd.s32 v22, v16;
	v16 =	vld [tilespmem:$0x1F0B0];
	[tilespmem:$0x1F6A0] =	vst v2;
	v1 =	vand.u32 $0x1, v40;
	v2 =	vand.u32 $0x1, v54  }
0x14c: {  	[tilespmem:$0x1F730] =	vst v21;
	v39 =	vadd.s32 $0x7FFF, v37;
	v40 =	vld [tilespmem:$0x1F050];
	v1 =	vadd.s32 v1, v35;
	v0 =	vmax.f32 v0, $9.999999960e-13  }
0x14d: {  	v21 =	vadd.s32 $0x7FFF, v20;
	v35 =	vld [tilespmem:$0x1F030];
	[tilespmem:$0x1F6B0] =	vst v1;
	v1 =	vand.u32 $0x1, v53;
	(erf) = vrcp.f32 v0  }
0x14e: {  	[tilespmem:$0x1F740] =	vst v24;
	v24 =	vld [tilespmem:$0x1F0F0];
	v57 =	vadd.s32 v2, v8;
	v0 =	vand.u32 $0x1, v46;
	v1 =	vadd.s32 v1, v49  }
0x14f: {  	v49 =	vadd.s32 $0x7FFF, v48;
	v48 =	vld [tilespmem:$0x1F130];
	v0 =	vadd.s32 v0, v42;
	[tilespmem:$0x1F6F0] =	vst v1;
	v1 =	vand.u32 $0x1, v60  }
0x150: {  	v51 =	vadd.s32 $0x7FFF, v50;
	v46 =	vadd.s32 $0x7FFF, v44;
	[tilespmem:$0x1F6C0] =	vst v0;
	v0 =	vadd.s32 v1, v52;
	v52 =	vld [tilespmem:$0x1F090]  }
0x151: {  	v34 =	vadd.s32 $0x7FFF, v33;
	v47 =	vand.u32 $0xFFFF0000, v46;
	[tilespmem:$0x1F710] =	vst v0;
	v0 =	vadd.s32 v13, v55;
	v13 =	vld [tilespmem:$0x1F0A0]  }
0x152: {  	v1 =	vand.u32 $0x1, v25;
	v42 =	vadd.s32 $0x7FFF, v40;
	v36 =	vadd.s32 $0x7FFF, v35;
	v35 =	vld [tilespmem:$0x1F100]  }
0x153: {  	v25 =	vadd.s32 $0x7FFF, v24;
	v28 =	vadd.s32 v1, v17;
	v55 =	vand.u32 $0xFFFF0000, v49  }
0x154: {  	v17 =	vadd.s32 $0x7FFF, v16;
	v25 =	vand.u32 $0xFFFF0000, v25;
	v45 =	vand.u32 $0xFFFF0000, v36  }
0x155: {  	v37 =	vand.u32 $0xFFFF0000, v17;
	v9 =	vmul.f32 v55, v45;
	v53 =	vadd.s32 $0x7FFF, v52;
	v52 =	vld [tilespmem:$0x1F140]  }
0x156: {  	[tilespmem:$0x1F700] =	vst v57;
	v49 =	vadd.s32 $0x7FFF, v48;
	v57 =	vand.u32 $0xFFFF0000, v53;
	v14 =	vadd.s32 $0x7FFF, v13;
	v8 =	vpop (erf)  }
0x157: {  	v36 =	vadd.s32 $0x7FFF, v35;
	v19 =	vmul.f32 v8, v30;
	v23 =	vmul.f32 v8, v27  }
0x158: {  	v18 =	vld [tilespmem:$0x1F0C0];
	v54 =	vmul.f32 v8, v56;
	v56 =	vand.u32 $0xFFFF0000, v51;
	v51 =	vand.u32 $0xFFFF0000, v49  }
0x159: {  	v22 =	vld [tilespmem:$0x1F0E0];
	v38 =	vmul.f32 v8, v38;
	v41 =	vmul.f32 v8, v41;
	v26 =	vshrl.u32 v19, $0x10  }
0x15a: {  	v27 =	vshrl.u32 v23, $0x10;
	v60 =	vshrl.u32 v54, $0x10;
	v53 =	vadd.s32 $0x7FFF, v52  }
0x15b: {  	[tilespmem:$0x1F800] =	vst v47;
	v40 =	vld [tilespmem:$0x1F110];
	v2 =	vand.u32 $0x1, v26;
	v30 =	vand.u32 $0x1, v27;
	v1 =	vand.u32 $0x1, v60  }
0x15c: {  	[tilespmem:$0x1F810] =	vst v55;
	v55 =	vld [tilespmem:$0x1F150];
	v27 =	vand.u32 $0xFFFF0000, v21;
	v29 =	vadd.s32 v2, v19;
	v31 =	vadd.s32 v30, v23  }
0x15d: {  	v46 =	vld [tilespmem:$0x1F120];
	[tilespmem:$0x1F720] =	vst v0;
	v30 =	vand.u32 $0xFFFF0000, v39;
	v12 =	vadd.s32 v1, v54;
	v39 =	vand.u32 $0xFFFF0000, v14  }
0x15e: {  	v19 =	vadd.s32 $0x7FFF, v18;
	v23 =	vadd.s32 $0x7FFF, v22;
	v54 =	vand.u32 $0xFFFF0000, v53;
	[tilespmem:$0x1F760] =	vst v29  }
0x15f: {  	v13 =	vld [tilespmem:$0x1F210];
	v6 =	vmul.f32 v51, v27;
	[tilespmem:$0x1F770] =	vst v31;
	v31 =	vand.u32 $0xFFFF0000, v34;
	v29 =	vand.u32 $0xFFFF0000, v42  }
0x160: {  	[tilespmem:$0x1F750] =	vst v28;
	v49 =	vld [tilespmem:$0x1F1B0];
	v10 =	vmul.f32 v56, v30;
	v28 =	vand.u32 $0xFFFF0000, v19;
	v26 =	vand.u32 $0xFFFF0000, v23  }
0x161: {  	[tilespmem:$0x1F820] =	vst v56;
	v21 =	vld [tilespmem:$0x1F160];
	v42 =	vadd.s32 $0x7FFF, v40;
	v56 =	vadd.s32 $0x7FFF, v55;
	v63 =	vmul.f32 v47, v31  }
0x162: {  	[tilespmem:$0x1F860] =	vst v51;
	v51 =	vld [tilespmem:$0x1F1C0];
	v11 =	vmul.f32 v57, v29;
	v44 =	vand.u32 $0xFFFF0000, v42;
	v47 =	vadd.s32 $0x7FFF, v46  }
0x163: {  	[tilespmem:$0x1F830] =	vst v57;
	v53 =	vld [tilespmem:$0x1F1D0];
	v57 =	vmul.f32 v8, v15;
	v0 =	vand.u32 $0xFFFF0000, v56;
	v50 =	vand.u32 $0xFFFF0000, v47  }
0x164: {  	v23 =	vld [tilespmem:$0x1F170];
	v14 =	vmul.f32 v0, v25;
	v33 =	vadd.f32 v9, v63;
	v34 =	vadd.f32 v11, v10  }
0x165: {  	v40 =	vld [tilespmem:$0x1F180];
	v63 =	vand.u32 $0xFFFF0000, v36;
	v9 =	vmul.f32 v44, v37;
	v10 =	vshrl.u32 v57, $0x10  }
0x166: {  	v55 =	vld [tilespmem:$0x1F1E0];
	v5 =	vmul.f32 v50, v28;
	v11 =	vmul.f32 v54, v26;
	v22 =	vadd.s32 $0x7FFF, v21  }
0x167: {  	[tilespmem:$0x1F850] =	vst v50;
	v50 =	vadd.s32 $0x7FFF, v49;
	v60 =	vmul.f32 v63, v39;
	v4 =	vand.u32 $0x1, v10  }
0x168: {  	v7 =	vld [tilespmem:$0x1F1F0];
	[tilespmem:$0x1F870] =	vst v54;
	v52 =	vadd.s32 $0x7FFF, v51;
	v54 =	vadd.s32 $0x7FFF, v53;
	v20 =	vadd.s32 v4, v57  }
0x169: {  	v36 =	vadd.f32 v6, v5;
	v15 =	vadd.f32 v14, v11;
	v24 =	vadd.s32 $0x7FFF, v23  }
0x16a: {  	[tilespmem:$0x1F660] =	vst v3;
	v10 =	vld [tilespmem:$0x1F200];
	v23 =	vand.u32 $0xFFFF0000, v22;
	v42 =	vadd.s32 $0x7FFF, v40;
	v57 =	vand.u32 $0xFFFF0000, v52  }
0x16b: {  	[tilespmem:$0x1F780] =	vst v12;
	v54 =	vand.u32 $0xFFFF0000, v54;
	v56 =	vadd.s32 $0x7FFF, v55;
	v14 =	vadd.s32 $0x7FFF, v13  }
0x16c: {  	[tilespmem:$0x1F840] =	vst v44;
	v55 =	vshrl.u32 v38, $0x10;
	v35 =	vadd.f32 v9, v60;
	v24 =	vand.u32 $0xFFFF0000, v24  }
0x16d: {  	[tilespmem:$0x1F880] =	vst v0;
	v44 =	vld [tilespmem:$0x1F190];
	v22 =	vand.u32 $0xFFFF0000, v42;
	v60 =	vand.u32 $0xFFFF0000, v56;
	v9 =	vadd.s32 $0x7FFF, v7  }
0x16e: {  	v47 =	vld [tilespmem:$0x1F1A0];
	[tilespmem:$0x1F790] =	vst v20;
	v17 =	vmul.f32 v57, v23;
	v0 =	vand.u32 $0xFFFF0000, v14;
	v5 =	vand.u32 $0x1, v55  }
0x16f: {  	[tilespmem:$0x1F890] =	vst v60;
	v12 =	vand.u32 $0xFFFF0000, v9;
	v18 =	vmul.f32 v54, v24;
	v11 =	vadd.s32 $0x7FFF, v10  }
0x170: {  	[tilespmem:$0x1F8B0] =	vst v0;
	v6 =	vadd.s32 v5, v38;
	v56 =	vand.u32 $0xFFFF0000, v11;
	v11 =	vshrl.u32 v41, $0x10  }
0x171: {  	[tilespmem:$0x1F8A0] =	vst v12;
	v40 =	vadd.f32 v18, v17;
	v10 =	vadd.f32 v36, v35;
	v35 =	vand.u32 $0x1, v11  }
0x172: {  	v20 =	vand.u32 $0xFFFF0000, v50;
	v46 =	vadd.s32 $0x7FFF, v44;
	[tilespmem:$0x1F7A0] =	vst v6;
	v38 =	vadd.s32 v35, v41  }
0x173: {  	v48 =	vadd.s32 $0x7FFF, v47;
	v19 =	vand.u32 $0xFFFF0000, v46;
	v15 =	vadd.f32 v40, v15;
	v40 =	vld [tilespmem:$0x1F220];
	[tilespmem:$0x1F7B0] =	vst v38  }
0x174: {  	v52 =	vmul.f32 v60, v22;
	v21 =	vand.u32 $0xFFFF0000, v48;
	v53 =	vmul.f32 v12, v19;
	v48 =	vld [tilespmem:$0x1F230]  }
0x175: {  	v4 =	vmul.f32 v0, v20;
	v60 =	vmul.f32 v56, v21;
	v50 =	vld [tilespmem:$0x1F240]  }
0x176: {  	v7 =	vadd.f32 v53, v52;
	v53 =	vld [tilespmem:$0x1F250]  }
0x177: {  	v32 =	vmul.f32 v8, v32;
	v9 =	vadd.f32 v4, v60;
	v60 =	vld [tilespmem:$0x1F260]  }
0x178: {  	v33 =	vadd.f32 v34, v33;
	v2 =	vld [tilespmem:$0x1F270]  }
0x179: {  	v18 =	vadd.f32 v9, v7;
	v7 =	vshrl.u32 v32, $0x10;
	v41 =	vadd.s32 $0x7FFF, v40  }
0x17a: {  	v42 =	vadd.f32 v10, v33;
	v35 =	vld [tilespmem:$0x1F280];
	v34 =	vand.u32 $0x1, v7;
	v17 =	vand.u32 $0xFFFF0000, v41  }
0x17b: {  	v47 =	vadd.f32 v18, v15;
	v34 =	vadd.s32 v34, v32;
	v41 =	vld [tilespmem:$0x1F2A0];
	v5 =	vmul.f32 v17, v31  }
0x17c: {  	v38 =	vld [tilespmem:$0x1F290];
	v49 =	vadd.s32 $0x7FFF, v48;
	v51 =	vadd.s32 $0x7FFF, v50;
	v55 =	vadd.s32 $0x7FFF, v53  }
0x17d: {  	v13 =	vld [tilespmem:$0x1F2F0];
	v1 =	vadd.s32 $0x7FFF, v60;
	v4 =	vadd.s32 $0x7FFF, v2;
	v52 =	vand.u32 $0xFFFF0000, v49  }
0x17e: {  	v16 =	vld [tilespmem:$0x1F300];
	v51 =	vand.u32 $0xFFFF0000, v51;
	v44 =	vand.u32 $0xFFFF0000, v55;
	v50 =	vand.u32 $0xFFFF0000, v1  }
0x17f: {  	v48 =	vand.u32 $0xFFFF0000, v4;
	v49 =	vld [tilespmem:$0x1F2B0];
	v9 =	vmul.f32 v51, v30;
	v10 =	vmul.f32 v44, v29  }
0x180: {  	v11 =	vmul.f32 v50, v39;
	v18 =	vmul.f32 v48, v37;
	v46 =	vadd.s32 $0x7FFF, v41;
	v41 =	vld [tilespmem:$0x1F310]  }
0x181: {  	v36 =	vadd.s32 $0x7FFF, v35;
	v6 =	vmul.f32 v52, v45;
	v53 =	vadd.f32 v10, v9;
	v9 =	vld [tilespmem:$0x1F2D0]  }
0x182: {  	v40 =	vadd.s32 $0x7FFF, v38;
	v14 =	vadd.s32 $0x7FFF, v13;
	v60 =	vadd.f32 v18, v11;
	v11 =	vld [tilespmem:$0x1F2E0]  }
0x183: {  	v0 =	vand.u32 $0xFFFF0000, v36;
	v38 =	vand.u32 $0xFFFF0000, v40;
	v15 =	vadd.f32 v6, v5  }
0x184: {  	[tilespmem:$0x1F7C0] =	vst v34;
	v34 =	vand.u32 $0xFFFF0000, v46;
	v6 =	vld [tilespmem:$0x1F2C0];
	v18 =	vadd.s32 $0x7FFF, v16;
	v55 =	vadd.s32 $0x7FFF, v49  }
0x185: {  	v33 =	vmovc v0;
	[tilespmem:$0x1F900] =	vst v0;
	v5 =	vmul.f32 v0, v28;
	v0 =	vmul.f32 v38, v27;
	v35 =	vand.u32 $0xFFFF0000, v55  }
0x186: {  	v46 =	vand.u32 $0xFFFF0000, v18;
	v13 =	vadd.f32 v53, v15;
	v55 =	vmul.f32 v35, v25  }
0x187: {  	v49 =	vadd.s32 $0x7FFF, v41;
	v10 =	vadd.s32 $0x7FFF, v9;
	v12 =	vadd.s32 $0x7FFF, v11  }
0x188: {  	v36 =	vand.u32 $0xFFFF0000, v10;
	v9 =	vand.u32 $0xFFFF0000, v12;
	v10 =	vand.u32 $0xFFFF0000, v14  }
0x189: {  	v7 =	vadd.s32 $0x7FFF, v6;
	v18 =	vmul.f32 v9, v22;
	v41 =	vmul.f32 v10, v19  }
0x18a: {  	v15 =	vld [tilespmem:$0x1F320];
	v6 =	vmul.f32 v34, v26;
	v16 =	vand.u32 $0xFFFF0000, v49;
	v40 =	vand.u32 $0xFFFF0000, v7;
	[tilespmem:$0x1F970] =	vst v10;
	v32 =	vmovc v9  }
0x18b: {  	[tilespmem:$0x1F960] =	vst v9;
	v9 =	vmul.f32 v46, v21;
	v10 =	vmul.f32 v16, v20;
	v1 =	vadd.f32 v41, v18;
	v18 =	vld [tilespmem:$0x1F330]  }
0x18c: {  	v49 =	vadd.f32 v0, v5;
	v4 =	vmul.f32 v40, v23;
	v11 =	vmul.f32 v36, v24;
	v41 =	vld [tilespmem:$0x1F340]  }
0x18d: {  	v43 =	vmul.f32 v8, v43;
	v6 =	vadd.f32 v55, v6;
	v55 =	vld [tilespmem:$0x1F350];
	v0 =	vadd.f32 v10, v9  }
0x18e: {  	v14 =	vadd.f32 v49, v60;
	v2 =	vadd.f32 v11, v4  }
0x18f: {  	v11 =	vshrl.u32 v43, $0x10;
	v0 =	vadd.f32 v0, v1;
	v1 =	vadd.s32 $0x7FFF, v15  }
0x190: {  	[tilespmem:$0x1F990] =	vst v16;
	v12 =	vand.u32 $0x1, v11;
	v16 =	vand.u32 $0xFFFF0000, v1;
	v1 =	vadd.s32 $0x7FFF, v18  }
0x191: {  	v3 =	vadd.s32 v12, v43;
	v5 =	vadd.s32 $0x7FFF, v41;
	v18 =	vld [tilespmem:$0x1F360];
	v43 =	vand.u32 $0xFFFF0000, v1  }
0x192: {  	v49 =	vand.u32 $0xFFFF0000, v5;
	v1 =	vadd.s32 $0x7FFF, v55;
	[tilespmem:$0x1FA20] =	vst v43;
	v12 =	vmul.f32 v43, v45;
	v43 =	vld [tilespmem:$0x1F370]  }
0x193: {  	v53 =	vadd.f32 v14, v13;
	[tilespmem:$0x1FA30] =	vst v49;
	v60 =	vand.u32 $0xFFFF0000, v1;
	v13 =	vmul.f32 v49, v30;
	v49 =	vld [tilespmem:$0x1F380]  }
0x194: {  	v14 =	vmul.f32 v60, v29  }
0x195: {  	v2 =	vadd.f32 v2, v6;
	v55 =	vld [tilespmem:$0x1F390]  }
0x196: {  	v11 =	vmul.f32 v16, v31;
	v41 =	vadd.s32 $0x7FFF, v18;
	v9 =	vadd.f32 v14, v13;
	v13 =	vld [tilespmem:$0x1F3C0]  }
0x197: {  	[tilespmem:$0x1FA10] =	vst v16;
	v16 =	vadd.f32 v0, v2;
	v0 =	vand.u32 $0xFFFF0000, v41;
	v41 =	vld [tilespmem:$0x1F3A0];
	v1 =	vadd.s32 $0x7FFF, v43  }
0x198: {  	v2 =	vand.u32 $0xFFFF0000, v1;
	v1 =	vadd.s32 $0x7FFF, v49;
	v49 =	vld [tilespmem:$0x1F3B0];
	_ =	sdelay $0x1  }
0x199: {  	[tilespmem:$0x1F7D0] =	vst v3;
	v3 =	vadd.s32 $0x7FFF, v55  }
0x19a: {  	v15 =	vld [tilespmem:$0x1F3D0];
	[tilespmem:$0x1FA40] =	vst v60;
	v60 =	vand.u32 $0xFFFF0000, v3;
	v3 =	vmul.f32 v8, v59;
	v18 =	vmul.f32 v0, v39  }
0x19b: {  	v7 =	vmul.f32 v60, v27;
	v6 =	vand.u32 $0xFFFF0000, v1;
	v1 =	vadd.s32 $0x7FFF, v41  }
0x19c: {  	v14 =	vadd.s32 $0x7FFF, v13;
	v43 =	vand.u32 $0xFFFF0000, v1;
	v1 =	vadd.s32 $0x7FFF, v49  }
0x19d: {  	[tilespmem:$0x1FA80] =	vst v60;
	v41 =	vand.u32 $0xFFFF0000, v14;
	v14 =	vld [tilespmem:$0x1F3F0];
	v49 =	vmul.f32 v2, v37;
	v55 =	vand.u32 $0xFFFF0000, v1  }
0x19e: {  	v10 =	vadd.f32 v12, v11;
	v60 =	vmul.f32 v43, v26;
	[tilespmem:$0x1FAA0] =	vst v55;
	v11 =	vmul.f32 v55, v25;
	v55 =	vld [tilespmem:$0x1F3E0]  }
0x19f: {  	[tilespmem:$0x1FA60] =	vst v2;
	v2 =	vadd.f32 v49, v18;
	v18 =	vadd.s32 $0x7FFF, v15;
	v15 =	vld [tilespmem:$0x1F400]  }
0x1a0: {  	v59 =	vshrl.u32 v3, $0x10;
	[tilespmem:$0x1FA70] =	vst v6;
	v6 =	vmul.f32 v6, v28;
	v4 =	vadd.f32 v11, v60;
	v60 =	vld [tilespmem:$0x1F410]  }
0x1a1: {  	v5 =	vand.u32 $0x1, v59  }
0x1a2: {  	v12 =	vadd.s32 v5, v3;
	v3 =	vadd.f32 v7, v6;
	[tilespmem:$0x1FA90] =	vst v43;
	v43 =	vand.u32 $0xFFFF0000, v18  }
0x1a3: {  	v7 =	vmul.f32 v41, v23;
	[tilespmem:$0x1FAC0] =	vst v43;
	v43 =	vmul.f32 v43, v24;
	v5 =	vadd.s32 $0x7FFF, v55  }
0x1a4: {  	v6 =	vadd.s32 $0x7FFF, v15;
	v59 =	vand.u32 $0xFFFF0000, v5;
	v5 =	vadd.s32 $0x7FFF, v14  }
0x1a5: {  	[tilespmem:$0x1FAB0] =	vst v41;
	v49 =	vand.u32 $0xFFFF0000, v6;
	v18 =	vand.u32 $0xFFFF0000, v5;
	v5 =	vadd.s32 $0x7FFF, v60  }
0x1a6: {  	v7 =	vadd.f32 v43, v7;
	[tilespmem:$0x1FB00] =	vst v49;
	v41 =	vand.u32 $0xFFFF0000, v5;
	v14 =	vmul.f32 v18, v19  }
0x1a7: {  	[tilespmem:$0x1FAE0] =	vst v18;
	v18 =	vmul.f32 v49, v21;
	v49 =	vmul.f32 v41, v20  }
0x1a8: {  	v6 =	vmul.f32 v8, v58;
	v13 =	vadd.f32 v7, v4;
	v7 =	vld [tilespmem:$0x1F430]  }
0x1a9: {  	[tilespmem:$0x1FA50] =	vst v0;
	v0 =	vadd.f32 v49, v18;
	v18 =	vld [tilespmem:$0x1F450]  }
0x1aa: {  	v60 =	vld [tilespmem:$0x1F420];
	v15 =	vshrl.u32 v6, $0x10  }
0x1ab: {  	v58 =	vand.u32 $0x1, v15;
	v15 =	vadd.f32 v9, v10;
	v10 =	vld [tilespmem:$0x1F440];
	_ =	sdelay $0x1  }
0x1ac: {  	v11 =	vmul.f32 v59, v22  }
0x1ad: {  	v4 =	vadd.s32 $0x7FFF, v18;
	v18 =	vld [tilespmem:$0x1F460]  }
0x1ae: {  	[tilespmem:$0x1FAD0] =	vst v59;
	v43 =	vadd.f32 v14, v11;
	v59 =	vadd.s32 v58, v6;
	v14 =	vadd.f32 v3, v2  }
0x1af: {  	[tilespmem:$0x1F7E0] =	vst v12;
	v9 =	vadd.s32 $0x7FFF, v7;
	v2 =	vadd.s32 $0x7FFF, v60;
	v11 =	vadd.s32 $0x7FFF, v10  }
0x1b0: {  	[tilespmem:$0x1F7F0] =	vst v59;
	v1 =	vand.u32 $0xFFFF0000, v2;
	v2 =	vand.u32 $0xFFFF0000, v11;
	v49 =	vand.u32 $0xFFFF0000, v4  }
0x1b1: {  	v12 =	vand.u32 $0xFFFF0000, v9;
	v59 =	vmul.f32 v2, v30;
	[tilespmem:$0x1FC70] =	vst v49;
	v60 =	vmul.f32 v49, v29;
	v49 =	vld [tilespmem:$0x1F470]  }
0x1b2: {  	[tilespmem:$0x1FC50] =	vst v12;
	v58 =	vmul.f32 v12, v45;
	v12 =	vadd.f32 v0, v43;
	v43 =	vadd.s32 $0x7FFF, v18;
	v18 =	vld [tilespmem:$0x1F490]  }
0x1b3: {  	v7 =	vadd.f32 v60, v59;
	v59 =	vld [tilespmem:$0x1F480]  }
0x1b4: {  	v55 =	vmul.f32 v1, v31;
	_ =	sdelay $0x1  }
0x1b5: {  	v11 =	vadd.f32 v58, v55  }
0x1b6: {  	v58 =	vand.u32 $0xFFFF0000, v43;
	v55 =	vadd.s32 $0x7FFF, v49;
	v49 =	vld [tilespmem:$0x1F4A0];
	v43 =	vadd.s32 $0x7FFF, v18  }
0x1b7: {  	v60 =	vadd.s32 $0x7FFF, v59;
	v59 =	vand.u32 $0xFFFF0000, v43;
	v43 =	vld [tilespmem:$0x1F4B0];
	_ =	sdelay $0x2  }
0x1b8: {  	[tilespmem:$0x1FC40] =	vst v1;
	v1 =	vand.u32 $0xFFFF0000, v55  }
0x1b9: {  	v3 =	vand.u32 $0xFFFF0000, v60;
	v60 =	vmul.f32 v1, v37;
	v55 =	vadd.s32 $0x7FFF, v49  }
0x1ba: {  	[tilespmem:$0x1FC60] =	vst v2;
	v2 =	vand.u32 $0xFFFF0000, v55;
	v55 =	vmul.f32 v58, v39;
	v49 =	vadd.s32 $0x7FFF, v43  }
0x1bb: {  	[tilespmem:$0x1FCB0] =	vst v59;
	v59 =	vmul.f32 v59, v27;
	v18 =	vand.u32 $0xFFFF0000, v49;
	v49 =	vmul.f32 v3, v28  }
0x1bc: {  	v4 =	vld [tilespmem:$0x1F4C0];
	v10 =	vmul.f32 v2, v26;
	v9 =	vadd.f32 v60, v55;
	v60 =	vmul.f32 v18, v25  }
0x1bd: {  	v6 =	vadd.f32 v59, v49;
	v59 =	vld [tilespmem:$0x1F500]  }
0x1be: {  	v10 =	vadd.f32 v60, v10;
	v60 =	vld [tilespmem:$0x1F4E0];
	_ =	sdelay $0x2  }
0x1bf: {  	v5 =	vadd.s32 $0x7FFF, v4;
	v4 =	vld [tilespmem:$0x1F4F0]  }
0x1c0: {  	[tilespmem:$0x1FCD0] =	vst v18;
	v18 =	vld [tilespmem:$0x1F4D0]  }
0x1c1: {  	v43 =	vadd.s32 $0x7FFF, v60;
	v60 =	vadd.s32 $0x7FFF, v59;
	v59 =	vld [tilespmem:$0x1F510];
	_ =	sdelay $0x1  }
0x1c2: {  	v5 =	vand.u32 $0xFFFF0000, v5  }
0x1c3: {  	[tilespmem:$0x1FCE0] =	vst v5  }
0x1c4: {  	[tilespmem:$0x1FC90] =	vst v1;
	v55 =	vmul.f32 v8, v61;
	v49 =	vadd.s32 $0x7FFF, v18;
	v18 =	vadd.s32 $0x7FFF, v4  }
0x1c5: {  	[tilespmem:$0x1FCA0] =	vst v3;
	v1 =	vand.u32 $0xFFFF0000, v18;
	v18 =	vand.u32 $0xFFFF0000, v60;
	v60 =	vadd.s32 $0x7FFF, v59  }
0x1c6: {  	[tilespmem:$0x1FCC0] =	vst v2;
	v3 =	vand.u32 $0xFFFF0000, v43;
	v43 =	vmul.f32 v5, v23;
	v0 =	vand.u32 $0xFFFF0000, v60  }
0x1c7: {  	v2 =	vadd.f32 v7, v11;
	[tilespmem:$0x1FD20] =	vst v18;
	v4 =	vmul.f32 v18, v21;
	v18 =	vmul.f32 v0, v20  }
0x1c8: {  	v49 =	vand.u32 $0xFFFF0000, v49;
	[tilespmem:$0x1FD00] =	vst v3;
	v5 =	vmul.f32 v3, v22;
	v3 =	vmul.f32 v1, v19  }
0x1c9: {  	v61 =	vshrl.u32 v55, $0x10;
	[tilespmem:$0x1FD10] =	vst v1;
	v60 =	vmul.f32 v49, v24;
	v1 =	vadd.f32 v18, v4;
	v18 =	vld [tilespmem:$0x1F520]  }
0x1ca: {  	v3 =	vadd.f32 v3, v5;
	v5 =	vadd.f32 v6, v9;
	v59 =	vmul.f32 v8, v62  }
0x1cb: {  	v62 =	vand.u32 $0x1, v61;
	v43 =	vadd.f32 v60, v43  }
0x1cc: {  	v61 =	vadd.s32 v62, v55;
	v2 =	vadd.f32 v5, v2;
	v11 =	vshrl.u32 v59, $0x10  }
0x1cd: {  	v4 =	vand.u32 $0x1, v11;
	v9 =	vadd.f32 v43, v10;
	v43 =	vld [tilespmem:$0x1F540];
	v1 =	vadd.f32 v1, v3  }
0x1ce: {  	v11 =	vadd.f32 v12, v13;
	v10 =	vadd.f32 v14, v15;
	v55 =	vmul.f32 v8, v18;
	v18 =	vld [tilespmem:$0x1F530]  }
0x1cf: {  	[tilespmem:$0x1FD30] =	vst v0;
	v14 =	vadd.f32 v47, v42;
	v47 =	vld [tilespmem:$0x1F550];
	v0 =	vadd.f32 v1, v9  }
0x1d0: {  	v15 =	vadd.f32 v16, v53;
	v53 =	vld [tilespmem:$0x1F560];
	v16 =	vadd.f32 v11, v10;
	v12 =	vshrl.u32 v55, $0x10  }
0x1d1: {  	v0 =	vadd.f32 v0, v2;
	v13 =	vand.u32 $0x1, v12;
	v12 =	vld [tilespmem:$0x1F570]  }
0x1d2: {  	v60 =	vadd.s32 v4, v59;
	[tilespmem:$0x1F9D0] =	vst v16;
	v59 =	vadd.s32 v13, v55;
	v13 =	vld [tilespmem:$0x1F580]  }
0x1d3: {  	v16 =	vld [tilespmem:$0x1F590];
	[tilespmem:$0x1F9E0] =	vst v0;
	v0 =	vadd.s32 $0x7FFF, v18  }
0x1d4: {  	v42 =	vand.u32 $0xFFFF0000, v0;
	v0 =	vadd.s32 $0x7FFF, v43  }
0x1d5: {  	[tilespmem:$0x1F9A0] =	vst v14;
	v55 =	vand.u32 $0xFFFF0000, v0;
	v0 =	vadd.s32 $0x7FFF, v53  }
0x1d6: {  	[tilespmem:$0x1F9B0] =	vst v15;
	v1 =	vadd.s32 $0x7FFF, v47;
	v47 =	vld [tilespmem:$0x1F5A0];
	v62 =	vand.u32 $0xFFFF0000, v0;
	v0 =	vadd.s32 $0x7FFF, v12  }
0x1d7: {  	v4 =	vand.u32 $0xFFFF0000, v1;
	[tilespmem:$0x1FE80] =	vst v42;
	v1 =	vadd.s32 $0x7FFF, v13;
	v14 =	vand.u32 $0xFFFF0000, v0  }
0x1d8: {  	v42 =	vmul.f32 v42, v31;
	v0 =	vadd.s32 $0x7FFF, v16;
	[tilespmem:$0x1FEC0] =	vst v14;
	v15 =	vand.u32 $0xFFFF0000, v1  }
0x1d9: {  	v43 =	vmul.f32 v55, v45;
	v18 =	vand.u32 $0xFFFF0000, v0;
	v13 =	vmul.f32 v14, v39;
	[tilespmem:$0x1FB30] =	vst v15  }
0x1da: {  	[tilespmem:$0x1FB40] =	vst v18;
	v14 =	vmul.f32 v15, v37;
	v15 =	vmul.f32 v18, v28;
	v18 =	vld [tilespmem:$0x1F5B0]  }
0x1db: {  	v2 =	vadd.s32 $0x7FFF, v47;
	v0 =	vadd.f32 v43, v42;
	v42 =	vld [tilespmem:$0x1F5C0]  }
0x1dc: {  	v12 =	vand.u32 $0xFFFF0000, v2;
	v43 =	vld [tilespmem:$0x1F5D0]  }
0x1dd: {  	v47 =	vld [tilespmem:$0x1F5E0];
	v16 =	vmul.f32 v12, v27  }
0x1de: {  	v2 =	vadd.f32 v14, v13;
	v14 =	vld [tilespmem:$0x1F5F0]  }
0x1df: {  	[tilespmem:$0x1FEA0] =	vst v4;
	v53 =	vmul.f32 v4, v30;
	v1 =	vadd.f32 v16, v15;
	v16 =	vld [tilespmem:$0x1F610];
	v4 =	vadd.s32 $0x7FFF, v18  }
0x1e0: {  	v15 =	vld [tilespmem:$0x1F600];
	v6 =	vand.u32 $0xFFFF0000, v4;
	v4 =	vadd.s32 $0x7FFF, v42  }
0x1e1: {  	v9 =	vand.u32 $0xFFFF0000, v4;
	v4 =	vadd.s32 $0x7FFF, v43;
	v43 =	vld [tilespmem:$0x1F630]  }
0x1e2: {  	[tilespmem:$0x1FEB0] =	vst v62;
	v62 =	vmul.f32 v62, v29;
	v42 =	vld [tilespmem:$0x1F620]  }
0x1e3: {  	v5 =	vadd.s32 $0x7FFF, v47  }
0x1e4: {  	v3 =	vadd.f32 v62, v53;
	v62 =	vand.u32 $0xFFFF0000, v5;
	v5 =	vadd.s32 $0x7FFF, v16  }
0x1e5: {  	v53 =	vand.u32 $0xFFFF0000, v4;
	v4 =	vadd.s32 $0x7FFF, v14;
	v14 =	vand.u32 $0xFFFF0000, v5  }
0x1e6: {  	[tilespmem:$0x1FED0] =	vst v12;
	v12 =	vand.u32 $0xFFFF0000, v4;
	v4 =	vadd.s32 $0x7FFF, v15;
	v5 =	vadd.s32 $0x7FFF, v43  }
0x1e7: {  	v18 =	vand.u32 $0xFFFF0000, v4;
	v4 =	vmul.f32 v8, v42;
	v47 =	vand.u32 $0xFFFF0000, v5  }
0x1e8: {  	[tilespmem:$0x1FF10] =	vst v62;
	v42 =	vmul.f32 v14, v21;
	v43 =	vmul.f32 v47, v20  }
0x1e9: {  	[tilespmem:$0x1FF00] =	vst v53;
	v5 =	vmul.f32 v53, v23;
	v53 =	vmul.f32 v62, v24;
	v62 =	vshrl.u32 v4, $0x10  }
0x1ea: {  	[tilespmem:$0x1FEE0] =	vst v6;
	v10 =	vand.u32 $0x1, v62;
	v62 =	vadd.f32 v43, v42;
	v43 =	vld [tilespmem:$0x1F6A0]  }
0x1eb: {  	v6 =	vmul.f32 v6, v26;
	v7 =	vmul.f32 v9, v25;
	[tilespmem:$0x1FF50] =	vst v14  }
0x1ec: {  	v15 =	vld [tilespmem:$0x1F670];
	v16 =	vmul.f32 v12, v22;
	[tilespmem:$0x1FF30] =	vst v18;
	v18 =	vmul.f32 v18, v19  }
0x1ed: {  	v14 =	vld [tilespmem:$0x1F660];
	[tilespmem:$0x1FF60] =	vst v47;
	v47 =	vadd.f32 v7, v6  }
0x1ee: {  	v5 =	vadd.f32 v53, v5;
	v53 =	vadd.f32 v18, v16;
	v18 =	vld [tilespmem:$0x1F680]  }
0x1ef: {  	v1 =	vadd.f32 v1, v2;
	v42 =	vld [tilespmem:$0x1F690];
	v6 =	vadd.s32 $0x7FFF, v43  }
0x1f0: {  	v2 =	vadd.f32 v5, v47;
	v5 =	vadd.f32 v62, v53;
	v62 =	vand.u32 $0xFFFF0000, v6;
	v6 =	vld [tilespmem:$0x1F6B0]  }
0x1f1: {  	v0 =	vadd.f32 v3, v0  }
0x1f2: {  	v10 =	vadd.s32 v10, v4;
	v4 =	vadd.s32 $0x7FFF, v15;
	v3 =	vadd.s32 $0x7FFF, v14  }
0x1f3: {  	[tilespmem:$0x1FF20] =	vst v12;
	v16 =	vand.u32 $0xFFFF0000, v4;
	v11 =	vand.u32 $0xFFFF0000, v3  }
0x1f4: {  	v13 =	vld [tilespmem:$0x1F650];
	[tilespmem:$0x1FB80] =	vst v16;
	v16 =	vmul.f32 v16, v45;
	v15 =	vmul.f32 v11, v31;
	v3 =	vadd.s32 $0x7FFF, v18  }
0x1f5: {  	v12 =	vld [tilespmem:$0x1F640];
	[tilespmem:$0x1FD60] =	vst v11;
	v4 =	vadd.s32 $0x7FFF, v42;
	v47 =	vand.u32 $0xFFFF0000, v3;
	v3 =	vadd.s32 $0x7FFF, v6  }
0x1f6: {  	[tilespmem:$0x1FB90] =	vst v47;
	v53 =	vand.u32 $0xFFFF0000, v4;
	v4 =	vadd.f32 v16, v15;
	v16 =	vld [tilespmem:$0x1F6E0];
	v18 =	vand.u32 $0xFFFF0000, v3  }
0x1f7: {  	[tilespmem:$0x1FD80] =	vst v18;
	v11 =	vmul.f32 v18, v37;
	v18 =	vld [tilespmem:$0x1F6F0]  }
0x1f8: {  	v42 =	vmul.f32 v47, v30;
	[tilespmem:$0x1FD70] =	vst v53;
	v43 =	vmul.f32 v53, v29;
	v53 =	vld [tilespmem:$0x1F6C0]  }
0x1f9: {  	[tilespmem:$0x1FBA0] =	vst v62;
	v47 =	vmul.f32 v62, v39;
	v62 =	vld [tilespmem:$0x1F6D0]  }
0x1fa: {  	v3 =	vadd.f32 v43, v42;
	v42 =	vld [tilespmem:$0x1F700]  }
0x1fb: {  	v43 =	vld [tilespmem:$0x1F710]  }
0x1fc: {  	v6 =	vadd.f32 v11, v47;
	v11 =	vadd.s32 $0x7FFF, v18;
	v18 =	vld [tilespmem:$0x1F740]  }
0x1fd: {  	[tilespmem:$0x1FEF0] =	vst v9;
	v9 =	vmul.f32 v8, v12  }
0x1fe: {  	v8 =	vmul.f32 v8, v13;
	v7 =	vadd.s32 $0x7FFF, v53;
	v12 =	vadd.s32 $0x7FFF, v62  }
0x1ff: {  	v53 =	vld [tilespmem:$0x1F730];
	v14 =	vand.u32 $0xFFFF0000, v7;
	v13 =	vand.u32 $0xFFFF0000, v12;
	v7 =	vadd.s32 $0x7FFF, v16  }
0x200: {  	v47 =	vld [tilespmem:$0x1F720];
	v12 =	vadd.s32 $0x7FFF, v42;
	v42 =	vand.u32 $0xFFFF0000, v7;
	v7 =	vadd.s32 $0x7FFF, v43  }
0x201: {  	v62 =	vand.u32 $0xFFFF0000, v7;
	v7 =	vadd.s32 $0x7FFF, v18  }
0x202: {  	[tilespmem:$0x1FBC0] =	vst v42;
	v18 =	vand.u32 $0xFFFF0000, v7;
	v7 =	vmul.f32 v42, v26;
	v42 =	vld [tilespmem:$0x1F750]  }
0x203: {  	v0 =	vadd.f32 v1, v0  }
0x204: {  	[tilespmem:$0x1FBB0] =	vst v14;
	v16 =	vand.u32 $0xFFFF0000, v12;
	v12 =	vadd.s32 $0x7FFF, v53;
	v15 =	vand.u32 $0xFFFF0000, v11  }
0x205: {  	[tilespmem:$0x1FD90] =	vst v13;
	v11 =	vadd.s32 $0x7FFF, v47;
	v47 =	vand.u32 $0xFFFF0000, v12;
	v12 =	vmul.f32 v13, v27  }
0x206: {  	[tilespmem:$0x1FDA0] =	vst v15;
	v13 =	vmul.f32 v15, v25;
	v15 =	vmul.f32 v16, v23;
	v53 =	vand.u32 $0xFFFF0000, v11  }
0x207: {  	[tilespmem:$0x1FDB0] =	vst v62;
	v11 =	vmul.f32 v14, v28;
	v43 =	vmul.f32 v47, v19;
	v14 =	vadd.s32 $0x7FFF, v42  }
0x208: {  	[tilespmem:$0x1FBE0] =	vst v53;
	v42 =	vmul.f32 v62, v24;
	v62 =	vand.u32 $0xFFFF0000, v14;
	v14 =	vmul.f32 v53, v22  }
0x209: {  	v11 =	vadd.f32 v12, v11;
	v53 =	vmul.f32 v18, v21;
	[tilespmem:$0x1FDD0] =	vst v62;
	v62 =	vmul.f32 v62, v20  }
0x20a: {  	[tilespmem:$0x1F9C0] =	vst v18;
	v7 =	vadd.f32 v13, v7;
	v18 =	vadd.f32 v42, v15  }
0x20b: {  	[tilespmem:$0x1FBD0] =	vst v16;
	v16 =	vld [tilespmem:$0x1F770];
	v42 =	vshrl.u32 v9, $0x10;
	v14 =	vadd.f32 v43, v14;
	v12 =	vadd.f32 v62, v53  }
0x20c: {  	v3 =	vadd.f32 v3, v4;
	v15 =	vand.u32 $0x1, v42;
	v43 =	vadd.f32 v11, v6  }
0x20d: {  	[tilespmem:$0x1FDC0] =	vst v47;
	v9 =	vadd.s32 v15, v9;
	v47 =	vadd.f32 v18, v7;
	v15 =	vld [tilespmem:$0x1F760];
	v53 =	vadd.f32 v12, v14  }
0x20e: {  	v3 =	vadd.f32 v43, v3;
	v43 =	vld [tilespmem:$0x1F780];
	v12 =	vadd.f32 v5, v2  }
0x20f: {  	v10 =	vadd.s32 $0x7FFF, v10;
	v14 =	vadd.f32 v53, v47;
	v47 =	vld [tilespmem:$0x1F790]  }
0x210: {  	v1 =	vadd.s32 $0x7FFF, v16;
	v62 =	vshrl.u32 v8, $0x10;
	v0 =	vadd.f32 v12, v0;
	v53 =	vld [tilespmem:$0x1F7A0]  }
0x211: {  	v42 =	vand.u32 $0xFFFF0000, v1;
	v13 =	vand.u32 $0x1, v62;
	v3 =	vadd.f32 v14, v3;
	v14 =	vld [tilespmem:$0x1F7B0]  }
0x212: {  	v16 =	vmul.f32 v42, v45;
	v2 =	vadd.s32 v13, v8;
	[tilespmem:$0x1F9F0] =	vst v0;
	v0 =	vadd.s32 $0x7FFF, v15  }
0x213: {  	v45 =	vld [tilespmem:$0x1F7C0];
	v6 =	vadd.s32 $0x7FFF, v2;
	v18 =	vand.u32 $0xFFFF0000, v0;
	v0 =	vadd.s32 $0x7FFF, v43  }
0x214: {  	v62 =	vand.u32 $0xFFFF0000, v0;
	v15 =	vmul.f32 v18, v31;
	v1 =	vadd.s32 $0x7FFF, v47;
	v47 =	vld [tilespmem:$0x1F7D0]  }
0x215: {  	v5 =	vadd.s32 $0x7FFF, v53;
	v30 =	vmul.f32 v62, v30;
	v12 =	vand.u32 $0xFFFF0000, v1  }
0x216: {  	[tilespmem:$0x1FC10] =	vst v42;
	v13 =	vand.u32 $0xFFFF0000, v5;
	v0 =	vadd.s32 $0x7FFF, v14;
	v31 =	vmul.f32 v12, v29  }
0x217: {  	[tilespmem:$0x1FF70] =	vst v18;
	v1 =	vadd.f32 v16, v15;
	v42 =	vmul.f32 v13, v39;
	v29 =	vld [tilespmem:$0x1F7E0];
	v18 =	vand.u32 $0xFFFF0000, v0  }
0x218: {  	v0 =	vadd.s32 $0x7FFF, v45;
	v43 =	vmul.f32 v18, v37;
	v11 =	vadd.f32 v31, v30  }
0x219: {  	[tilespmem:$0x1FF80] =	vst v62;
	v62 =	vand.u32 $0xFFFF0000, v0;
	v30 =	vld [tilespmem:$0x1F7F0];
	v31 =	vadd.s32 $0x7FFF, v61;
	v53 =	vadd.s32 $0x7FFF, v47  }
0x21a: {  	[tilespmem:$0x1FE20] =	vst v18;
	v7 =	vand.u32 $0xFFFF0000, v31;
	v8 =	vadd.f32 v43, v42;
	v18 =	vand.u32 $0xFFFF0000, v53  }
0x21b: {  	[tilespmem:$0x1FA00] =	vst v3;
	v3 =	vld [tilespmem:$0x1F830];
	v42 =	vadd.s32 $0x7FFF, v60;
	v43 =	vadd.s32 $0x7FFF, v59;
	v53 =	vand.u32 $0xFFFF0000, v10  }
0x21c: {  	v16 =	vld [tilespmem:$0x1F890];
	[tilespmem:$0x1FE10] =	vst v12;
	v59 =	vadd.s32 $0x7FFF, v9;
	v60 =	vmul.f32 v62, v28;
	v0 =	vadd.s32 $0x7FFF, v29  }
0x21d: {  	[tilespmem:$0x1FFA0] =	vst v62;
	v62 =	vand.u32 $0xFFFF0000, v59;
	v37 =	vand.u32 $0xFFFF0000, v0;
	v0 =	vand.u32 $0xFFFF0000, v6;
	v6 =	vld [tilespmem:$0x1F840]  }
0x21e: {  	v61 =	vmul.f32 v18, v27;
	[tilespmem:$0x1FE60] =	vst v62;
	v27 =	vmul.f32 v62, v21;
	v62 =	vld [tilespmem:$0x1F870];
	v5 =	vadd.s32 $0x7FFF, v30  }
0x21f: {  	[tilespmem:$0x1FFC0] =	vst v7;
	v7 =	vmul.f32 v7, v23;
	v21 =	vld [tilespmem:$0x1FCC0];
	v12 =	vmul.f32 v37, v26;
	v39 =	vand.u32 $0xFFFF0000, v5  }
0x220: {  	v45 =	vand.u32 $0xFFFF0000, v42;
	[tilespmem:$0x1FE70] =	vst v0;
	v20 =	vmul.f32 v0, v20;
	v0 =	vld [tilespmem:$0x1F820];
	v4 =	vmul.f32 v39, v25  }
0x221: {  	v47 =	vand.u32 $0xFFFF0000, v43;
	v9 =	vadd.f32 v61, v60;
	v61 =	vmul.f32 v32, v16;
	v32 =	vld [tilespmem:$0x1F990]  }
0x222: {  	v19 =	vmul.f32 v53, v19;
	v26 =	vmul.f32 v47, v22;
	v12 =	vadd.f32 v4, v12;
	v4 =	vld [tilespmem:$0x1F810]  }
0x223: {  	v43 =	vmul.f32 v50, v63;
	[tilespmem:$0x1FE30] =	vst v37;
	v25 =	vmul.f32 v45, v24;
	v37 =	vmov v50;
	v50 =	vld [tilespmem:$0x1F850]  }
0x224: {  	v28 =	vadd.f32 v19, v26;
	v26 =	vld [tilespmem:$0x1F8A0]  }
0x225: {  	[tilespmem:$0x1F8D0] =	vst v52;
	v2 =	vadd.f32 v25, v7;
	v25 =	vld [tilespmem:$0x1F800]  }
0x226: {  	[tilespmem:$0x1F8E0] =	vst v44;
	v10 =	vadd.f32 v20, v27;
	v27 =	vld [tilespmem:$0x1F8B0]  }
0x227: {  	v1 =	vadd.f32 v11, v1;
	v31 =	vmul.f32 v51, v0;
	v30 =	vmul.f32 v52, v4;
	v52 =	vmovc v51;
	v51 =	vld [tilespmem:$0x1F860]  }
0x228: {  	v42 =	vmul.f32 v44, v3;
	[tilespmem:$0x1FE40] =	vst v39;
	v8 =	vadd.f32 v9, v8;
	v39 =	vld [tilespmem:$0x1FA10];
	v44 =	vmul.f32 v48, v6  }
0x229: {  	v7 =	vld [tilespmem:$0x1F880]  }
0x22a: {  	[tilespmem:$0x1F8F0] =	vst v48;
	v1 =	vadd.f32 v8, v1;
	v8 =	vadd.f32 v44, v43;
	v43 =	vld [tilespmem:$0x1FA20];
	v29 =	vmul.f32 v17, v25  }
0x22b: {  	v59 =	vmul.f32 v40, v57;
	[tilespmem:$0x1FFE0] =	vst v47;
	v10 =	vadd.f32 v10, v28;
	v2 =	vadd.f32 v2, v12;
	v44 =	vld [tilespmem:$0x1FA70]  }
0x22c: {  	[tilespmem:$0x1FFD0] =	vst v45;
	v45 =	vmul.f32 v33, v50;
	v9 =	vadd.f32 v30, v29;
	v29 =	vld [tilespmem:$0x1F970];
	v47 =	vmul.f32 v38, v51  }
0x22d: {  	[tilespmem:$0x1F980] =	vst v46;
	v60 =	vmul.f32 v36, v54;
	v12 =	vadd.f32 v42, v31;
	v31 =	vmul.f32 v46, v56;
	v42 =	vld [tilespmem:$0x1FA30]  }
0x22e: {  	[tilespmem:$0x1F950] =	vst v36;
	v33 =	vmul.f32 v32, v27;
	v2 =	vadd.f32 v10, v2;
	v10 =	vadd.f32 v47, v45;
	v47 =	vld [tilespmem:$0x1FA40]  }
0x22f: {  	[tilespmem:$0x1FE50] =	vst v53;
	v48 =	vmul.f32 v34, v62;
	v46 =	vld [tilespmem:$0x1FA80];
	v53 =	vmul.f32 v35, v7  }
0x230: {  	[tilespmem:$0x1FF90] =	vst v13;
	v13 =	vadd.f32 v60, v59;
	v32 =	vld [tilespmem:$0x1FA90];
	v15 =	vadd.f32 v33, v31;
	v36 =	vmul.f32 v39, v25  }
0x231: {  	[tilespmem:$0x1F910] =	vst v38;
	v33 =	vld [tilespmem:$0x1FAA0];
	v59 =	vadd.f32 v2, v1;
	v11 =	vadd.f32 v53, v48;
	v30 =	vmul.f32 v29, v26  }
0x232: {  	[tilespmem:$0x1F940] =	vst v40;
	v48 =	vld [tilespmem:$0x1FA60];
	v9 =	vadd.f32 v12, v9;
	v38 =	vmul.f32 v43, v4;
	v8 =	vadd.f32 v10, v8  }
0x233: {  	v40 =	vmul.f32 v42, v0;
	[tilespmem:$0x1FAF0] =	vst v59;
	v59 =	vld [tilespmem:$0x1FA50];
	v14 =	vadd.f32 v30, v61;
	v53 =	vmul.f32 v47, v3  }
0x234: {  	v8 =	vadd.f32 v8, v9;
	v9 =	vadd.f32 v38, v36;
	v36 =	vld [tilespmem:$0x1FAD0]  }
0x235: {  	[tilespmem:$0x1F920] =	vst v34;
	v34 =	vadd.f32 v13, v11;
	v11 =	vadd.f32 v53, v40;
	v40 =	vld [tilespmem:$0x1FAE0]  }
0x236: {  	[tilespmem:$0x1F930] =	vst v35;
	v35 =	vadd.f32 v15, v14;
	v38 =	vld [tilespmem:$0x1FB00]  }
0x237: {  	v22 =	vld [tilespmem:$0x1FCD0];
	v28 =	vmul.f32 v44, v50;
	v31 =	vmul.f32 v32, v62  }
0x238: {  	v60 =	vmul.f32 v59, v63;
	v61 =	vmul.f32 v48, v6;
	v10 =	vadd.f32 v35, v34;
	v34 =	vld [tilespmem:$0x1FAB0]  }
0x239: {  	[tilespmem:$0x1FC80] =	vst v58;
	v5 =	vmov v0;
	v29 =	vmul.f32 v46, v51;
	v30 =	vmul.f32 v58, v63;
	v35 =	vld [tilespmem:$0x1FAC0]  }
0x23a: {  	v2 =	vmovc v26;
	v58 =	vld [tilespmem:$0x1FC90];
	v14 =	vadd.f32 v61, v60;
	v60 =	vmul.f32 v36, v16;
	v61 =	vmul.f32 v40, v26  }
0x23b: {  	v45 =	vmul.f32 v33, v7;
	v24 =	vadd.f32 v10, v8;
	v0 =	vmul.f32 v38, v56;
	v26 =	vmovc v56;
	v56 =	vld [tilespmem:$0x1FC60]  }
0x23c: {  	v8 =	vadd.f32 v29, v28;
	v15 =	vadd.f32 v61, v60;
	v60 =	vld [tilespmem:$0x1FC70]  }
0x23d: {  	[tilespmem:$0x1F8C0] =	vst v17;
	v1 =	vmul.f32 v41, v27;
	v12 =	vadd.f32 v45, v31;
	v45 =	vld [tilespmem:$0x1FCB0];
	v9 =	vadd.f32 v11, v9  }
0x23e: {  	v17 =	vmovc v57;
	v8 =	vadd.f32 v8, v14;
	v53 =	vmul.f32 v34, v57;
	v57 =	vmul.f32 v35, v54;
	v61 =	vld [tilespmem:$0x1FCA0]  }
0x23f: {  	v31 =	vmul.f32 v58, v6;
	[tilespmem:$0x1FB20] =	vst v24;
	v10 =	vadd.f32 v1, v0;
	v24 =	vmov v54;
	v54 =	vld [tilespmem:$0x1FC40]  }
0x240: {  	v8 =	vadd.f32 v8, v9;
	v13 =	vadd.f32 v57, v53;
	v57 =	vld [tilespmem:$0x1FC50]  }
0x241: {  	v9 =	vadd.f32 v31, v30;
	v30 =	vld [tilespmem:$0x1FD10];
	v28 =	vmul.f32 v56, v5;
	v29 =	vmul.f32 v60, v3  }
0x242: {  	v53 =	vmul.f32 v45, v51;
	v45 =	vld [tilespmem:$0x1FD20];
	v23 =	vadd.f32 v13, v12;
	v10 =	vadd.f32 v10, v15  }
0x243: {  	v11 =	vmul.f32 v61, v50;
	v14 =	vadd.f32 v29, v28;
	v28 =	vld [tilespmem:$0x1FD00]  }
0x244: {  	v10 =	vadd.f32 v10, v23;
	v23 =	vld [tilespmem:$0x1FCE0]  }
0x245: {  	v12 =	vmul.f32 v54, v25;
	v13 =	vmul.f32 v57, v4;
	v11 =	vadd.f32 v53, v11;
	v53 =	vld [tilespmem:$0x1FD30];
	_ =	sdelay $0x1  }
0x246: {  	v31 =	vmul.f32 v30, v2;
	v12 =	vadd.f32 v13, v12;
	v13 =	vmul.f32 v21, v62  }
0x247: {  	v21 =	vmul.f32 v22, v7;
	v29 =	vmul.f32 v28, v16  }
0x248: {  	[tilespmem:$0x1FCF0] =	vst v49;
	v22 =	vmul.f32 v49, v24;
	v49 =	vmul.f32 v45, v26  }
0x249: {  	v0 =	vmovc v24;
	v15 =	vmul.f32 v23, v17;
	v24 =	vmul.f32 v53, v27;
	v19 =	vadd.f32 v31, v29;
	v29 =	vld [tilespmem:$0x1FE80]  }
0x24a: {  	v13 =	vadd.f32 v21, v13  }
0x24b: {  	v15 =	vadd.f32 v22, v15;
	v20 =	vadd.f32 v24, v49  }
0x24c: {  	v30 =	vld [tilespmem:$0x1FED0]  }
0x24d: {  	v45 =	vld [tilespmem:$0x1FEC0];
	v22 =	vadd.f32 v15, v13;
	v23 =	vadd.f32 v20, v19  }
0x24e: {  	v12 =	vadd.f32 v14, v12;
	v28 =	vld [tilespmem:$0x1FEB0];
	v24 =	vmul.f32 v55, v4;
	v14 =	vmul.f32 v29, v25  }
0x24f: {  	v9 =	vadd.f32 v11, v9;
	v11 =	vadd.f32 v23, v22;
	v23 =	vld [tilespmem:$0x1FEE0]  }
0x250: {  	v14 =	vadd.f32 v24, v14;
	v24 =	vld [tilespmem:$0x1FEF0]  }
0x251: {  	v49 =	vmov v55;
	v55 =	vld [tilespmem:$0x1FB40]  }
0x252: {  	v9 =	vadd.f32 v9, v12;
	v53 =	vld [tilespmem:$0x1FB30]  }
0x253: {  	v31 =	vld [tilespmem:$0x1FEA0]  }
0x254: {  	v9 =	vadd.f32 v11, v9;
	v15 =	vmul.f32 v23, v62;
	v23 =	vld [tilespmem:$0x1FF20]  }
0x255: {  	v21 =	vmul.f32 v24, v7;
	v24 =	vld [tilespmem:$0x1FF30]  }
0x256: {  	v8 =	vadd.f32 v10, v8;
	v20 =	vmul.f32 v30, v51;
	[tilespmem:$0x1FB60] =	vst v9;
	v9 =	vmul.f32 v55, v50;
	_ =	sdelay $0x1  }
0x257: {  	[tilespmem:$0x1FB50] =	vst v8;
	v8 =	vmul.f32 v45, v63;
	v10 =	vmul.f32 v53, v6;
	v9 =	vadd.f32 v20, v9;
	v20 =	vld [tilespmem:$0x1FF50]  }
0x258: {  	v19 =	vmul.f32 v28, v3;
	v13 =	vmul.f32 v31, v5;
	v15 =	vadd.f32 v21, v15;
	v21 =	vld [tilespmem:$0x1FD60]  }
0x259: {  	v8 =	vadd.f32 v10, v8;
	v10 =	vmul.f32 v23, v16;
	v23 =	vmul.f32 v24, v2;
	v24 =	vld [tilespmem:$0x1FF60]  }
0x25a: {  	v22 =	vld [tilespmem:$0x1FF10]  }
0x25b: {  	v13 =	vadd.f32 v19, v13;
	v19 =	vld [tilespmem:$0x1FF00];
	_ =	sdelay $0x1  }
0x25c: {  	v20 =	vmul.f32 v20, v26  }
0x25d: {  	v12 =	vmovc v25;
	v13 =	vadd.f32 v13, v14;
	v14 =	vmul.f32 v21, v25;
	v25 =	vld [tilespmem:$0x1FD80];
	v24 =	vmul.f32 v24, v27;
	_ =	sdelay $0x1  }
0x25e: {  	v22 =	vmul.f32 v22, v0;
	v19 =	vmul.f32 v19, v17;
	v20 =	vadd.f32 v24, v20;
	v24 =	vld [tilespmem:$0x1FD70];
	_ =	sdelay $0x1  }
0x25f: {  	v19 =	vadd.f32 v22, v19;
	v22 =	vld [tilespmem:$0x1FB80]  }
0x260: {  	v10 =	vadd.f32 v23, v10;
	v21 =	vmul.f32 v25, v6;
	v25 =	vld [tilespmem:$0x1FD90];
	_ =	sdelay $0x1  }
0x261: {  	v10 =	vadd.f32 v20, v10;
	v20 =	vmul.f32 v24, v3;
	v24 =	vld [tilespmem:$0x1FBB0];
	_ =	sdelay $0x1  }
0x262: {  	v8 =	vadd.f32 v9, v8;
	v23 =	vld [tilespmem:$0x1FB90]  }
0x263: {  	v9 =	vadd.f32 v19, v15;
	v15 =	vmul.f32 v22, v4;
	v22 =	vmul.f32 v25, v51;
	v25 =	vld [tilespmem:$0x1FDA0];
	_ =	sdelay $0x1  }
0x264: {  	v9 =	vadd.f32 v10, v9;
	v10 =	vmul.f32 v24, v50;
	v24 =	vld [tilespmem:$0x1FBC0]  }
0x265: {  	v11 =	vld [tilespmem:$0x1FBA0];
	_ =	sdelay $0x1  }
0x266: {  	v19 =	vmul.f32 v23, v5;
	v23 =	vmul.f32 v25, v7;
	v25 =	vld [tilespmem:$0x1FBE0]  }
0x267: {  	v10 =	vadd.f32 v22, v10;
	v22 =	vld [tilespmem:$0x1F9C0]  }
0x268: {  	v14 =	vadd.f32 v15, v14;
	v15 =	vmul.f32 v24, v62;
	v24 =	vld [tilespmem:$0x1FBD0]  }
0x269: {  	v8 =	vadd.f32 v8, v13;
	v13 =	vmul.f32 v11, v63;
	_ =	sdelay $0x1  }
0x26a: {  	v13 =	vadd.f32 v21, v13;
	v21 =	vmul.f32 v25, v16;
	v25 =	vld [tilespmem:$0x1FDC0]  }
0x26b: {  	v1 =	vmov v26;
	v22 =	vmul.f32 v22, v26;
	v26 =	vld [tilespmem:$0x1FDD0]  }
0x26c: {  	v19 =	vadd.f32 v20, v19;
	v20 =	vmul.f32 v24, v17;
	v24 =	vld [tilespmem:$0x1FDB0];
	_ =	sdelay $0x3  }
0x26d: {  	v25 =	vmul.f32 v25, v2  }
0x26e: {  	v26 =	vmul.f32 v26, v27;
	v24 =	vmul.f32 v24, v0  }
0x26f: {  	v15 =	vadd.f32 v23, v15;
	v21 =	vadd.f32 v25, v21  }
0x270: {  	v22 =	vadd.f32 v26, v22;
	v20 =	vadd.f32 v24, v20;
	_ =	sdelay $0x1  }
0x271: {  	v26 =	vadd.f32 v22, v21;
	v25 =	vadd.f32 v20, v15;
	_ =	sdelay $0x1  }
0x272: {  	v10 =	vadd.f32 v10, v13;
	v13 =	vadd.f32 v26, v25;
	v26 =	vld [tilespmem:$0x1FF90];
	_ =	sdelay $0x2  }
0x273: {  	v14 =	vadd.f32 v19, v14;
	v19 =	vld [tilespmem:$0x1FE20]  }
0x274: {  	v20 =	vld [tilespmem:$0x1FF70]  }
0x275: {  	v25 =	vadd.f32 v9, v8;
	v8 =	vmul.f32 v26, v63;
	v26 =	vld [tilespmem:$0x1FFA0]  }
0x276: {  	v23 =	vld [tilespmem:$0x1FE10]  }
0x277: {  	v22 =	vld [tilespmem:$0x1FF80]  }
0x278: {  	v10 =	vadd.f32 v10, v14;
	v21 =	vld [tilespmem:$0x1FC10]  }
0x279: {  	v14 =	vmul.f32 v20, v12;
	v12 =	vld [tilespmem:$0x1FE50]  }
0x27a: {  	v6 =	vmul.f32 v19, v6;
	[tilespmem:$0x1FB70] =	vst v25;
	v25 =	vadd.f32 v13, v10;
	v10 =	vmul.f32 v26, v50;
	v50 =	vld [tilespmem:$0x1FE30]  }
0x27b: {  	v63 =	vld [tilespmem:$0x1FE40]  }
0x27c: {  	v15 =	vmul.f32 v22, v5;
	v8 =	vadd.f32 v6, v8;
	v6 =	vld [tilespmem:$0x1FFE0]  }
0x27d: {  	v22 =	vmul.f32 v18, v51;
	v51 =	vld [tilespmem:$0x1FFC0];
	v20 =	vmul.f32 v21, v4  }
0x27e: {  	[tilespmem:$0x1FBF0] =	vst v25;
	v25 =	vld [tilespmem:$0x1FE60]  }
0x27f: {  	v14 =	vadd.f32 v20, v14;
	v20 =	vmul.f32 v50, v62;
	v62 =	vld [tilespmem:$0x1FFD0]  }
0x280: {  	v24 =	vmul.f32 v23, v3;
	v13 =	vmul.f32 v12, v2;
	v50 =	vld [tilespmem:$0x1FE70]  }
0x281: {  	v2 =	vld [tilespmem:$0x1F8E0];
	v23 =	vmul.f32 v63, v7;
	v7 =	vmul.f32 v6, v16  }
0x282: {  	v15 =	vadd.f32 v24, v15;
	v6 =	vld [tilespmem:$0x1F8F0]  }
0x283: {  	v9 =	vadd.f32 v13, v7;
	v13 =	vld [tilespmem:$0x1F950]  }
0x284: {  	v21 =	vmul.f32 v51, v17;
	v14 =	vadd.f32 v15, v14;
	v5 =	vmul.f32 v62, v0;
	v0 =	vld [tilespmem:$0x1F8D0]  }
0x285: {  	v26 =	vmul.f32 v25, v1;
	v10 =	vadd.f32 v22, v10;
	v51 =	vmul.f32 v50, v27;
	v50 =	vld [tilespmem:$0x1F920]  }
0x286: {  	v20 =	vadd.f32 v23, v20;
	v21 =	vadd.f32 v5, v21;
	v5 =	vld [tilespmem:$0x1F900]  }
0x287: {  	v27 =	vmul.f32 v42, v52;
	v42 =	vmul.f32 v47, v2;
	v16 =	vadd.f32 v51, v26;
	v51 =	vld [tilespmem:$0x1F910]  }
0x288: {  	v8 =	vadd.f32 v10, v8;
	v26 =	vld [tilespmem:$0x1F8C0];
	v62 =	vadd.f32 v21, v20  }
0x289: {  	v47 =	vmul.f32 v48, v6;
	v9 =	vadd.f32 v16, v9;
	v16 =	vadd.f32 v42, v27;
	v42 =	vld [tilespmem:$0x1F960]  }
0x28a: {  	v25 =	vmul.f32 v43, v0;
	v43 =	vmul.f32 v59, v37;
	v59 =	vld [tilespmem:$0x1F930]  }
0x28b: {  	v8 =	vadd.f32 v8, v14;
	v9 =	vadd.f32 v9, v62;
	v62 =	vld [tilespmem:$0x1F940]  }
0x28c: {  	v1 =	vmul.f32 v44, v5;
	v3 =	vmul.f32 v46, v51;
	v14 =	vadd.f32 v47, v43;
	v43 =	vld [tilespmem:$0x1F970]  }
0x28d: {  	v44 =	vld [tilespmem:$0x1F990]  }
0x28e: {  	v10 =	vadd.f32 v3, v1;
	v3 =	vld [tilespmem:$0x1F980]  }
0x28f: {  	v7 =	vmul.f32 v35, v13  }
0x290: {  	v24 =	vmul.f32 v39, v26;
	v39 =	vmul.f32 v32, v50  }
0x291: {  	v12 =	vmul.f32 v36, v42;
	v48 =	vmul.f32 v33, v59  }
0x292: {  	v4 =	vmov v52;
	v52 =	vmul.f32 v34, v62;
	v32 =	vmul.f32 v40, v43  }
0x293: {  	v15 =	vadd.f32 v25, v24;
	v34 =	vmul.f32 v41, v44;
	v33 =	vmul.f32 v38, v3  }
0x294: {  	[tilespmem:$0x1FFB0] =	vst v18;
	v17 =	vadd.f32 v48, v39;
	v18 =	vadd.f32 v7, v52  }
0x295: {  	v20 =	vadd.f32 v32, v12;
	v21 =	vadd.f32 v34, v33  }
0x296: {  	v15 =	vadd.f32 v16, v15;
	v10 =	vadd.f32 v10, v14  }
0x297: {  	v35 =	vadd.f32 v18, v17;
	v36 =	vadd.f32 v21, v20;
	_ =	sdelay $0x1  }
0x298: {  	v15 =	vadd.f32 v10, v15;
	v14 =	vadd.f32 v36, v35  }
0x299: {  	[tilespmem:$0x1FB10] =	vst v41;
	v47 =	vmul.f32 v58, v6;
	v41 =	vmul.f32 v57, v0  }
0x29a: {  	v46 =	vmovc v57;
	v57 =	vld [tilespmem:$0x1FC80];
	v38 =	vmul.f32 v54, v26;
	v48 =	vmovc v54;
	v54 =	vmov v58;
	v58 =	vadd.f32 v14, v15  }
0x29b: {  	v25 =	vmul.f32 v56, v4;
	v1 =	vmovc v56;
	v56 =	vmov v61;
	v14 =	vmul.f32 v61, v5;
	v61 =	vld [tilespmem:$0x1FCB0]  }
0x29c: {  	[tilespmem:$0x1FC20] =	vst v58;
	v58 =	vld [tilespmem:$0x1FCC0]  }
0x29d: {  	v17 =	vadd.f32 v41, v38;
	v41 =	vld [tilespmem:$0x1FCE0]  }
0x29e: {  	v32 =	vmov v6;
	v6 =	vld [tilespmem:$0x1FD10]  }
0x29f: {  	v27 =	vmul.f32 v60, v2;
	v33 =	vmov v5;
	v5 =	vld [tilespmem:$0x1FCD0]  }
0x2a0: {  	v52 =	vmovc v26;
	v26 =	vmovc v4;
	v4 =	vmov v60;
	v34 =	vmov v51;
	v60 =	vmul.f32 v61, v51;
	v51 =	vld [tilespmem:$0x1FD00]  }
0x2a1: {  	v39 =	vadd.f32 v9, v8;
	v8 =	vmov v50;
	v18 =	vmul.f32 v58, v50;
	v50 =	vld [tilespmem:$0x1FCF0];
	_ =	sdelay $0x1  }
0x2a2: {  	v40 =	vmul.f32 v57, v37  }
0x2a3: {  	[tilespmem:$0x1FC00] =	vst v39;
	v39 =	vmul.f32 v29, v52;
	v20 =	vmul.f32 v41, v62  }
0x2a4: {  	v9 =	vadd.f32 v47, v40;
	v36 =	vmovc v59;
	v22 =	vmul.f32 v5, v59;
	v59 =	vmul.f32 v6, v43  }
0x2a5: {  	v10 =	vld [tilespmem:$0x1FD30];
	v29 =	vmovc v49;
	v14 =	vadd.f32 v60, v14;
	v47 =	vmul.f32 v51, v42;
	v23 =	vmul.f32 v50, v13  }
0x2a6: {  	v38 =	vmovc v42;
	v60 =	vld [tilespmem:$0x1FD20];
	v18 =	vadd.f32 v22, v18;
	v42 =	vmul.f32 v49, v0;
	v49 =	vmul.f32 v28, v2  }
0x2a7: {  	v21 =	vadd.f32 v59, v47;
	v47 =	vmul.f32 v31, v26;
	v20 =	vadd.f32 v23, v20  }
0x2a8: {  	v16 =	vadd.f32 v27, v25  }
0x2a9: {  	v25 =	vadd.f32 v20, v18;
	v20 =	vadd.f32 v49, v47;
	v47 =	vld [tilespmem:$0x1FF30]  }
0x2aa: {  	v12 =	vmul.f32 v10, v44  }
0x2ab: {  	v16 =	vadd.f32 v16, v17;
	v41 =	vmovc v3;
	v7 =	vmul.f32 v60, v3;
	v17 =	vadd.f32 v42, v39;
	v39 =	vld [tilespmem:$0x1FF10]  }
0x2ac: {  	v9 =	vadd.f32 v14, v9;
	v3 =	vmovc v0;
	v60 =	vmul.f32 v45, v37;
	v0 =	vmul.f32 v53, v32;
	v42 =	vld [tilespmem:$0x1FF20]  }
0x2ad: {  	v53 =	vld [tilespmem:$0x1FF60];
	v15 =	vadd.f32 v12, v7  }
0x2ae: {  	v40 =	vmovc v43;
	v9 =	vadd.f32 v9, v16;
	v16 =	vadd.f32 v0, v60;
	v0 =	vmul.f32 v47, v43;
	v43 =	vld [tilespmem:$0x1FF50]  }
0x2af: {  	v59 =	vld [tilespmem:$0x1FEE0];
	v15 =	vadd.f32 v15, v21  }
0x2b0: {  	v12 =	vld [tilespmem:$0x1FF00]  }
0x2b1: {  	v10 =	vmul.f32 v30, v34;
	v14 =	vadd.f32 v15, v25;
	v15 =	vmul.f32 v55, v33;
	v55 =	vld [tilespmem:$0x1FEF0]  }
0x2b2: {  	v49 =	vmul.f32 v39, v13;
	v60 =	vmul.f32 v42, v38  }
0x2b3: {  	v30 =	vmovc v13;
	v13 =	vmul.f32 v53, v44;
	v15 =	vadd.f32 v10, v15;
	v10 =	vmul.f32 v43, v41;
	_ =	sdelay $0x1  }
0x2b4: {  	v27 =	vld [tilespmem:$0x1FB80];
	v18 =	vmul.f32 v59, v8;
	v22 =	vadd.f32 v0, v60;
	v23 =	vadd.f32 v13, v10  }
0x2b5: {  	v7 =	vmov v26;
	v26 =	vld [tilespmem:$0x1FD60];
	v21 =	vmul.f32 v12, v62;
	v24 =	vmul.f32 v55, v36  }
0x2b6: {  	v17 =	vadd.f32 v20, v17;
	v25 =	vadd.f32 v23, v22;
	v23 =	vld [tilespmem:$0x1FD80]  }
0x2b7: {  	v21 =	vadd.f32 v49, v21;
	v18 =	vadd.f32 v24, v18  }
0x2b8: {  	v28 =	vld [tilespmem:$0x1FB90];
	v49 =	vadd.f32 v14, v9;
	v15 =	vadd.f32 v15, v16  }
0x2b9: {  	v31 =	vld [tilespmem:$0x1FD70];
	v24 =	vadd.f32 v21, v18  }
0x2ba: {  	v20 =	vmul.f32 v27, v3;
	[tilespmem:$0x1FC30] =	vst v49;
	v60 =	vmul.f32 v11, v37;
	v49 =	vld [tilespmem:$0x1FBC0];
	v15 =	vadd.f32 v15, v17  }
0x2bb: {  	v0 =	vld [tilespmem:$0x1FDB0];
	v17 =	vmul.f32 v26, v52;
	v16 =	vadd.f32 v25, v24;
	v24 =	vmul.f32 v23, v32  }
0x2bc: {  	v26 =	vld [tilespmem:$0x1FBB0]  }
0x2bd: {  	v17 =	vadd.f32 v20, v17;
	v20 =	vadd.f32 v24, v60;
	v60 =	vld [tilespmem:$0x1FBD0]  }
0x2be: {  	v45 =	vmul.f32 v31, v2;
	v18 =	vmul.f32 v28, v7;
	v28 =	vld [tilespmem:$0x1FD90]  }
0x2bf: {  	v10 =	vld [tilespmem:$0x1FDC0]  }
0x2c0: {  	v18 =	vadd.f32 v45, v18;
	v45 =	vld [tilespmem:$0x1F9A0]  }
0x2c1: {  	v25 =	vadd.f32 v16, v15;
	v16 =	vmul.f32 v49, v8;
	v49 =	vld [tilespmem:$0x1F9C0]  }
0x2c2: {  	v35 =	vmov v62;
	v22 =	vmul.f32 v60, v62;
	v62 =	vld [tilespmem:$0x1FDD0]  }
0x2c3: {  	v11 =	vld [tilespmem:$0x1FBE0]  }
0x2c4: {  	v13 =	vld [tilespmem:$0x1FDA0]  }
0x2c5: {  	v27 =	vmul.f32 v26, v33;
	vm0 =	vlt.f32 v45, $-Inf;
	vm1 =	vgt.f32 v45, $-Inf  }
0x2c6: {  	v9 =	vld [tilespmem:$0x1FC10];
	v31 =	vmul.f32 v28, v34;
	v26 =	vmul.f32 v10, v40;
	vm14 =	vmor vm1, vm0  }
0x2c7: {  	v28 =	vld [tilespmem:$0x1FF80];
	v24 =	vnsel vm14, $0xFF800000, v45;
	v45 =	vmul.f32 v49, v41;
	v60 =	vmul.f32 v62, v44  }
0x2c8: {  	v14 =	vld [tilespmem:$0x1F9B0];
	v23 =	vmul.f32 v0, v30;
	[tilespmem:$0x1FD40] =	vst v25;
	v25 =	vmul.f32 v11, v38  }
0x2c9: {  	v21 =	vmul.f32 v13, v36;
	v15 =	vadd.f32 v31, v27;
	v31 =	vadd.f32 v60, v45;
	v60 =	vld [tilespmem:$0x1FF70]  }
0x2ca: {  	v27 =	vmul.f32 v63, v36;
	v36 =	vld [tilespmem:$0x1FFD0];
	v0 =	vadd.f32 v23, v22;
	v22 =	vadd.f32 v26, v25  }
0x2cb: {  	v16 =	vadd.f32 v21, v16;
	v11 =	vmul.f32 v9, v3;
	v9 =	vld [tilespmem:$0x1FFA0]  }
0x2cc: {  	v21 =	vadd.f32 v31, v22;
	v31 =	vmul.f32 v28, v7;
	v7 =	vmul.f32 v19, v32;
	v32 =	vld [tilespmem:$0x1FFB0]  }
0x2cd: {  	v17 =	vadd.f32 v18, v17;
	v3 =	vld [tilespmem:$0x1FAB0];
	vm6 =	vgt.f32 v14, v24  }
0x2ce: {  	v15 =	vadd.f32 v15, v20;
	v16 =	vadd.f32 v0, v16;
	v18 =	vmul.f32 v60, v52;
	v52 =	vld [tilespmem:$0x1FF90]  }
0x2cf: {  	v24 =	vsel vm6, v14, v24;
	v14 =	vld [tilespmem:$0x1FE10]  }
0x2d0: {  	v15 =	vadd.f32 v15, v17;
	v45 =	vld [tilespmem:$0x1F9D0];
	v16 =	vadd.f32 v21, v16  }
0x2d1: {  	v18 =	vadd.f32 v11, v18;
	v11 =	vmul.f32 v9, v33;
	v33 =	vmul.f32 v32, v34;
	v34 =	vld [tilespmem:$0x1FFC0]  }
0x2d2: {  	v9 =	vadd.f32 v16, v15;
	v16 =	vld [tilespmem:$0x1FE80]  }
0x2d3: {  	v60 =	vmul.f32 v52, v37;
	v52 =	vld [tilespmem:$0x1FE30]  }
0x2d4: {  	v37 =	vld [tilespmem:$0x1FFE0]  }
0x2d5: {  	v17 =	vadd.f32 v7, v60;
	v60 =	vld [tilespmem:$0x1FE50]  }
0x2d6: {  	vm7 =	vgt.f32 v45, v24;
	v25 =	vmul.f32 v34, v35;
	v35 =	vld [tilespmem:$0x1FE70]  }
0x2d7: {  	v24 =	vsel vm7, v45, v24;
	v45 =	vmul.f32 v14, v2;
	v20 =	vadd.f32 v33, v11;
	v33 =	vld [tilespmem:$0x1FA10]  }
0x2d8: {  	v23 =	vmul.f32 v52, v8;
	v8 =	vld [tilespmem:$0x1FE60]  }
0x2d9: {  	v22 =	vadd.f32 v45, v31;
	v45 =	vmul.f32 v37, v38;
	v37 =	vld [tilespmem:$0x1F9E0]  }
0x2da: {  	v63 =	vmul.f32 v60, v40;
	v40 =	vld [tilespmem:$0x1F9F0]  }
0x2db: {  	v28 =	vmul.f32 v36, v30;
	v36 =	vmul.f32 v35, v44;
	v35 =	vld [tilespmem:$0x1FA20]  }
0x2dc: {  	[tilespmem:$0x1FD50] =	vst v9;
	v9 =	vld [tilespmem:$0x1FAF0]  }
0x2dd: {  	v34 =	vld [tilespmem:$0x1FA30];
	v19 =	vmul.f32 v8, v41  }
0x2de: {  	v26 =	vadd.f32 v63, v45;
	v45 =	vld [tilespmem:$0x1FA00];
	vm13 =	vgt.f32 v37, v24  }
0x2df: {  	v25 =	vadd.f32 v28, v25;
	v24 =	vsel vm13, v37, v24;
	v38 =	vadd.f32 v36, v19;
	v36 =	vld [tilespmem:$0x1FA40]  }
0x2e0: {  	v23 =	vadd.f32 v27, v23;
	vm8 =	vgt.f32 v40, v24;
	v7 =	vmul.f32 v46, v35;
	v46 =	vld [tilespmem:$0x1FAA0]  }
0x2e1: {  	v63 =	vmul.f32 v48, v33;
	v24 =	vsel vm8, v40, v24;
	v40 =	vld [tilespmem:$0x1FA60]  }
0x2e2: {  	v41 =	vadd.f32 v25, v23;
	v44 =	vadd.f32 v38, v26;
	v38 =	vld [tilespmem:$0x1FA50]  }
0x2e3: {  	v17 =	vadd.f32 v20, v17;
	v20 =	vadd.f32 v7, v63;
	v7 =	vld [tilespmem:$0x1FAE0]  }
0x2e4: {  	v60 =	vadd.f32 v44, v41;
	v41 =	vld [tilespmem:$0x1FA70]  }
0x2e5: {  	vm9 =	vgt.f32 v45, v24;
	v44 =	vld [tilespmem:$0x1FA80]  }
0x2e6: {  	v23 =	vsel vm9, v45, v24;
	v45 =	vld [tilespmem:$0x1FA90]  }
0x2e7: {  	v28 =	vmul.f32 v4, v36;
	v4 =	vld [tilespmem:$0x1FAC0]  }
0x2e8: {  	v11 =	vmul.f32 v1, v34;
	v31 =	vmul.f32 v57, v38;
	v57 =	vld [tilespmem:$0x1FCE0]  }
0x2e9: {  	v18 =	vadd.f32 v22, v18;
	v63 =	vmul.f32 v6, v7;
	v6 =	vld [tilespmem:$0x1FB00]  }
0x2ea: {  	v22 =	vadd.f32 v28, v11;
	v11 =	vld [tilespmem:$0x1FD20];
	v37 =	vmul.f32 v56, v41;
	v48 =	vmul.f32 v61, v44  }
0x2eb: {  	v56 =	vmul.f32 v5, v46;
	v5 =	vld [tilespmem:$0x1FAD0]  }
0x2ec: {  	v21 =	vadd.f32 v48, v37;
	v48 =	vld [tilespmem:$0x1FB10]  }
0x2ed: {  	v17 =	vadd.f32 v17, v18;
	vm5 =	vgt.f32 v9, v23;
	v37 =	vld [tilespmem:$0x1FD30]  }
0x2ee: {  	v2 =	vsel vm5, v9, v23;
	v9 =	vld [tilespmem:$0x1FEB0];
	v32 =	vmul.f32 v54, v40;
	v54 =	vmul.f32 v58, v45  }
0x2ef: {  	v30 =	vadd.f32 v60, v17;
	v24 =	vmul.f32 v59, v45;
	v59 =	vld [tilespmem:$0x1FB60];
	v60 =	vmul.f32 v50, v4  }
0x2f0: {  	v17 =	vadd.f32 v32, v31;
	v58 =	vmul.f32 v57, v3;
	v57 =	vld [tilespmem:$0x1FB20];
	v61 =	vmul.f32 v51, v5  }
0x2f1: {  	[tilespmem:$0x1FE90] =	vst v29;
	v15 =	vmul.f32 v11, v6;
	v51 =	vadd.f32 v56, v54;
	v19 =	vmul.f32 v42, v5;
	v42 =	vld [tilespmem:$0x1FB50]  }
0x2f2: {  	v0 =	vmovc v29;
	v50 =	vmul.f32 v37, v48;
	v54 =	vadd.f32 v63, v61;
	v61 =	vmul.f32 v29, v35;
	v29 =	vld [tilespmem:$0x1FEA0]  }
0x2f3: {  	v37 =	vld [tilespmem:$0x1FEC0]  }
0x2f4: {  	v28 =	vmul.f32 v9, v36;
	v17 =	vadd.f32 v21, v17;
	v56 =	vadd.f32 v50, v15;
	v50 =	vld [tilespmem:$0x1FB30]  }
0x2f5: {  	v18 =	vadd.f32 v60, v58;
	v60 =	vmul.f32 v16, v33;
	vm4 =	vgt.f32 v57, v2;
	v15 =	vld [tilespmem:$0x1FED0]  }
0x2f6: {  	v58 =	vadd.f32 v22, v20;
	v1 =	vsel vm4, v57, v2;
	v22 =	vadd.f32 v56, v54;
	v54 =	vld [tilespmem:$0x1FB40]  }
0x2f7: {  	v18 =	vadd.f32 v18, v51;
	v20 =	vadd.f32 v61, v60;
	vm12 =	vgt.f32 v42, v1  }
0x2f8: {  	v60 =	vmul.f32 v55, v46;
	v1 =	vsel vm12, v42, v1;
	v63 =	vmul.f32 v29, v34  }
0x2f9: {  	[tilespmem:$0x1FDE0] =	vst v30;
	v61 =	vmul.f32 v12, v3;
	v30 =	vmul.f32 v37, v38;
	vm11 =	vgt.f32 v59, v1  }
0x2fa: {  	v31 =	vmul.f32 v50, v40;
	v23 =	vadd.f32 v28, v63;
	v63 =	vmul.f32 v39, v4;
	v28 =	vld [tilespmem:$0x1FD70]  }
0x2fb: {  	v25 =	vld [tilespmem:$0x1FD60];
	v1 =	vsel vm11, v59, v1;
	v51 =	vmul.f32 v15, v44;
	v32 =	vmul.f32 v54, v41  }
0x2fc: {  	v56 =	vmovc v39;
	v59 =	vld [tilespmem:$0x1FDB0];
	v39 =	vmul.f32 v47, v7;
	v47 =	vmul.f32 v43, v6;
	v55 =	vadd.f32 v63, v61  }
0x2fd: {  	v61 =	vadd.f32 v23, v20;
	v23 =	vld [tilespmem:$0x1FB70];
	v21 =	vadd.f32 v51, v32;
	v51 =	vmul.f32 v53, v48  }
0x2fe: {  	v2 =	vadd.f32 v17, v58;
	v57 =	vadd.f32 v39, v19;
	v39 =	vld [tilespmem:$0x1FD80]  }
0x2ff: {  	v17 =	vadd.f32 v31, v30;
	v30 =	vmul.f32 v28, v36;
	v28 =	vld [tilespmem:$0x1FE20];
	v58 =	vadd.f32 v51, v47  }
0x300: {  	v47 =	vld [tilespmem:$0x1FD90]  }
0x301: {  	v17 =	vadd.f32 v21, v17;
	v63 =	vadd.f32 v58, v57;
	v58 =	vld [tilespmem:$0x1FB90]  }
0x302: {  	v53 =	vadd.f32 v60, v24;
	v60 =	vimm.s32 $0x0;
	v24 =	vadd.f32 v22, v18;
	v57 =	vld [tilespmem:$0x1FBA0]  }
0x303: {  	v19 =	vsel vm11, $0xFFFFFFFF, v60;
	vm3 =	vgt.f32 v23, v1;
	v11 =	vadd.f32 v17, v61;
	v61 =	vld [tilespmem:$0x1FBD0]  }
0x304: {  	[tilespmem:$0x1FFF0] =	vst v19;
	v12 =	vadd.f32 v55, v53;
	v19 =	vsel vm3, v23, v1;
	v1 =	vadd.f32 v24, v2;
	v2 =	vld [tilespmem:$0x1FBB0]  }
0x305: {  	v60 =	vmul.f32 v59, v4;
	v51 =	vld [tilespmem:$0x1FB80]  }
0x306: {  	v42 =	vmul.f32 v39, v40;
	v17 =	vmul.f32 v25, v33;
	v25 =	vld [tilespmem:$0x1FC00];
	v12 =	vadd.f32 v63, v12  }
0x307: {  	v53 =	vmul.f32 v47, v44;
	v47 =	vld [tilespmem:$0x1FBE0];
	v32 =	vmul.f32 v57, v38  }
0x308: {  	[tilespmem:$0x1FDF0] =	vst v1;
	v1 =	vld [tilespmem:$0x1FBC0];
	v31 =	vadd.f32 v12, v11;
	v27 =	vmul.f32 v58, v34;
	v12 =	vmul.f32 v61, v3  }
0x309: {  	v39 =	vmul.f32 v10, v7;
	v43 =	vmul.f32 v2, v41;
	v11 =	vadd.f32 v42, v32;
	v42 =	vld [tilespmem:$0x1FBF0]  }
0x30a: {  	v26 =	vmul.f32 v51, v35;
	v20 =	vadd.f32 v30, v27;
	v12 =	vadd.f32 v60, v12;
	v60 =	vld [tilespmem:$0x1FC10]  }
0x30b: {  	v18 =	vadd.f32 v53, v43;
	v43 =	vmul.f32 v49, v6;
	v30 =	vmul.f32 v28, v40;
	v40 =	vld [tilespmem:$0x1FC30]  }
0x30c: {  	v63 =	vmul.f32 v47, v5;
	v32 =	vmov v49;
	v49 =	vmul.f32 v62, v48;
	v62 =	vld [tilespmem:$0x1FF70]  }
0x30d: {  	v28 =	vld [tilespmem:$0x1FC60]  }
0x30e: {  	v17 =	vadd.f32 v26, v17;
	v59 =	vadd.f32 v39, v63;
	v63 =	vld [tilespmem:$0x1FF90]  }
0x30f: {  	v24 =	vadd.f32 v49, v43;
	v43 =	vld [tilespmem:$0x1FFB0];
	vm0 =	vgt.f32 v42, v19  }
0x310: {  	v26 =	vadd.f32 v20, v17;
	v11 =	vadd.f32 v18, v11;
	v53 =	vsel vm0, v42, v19;
	v42 =	vld [tilespmem:$0x1FFA0]  }
0x311: {  	v55 =	vmul.f32 v13, v46;
	v27 =	vmul.f32 v62, v33;
	v33 =	vld [tilespmem:$0x1FF80]  }
0x312: {  	v21 =	vmul.f32 v1, v45;
	v11 =	vadd.f32 v11, v26;
	v26 =	vld [tilespmem:$0x1FF60];
	v39 =	vmul.f32 v60, v35  }
0x313: {  	v35 =	vmul.f32 v52, v45;
	v45 =	vld [tilespmem:$0x1FFC0];
	v49 =	vadd.f32 v24, v59;
	v59 =	vmul.f32 v63, v38  }
0x314: {  	v55 =	vadd.f32 v55, v21;
	v17 =	vadd.f32 v39, v27;
	v39 =	vld [tilespmem:$0x1FFD0]  }
0x315: {  	[tilespmem:$0x1FE00] =	vst v31;
	vm2 =	vgt.f32 v25, v53;
	v13 =	vadd.f32 v30, v59;
	v30 =	vld [tilespmem:$0x1FE70];
	v31 =	vmul.f32 v42, v41  }
0x316: {  	v10 =	vsel vm2, v25, v53;
	v41 =	vld [tilespmem:$0x1FE40];
	v53 =	vmul.f32 v33, v34;
	v34 =	vmul.f32 v43, v44  }
0x317: {  	v59 =	vld [tilespmem:$0x1FFE0]  }
0x318: {  	v12 =	vadd.f32 v12, v55;
	v55 =	vmul.f32 v14, v36;
	v19 =	vadd.f32 v34, v31;
	v34 =	vld [tilespmem:$0x1FC20]  }
0x319: {  	v14 =	vmul.f32 v8, v6;
	v27 =	vld [tilespmem:$0x1FC40]  }
0x31a: {  	v12 =	vadd.f32 v49, v12;
	v20 =	vadd.f32 v55, v53;
	v49 =	vmul.f32 v39, v4;
	v53 =	vld [tilespmem:$0x1FE50]  }
0x31b: {  	v31 =	vmul.f32 v30, v48;
	v30 =	vld [tilespmem:$0x1FC50];
	v44 =	vmul.f32 v41, v46  }
0x31c: {  	v52 =	vmul.f32 v59, v5;
	v5 =	vld [tilespmem:$0x1FEE0];
	v46 =	vmul.f32 v45, v3;
	v17 =	vadd.f32 v20, v17  }
0x31d: {  	v38 =	vadd.f32 v31, v14;
	v31 =	vld [tilespmem:$0x1FC70];
	v18 =	vadd.f32 v44, v35;
	vm10 =	vgt.f32 v34, v10  }
0x31e: {  	v21 =	vadd.f32 v49, v46;
	v46 =	vmul.f32 v29, v28;
	v29 =	vld [tilespmem:$0x1FF00];
	v35 =	vsel vm10, v34, v10  }
0x31f: {  	v13 =	vadd.f32 v19, v13;
	v44 =	vmul.f32 v16, v27;
	v34 =	vld [tilespmem:$0x1FC80];
	vm11 =	vgt.f32 v40, v35  }
0x320: {  	v55 =	vmul.f32 v53, v7;
	v45 =	vmul.f32 v0, v30;
	v8 =	vsel vm11, v40, v35;
	v35 =	vld [tilespmem:$0x1FC90]  }
0x321: {  	v13 =	vadd.f32 v13, v17;
	v40 =	vld [tilespmem:$0x1FCB0]  }
0x322: {  	v36 =	vadd.f32 v55, v52;
	v17 =	vadd.f32 v45, v44;
	v44 =	vld [tilespmem:$0x1FCE0]  }
0x323: {  	v45 =	vld [tilespmem:$0x1FCF0]  }
0x324: {  	v48 =	vmul.f32 v9, v31;
	v10 =	vadd.f32 v38, v36;
	v38 =	vld [tilespmem:$0x1FCA0]  }
0x325: {  	v41 =	vadd.f32 v21, v18;
	v36 =	vld [tilespmem:$0x1FCC0]  }
0x326: {  	v14 =	vadd.f32 v48, v46;
	v48 =	vld [tilespmem:$0x1FD00]  }
0x327: {  	v46 =	vld [tilespmem:$0x1FD20];
	v10 =	vadd.f32 v10, v41  }
0x328: {  	v53 =	vmov v50;
	v49 =	vmul.f32 v37, v34;
	v4 =	vmul.f32 v50, v35;
	v50 =	vld [tilespmem:$0x1FD30]  }
0x329: {  	v55 =	vmov v54;
	v9 =	vadd.f32 v10, v13;
	v13 =	vmul.f32 v54, v38;
	v54 =	vld [tilespmem:$0x1FF20]  }
0x32a: {  	v11 =	vadd.f32 v12, v11;
	v10 =	vmul.f32 v15, v40;
	v12 =	vadd.f32 v4, v49;
	v49 =	vld [tilespmem:$0x1FD10]  }
0x32b: {  	v4 =	vld [tilespmem:$0x1FF30]  }
0x32c: {  	v13 =	vadd.f32 v10, v13;
	v10 =	vld [tilespmem:$0x1FF50]  }
0x32d: {  	v7 =	vld [tilespmem:$0x1FEF0]  }
0x32e: {  	v41 =	vld [tilespmem:$0x1FCD0];
	v37 =	vmul.f32 v29, v44;
	v52 =	vmul.f32 v56, v45  }
0x32f: {  	v6 =	vmul.f32 v5, v36  }
0x330: {  	v19 =	vadd.f32 v52, v37;
	v37 =	vld [tilespmem:$0x1FD40];
	v56 =	vmul.f32 v54, v48;
	v5 =	vmul.f32 v4, v49  }
0x331: {  	v29 =	vmul.f32 v26, v50;
	v15 =	vmul.f32 v10, v46  }
0x332: {  	v52 =	vadd.f32 v5, v56;
	v56 =	vld [tilespmem:$0x1FD50]  }
0x333: {  	[tilespmem:$0x1FF40] =	vst v9;
	v9 =	vmul.f32 v7, v41;
	v54 =	vadd.f32 v29, v15;
	_ =	sdelay $0x1  }
0x334: {  	v18 =	vadd.f32 v9, v6;
	vm15 =	vgt.f32 v37, v8;
	v9 =	vadd.f32 v54, v52;
	v52 =	vld [tilespmem:$0x1FD70]  }
0x335: {  	v3 =	vimm.s32 $0x0;
	v8 =	vsel vm15, v37, v8  }
0x336: {  	v14 =	vadd.f32 v14, v17;
	v17 =	vsel vm14, $0x1, v3;
	v54 =	vld [tilespmem:$0x1FD80];
	vm14 =	vgt.f32 v56, v8  }
0x337: {  	v8 =	vsel vm14, v56, v8;
	v56 =	vld [tilespmem:$0x1FD60];
	_ =	sdelay $0x1  }
0x338: {  	v12 =	vadd.f32 v13, v12;
	v5 =	vmul.f32 v58, v28;
	v6 =	vmul.f32 v52, v31;
	_ =	sdelay $0x1  }
0x339: {  	v12 =	vadd.f32 v12, v14;
	v10 =	vmul.f32 v54, v35;
	v14 =	vadd.f32 v6, v5;
	v6 =	vld [tilespmem:$0x1FDC0]  }
0x33a: {  	v7 =	vmul.f32 v57, v34;
	v3 =	vmul.f32 v56, v27  }
0x33b: {  	v5 =	vld [tilespmem:$0x1FDA0]  }
0x33c: {  	v13 =	vadd.f32 v19, v18;
	v4 =	vmul.f32 v51, v30;
	v18 =	vadd.f32 v10, v7;
	v7 =	vld [tilespmem:$0x1FDB0]  }
0x33d: {  	v0 =	vld [tilespmem:$0x1FD90];
	v24 =	vmul.f32 v2, v38;
	v10 =	vmov v47  }
0x33e: {  	v16 =	vadd.f32 v4, v3;
	v3 =	vmovc v2;
	v2 =	vmul.f32 v47, v48;
	v15 =	vmul.f32 v6, v49;
	v47 =	vld [tilespmem:$0x1FDD0];
	_ =	sdelay $0x1  }
0x33f: {  	v26 =	vmul.f32 v1, v36;
	v29 =	vmul.f32 v5, v41;
	v22 =	vadd.f32 v15, v2;
	v15 =	vld [tilespmem:$0x1FDE0]  }
0x340: {  	v37 =	vmul.f32 v61, v44;
	v4 =	vmov v1;
	v1 =	vmul.f32 v7, v45  }
0x341: {  	v25 =	vmul.f32 v0, v40;
	v17 =	vsel vm6, $0x2, v17;
	v20 =	vadd.f32 v29, v26;
	v26 =	vld [tilespmem:$0x1FDF0]  }
0x342: {  	v21 =	vadd.f32 v1, v37;
	v29 =	vmul.f32 v32, v46;
	v37 =	vmul.f32 v47, v50  }
0x343: {  	v17 =	vsel vm7, $0x3, v17  }
0x344: {  	v19 =	vadd.f32 v25, v24;
	vm1 =	vgt.f32 v15, v8;
	v24 =	vadd.f32 v37, v29  }
0x345: {  	v37 =	vadd.f32 v21, v20;
	v21 =	vmul.f32 v33, v28;
	v33 =	vld [tilespmem:$0x1FE10];
	v8 =	vsel vm1, v15, v8  }
0x346: {  	v9 =	vadd.f32 v9, v13;
	v13 =	vsel vm13, $0x4, v17;
	v17 =	vld [tilespmem:$0x1FE00];
	vm6 =	vgt.f32 v26, v8  }
0x347: {  	v15 =	vadd.f32 v24, v22;
	v29 =	vsel vm6, v26, v8;
	v26 =	vld [tilespmem:$0x1FE20]  }
0x348: {  	v28 =	vmul.f32 v43, v40;
	v43 =	vld [tilespmem:$0x1FE40]  }
0x349: {  	v23 =	vmul.f32 v63, v34;
	v8 =	vadd.f32 v15, v37;
	v37 =	vld [tilespmem:$0x1FE30]  }
0x34a: {  	v25 =	vadd.f32 v19, v18;
	v14 =	vadd.f32 v14, v16;
	v22 =	vmul.f32 v33, v31;
	v31 =	vld [tilespmem:$0x1FFC0]  }
0x34b: {  	v19 =	vmul.f32 v62, v27;
	v27 =	vmul.f32 v42, v38  }
0x34c: {  	v34 =	vmul.f32 v39, v45;
	v39 =	vld [tilespmem:$0x1FE60];
	v18 =	vadd.f32 v25, v14;
	v25 =	vmul.f32 v26, v35  }
0x34d: {  	v20 =	vmul.f32 v60, v30;
	v15 =	vadd.f32 v28, v27;
	v28 =	vld [tilespmem:$0x1FE90]  }
0x34e: {  	vm7 =	vgt.f32 v17, v29;
	v30 =	vmul.f32 v43, v41;
	v14 =	vadd.f32 v25, v23;
	v25 =	vld [tilespmem:$0x1FE80]  }
0x34f: {  	v1 =	vsel vm7, v17, v29;
	v29 =	vmul.f32 v37, v36;
	v17 =	vmul.f32 v31, v44;
	v31 =	vld [tilespmem:$0x1FEC0]  }
0x350: {  	v27 =	vld [tilespmem:$0x1FEA0]  }
0x351: {  	v9 =	vadd.f32 v9, v12;
	v16 =	vadd.f32 v30, v29;
	v29 =	vld [tilespmem:$0x1FE50]  }
0x352: {  	v12 =	vadd.f32 v20, v19;
	v2 =	vadd.f32 v8, v18;
	v35 =	vmul.f32 v59, v48;
	v30 =	vld [tilespmem:$0x1FEB0]  }
0x353: {  	v42 =	vld [tilespmem:$0x1FE70];
	v8 =	vadd.f32 v22, v21;
	v36 =	vmul.f32 v51, v28;
	v63 =	vmul.f32 v56, v25  }
0x354: {  	v44 =	vmul.f32 v54, v53;
	v17 =	vadd.f32 v34, v17;
	v34 =	vld [tilespmem:$0x1FED0];
	v41 =	vmul.f32 v57, v31  }
0x355: {  	v48 =	vmul.f32 v39, v46;
	v62 =	vadd.f32 v15, v14;
	v14 =	vadd.f32 v36, v63;
	v36 =	vld [tilespmem:$0x1FEF0]  }
0x356: {  	v8 =	vadd.f32 v8, v12;
	v45 =	vmul.f32 v29, v49;
	v12 =	vadd.f32 v44, v41;
	v41 =	vld [tilespmem:$0x1FF20]  }
0x357: {  	v38 =	vmul.f32 v58, v27;
	v40 =	vmul.f32 v52, v30;
	v44 =	vld [tilespmem:$0x1FF50]  }
0x358: {  	v15 =	vadd.f32 v17, v16;
	v49 =	vmul.f32 v42, v50;
	v50 =	vadd.f32 v45, v35;
	v35 =	vld [tilespmem:$0x1FEE0]  }
0x359: {  	v46 =	vmul.f32 v0, v34;
	v45 =	vmul.f32 v3, v55;
	v17 =	vadd.f32 v40, v38;
	v40 =	vld [tilespmem:$0x1FF10]  }
0x35a: {  	v38 =	vld [tilespmem:$0x1FF00]  }
0x35b: {  	v13 =	vsel vm8, $0x5, v13;
	v20 =	vadd.f32 v46, v45;
	v45 =	vld [tilespmem:$0x1FF30]  }
0x35c: {  	v13 =	vsel vm9, $0x6, v13;
	v46 =	vld [tilespmem:$0x1FF60]  }
0x35d: {  	vm8 =	vgt.f32 v11, v1;
	v59 =	vadd.f32 v49, v48;
	v63 =	vmul.f32 v5, v36  }
0x35e: {  	v48 =	vmovc v5;
	v5 =	vmovc v7;
	v18 =	vmul.f32 v10, v41;
	v21 =	vmul.f32 v7, v40;
	v7 =	vmov v10;
	v10 =	vld [tilespmem:$0x1FF40]  }
0x35f: {  	v1 =	vsel vm8, v11, v1;
	v11 =	vadd.f32 v59, v50;
	v59 =	vmul.f32 v4, v35  }
0x360: {  	v8 =	vadd.f32 v62, v8;
	v19 =	vmul.f32 v61, v38;
	v22 =	vmul.f32 v6, v45  }
0x361: {  	v62 =	vmovc v4;
	v16 =	vadd.f32 v63, v59;
	v59 =	vmul.f32 v32, v44;
	v4 =	vmul.f32 v47, v46  }
0x362: {  	v13 =	vsel vm5, $0x7, v13;
	vm5 =	vmor vm4, vm12;
	v49 =	vmovc v6;
	v6 =	vadd.f32 v21, v19  }
0x363: {  	v18 =	vadd.f32 v22, v18;
	v21 =	vadd.f32 v4, v59;
	vm9 =	vgt.f32 v10, v1  }
0x364: {  	v13 =	vsel vm4, $0x2, v13;
	v1 =	vsel vm9, v10, v1;
	v10 =	vadd.f32 v6, v16;
	v6 =	vld [tilespmem:$0x1FF70]  }
0x365: {  	v28 =	vmul.f32 v60, v28;
	v12 =	vadd.f32 v20, v12;
	v23 =	vadd.f32 v21, v18  }
0x366: {  	v24 =	vadd.f32 v11, v15;
	v22 =	vadd.f32 v17, v14;
	v14 =	vmul.f32 v33, v30;
	v30 =	vld [tilespmem:$0x1FFC0]  }
0x367: {  	v36 =	vmul.f32 v43, v36;
	vm13 =	vgt.f32 v9, v1;
	v10 =	vadd.f32 v23, v10;
	v23 =	vld [tilespmem:$0x1FF80]  }
0x368: {  	v45 =	vmul.f32 v29, v45;
	v1 =	vsel vm13, v9, v1;
	v9 =	vadd.f32 v12, v22;
	v22 =	vld [tilespmem:$0x1FF90]  }
0x369: {  	v59 =	vmul.f32 v26, v53;
	vm4 =	vgt.f32 v2, v1;
	v25 =	vmul.f32 v6, v25  }
0x36a: {  	v53 =	vmul.f32 v39, v44;
	v1 =	vsel vm4, v2, v1;
	v2 =	vadd.f32 v24, v8;
	v24 =	vld [tilespmem:$0x1FFB0]  }
0x36b: {  	v33 =	vmul.f32 v33, v52;
	v21 =	vmul.f32 v37, v35;
	v11 =	vadd.f32 v28, v25;
	v28 =	vld [tilespmem:$0x1FFA0]  }
0x36c: {  	v13 =	vsel vm12, $0x3, v13;
	v35 =	vmul.f32 v26, v54;
	v8 =	vmul.f32 v23, v27;
	v27 =	vld [tilespmem:$0x1FFD0]  }
0x36d: {  	v63 =	vmovc v32;
	v38 =	vmul.f32 v30, v38;
	v9 =	vadd.f32 v10, v9;
	v32 =	vmul.f32 v22, v31  }
0x36e: {  	v25 =	vmul.f32 v60, v51;
	v31 =	vmul.f32 v23, v58;
	v58 =	vimm.s32 $0x0  }
0x36f: {  	v4 =	vmul.f32 v24, v34;
	v8 =	vadd.f32 v14, v8;
	v10 =	vadd.f32 v59, v32;
	v32 =	vld [tilespmem:$0x1FFE0]  }
0x370: {  	v14 =	vadd.f32 v36, v21;
	v59 =	vmul.f32 v6, v56;
	v34 =	vmul.f32 v22, v57  }
0x371: {  	v50 =	vmovc v3;
	v8 =	vadd.f32 v8, v11;
	v3 =	vmul.f32 v28, v55;
	v40 =	vmul.f32 v27, v40  }
0x372: {  	v6 =	vadd.f32 v35, v34;
	v55 =	vmul.f32 v42, v46;
	v36 =	vmul.f32 v28, v50  }
0x373: {  	v44 =	vmul.f32 v27, v5;
	v46 =	vmul.f32 v39, v63;
	v12 =	vadd.f32 v4, v3  }
0x374: {  	v41 =	vmul.f32 v32, v41;
	v15 =	vadd.f32 v40, v38;
	v17 =	vadd.f32 v55, v53  }
0x375: {  	v50 =	vld [tilespmem:$0x1FFF0];
	v38 =	vmul.f32 v24, v0;
	v40 =	vmul.f32 v37, v62;
	v3 =	vadd.f32 v25, v59  }
0x376: {  	v7 =	vmul.f32 v32, v7;
	v4 =	vadd.f32 v33, v31;
	v16 =	vadd.f32 v45, v41  }
0x377: {  	v10 =	vadd.f32 v12, v10;
	v14 =	vadd.f32 v15, v14;
	v41 =	vmul.f32 v43, v48  }
0x378: {  	v43 =	vmul.f32 v30, v61;
	v45 =	vmul.f32 v29, v49;
	v49 =	vadd.f32 v38, v36  }
0x379: {  	v48 =	vmul.f32 v42, v47;
	v3 =	vadd.f32 v4, v3;
	v16 =	vadd.f32 v17, v16  }
0x37a: {  	vm12 =	vnez.u8 v50;
	v8 =	vadd.f32 v10, v8;
	v51 =	vadd.f32 v41, v40  }
0x37b: {  	v12 =	vsel vm12, $0x4, v13;
	v10 =	vadd.f32 v44, v43;
	v5 =	vadd.f32 v45, v7  }
0x37c: {  	vm12 =	vmor vm12, vm3;
	v0 =	vadd.f32 v48, v46;
	v53 =	vadd.f32 v49, v6  }
0x37d: {  	v12 =	vsel vm3, $0x5, v12;
	vm3 =	vgt.f32 v2, v1;
	v14 =	vadd.f32 v16, v14  }
0x37e: {  	v1 =	vsel vm3, v2, v1;
	v52 =	vsel vm0, $0x6, v12;
	v2 =	vadd.f32 v10, v51  }
0x37f: {  	vm0 =	vmor vm0, vm2;
	v0 =	vadd.f32 v0, v5;
	v3 =	vadd.f32 v53, v3  }
0x380: {  	v7 =	vsel vm2, $0x7, v52;
	vm2 =	vgt.f32 v9, v1;
	vm0 =	vmor vm0, vm12  }
0x381: {  	vm12 =	vmor vm15, vm14;
	v1 =	vsel vm2, v9, v1;
	v54 =	vsel vm10, $0x3, v7  }
0x382: {  	v55 =	vadd.f32 v14, v8;
	v0 =	vadd.f32 v0, v2;
	v56 =	vsel vm11, $0x4, v54  }
0x383: {  	vm0 =	vmor vm0, vm5;
	vm10 =	vmor vm10, vm11;
	v57 =	vsel vm15, $0x5, v56  }
0x384: {  	vm5 =	vmor vm1, vm12;
	v4 =	vsel vm0, $0x1, v58;
	v2 =	vsel vm14, $0x6, v57  }
0x385: {  	vm11 =	vmor vm13, vm4;
	vm15 =	vgt.f32 v55, v1;
	v2 =	vsel vm1, $0x7, v2  }
0x386: {  	v0 =	vadd.f32 v0, v3;
	vm12 =	vmor vm3, vm11;
	v2 =	vsel vm6, $0x4, v2  }
0x387: {  	vm14 =	vmor vm5, vm10;
	v1 =	vsel vm15, v55, v1;
	v2 =	vsel vm7, $0x5, v2  }
0x388: {  	vm10 =	vmor vm8, vm9;
	vm7 =	vmor vm6, vm7;
	v2 =	vsel vm8, $0x6, v2  }
0x389: {  	v59 =	vsel vm14, $0x2, v4;
	vm0 =	vmor vm10, vm7;
	v2 =	vsel vm9, $0x7, v2  }
0x38a: {  	p0 =	sne.s32 s19, $0x1F0;
	vm14 =	vgt.f32 v0, v1;
	v3 =	vsel vm0, $0x3, v59;
	v2 =	vsel vm13, $0x5, v2  }
.Ltmp0:
0x38b: {  	v3 =	vsel vm12, $0x4, v3;
	vm13 =	vmor vm2, vm15;
	v2 =	vsel vm4, $0x6, v2;
	(pc) =	sbr.rel @p0 .LBB2_2-.Ltmp0, $4  }
0x38c: {  	v0 =	vsel vm14, v0, v1;
	v61 =	vsel vm13, $0x5, v3;
	v60 =	vsel vm3, $0x7, v2  }
0x38d: {  	[tilespmem:s17+$0x0] =	vst v0;
	vm15 =	vmor vm15, vm14;
	v63 =	vsel vm14, $0x6, v61;
	v62 =	vsel vm2, $0x6, v60  }
0x38e: {  	s18 =	sadd.s32 $0x80, s18;
	s19 =	sadd.s32 $0x10, s19;
	[tilespmem:s16+$0x0] =	vst v63;
	v0 =	vsel vm15, $0x7, v62  }
0x38f: {  	s17 =	sadd.s32 $0x10, s17;
	s16 =	sadd.s32 $0x10, s16;
	[tilespmem:s15+$0x0] =	vst v0;
	s15 =	sadd.s32 $0x10, s15  }
0x390: {  	[hbm4b:s4+s9] =	stream.strided.scatter [tilespmem:s11], [sflag:$0x1], $0x200, s10, s9, $0x38;
	[tilespmem:$0x10600] =	vst v63  }
0x391: {  	_ =	swait.ge [sflag:s8], $0x200  }
0x392: {  	[sflag:s8] =	ssyncset.done $0x0  }
0x393: {  	[sflag:s8] =	ssyncadd.s32 $0xFFFFFE00  }
0x394: {  	[hbm4b:s5+s9] =	stream.strided.scatter [tilespmem:s12], [sflag:$0x1], $0x200, s10, s9, $0x38;
	[tilespmem:$0x10600] =	vst v63  }
0x395: {  	s14 =	sadd.s32 $0x1, s14;
	_ =	swait.ge [sflag:s8], $0x200  }
0x396: {  	p0 =	sne.s32 s14, s7;
	[sflag:s8] =	ssyncset.done $0x0  }
.Ltmp1:
0x397: {  	[sflag:s8] =	ssyncadd.s32 $0xFFFFFE00;
	(pc) =	sbr.rel @p0 .LBB2_1-.Ltmp1, $4  }
0x398: {  	[hbm4b:s6+s9] =	stream.strided.scatter [tilespmem:s13], [sflag:$0x1], $0x200, s10, s9, $0x38;
	[tilespmem:$0x10600] =	vst v63  }
0x399: {  	_ =	swait.ge [sflag:s8], $0x200  }
0x39a: {  	[sflag:s8] =	ssyncset.done $0x0  }
0x39b: {  	[sflag:s8] =	ssyncadd.s32 $0xFFFFFE00  }
0x39c: {  	_ =	sfence.sel $0x180000  }
0x39d: {  	[bflag:$0x0] =	sbarrier.arrive $0xFFFF  }
0x39e: {  	p0 =	sne.s32 s0, $0x0;
	_ =	strace $0x90000047  }
0x39f: {  	s0 =	sadd.s32 @!p0 $0x100000, s1;
	[bflag:$0x2] =	sbarrier.arrive $0xFFFF  }
0x3a0: {  	[sflag:s0] =	ssyncadd.tile.s32 @!p0 $0x1;
	_ =	shalt  }
.Lfunc_end2:
_tile_overlayer_lowered:
.L_overlay_start_2:
0x3a1: {  	(tag) =	ssettag $0x2  }
0x3a2: {  	s0 =	rddreg [dreg:$0x0];
	s2 =	stileid.u32  }
0x3a3: {  	s1 =	rddreg [dreg:$0x1];
	p0 =	sne.s32 s2, $0x0  }
0x3a4: {  	s3 =	rddreg [dreg:$0x2];
	[bflag:$0x3] =	sbarrier.arrive $0xFFFF;
	s2 =	simm.s32 @!p0 $0x1C01  }
0x3a5: {  	[timem:s3], [sflag:s2] =	dma.local @!p0 [hbm:s0], s1  }
0x3a6: {  	s0 =	simm.s32 @!p0 $0x1  }
0x3a7: {  	_ =	swait.ge @!p0 [sflag:s0], s1  }
0x3a8: {  	s1 =	ssub.s32 @!p0 $0x0, s1;
	[sflag:s0] =	ssyncset.done @!p0 $0x0  }
0x3a9: {  	[sflag:s0] =	ssyncadd.s32 @!p0 s1  }
0x3aa: {  	[bflag:$0x3] =	sbarrier.arrive $0xFFFF  }
0x3ab: {  	_ =	shalt  }

</sc_bundles>
